<compile_context>
chip_gen: v7x
topology: tpu7x:2x2x1
jax: 0.10.2.dev20260603
libtpu: 0.0.44.dev20260713+nightly
codegen_flags: <defaults>
</compile_context>

<pallas_src>
import jax
import jax.numpy as jnp
from jax import lax
from jax.experimental import pallas as pl
from jax.experimental.pallas import tpu as pltpu
from jax.experimental.pallas import tpu_sc as plsc

_B = 4
_NPB = 262144
_N = _B * _NPB
_NW = 32
_PER_W = _N // _NW
_CHUNK = 4096
_NCHUNK = _PER_W // _CHUNK
_NBUF = 2
_GROUPS = _CHUNK // 16

_VSX, _VSY, _VSZ = 0.1, 0.1, 0.2
_MNX, _MNY, _MNZ = -51.2, -51.2, -5.0
_GX, _GY, _GZ = 1024, 1024, 40


def _compute_chunk(inb, pb, cb, ib, ob, idx_base):
    iota = lax.iota(jnp.int32, 16)

    @plsc.parallel_loop(0, _GROUPS, step=1, unroll=2)
    def step(g):
        blk = g >> 3
        j = g & 7
        base = blk * 512 + j * 16
        gx = inb[pl.ds(base, 16)]
        gy = inb[pl.ds(base + 128, 16)]
        gz = inb[pl.ds(base + 256, 16)]
        gw = inb[pl.ds(base + 384, 16)]
        an = (gx != gx) | (gy != gy) | (gz != gz) | (gw != gw)
        x = jnp.where(an, 0.0, gx)
        y = jnp.where(an, 0.0, gy)
        z = jnp.where(an, 0.0, gz)
        w = jnp.where(an, 0.0, gw)
        qx = (x - _MNX) * (1.0 / _VSX)
        qy = (y - _MNY) * (1.0 / _VSY)
        qz = (z - _MNZ) * (1.0 / _VSZ)
        cx = qx.astype(jnp.int32)
        cy = qy.astype(jnp.int32)
        cz = qz.astype(jnp.int32)
        cx = jnp.where(cx.astype(jnp.float32) > qx, cx - 1, cx)
        cy = jnp.where(cy.astype(jnp.float32) > qy, cy - 1, cy)
        cz = jnp.where(cz.astype(jnp.float32) > qz, cz - 1, cz)
        valid = ((cx >= 0) & (cx < _GX)
                 & (cy >= 0) & (cy < _GY)
                 & (cz >= 0) & (cz < _GZ))
        zf = jnp.zeros((16,), jnp.float32)
        zi = jnp.zeros((16,), jnp.int32)
        px = jnp.where(valid, x, zf)
        py = jnp.where(valid, y, zf)
        pz = jnp.where(valid, z, zf)
        pw = jnp.where(valid, w, zf)
        vcx = jnp.where(valid, cx, zi)
        vcy = jnp.where(valid, cy, zi)
        vcz = jnp.where(valid, cz, zi)
        vi = jnp.where(valid & (~an), iota + (idx_base + g * 16), zi)
        cenx = vcx.astype(jnp.float32) * _VSX + _MNX + _VSX / 2.0
        ceny = vcy.astype(jnp.float32) * _VSY + _MNY + _VSY / 2.0
        cenz = vcz.astype(jnp.float32) * _VSZ + _MNZ + _VSZ / 2.0
        pb[pl.ds(base, 16)] = px
        pb[pl.ds(base + 128, 16)] = py
        pb[pl.ds(base + 256, 16)] = pz
        pb[pl.ds(base + 384, 16)] = pw
        b3 = j * 16
        cb[blk, pl.ds(b3, 16)] = vcz
        cb[blk, pl.ds(b3 + 128, 16)] = vcy
        cb[blk, pl.ds(b3 + 256, 16)] = vcx
        ob[blk, pl.ds(b3, 16)] = px - cenx
        ob[blk, pl.ds(b3 + 128, 16)] = py - ceny
        ob[blk, pl.ds(b3 + 256, 16)] = pz - cenz
        ib[pl.ds(g * 16, 16)] = vi


def _voxel_body(pts, po, co, io, oo, *scr):
    bufs = tuple(scr[5 * k:5 * k + 5] for k in range(_NBUF))
    insem = scr[5 * _NBUF:6 * _NBUF]
    outsem = scr[6 * _NBUF:7 * _NBUF]
    wid = lax.axis_index("s") * 2 + lax.axis_index("c")
    base = wid * _PER_W
    lbase = lax.rem(base, _NPB)

    def start_in(it):
        b = it % _NBUF
        off = (base + it * _CHUNK) * 4
        return pltpu.async_copy(
            pts.at[pl.ds(off, _CHUNK * 4)], bufs[b][0], insem[b])

    inh = [None] * _NBUF
    outh = [None] * _NBUF
    for it in range(min(_NBUF - 1, _NCHUNK)):
        inh[it % _NBUF] = start_in(it)
    for it in range(_NCHUNK):
        b = it % _NBUF
        if it + _NBUF - 1 < _NCHUNK:
            inh[(it + _NBUF - 1) % _NBUF] = start_in(it + _NBUF - 1)
        if outh[b] is not None:
            for h in outh[b]:
                h.wait()
        inh[b].wait()
        inb, pb, cb, ib, ob = bufs[b]
        _compute_chunk(inb, pb, cb, ib, ob, lbase + it * _CHUNK)
        op = base + it * _CHUNK
        row = op // 128
        outh[b] = [
            pltpu.async_copy(pb, po.at[pl.ds(op * 4, _CHUNK * 4)], outsem[b]),
            pltpu.async_copy(
                cb, co.at[pl.ds(row, _CHUNK // 128), pl.ds(0, 384)], outsem[b]),
            pltpu.async_copy(ib, io.at[pl.ds(op, _CHUNK)], outsem[b]),
            pltpu.async_copy(
                ob, oo.at[pl.ds(row, _CHUNK // 128), pl.ds(0, 384)], outsem[b]),
        ]
    for b in range(_NBUF):
        if outh[b] is not None:
            for h in outh[b]:
                h.wait()


_voxelize = pl.kernel(
    _voxel_body,
    out_type=(
        jax.ShapeDtypeStruct((_N * 4,), jnp.float32),
        jax.ShapeDtypeStruct((_N // 128, 512), jnp.int32),
        jax.ShapeDtypeStruct((_N,), jnp.int32),
        jax.ShapeDtypeStruct((_N // 128, 512), jnp.float32),
    ),
    mesh=plsc.VectorSubcoreMesh(core_axis_name="c", subcore_axis_name="s",
                                num_cores=2, num_subcores=16),
    scratch_types=(
        [
            pltpu.VMEM((_CHUNK * 4,), jnp.float32),
            pltpu.VMEM((_CHUNK * 4,), jnp.float32),
            pltpu.VMEM((_CHUNK // 128, 384), jnp.int32),
            pltpu.VMEM((_CHUNK,), jnp.int32),
            pltpu.VMEM((_CHUNK // 128, 384), jnp.float32),
        ] * _NBUF
        + [pltpu.SemaphoreType.DMA] * (2 * _NBUF)
    ),
    compiler_params=pltpu.CompilerParams(needs_layout_passes=False, use_tc_tiling_on_sc=False),
)


def kernel(points):
    flat = points.reshape(_B, _NPB // 128, 128, 4).transpose(0, 1, 3, 2).reshape(-1)
    p, c, i, o = _voxelize(flat)
    p4 = p.reshape(_N // 128, 4, 128).transpose(0, 2, 1).reshape(_N, 4)
    c4 = c.reshape(_N // 128, 4, 128).transpose(0, 2, 1).reshape(_N, 4)
    o4 = o.reshape(_N // 128, 4, 128).transpose(0, 2, 1).reshape(_N, 4)

    return (
        p4,
        c4[:, :3].astype(jnp.int64),
        i.astype(jnp.int64),
        o4[:, :3],
    )

# --- scband reference (transcript-rebuilt; emitter-appended) ---
"""Pipeline reference for scband-dynamic-voxelizer-31550829757172 (READ-ONLY COPY).

The authoritative reference and input builder live on the scoring server;
editing this copy changes nothing except your own understanding.
"""

import jax, jax.numpy as jnp
import numpy as np

VOXEL_SIZE = np.array([0.1, 0.1, 0.2], dtype=np.float32)
PC_RANGE = np.array([-51.2, -51.2, -5.0, 51.2, 51.2, 3.0], dtype=np.float32)


def setup_inputs(seed: int = 0) -> dict:
    key = jax.random.key(seed)
    points = jax.random.uniform(key, (4, 262144, 4), dtype=jnp.float32)
    return {"points": points}


def reference(points):
    vsize = jnp.asarray(VOXEL_SIZE)
    pc_min = jnp.asarray(PC_RANGE[:3])
    grid = jnp.asarray(np.round((PC_RANGE[3:] - PC_RANGE[:3]) / VOXEL_SIZE).astype(np.int32))
    all_p, all_c, all_i, all_o = [], [], [], []
    for b in range(points.shape[0]):
        bp = points[b]
        idxes = jnp.arange(bp.shape[0])
        not_nan = ~jnp.isnan(bp).any(axis=1)
        bp = jnp.where(not_nan[:, None], bp, 0.0)
        idxes = jnp.where(not_nan, idxes, 0)
        # dynamic voxelization: per-point voxel coords, (z, y, x) order, -1 if out of range
        c = jnp.floor((bp[:, :3] - pc_min) / vsize).astype(jnp.int32)
        valid = ((c >= 0) & (c < grid)).all(axis=1)
        coords_zyx = jnp.where(valid[:, None], c[:, ::-1], -1)
        mask = (coords_zyx != -1).all(axis=1)
        vp = jnp.where(mask[:, None], bp, 0.0)
        vc = jnp.where(mask[:, None], coords_zyx, 0)
        vi = jnp.where(mask, idxes, 0)
        # point offsets from voxel centers (coords reordered back to x,y,z)
        centers = vc[:, ::-1].astype(bp.dtype) * vsize + pc_min + vsize / 2.0
        offsets = vp[:, :3] - centers
        all_p.append(vp)
        all_c.append(vc)
        all_i.append(vi)
        all_o.append(offsets)
    return (
        jnp.concatenate(all_p, axis=0),
        jnp.concatenate(all_c, axis=0).astype(jnp.int64),
        jnp.concatenate(all_i, axis=0).astype(jnp.int64),
        jnp.concatenate(all_o, axis=0),
    )

if __name__ == "__main__":
    import jax
    _d = setup_inputs()
    print(jax.jit(kernel)(*tuple(_d.values())))

</pallas_src>

<mosaic_0001>
#map = affine_map<(d0, d1) -> (0)>
#map1 = affine_map<(d0, d1) -> (0, 0)>
module attributes {stable_mosaic.version = 14 : i64} {
  func.func @_voxel_body(%arg0: i32, %arg1: i32, %arg2: memref<4194304xf32, #tpu.memory_space<hbm>>, %arg3: memref<4194304xf32, #tpu.memory_space<hbm>>, %arg4: memref<8192x512xi32, #tpu.memory_space<hbm>>, %arg5: memref<1048576xi32, #tpu.memory_space<hbm>>, %arg6: memref<8192x512xf32, #tpu.memory_space<hbm>>, %arg7: memref<16384xf32, #tpu.memory_space<vmem>>, %arg8: memref<16384xf32, #tpu.memory_space<vmem>>, %arg9: memref<32x384xi32, #tpu.memory_space<vmem>>, %arg10: memref<4096xi32, #tpu.memory_space<vmem>>, %arg11: memref<32x384xf32, #tpu.memory_space<vmem>>, %arg12: memref<16384xf32, #tpu.memory_space<vmem>>, %arg13: memref<16384xf32, #tpu.memory_space<vmem>>, %arg14: memref<32x384xi32, #tpu.memory_space<vmem>>, %arg15: memref<4096xi32, #tpu.memory_space<vmem>>, %arg16: memref<32x384xf32, #tpu.memory_space<vmem>>, %arg17: memref<!tpu.dma_semaphore, #tpu.memory_space<semaphore_mem>>, %arg18: memref<!tpu.dma_semaphore, #tpu.memory_space<semaphore_mem>>, %arg19: memref<!tpu.dma_semaphore, #tpu.memory_space<semaphore_mem>>, %arg20: memref<!tpu.dma_semaphore, #tpu.memory_space<semaphore_mem>>) attributes {dimension_semantics = [#tpu.dimension_semantics<core_parallel>, #tpu.dimension_semantics<subcore_parallel>], iteration_bounds = array<i64: 2, 16>, scalar_prefetch = 0 : i64, scratch_operands = 14 : i64, tpu.core_type = #tpu.core_type<sc_vector_subcore>, window_params = [{transform_indices = #map}, {transform_indices = #map}, {transform_indices = #map1}, {transform_indices = #map}, {transform_indices = #map1}]} {
    %mul3A = arith.constant 2 : i32
    %mul3A_0 = arith.muli %arg1, %mul3A : i32
    %add3A = arith.addi %mul3A_0, %arg0 : i32
    %mul3A_1 = arith.constant 32768 : i32
    %mul3A_2 = arith.muli %add3A, %mul3A_1 : i32
    %rem3A = arith.constant 262144 : i32
    %rem3A_3 = arith.remsi %mul3A_2, %rem3A : i32
    %add3A_4 = arith.constant 0 : i32
    %add3A_5 = arith.addi %mul3A_2, %add3A_4 : i32
    %mul3A_6 = arith.constant 4 : i32
    %mul3A_7 = arith.muli %add3A_5, %mul3A_6 : i32
    %dma_start3A = tpu.memref_slice %arg2[%mul3A_7] : memref<4194304xf32, #tpu.memory_space<hbm>> -> memref<16384xf32, #tpu.memory_space<hbm>>
    %dma_start3A_8 = tpu.memref_slice %arg2[%mul3A_7] : memref<4194304xf32, #tpu.memory_space<hbm>> -> memref<16384xf32, #tpu.memory_space<hbm>>
    tpu.enqueue_dma source(%dma_start3A_8 : memref<16384xf32, #tpu.memory_space<hbm>>) target(%arg7 : memref<16384xf32, #tpu.memory_space<vmem>>) target_semaphore(%arg17 : memref<!tpu.dma_semaphore, #tpu.memory_space<semaphore_mem>>)
    %add3A_9 = arith.constant 4096 : i32
    %add3A_10 = arith.addi %mul3A_2, %add3A_9 : i32
    %mul3A_11 = arith.constant 4 : i32
    %mul3A_12 = arith.muli %add3A_10, %mul3A_11 : i32
    %dma_start3A_13 = tpu.memref_slice %arg2[%mul3A_12] : memref<4194304xf32, #tpu.memory_space<hbm>> -> memref<16384xf32, #tpu.memory_space<hbm>>
    %dma_start3A_14 = tpu.memref_slice %arg2[%mul3A_12] : memref<4194304xf32, #tpu.memory_space<hbm>> -> memref<16384xf32, #tpu.memory_space<hbm>>
    tpu.enqueue_dma source(%dma_start3A_14 : memref<16384xf32, #tpu.memory_space<hbm>>) target(%arg12 : memref<16384xf32, #tpu.memory_space<vmem>>) target_semaphore(%arg18 : memref<!tpu.dma_semaphore, #tpu.memory_space<semaphore_mem>>)
    %dma_wait3A = tpu.memref_slice %arg2[%mul3A_7] : memref<4194304xf32, #tpu.memory_space<hbm>> -> memref<16384xf32, #tpu.memory_space<hbm>>
    %dma_wait3A_15 = tpu.memref_slice %arg2[%mul3A_7] : memref<4194304xf32, #tpu.memory_space<hbm>> -> memref<16384xf32, #tpu.memory_space<hbm>>
    tpu.wait_dma2 semaphore(%arg17 : memref<!tpu.dma_semaphore, #tpu.memory_space<semaphore_mem>>) src(%dma_wait3A_15 : memref<16384xf32, #tpu.memory_space<hbm>>) dst(%arg7 : memref<16384xf32, #tpu.memory_space<vmem>>)
    %add3A_16 = arith.constant 0 : i32
    %add3A_17 = arith.addi %rem3A_3, %add3A_16 : i32
    %iota3A = tpu.iota {dimensions = array<i32: 0>} : vector<16xi32>
    %parallel_loop3A = arith.constant 0 : i32
    %parallel_loop3A_18 = arith.constant 256 : i32
    %parallel_loop3A_19 = arith.constant 1 : i32
    scf.for %parallel_loop3A_521 = %parallel_loop3A to %parallel_loop3A_18 step %parallel_loop3A_19  : i32 {
      %parallel_loop3A_522 = arith.constant 3 : i32
      %parallel_loop3A_523 = arith.shrsi %parallel_loop3A_521, %parallel_loop3A_522 : i32
      %parallel_loop3A_524 = arith.constant 7 : i32
      %parallel_loop3A_525 = arith.andi %parallel_loop3A_521, %parallel_loop3A_524 : i32
      %parallel_loop3A_526 = arith.constant 512 : i32
      %parallel_loop3A_527 = arith.muli %parallel_loop3A_523, %parallel_loop3A_526 : i32
      %parallel_loop3A_528 = arith.constant 16 : i32
      %parallel_loop3A_529 = arith.muli %parallel_loop3A_525, %parallel_loop3A_528 : i32
      %parallel_loop3A_530 = arith.addi %parallel_loop3A_527, %parallel_loop3A_529 : i32
      %parallel_loop3A_531 = arith.index_cast %parallel_loop3A_530 : i32 to index
      %parallel_loop3A_532 = tpu.vector_load %arg7[%parallel_loop3A_531] {strides = array<i32>} : memref<16384xf32, #tpu.memory_space<vmem>>, vector<16xf32>,
      %parallel_loop3A_533 = arith.constant 128 : i32
      %parallel_loop3A_534 = arith.addi %parallel_loop3A_530, %parallel_loop3A_533 : i32
      %parallel_loop3A_535 = arith.index_cast %parallel_loop3A_534 : i32 to index
      %parallel_loop3A_536 = tpu.vector_load %arg7[%parallel_loop3A_535] {strides = array<i32>} : memref<16384xf32, #tpu.memory_space<vmem>>, vector<16xf32>,
      %parallel_loop3A_537 = arith.constant 256 : i32
      %parallel_loop3A_538 = arith.addi %parallel_loop3A_530, %parallel_loop3A_537 : i32
      %parallel_loop3A_539 = arith.index_cast %parallel_loop3A_538 : i32 to index
      %parallel_loop3A_540 = tpu.vector_load %arg7[%parallel_loop3A_539] {strides = array<i32>} : memref<16384xf32, #tpu.memory_space<vmem>>, vector<16xf32>,
      %parallel_loop3A_541 = arith.constant 384 : i32
      %parallel_loop3A_542 = arith.addi %parallel_loop3A_530, %parallel_loop3A_541 : i32
      %parallel_loop3A_543 = arith.index_cast %parallel_loop3A_542 : i32 to index
      %parallel_loop3A_544 = tpu.vector_load %arg7[%parallel_loop3A_543] {strides = array<i32>} : memref<16384xf32, #tpu.memory_space<vmem>>, vector<16xf32>,
      %parallel_loop3A_545 = arith.cmpf one, %parallel_loop3A_532, %parallel_loop3A_532 : vector<16xf32>
      %parallel_loop3A_546 = arith.cmpf one, %parallel_loop3A_536, %parallel_loop3A_536 : vector<16xf32>
      %parallel_loop3A_547 = arith.ori %parallel_loop3A_545, %parallel_loop3A_546 : vector<16xi1>
      %parallel_loop3A_548 = arith.cmpf one, %parallel_loop3A_540, %parallel_loop3A_540 : vector<16xf32>
      %parallel_loop3A_549 = arith.ori %parallel_loop3A_547, %parallel_loop3A_548 : vector<16xi1>
      %parallel_loop3A_550 = arith.cmpf one, %parallel_loop3A_544, %parallel_loop3A_544 : vector<16xf32>
      %parallel_loop3A_551 = arith.ori %parallel_loop3A_549, %parallel_loop3A_550 : vector<16xi1>
      %parallel_loop3A_552 = arith.constant 0.000000e+00 : f32
      %parallel_loop3A_553 = vector.broadcast %parallel_loop3A_552 : f32 to vector<16xf32>
      %parallel_loop3A_554 = arith.select %parallel_loop3A_551, %parallel_loop3A_553, %parallel_loop3A_532 : vector<16xi1>, vector<16xf32>
      %parallel_loop3A_555 = arith.constant 0.000000e+00 : f32
      %parallel_loop3A_556 = vector.broadcast %parallel_loop3A_555 : f32 to vector<16xf32>
      %parallel_loop3A_557 = arith.select %parallel_loop3A_551, %parallel_loop3A_556, %parallel_loop3A_536 : vector<16xi1>, vector<16xf32>
      %parallel_loop3A_558 = arith.constant 0.000000e+00 : f32
      %parallel_loop3A_559 = vector.broadcast %parallel_loop3A_558 : f32 to vector<16xf32>
      %parallel_loop3A_560 = arith.select %parallel_loop3A_551, %parallel_loop3A_559, %parallel_loop3A_540 : vector<16xi1>, vector<16xf32>
      %parallel_loop3A_561 = arith.constant 0.000000e+00 : f32
      %parallel_loop3A_562 = vector.broadcast %parallel_loop3A_561 : f32 to vector<16xf32>
      %parallel_loop3A_563 = arith.select %parallel_loop3A_551, %parallel_loop3A_562, %parallel_loop3A_544 : vector<16xi1>, vector<16xf32>
      %parallel_loop3A_564 = arith.constant -5.120000e+01 : f32
      %parallel_loop3A_565 = vector.broadcast %parallel_loop3A_564 : f32 to vector<16xf32>
      %parallel_loop3A_566 = arith.subf %parallel_loop3A_554, %parallel_loop3A_565 : vector<16xf32>
      %parallel_loop3A_567 = arith.constant 1.000000e+01 : f32
      %parallel_loop3A_568 = vector.broadcast %parallel_loop3A_567 : f32 to vector<16xf32>
      %parallel_loop3A_569 = arith.mulf %parallel_loop3A_566, %parallel_loop3A_568 : vector<16xf32>
      %parallel_loop3A_570 = arith.constant -5.120000e+01 : f32
      %parallel_loop3A_571 = vector.broadcast %parallel_loop3A_570 : f32 to vector<16xf32>
      %parallel_loop3A_572 = arith.subf %parallel_loop3A_557, %parallel_loop3A_571 : vector<16xf32>
      %parallel_loop3A_573 = arith.constant 1.000000e+01 : f32
      %parallel_loop3A_574 = vector.broadcast %parallel_loop3A_573 : f32 to vector<16xf32>
      %parallel_loop3A_575 = arith.mulf %parallel_loop3A_572, %parallel_loop3A_574 : vector<16xf32>
      %parallel_loop3A_576 = arith.constant -5.000000e+00 : f32
      %parallel_loop3A_577 = vector.broadcast %parallel_loop3A_576 : f32 to vector<16xf32>
      %parallel_loop3A_578 = arith.subf %parallel_loop3A_560, %parallel_loop3A_577 : vector<16xf32>
      %parallel_loop3A_579 = arith.constant 5.000000e+00 : f32
      %parallel_loop3A_580 = vector.broadcast %parallel_loop3A_579 : f32 to vector<16xf32>
      %parallel_loop3A_581 = arith.mulf %parallel_loop3A_578, %parallel_loop3A_580 : vector<16xf32>
      %parallel_loop3A_582 = arith.fptosi %parallel_loop3A_569 : vector<16xf32> to vector<16xi32>
      %parallel_loop3A_583 = arith.fptosi %parallel_loop3A_575 : vector<16xf32> to vector<16xi32>
      %parallel_loop3A_584 = arith.fptosi %parallel_loop3A_581 : vector<16xf32> to vector<16xi32>
      %parallel_loop3A_585 = arith.sitofp %parallel_loop3A_582 : vector<16xi32> to vector<16xf32>
      %parallel_loop3A_586 = arith.cmpf ogt, %parallel_loop3A_585, %parallel_loop3A_569 : vector<16xf32>
      %parallel_loop3A_587 = arith.constant 1 : i32
      %parallel_loop3A_588 = vector.broadcast %parallel_loop3A_587 : i32 to vector<16xi32>
      %parallel_loop3A_589 = arith.subi %parallel_loop3A_582, %parallel_loop3A_588 : vector<16xi32>
      %parallel_loop3A_590 = arith.select %parallel_loop3A_586, %parallel_loop3A_589, %parallel_loop3A_582 : vector<16xi1>, vector<16xi32>
      %parallel_loop3A_591 = arith.sitofp %parallel_loop3A_583 : vector<16xi32> to vector<16xf32>
      %parallel_loop3A_592 = arith.cmpf ogt, %parallel_loop3A_591, %parallel_loop3A_575 : vector<16xf32>
      %parallel_loop3A_593 = arith.constant 1 : i32
      %parallel_loop3A_594 = vector.broadcast %parallel_loop3A_593 : i32 to vector<16xi32>
      %parallel_loop3A_595 = arith.subi %parallel_loop3A_583, %parallel_loop3A_594 : vector<16xi32>
      %parallel_loop3A_596 = arith.select %parallel_loop3A_592, %parallel_loop3A_595, %parallel_loop3A_583 : vector<16xi1>, vector<16xi32>
      %parallel_loop3A_597 = arith.sitofp %parallel_loop3A_584 : vector<16xi32> to vector<16xf32>
      %parallel_loop3A_598 = arith.cmpf ogt, %parallel_loop3A_597, %parallel_loop3A_581 : vector<16xf32>
      %parallel_loop3A_599 = arith.constant 1 : i32
      %parallel_loop3A_600 = vector.broadcast %parallel_loop3A_599 : i32 to vector<16xi32>
      %parallel_loop3A_601 = arith.subi %parallel_loop3A_584, %parallel_loop3A_600 : vector<16xi32>
      %parallel_loop3A_602 = arith.select %parallel_loop3A_598, %parallel_loop3A_601, %parallel_loop3A_584 : vector<16xi1>, vector<16xi32>
      %parallel_loop3A_603 = arith.constant 0 : i32
      %parallel_loop3A_604 = vector.broadcast %parallel_loop3A_603 : i32 to vector<16xi32>
      %parallel_loop3A_605 = arith.cmpi sge, %parallel_loop3A_590, %parallel_loop3A_604 : vector<16xi32>
      %parallel_loop3A_606 = arith.constant 1024 : i32
      %parallel_loop3A_607 = vector.broadcast %parallel_loop3A_606 : i32 to vector<16xi32>
      %parallel_loop3A_608 = arith.cmpi slt, %parallel_loop3A_590, %parallel_loop3A_607 : vector<16xi32>
      %parallel_loop3A_609 = arith.andi %parallel_loop3A_605, %parallel_loop3A_608 : vector<16xi1>
      %parallel_loop3A_610 = arith.constant 0 : i32
      %parallel_loop3A_611 = vector.broadcast %parallel_loop3A_610 : i32 to vector<16xi32>
      %parallel_loop3A_612 = arith.cmpi sge, %parallel_loop3A_596, %parallel_loop3A_611 : vector<16xi32>
      %parallel_loop3A_613 = arith.andi %parallel_loop3A_609, %parallel_loop3A_612 : vector<16xi1>
      %parallel_loop3A_614 = arith.constant 1024 : i32
      %parallel_loop3A_615 = vector.broadcast %parallel_loop3A_614 : i32 to vector<16xi32>
      %parallel_loop3A_616 = arith.cmpi slt, %parallel_loop3A_596, %parallel_loop3A_615 : vector<16xi32>
      %parallel_loop3A_617 = arith.andi %parallel_loop3A_613, %parallel_loop3A_616 : vector<16xi1>
      %parallel_loop3A_618 = arith.constant 0 : i32
      %parallel_loop3A_619 = vector.broadcast %parallel_loop3A_618 : i32 to vector<16xi32>
      %parallel_loop3A_620 = arith.cmpi sge, %parallel_loop3A_602, %parallel_loop3A_619 : vector<16xi32>
      %parallel_loop3A_621 = arith.andi %parallel_loop3A_617, %parallel_loop3A_620 : vector<16xi1>
      %parallel_loop3A_622 = arith.constant 40 : i32
      %parallel_loop3A_623 = vector.broadcast %parallel_loop3A_622 : i32 to vector<16xi32>
      %parallel_loop3A_624 = arith.cmpi slt, %parallel_loop3A_602, %parallel_loop3A_623 : vector<16xi32>
      %parallel_loop3A_625 = arith.andi %parallel_loop3A_621, %parallel_loop3A_624 : vector<16xi1>
      %parallel_loop3A_626 = arith.constant 0.000000e+00 : f32
      %parallel_loop3A_627 = vector.broadcast %parallel_loop3A_626 : f32 to vector<16xf32>
      %parallel_loop3A_628 = arith.constant 0 : i32
      %parallel_loop3A_629 = vector.broadcast %parallel_loop3A_628 : i32 to vector<16xi32>
      %parallel_loop3A_630 = arith.select %parallel_loop3A_625, %parallel_loop3A_554, %parallel_loop3A_627 : vector<16xi1>, vector<16xf32>
      %parallel_loop3A_631 = arith.select %parallel_loop3A_625, %parallel_loop3A_557, %parallel_loop3A_627 : vector<16xi1>, vector<16xf32>
      %parallel_loop3A_632 = arith.select %parallel_loop3A_625, %parallel_loop3A_560, %parallel_loop3A_627 : vector<16xi1>, vector<16xf32>
      %parallel_loop3A_633 = arith.select %parallel_loop3A_625, %parallel_loop3A_563, %parallel_loop3A_627 : vector<16xi1>, vector<16xf32>
      %parallel_loop3A_634 = arith.select %parallel_loop3A_625, %parallel_loop3A_590, %parallel_loop3A_629 : vector<16xi1>, vector<16xi32>
      %parallel_loop3A_635 = arith.select %parallel_loop3A_625, %parallel_loop3A_596, %parallel_loop3A_629 : vector<16xi1>, vector<16xi32>
      %parallel_loop3A_636 = arith.select %parallel_loop3A_625, %parallel_loop3A_602, %parallel_loop3A_629 : vector<16xi1>, vector<16xi32>
      %parallel_loop3A_637 = arith.constant dense<true> : vector<16xi1>
      %parallel_loop3A_638 = arith.xori %parallel_loop3A_551, %parallel_loop3A_637 : vector<16xi1>
      %parallel_loop3A_639 = arith.andi %parallel_loop3A_625, %parallel_loop3A_638 : vector<16xi1>
      %parallel_loop3A_640 = arith.constant 16 : i32
      %parallel_loop3A_641 = arith.muli %parallel_loop3A_521, %parallel_loop3A_640 : i32
      %parallel_loop3A_642 = arith.addi %add3A_17, %parallel_loop3A_641 : i32
      %parallel_loop3A_643 = vector.broadcast %parallel_loop3A_642 : i32 to vector<16xi32>
      %parallel_loop3A_644 = arith.addi %iota3A, %parallel_loop3A_643 : vector<16xi32>
      %parallel_loop3A_645 = arith.select %parallel_loop3A_639, %parallel_loop3A_644, %parallel_loop3A_629 : vector<16xi1>, vector<16xi32>
      %parallel_loop3A_646 = arith.sitofp %parallel_loop3A_634 : vector<16xi32> to vector<16xf32>
      %parallel_loop3A_647 = arith.constant 1.000000e-01 : f32
      %parallel_loop3A_648 = vector.broadcast %parallel_loop3A_647 : f32 to vector<16xf32>
      %parallel_loop3A_649 = arith.mulf %parallel_loop3A_646, %parallel_loop3A_648 : vector<16xf32>
      %parallel_loop3A_650 = arith.constant -5.120000e+01 : f32
      %parallel_loop3A_651 = vector.broadcast %parallel_loop3A_650 : f32 to vector<16xf32>
      %parallel_loop3A_652 = arith.addf %parallel_loop3A_649, %parallel_loop3A_651 : vector<16xf32>
      %parallel_loop3A_653 = arith.constant 5.000000e-02 : f32
      %parallel_loop3A_654 = vector.broadcast %parallel_loop3A_653 : f32 to vector<16xf32>
      %parallel_loop3A_655 = arith.addf %parallel_loop3A_652, %parallel_loop3A_654 : vector<16xf32>
      %parallel_loop3A_656 = arith.sitofp %parallel_loop3A_635 : vector<16xi32> to vector<16xf32>
      %parallel_loop3A_657 = arith.constant 1.000000e-01 : f32
      %parallel_loop3A_658 = vector.broadcast %parallel_loop3A_657 : f32 to vector<16xf32>
      %parallel_loop3A_659 = arith.mulf %parallel_loop3A_656, %parallel_loop3A_658 : vector<16xf32>
      %parallel_loop3A_660 = arith.constant -5.120000e+01 : f32
      %parallel_loop3A_661 = vector.broadcast %parallel_loop3A_660 : f32 to vector<16xf32>
      %parallel_loop3A_662 = arith.addf %parallel_loop3A_659, %parallel_loop3A_661 : vector<16xf32>
      %parallel_loop3A_663 = arith.constant 5.000000e-02 : f32
      %parallel_loop3A_664 = vector.broadcast %parallel_loop3A_663 : f32 to vector<16xf32>
      %parallel_loop3A_665 = arith.addf %parallel_loop3A_662, %parallel_loop3A_664 : vector<16xf32>
      %parallel_loop3A_666 = arith.sitofp %parallel_loop3A_636 : vector<16xi32> to vector<16xf32>
      %parallel_loop3A_667 = arith.constant 2.000000e-01 : f32
      %parallel_loop3A_668 = vector.broadcast %parallel_loop3A_667 : f32 to vector<16xf32>
      %parallel_loop3A_669 = arith.mulf %parallel_loop3A_666, %parallel_loop3A_668 : vector<16xf32>
      %parallel_loop3A_670 = arith.constant -5.000000e+00 : f32
      %parallel_loop3A_671 = vector.broadcast %parallel_loop3A_670 : f32 to vector<16xf32>
      %parallel_loop3A_672 = arith.addf %parallel_loop3A_669, %parallel_loop3A_671 : vector<16xf32>
      %parallel_loop3A_673 = arith.constant 1.000000e-01 : f32
      %parallel_loop3A_674 = vector.broadcast %parallel_loop3A_673 : f32 to vector<16xf32>
      %parallel_loop3A_675 = arith.addf %parallel_loop3A_672, %parallel_loop3A_674 : vector<16xf32>
      %parallel_loop3A_676 = arith.index_cast %parallel_loop3A_530 : i32 to index
      %parallel_loop3A_677 = tpu.vector_load %arg8[%parallel_loop3A_676] {strides = array<i32>} : memref<16384xf32, #tpu.memory_space<vmem>>, vector<16xf32>,
      tpu.vector_store %arg8[%parallel_loop3A_676], %parallel_loop3A_630 {strides = array<i32>} : memref<16384xf32, #tpu.memory_space<vmem>>, vector<16xf32>,
      %parallel_loop3A_678 = arith.constant 128 : i32
      %parallel_loop3A_679 = arith.addi %parallel_loop3A_530, %parallel_loop3A_678 : i32
      %parallel_loop3A_680 = arith.index_cast %parallel_loop3A_679 : i32 to index
      %parallel_loop3A_681 = tpu.vector_load %arg8[%parallel_loop3A_680] {strides = array<i32>} : memref<16384xf32, #tpu.memory_space<vmem>>, vector<16xf32>,
      tpu.vector_store %arg8[%parallel_loop3A_680], %parallel_loop3A_631 {strides = array<i32>} : memref<16384xf32, #tpu.memory_space<vmem>>, vector<16xf32>,
      %parallel_loop3A_682 = arith.constant 256 : i32
      %parallel_loop3A_683 = arith.addi %parallel_loop3A_530, %parallel_loop3A_682 : i32
      %parallel_loop3A_684 = arith.index_cast %parallel_loop3A_683 : i32 to index
      %parallel_loop3A_685 = tpu.vector_load %arg8[%parallel_loop3A_684] {strides = array<i32>} : memref<16384xf32, #tpu.memory_space<vmem>>, vector<16xf32>,
      tpu.vector_store %arg8[%parallel_loop3A_684], %parallel_loop3A_632 {strides = array<i32>} : memref<16384xf32, #tpu.memory_space<vmem>>, vector<16xf32>,
      %parallel_loop3A_686 = arith.constant 384 : i32
      %parallel_loop3A_687 = arith.addi %parallel_loop3A_530, %parallel_loop3A_686 : i32
      %parallel_loop3A_688 = arith.index_cast %parallel_loop3A_687 : i32 to index
      %parallel_loop3A_689 = tpu.vector_load %arg8[%parallel_loop3A_688] {strides = array<i32>} : memref<16384xf32, #tpu.memory_space<vmem>>, vector<16xf32>,
      tpu.vector_store %arg8[%parallel_loop3A_688], %parallel_loop3A_633 {strides = array<i32>} : memref<16384xf32, #tpu.memory_space<vmem>>, vector<16xf32>,
      %parallel_loop3A_690 = arith.constant 16 : i32
      %parallel_loop3A_691 = arith.muli %parallel_loop3A_525, %parallel_loop3A_690 : i32
      %parallel_loop3A_692 = arith.index_cast %parallel_loop3A_523 : i32 to index
      %parallel_loop3A_693 = arith.index_cast %parallel_loop3A_691 : i32 to index
      %parallel_loop3A_694 = tpu.vector_load %arg9[%parallel_loop3A_692, %parallel_loop3A_693] {strides = array<i32>} : memref<32x384xi32, #tpu.memory_space<vmem>>, vector<16xi32>,
      tpu.vector_store %arg9[%parallel_loop3A_692, %parallel_loop3A_693], %parallel_loop3A_636 {strides = array<i32>} : memref<32x384xi32, #tpu.memory_space<vmem>>, vector<16xi32>,
      %parallel_loop3A_695 = arith.constant 128 : i32
      %parallel_loop3A_696 = arith.addi %parallel_loop3A_691, %parallel_loop3A_695 : i32
      %parallel_loop3A_697 = arith.index_cast %parallel_loop3A_523 : i32 to index
      %parallel_loop3A_698 = arith.index_cast %parallel_loop3A_696 : i32 to index
      %parallel_loop3A_699 = tpu.vector_load %arg9[%parallel_loop3A_697, %parallel_loop3A_698] {strides = array<i32>} : memref<32x384xi32, #tpu.memory_space<vmem>>, vector<16xi32>,
      tpu.vector_store %arg9[%parallel_loop3A_697, %parallel_loop3A_698], %parallel_loop3A_635 {strides = array<i32>} : memref<32x384xi32, #tpu.memory_space<vmem>>, vector<16xi32>,
      %parallel_loop3A_700 = arith.constant 256 : i32
      %parallel_loop3A_701 = arith.addi %parallel_loop3A_691, %parallel_loop3A_700 : i32
      %parallel_loop3A_702 = arith.index_cast %parallel_loop3A_523 : i32 to index
      %parallel_loop3A_703 = arith.index_cast %parallel_loop3A_701 : i32 to index
      %parallel_loop3A_704 = tpu.vector_load %arg9[%parallel_loop3A_702, %parallel_loop3A_703] {strides = array<i32>} : memref<32x384xi32, #tpu.memory_space<vmem>>, vector<16xi32>,
      tpu.vector_store %arg9[%parallel_loop3A_702, %parallel_loop3A_703], %parallel_loop3A_634 {strides = array<i32>} : memref<32x384xi32, #tpu.memory_space<vmem>>, vector<16xi32>,
      %parallel_loop3A_705 = arith.subf %parallel_loop3A_630, %parallel_loop3A_655 : vector<16xf32>
      %parallel_loop3A_706 = arith.index_cast %parallel_loop3A_523 : i32 to index
      %parallel_loop3A_707 = arith.index_cast %parallel_loop3A_691 : i32 to index
      %parallel_loop3A_708 = tpu.vector_load %arg11[%parallel_loop3A_706, %parallel_loop3A_707] {strides = array<i32>} : memref<32x384xf32, #tpu.memory_space<vmem>>, vector<16xf32>,
      tpu.vector_store %arg11[%parallel_loop3A_706, %parallel_loop3A_707], %parallel_loop3A_705 {strides = array<i32>} : memref<32x384xf32, #tpu.memory_space<vmem>>, vector<16xf32>,
      %parallel_loop3A_709 = arith.subf %parallel_loop3A_631, %parallel_loop3A_665 : vector<16xf32>
      %parallel_loop3A_710 = arith.constant 128 : i32
      %parallel_loop3A_711 = arith.addi %parallel_loop3A_691, %parallel_loop3A_710 : i32
      %parallel_loop3A_712 = arith.index_cast %parallel_loop3A_523 : i32 to index
      %parallel_loop3A_713 = arith.index_cast %parallel_loop3A_711 : i32 to index
      %parallel_loop3A_714 = tpu.vector_load %arg11[%parallel_loop3A_712, %parallel_loop3A_713] {strides = array<i32>} : memref<32x384xf32, #tpu.memory_space<vmem>>, vector<16xf32>,
      tpu.vector_store %arg11[%parallel_loop3A_712, %parallel_loop3A_713], %parallel_loop3A_709 {strides = array<i32>} : memref<32x384xf32, #tpu.memory_space<vmem>>, vector<16xf32>,
      %parallel_loop3A_715 = arith.subf %parallel_loop3A_632, %parallel_loop3A_675 : vector<16xf32>
      %parallel_loop3A_716 = arith.constant 256 : i32
      %parallel_loop3A_717 = arith.addi %parallel_loop3A_691, %parallel_loop3A_716 : i32
      %parallel_loop3A_718 = arith.index_cast %parallel_loop3A_523 : i32 to index
      %parallel_loop3A_719 = arith.index_cast %parallel_loop3A_717 : i32 to index
      %parallel_loop3A_720 = tpu.vector_load %arg11[%parallel_loop3A_718, %parallel_loop3A_719] {strides = array<i32>} : memref<32x384xf32, #tpu.memory_space<vmem>>, vector<16xf32>,
      tpu.vector_store %arg11[%parallel_loop3A_718, %parallel_loop3A_719], %parallel_loop3A_715 {strides = array<i32>} : memref<32x384xf32, #tpu.memory_space<vmem>>, vector<16xf32>,
      %parallel_loop3A_721 = arith.constant 16 : i32
      %parallel_loop3A_722 = arith.muli %parallel_loop3A_521, %parallel_loop3A_721 : i32
      %parallel_loop3A_723 = arith.index_cast %parallel_loop3A_722 : i32 to index
      %parallel_loop3A_724 = tpu.vector_load %arg10[%parallel_loop3A_723] {strides = array<i32>} : memref<4096xi32, #tpu.memory_space<vmem>>, vector<16xi32>,
      tpu.vector_store %arg10[%parallel_loop3A_723], %parallel_loop3A_645 {strides = array<i32>} : memref<4096xi32, #tpu.memory_space<vmem>>, vector<16xi32>,
    } {sc.loop_unroll_factor = 2 : i64, sc.parallel_access}
    %add3A_20 = arith.constant 0 : i32
    %add3A_21 = arith.addi %mul3A_2, %add3A_20 : i32
    %jit3A = arith.constant 128 : i32
    %div3A = arith.divsi %add3A_21, %jit3A : i32
    %sign3A = arith.constant 0 : i32
    %sign3A_22 = arith.cmpi sgt, %add3A_21, %sign3A : i32
    %sign3A_23 = arith.extui %sign3A_22 : i1 to i32
    %sign3A_24 = arith.constant 0 : i32
    %sign3A_25 = arith.cmpi slt, %add3A_21, %sign3A_24 : i32
    %sign3A_26 = arith.extui %sign3A_25 : i1 to i32
    %sign3A_27 = arith.subi %sign3A_23, %sign3A_26 : i32
    %sign3A_28 = arith.constant 0 : i32
    %sign3A_29 = arith.cmpi sgt, %jit3A, %sign3A_28 : i32
    %sign3A_30 = arith.extui %sign3A_29 : i1 to i32
    %sign3A_31 = arith.constant 0 : i32
    %sign3A_32 = arith.cmpi slt, %jit3A, %sign3A_31 : i32
    %sign3A_33 = arith.extui %sign3A_32 : i1 to i32
    %sign3A_34 = arith.subi %sign3A_30, %sign3A_33 : i32
    %ne3A = arith.cmpi ne, %sign3A_27, %sign3A_34 : i32
    %rem3A_35 = arith.remsi %add3A_21, %jit3A : i32
    %ne3A_36 = arith.constant 0 : i32
    %ne3A_37 = arith.cmpi ne, %rem3A_35, %ne3A_36 : i32
    %and3A = arith.andi %ne3A, %ne3A_37 : i1
    %sub3A = arith.constant 1 : i32
    %sub3A_38 = arith.subi %div3A, %sub3A : i32
    %select_n3A = arith.select %and3A, %sub3A_38, %div3A : i32
    %mul3A_39 = arith.constant 4 : i32
    %mul3A_40 = arith.muli %add3A_21, %mul3A_39 : i32
    %dma_start3A_41 = tpu.memref_slice %arg3[%mul3A_40] : memref<4194304xf32, #tpu.memory_space<hbm>> -> memref<16384xf32, #tpu.memory_space<hbm>>
    %dma_start3A_42 = tpu.memref_slice %arg3[%mul3A_40] : memref<4194304xf32, #tpu.memory_space<hbm>> -> memref<16384xf32, #tpu.memory_space<hbm>>
    tpu.enqueue_dma source(%arg8 : memref<16384xf32, #tpu.memory_space<vmem>>) target(%dma_start3A_42 : memref<16384xf32, #tpu.memory_space<hbm>>) target_semaphore(%arg19 : memref<!tpu.dma_semaphore, #tpu.memory_space<semaphore_mem>>)
    %dma_start3A_43 = arith.constant 0 : i32
    %dma_start3A_44 = tpu.memref_slice %arg4[%select_n3A, %dma_start3A_43] : memref<8192x512xi32, #tpu.memory_space<hbm>> -> memref<32x384xi32, #tpu.memory_space<hbm>>
    %dma_start3A_45 = arith.constant 0 : i32
    %dma_start3A_46 = tpu.memref_slice %arg4[%select_n3A, %dma_start3A_45] : memref<8192x512xi32, #tpu.memory_space<hbm>> -> memref<32x384xi32, #tpu.memory_space<hbm>>
    tpu.enqueue_dma source(%arg9 : memref<32x384xi32, #tpu.memory_space<vmem>>) target(%dma_start3A_46 : memref<32x384xi32, #tpu.memory_space<hbm>>) target_semaphore(%arg19 : memref<!tpu.dma_semaphore, #tpu.memory_space<semaphore_mem>>)
    %dma_start3A_47 = tpu.memref_slice %arg5[%add3A_21] : memref<1048576xi32, #tpu.memory_space<hbm>> -> memref<4096xi32, #tpu.memory_space<hbm>>
    %dma_start3A_48 = tpu.memref_slice %arg5[%add3A_21] : memref<1048576xi32, #tpu.memory_space<hbm>> -> memref<4096xi32, #tpu.memory_space<hbm>>
    tpu.enqueue_dma source(%arg10 : memref<4096xi32, #tpu.memory_space<vmem>>) target(%dma_start3A_48 : memref<4096xi32, #tpu.memory_space<hbm>>) target_semaphore(%arg19 : memref<!tpu.dma_semaphore, #tpu.memory_space<semaphore_mem>>)
    %dma_start3A_49 = arith.constant 0 : i32
    %dma_start3A_50 = tpu.memref_slice %arg6[%select_n3A, %dma_start3A_49] : memref<8192x512xf32, #tpu.memory_space<hbm>> -> memref<32x384xf32, #tpu.memory_space<hbm>>
    %dma_start3A_51 = arith.constant 0 : i32
    %dma_start3A_52 = tpu.memref_slice %arg6[%select_n3A, %dma_start3A_51] : memref<8192x512xf32, #tpu.memory_space<hbm>> -> memref<32x384xf32, #tpu.memory_space<hbm>>
    tpu.enqueue_dma source(%arg11 : memref<32x384xf32, #tpu.memory_space<vmem>>) target(%dma_start3A_52 : memref<32x384xf32, #tpu.memory_space<hbm>>) target_semaphore(%arg19 : memref<!tpu.dma_semaphore, #tpu.memory_space<semaphore_mem>>)
    %add3A_53 = arith.constant 8192 : i32
    %add3A_54 = arith.addi %mul3A_2, %add3A_53 : i32
    %mul3A_55 = arith.constant 4 : i32
    %mul3A_56 = arith.muli %add3A_54, %mul3A_55 : i32
    %dma_start3A_57 = tpu.memref_slice %arg2[%mul3A_56] : memref<4194304xf32, #tpu.memory_space<hbm>> -> memref<16384xf32, #tpu.memory_space<hbm>>
    %dma_start3A_58 = tpu.memref_slice %arg2[%mul3A_56] : memref<4194304xf32, #tpu.memory_space<hbm>> -> memref<16384xf32, #tpu.memory_space<hbm>>
    tpu.enqueue_dma source(%dma_start3A_58 : memref<16384xf32, #tpu.memory_space<hbm>>) target(%arg7 : memref<16384xf32, #tpu.memory_space<vmem>>) target_semaphore(%arg17 : memref<!tpu.dma_semaphore, #tpu.memory_space<semaphore_mem>>)
    %dma_wait3A_59 = tpu.memref_slice %arg2[%mul3A_12] : memref<4194304xf32, #tpu.memory_space<hbm>> -> memref<16384xf32, #tpu.memory_space<hbm>>
    %dma_wait3A_60 = tpu.memref_slice %arg2[%mul3A_12] : memref<4194304xf32, #tpu.memory_space<hbm>> -> memref<16384xf32, #tpu.memory_space<hbm>>
    tpu.wait_dma2 semaphore(%arg18 : memref<!tpu.dma_semaphore, #tpu.memory_space<semaphore_mem>>) src(%dma_wait3A_60 : memref<16384xf32, #tpu.memory_space<hbm>>) dst(%arg12 : memref<16384xf32, #tpu.memory_space<vmem>>)
    %add3A_61 = arith.constant 4096 : i32
    %add3A_62 = arith.addi %rem3A_3, %add3A_61 : i32
    %iota3A_63 = tpu.iota {dimensions = array<i32: 0>} : vector<16xi32>
    %parallel_loop3A_64 = arith.constant 0 : i32
    %parallel_loop3A_65 = arith.constant 256 : i32
    %parallel_loop3A_66 = arith.constant 1 : i32
    scf.for %parallel_loop3A_521 = %parallel_loop3A_64 to %parallel_loop3A_65 step %parallel_loop3A_66  : i32 {
      %parallel_loop3A_522 = arith.constant 3 : i32
      %parallel_loop3A_523 = arith.shrsi %parallel_loop3A_521, %parallel_loop3A_522 : i32
      %parallel_loop3A_524 = arith.constant 7 : i32
      %parallel_loop3A_525 = arith.andi %parallel_loop3A_521, %parallel_loop3A_524 : i32
      %parallel_loop3A_526 = arith.constant 512 : i32
      %parallel_loop3A_527 = arith.muli %parallel_loop3A_523, %parallel_loop3A_526 : i32
      %parallel_loop3A_528 = arith.constant 16 : i32
      %parallel_loop3A_529 = arith.muli %parallel_loop3A_525, %parallel_loop3A_528 : i32
      %parallel_loop3A_530 = arith.addi %parallel_loop3A_527, %parallel_loop3A_529 : i32
      %parallel_loop3A_531 = arith.index_cast %parallel_loop3A_530 : i32 to index
      %parallel_loop3A_532 = tpu.vector_load %arg12[%parallel_loop3A_531] {strides = array<i32>} : memref<16384xf32, #tpu.memory_space<vmem>>, vector<16xf32>,
      %parallel_loop3A_533 = arith.constant 128 : i32
      %parallel_loop3A_534 = arith.addi %parallel_loop3A_530, %parallel_loop3A_533 : i32
      %parallel_loop3A_535 = arith.index_cast %parallel_loop3A_534 : i32 to index
      %parallel_loop3A_536 = tpu.vector_load %arg12[%parallel_loop3A_535] {strides = array<i32>} : memref<16384xf32, #tpu.memory_space<vmem>>, vector<16xf32>,
      %parallel_loop3A_537 = arith.constant 256 : i32
      %parallel_loop3A_538 = arith.addi %parallel_loop3A_530, %parallel_loop3A_537 : i32
      %parallel_loop3A_539 = arith.index_cast %parallel_loop3A_538 : i32 to index
      %parallel_loop3A_540 = tpu.vector_load %arg12[%parallel_loop3A_539] {strides = array<i32>} : memref<16384xf32, #tpu.memory_space<vmem>>, vector<16xf32>,
      %parallel_loop3A_541 = arith.constant 384 : i32
      %parallel_loop3A_542 = arith.addi %parallel_loop3A_530, %parallel_loop3A_541 : i32
      %parallel_loop3A_543 = arith.index_cast %parallel_loop3A_542 : i32 to index
      %parallel_loop3A_544 = tpu.vector_load %arg12[%parallel_loop3A_543] {strides = array<i32>} : memref<16384xf32, #tpu.memory_space<vmem>>, vector<16xf32>,
      %parallel_loop3A_545 = arith.cmpf one, %parallel_loop3A_532, %parallel_loop3A_532 : vector<16xf32>
      %parallel_loop3A_546 = arith.cmpf one, %parallel_loop3A_536, %parallel_loop3A_536 : vector<16xf32>
      %parallel_loop3A_547 = arith.ori %parallel_loop3A_545, %parallel_loop3A_546 : vector<16xi1>
      %parallel_loop3A_548 = arith.cmpf one, %parallel_loop3A_540, %parallel_loop3A_540 : vector<16xf32>
      %parallel_loop3A_549 = arith.ori %parallel_loop3A_547, %parallel_loop3A_548 : vector<16xi1>
      %parallel_loop3A_550 = arith.cmpf one, %parallel_loop3A_544, %parallel_loop3A_544 : vector<16xf32>
      %parallel_loop3A_551 = arith.ori %parallel_loop3A_549, %parallel_loop3A_550 : vector<16xi1>
      %parallel_loop3A_552 = arith.constant 0.000000e+00 : f32
      %parallel_loop3A_553 = vector.broadcast %parallel_loop3A_552 : f32 to vector<16xf32>
      %parallel_loop3A_554 = arith.select %parallel_loop3A_551, %parallel_loop3A_553, %parallel_loop3A_532 : vector<16xi1>, vector<16xf32>
      %parallel_loop3A_555 = arith.constant 0.000000e+00 : f32
      %parallel_loop3A_556 = vector.broadcast %parallel_loop3A_555 : f32 to vector<16xf32>
      %parallel_loop3A_557 = arith.select %parallel_loop3A_551, %parallel_loop3A_556, %parallel_loop3A_536 : vector<16xi1>, vector<16xf32>
      %parallel_loop3A_558 = arith.constant 0.000000e+00 : f32
      %parallel_loop3A_559 = vector.broadcast %parallel_loop3A_558 : f32 to vector<16xf32>
      %parallel_loop3A_560 = arith.select %parallel_loop3A_551, %parallel_loop3A_559, %parallel_loop3A_540 : vector<16xi1>, vector<16xf32>
      %parallel_loop3A_561 = arith.constant 0.000000e+00 : f32
      %parallel_loop3A_562 = vector.broadcast %parallel_loop3A_561 : f32 to vector<16xf32>
      %parallel_loop3A_563 = arith.select %parallel_loop3A_551, %parallel_loop3A_562, %parallel_loop3A_544 : vector<16xi1>, vector<16xf32>
      %parallel_loop3A_564 = arith.constant -5.120000e+01 : f32
      %parallel_loop3A_565 = vector.broadcast %parallel_loop3A_564 : f32 to vector<16xf32>
      %parallel_loop3A_566 = arith.subf %parallel_loop3A_554, %parallel_loop3A_565 : vector<16xf32>
      %parallel_loop3A_567 = arith.constant 1.000000e+01 : f32
      %parallel_loop3A_568 = vector.broadcast %parallel_loop3A_567 : f32 to vector<16xf32>
      %parallel_loop3A_569 = arith.mulf %parallel_loop3A_566, %parallel_loop3A_568 : vector<16xf32>
      %parallel_loop3A_570 = arith.constant -5.120000e+01 : f32
      %parallel_loop3A_571 = vector.broadcast %parallel_loop3A_570 : f32 to vector<16xf32>
      %parallel_loop3A_572 = arith.subf %parallel_loop3A_557, %parallel_loop3A_571 : vector<16xf32>
      %parallel_loop3A_573 = arith.constant 1.000000e+01 : f32
      %parallel_loop3A_574 = vector.broadcast %parallel_loop3A_573 : f32 to vector<16xf32>
      %parallel_loop3A_575 = arith.mulf %parallel_loop3A_572, %parallel_loop3A_574 : vector<16xf32>
      %parallel_loop3A_576 = arith.constant -5.000000e+00 : f32
      %parallel_loop3A_577 = vector.broadcast %parallel_loop3A_576 : f32 to vector<16xf32>
      %parallel_loop3A_578 = arith.subf %parallel_loop3A_560, %parallel_loop3A_577 : vector<16xf32>
      %parallel_loop3A_579 = arith.constant 5.000000e+00 : f32
      %parallel_loop3A_580 = vector.broadcast %parallel_loop3A_579 : f32 to vector<16xf32>
      %parallel_loop3A_581 = arith.mulf %parallel_loop3A_578, %parallel_loop3A_580 : vector<16xf32>
      %parallel_loop3A_582 = arith.fptosi %parallel_loop3A_569 : vector<16xf32> to vector<16xi32>
      %parallel_loop3A_583 = arith.fptosi %parallel_loop3A_575 : vector<16xf32> to vector<16xi32>
      %parallel_loop3A_584 = arith.fptosi %parallel_loop3A_581 : vector<16xf32> to vector<16xi32>
      %parallel_loop3A_585 = arith.sitofp %parallel_loop3A_582 : vector<16xi32> to vector<16xf32>
      %parallel_loop3A_586 = arith.cmpf ogt, %parallel_loop3A_585, %parallel_loop3A_569 : vector<16xf32>
      %parallel_loop3A_587 = arith.constant 1 : i32
      %parallel_loop3A_588 = vector.broadcast %parallel_loop3A_587 : i32 to vector<16xi32>
      %parallel_loop3A_589 = arith.subi %parallel_loop3A_582, %parallel_loop3A_588 : vector<16xi32>
      %parallel_loop3A_590 = arith.select %parallel_loop3A_586, %parallel_loop3A_589, %parallel_loop3A_582 : vector<16xi1>, vector<16xi32>
      %parallel_loop3A_591 = arith.sitofp %parallel_loop3A_583 : vector<16xi32> to vector<16xf32>
      %parallel_loop3A_592 = arith.cmpf ogt, %parallel_loop3A_591, %parallel_loop3A_575 : vector<16xf32>
      %parallel_loop3A_593 = arith.constant 1 : i32
      %parallel_loop3A_594 = vector.broadcast %parallel_loop3A_593 : i32 to vector<16xi32>
      %parallel_loop3A_595 = arith.subi %parallel_loop3A_583, %parallel_loop3A_594 : vector<16xi32>
      %parallel_loop3A_596 = arith.select %parallel_loop3A_592, %parallel_loop3A_595, %parallel_loop3A_583 : vector<16xi1>, vector<16xi32>
      %parallel_loop3A_597 = arith.sitofp %parallel_loop3A_584 : vector<16xi32> to vector<16xf32>
      %parallel_loop3A_598 = arith.cmpf ogt, %parallel_loop3A_597, %parallel_loop3A_581 : vector<16xf32>
      %parallel_loop3A_599 = arith.constant 1 : i32
      %parallel_loop3A_600 = vector.broadcast %parallel_loop3A_599 : i32 to vector<16xi32>
      %parallel_loop3A_601 = arith.subi %parallel_loop3A_584, %parallel_loop3A_600 : vector<16xi32>
      %parallel_loop3A_602 = arith.select %parallel_loop3A_598, %parallel_loop3A_601, %parallel_loop3A_584 : vector<16xi1>, vector<16xi32>
      %parallel_loop3A_603 = arith.constant 0 : i32
      %parallel_loop3A_604 = vector.broadcast %parallel_loop3A_603 : i32 to vector<16xi32>
      %parallel_loop3A_605 = arith.cmpi sge, %parallel_loop3A_590, %parallel_loop3A_604 : vector<16xi32>
      %parallel_loop3A_606 = arith.constant 1024 : i32
      %parallel_loop3A_607 = vector.broadcast %parallel_loop3A_606 : i32 to vector<16xi32>
      %parallel_loop3A_608 = arith.cmpi slt, %parallel_loop3A_590, %parallel_loop3A_607 : vector<16xi32>
      %parallel_loop3A_609 = arith.andi %parallel_loop3A_605, %parallel_loop3A_608 : vector<16xi1>
      %parallel_loop3A_610 = arith.constant 0 : i32
      %parallel_loop3A_611 = vector.broadcast %parallel_loop3A_610 : i32 to vector<16xi32>
      %parallel_loop3A_612 = arith.cmpi sge, %parallel_loop3A_596, %parallel_loop3A_611 : vector<16xi32>
      %parallel_loop3A_613 = arith.andi %parallel_loop3A_609, %parallel_loop3A_612 : vector<16xi1>
      %parallel_loop3A_614 = arith.constant 1024 : i32
      %parallel_loop3A_615 = vector.broadcast %parallel_loop3A_614 : i32 to vector<16xi32>
      %parallel_loop3A_616 = arith.cmpi slt, %parallel_loop3A_596, %parallel_loop3A_615 : vector<16xi32>
      %parallel_loop3A_617 = arith.andi %parallel_loop3A_613, %parallel_loop3A_616 : vector<16xi1>
      %parallel_loop3A_618 = arith.constant 0 : i32
      %parallel_loop3A_619 = vector.broadcast %parallel_loop3A_618 : i32 to vector<16xi32>
      %parallel_loop3A_620 = arith.cmpi sge, %parallel_loop3A_602, %parallel_loop3A_619 : vector<16xi32>
      %parallel_loop3A_621 = arith.andi %parallel_loop3A_617, %parallel_loop3A_620 : vector<16xi1>
      %parallel_loop3A_622 = arith.constant 40 : i32
      %parallel_loop3A_623 = vector.broadcast %parallel_loop3A_622 : i32 to vector<16xi32>
      %parallel_loop3A_624 = arith.cmpi slt, %parallel_loop3A_602, %parallel_loop3A_623 : vector<16xi32>
      %parallel_loop3A_625 = arith.andi %parallel_loop3A_621, %parallel_loop3A_624 : vector<16xi1>
      %parallel_loop3A_626 = arith.constant 0.000000e+00 : f32
      %parallel_loop3A_627 = vector.broadcast %parallel_loop3A_626 : f32 to vector<16xf32>
      %parallel_loop3A_628 = arith.constant 0 : i32
      %parallel_loop3A_629 = vector.broadcast %parallel_loop3A_628 : i32 to vector<16xi32>
      %parallel_loop3A_630 = arith.select %parallel_loop3A_625, %parallel_loop3A_554, %parallel_loop3A_627 : vector<16xi1>, vector<16xf32>
      %parallel_loop3A_631 = arith.select %parallel_loop3A_625, %parallel_loop3A_557, %parallel_loop3A_627 : vector<16xi1>, vector<16xf32>
      %parallel_loop3A_632 = arith.select %parallel_loop3A_625, %parallel_loop3A_560, %parallel_loop3A_627 : vector<16xi1>, vector<16xf32>
      %parallel_loop3A_633 = arith.select %parallel_loop3A_625, %parallel_loop3A_563, %parallel_loop3A_627 : vector<16xi1>, vector<16xf32>
      %parallel_loop3A_634 = arith.select %parallel_loop3A_625, %parallel_loop3A_590, %parallel_loop3A_629 : vector<16xi1>, vector<16xi32>
      %parallel_loop3A_635 = arith.select %parallel_loop3A_625, %parallel_loop3A_596, %parallel_loop3A_629 : vector<16xi1>, vector<16xi32>
      %parallel_loop3A_636 = arith.select %parallel_loop3A_625, %parallel_loop3A_602, %parallel_loop3A_629 : vector<16xi1>, vector<16xi32>
      %parallel_loop3A_637 = arith.constant dense<true> : vector<16xi1>
      %parallel_loop3A_638 = arith.xori %parallel_loop3A_551, %parallel_loop3A_637 : vector<16xi1>
      %parallel_loop3A_639 = arith.andi %parallel_loop3A_625, %parallel_loop3A_638 : vector<16xi1>
      %parallel_loop3A_640 = arith.constant 16 : i32
      %parallel_loop3A_641 = arith.muli %parallel_loop3A_521, %parallel_loop3A_640 : i32
      %parallel_loop3A_642 = arith.addi %add3A_62, %parallel_loop3A_641 : i32
      %parallel_loop3A_643 = vector.broadcast %parallel_loop3A_642 : i32 to vector<16xi32>
      %parallel_loop3A_644 = arith.addi %iota3A_63, %parallel_loop3A_643 : vector<16xi32>
      %parallel_loop3A_645 = arith.select %parallel_loop3A_639, %parallel_loop3A_644, %parallel_loop3A_629 : vector<16xi1>, vector<16xi32>
      %parallel_loop3A_646 = arith.sitofp %parallel_loop3A_634 : vector<16xi32> to vector<16xf32>
      %parallel_loop3A_647 = arith.constant 1.000000e-01 : f32
      %parallel_loop3A_648 = vector.broadcast %parallel_loop3A_647 : f32 to vector<16xf32>
      %parallel_loop3A_649 = arith.mulf %parallel_loop3A_646, %parallel_loop3A_648 : vector<16xf32>
      %parallel_loop3A_650 = arith.constant -5.120000e+01 : f32
      %parallel_loop3A_651 = vector.broadcast %parallel_loop3A_650 : f32 to vector<16xf32>
      %parallel_loop3A_652 = arith.addf %parallel_loop3A_649, %parallel_loop3A_651 : vector<16xf32>
      %parallel_loop3A_653 = arith.constant 5.000000e-02 : f32
      %parallel_loop3A_654 = vector.broadcast %parallel_loop3A_653 : f32 to vector<16xf32>
      %parallel_loop3A_655 = arith.addf %parallel_loop3A_652, %parallel_loop3A_654 : vector<16xf32>
      %parallel_loop3A_656 = arith.sitofp %parallel_loop3A_635 : vector<16xi32> to vector<16xf32>
      %parallel_loop3A_657 = arith.constant 1.000000e-01 : f32
      %parallel_loop3A_658 = vector.broadcast %parallel_loop3A_657 : f32 to vector<16xf32>
      %parallel_loop3A_659 = arith.mulf %parallel_loop3A_656, %parallel_loop3A_658 : vector<16xf32>
      %parallel_loop3A_660 = arith.constant -5.120000e+01 : f32
      %parallel_loop3A_661 = vector.broadcast %parallel_loop3A_660 : f32 to vector<16xf32>
      %parallel_loop3A_662 = arith.addf %parallel_loop3A_659, %parallel_loop3A_661 : vector<16xf32>
      %parallel_loop3A_663 = arith.constant 5.000000e-02 : f32
      %parallel_loop3A_664 = vector.broadcast %parallel_loop3A_663 : f32 to vector<16xf32>
      %parallel_loop3A_665 = arith.addf %parallel_loop3A_662, %parallel_loop3A_664 : vector<16xf32>
      %parallel_loop3A_666 = arith.sitofp %parallel_loop3A_636 : vector<16xi32> to vector<16xf32>
      %parallel_loop3A_667 = arith.constant 2.000000e-01 : f32
      %parallel_loop3A_668 = vector.broadcast %parallel_loop3A_667 : f32 to vector<16xf32>
      %parallel_loop3A_669 = arith.mulf %parallel_loop3A_666, %parallel_loop3A_668 : vector<16xf32>
      %parallel_loop3A_670 = arith.constant -5.000000e+00 : f32
      %parallel_loop3A_671 = vector.broadcast %parallel_loop3A_670 : f32 to vector<16xf32>
      %parallel_loop3A_672 = arith.addf %parallel_loop3A_669, %parallel_loop3A_671 : vector<16xf32>
      %parallel_loop3A_673 = arith.constant 1.000000e-01 : f32
      %parallel_loop3A_674 = vector.broadcast %parallel_loop3A_673 : f32 to vector<16xf32>
      %parallel_loop3A_675 = arith.addf %parallel_loop3A_672, %parallel_loop3A_674 : vector<16xf32>
      %parallel_loop3A_676 = arith.index_cast %parallel_loop3A_530 : i32 to index
      %parallel_loop3A_677 = tpu.vector_load %arg13[%parallel_loop3A_676] {strides = array<i32>} : memref<16384xf32, #tpu.memory_space<vmem>>, vector<16xf32>,
      tpu.vector_store %arg13[%parallel_loop3A_676], %parallel_loop3A_630 {strides = array<i32>} : memref<16384xf32, #tpu.memory_space<vmem>>, vector<16xf32>,
      %parallel_loop3A_678 = arith.constant 128 : i32
      %parallel_loop3A_679 = arith.addi %parallel_loop3A_530, %parallel_loop3A_678 : i32
      %parallel_loop3A_680 = arith.index_cast %parallel_loop3A_679 : i32 to index
      %parallel_loop3A_681 = tpu.vector_load %arg13[%parallel_loop3A_680] {strides = array<i32>} : memref<16384xf32, #tpu.memory_space<vmem>>, vector<16xf32>,
      tpu.vector_store %arg13[%parallel_loop3A_680], %parallel_loop3A_631 {strides = array<i32>} : memref<16384xf32, #tpu.memory_space<vmem>>, vector<16xf32>,
      %parallel_loop3A_682 = arith.constant 256 : i32
      %parallel_loop3A_683 = arith.addi %parallel_loop3A_530, %parallel_loop3A_682 : i32
      %parallel_loop3A_684 = arith.index_cast %parallel_loop3A_683 : i32 to index
      %parallel_loop3A_685 = tpu.vector_load %arg13[%parallel_loop3A_684] {strides = array<i32>} : memref<16384xf32, #tpu.memory_space<vmem>>, vector<16xf32>,
      tpu.vector_store %arg13[%parallel_loop3A_684], %parallel_loop3A_632 {strides = array<i32>} : memref<16384xf32, #tpu.memory_space<vmem>>, vector<16xf32>,
      %parallel_loop3A_686 = arith.constant 384 : i32
      %parallel_loop3A_687 = arith.addi %parallel_loop3A_530, %parallel_loop3A_686 : i32
      %parallel_loop3A_688 = arith.index_cast %parallel_loop3A_687 : i32 to index
      %parallel_loop3A_689 = tpu.vector_load %arg13[%parallel_loop3A_688] {strides = array<i32>} : memref<16384xf32, #tpu.memory_space<vmem>>, vector<16xf32>,
      tpu.vector_store %arg13[%parallel_loop3A_688], %parallel_loop3A_633 {strides = array<i32>} : memref<16384xf32, #tpu.memory_space<vmem>>, vector<16xf32>,
      %parallel_loop3A_690 = arith.constant 16 : i32
      %parallel_loop3A_691 = arith.muli %parallel_loop3A_525, %parallel_loop3A_690 : i32
      %parallel_loop3A_692 = arith.index_cast %parallel_loop3A_523 : i32 to index
      %parallel_loop3A_693 = arith.index_cast %parallel_loop3A_691 : i32 to index
      %parallel_loop3A_694 = tpu.vector_load %arg14[%parallel_loop3A_692, %parallel_loop3A_693] {strides = array<i32>} : memref<32x384xi32, #tpu.memory_space<vmem>>, vector<16xi32>,
      tpu.vector_store %arg14[%parallel_loop3A_692, %parallel_loop3A_693], %parallel_loop3A_636 {strides = array<i32>} : memref<32x384xi32, #tpu.memory_space<vmem>>, vector<16xi32>,
      %parallel_loop3A_695 = arith.constant 128 : i32
      %parallel_loop3A_696 = arith.addi %parallel_loop3A_691, %parallel_loop3A_695 : i32
      %parallel_loop3A_697 = arith.index_cast %parallel_loop3A_523 : i32 to index
      %parallel_loop3A_698 = arith.index_cast %parallel_loop3A_696 : i32 to index
      %parallel_loop3A_699 = tpu.vector_load %arg14[%parallel_loop3A_697, %parallel_loop3A_698] {strides = array<i32>} : memref<32x384xi32, #tpu.memory_space<vmem>>, vector<16xi32>,
      tpu.vector_store %arg14[%parallel_loop3A_697, %parallel_loop3A_698], %parallel_loop3A_635 {strides = array<i32>} : memref<32x384xi32, #tpu.memory_space<vmem>>, vector<16xi32>,
      %parallel_loop3A_700 = arith.constant 256 : i32
      %parallel_loop3A_701 = arith.addi %parallel_loop3A_691, %parallel_loop3A_700 : i32
      %parallel_loop3A_702 = arith.index_cast %parallel_loop3A_523 : i32 to index
      %parallel_loop3A_703 = arith.index_cast %parallel_loop3A_701 : i32 to index
      %parallel_loop3A_704 = tpu.vector_load %arg14[%parallel_loop3A_702, %parallel_loop3A_703] {strides = array<i32>} : memref<32x384xi32, #tpu.memory_space<vmem>>, vector<16xi32>,
      tpu.vector_store %arg14[%parallel_loop3A_702, %parallel_loop3A_703], %parallel_loop3A_634 {strides = array<i32>} : memref<32x384xi32, #tpu.memory_space<vmem>>, vector<16xi32>,
      %parallel_loop3A_705 = arith.subf %parallel_loop3A_630, %parallel_loop3A_655 : vector<16xf32>
      %parallel_loop3A_706 = arith.index_cast %parallel_loop3A_523 : i32 to index
      %parallel_loop3A_707 = arith.index_cast %parallel_loop3A_691 : i32 to index
      %parallel_loop3A_708 = tpu.vector_load %arg16[%parallel_loop3A_706, %parallel_loop3A_707] {strides = array<i32>} : memref<32x384xf32, #tpu.memory_space<vmem>>, vector<16xf32>,
      tpu.vector_store %arg16[%parallel_loop3A_706, %parallel_loop3A_707], %parallel_loop3A_705 {strides = array<i32>} : memref<32x384xf32, #tpu.memory_space<vmem>>, vector<16xf32>,
      %parallel_loop3A_709 = arith.subf %parallel_loop3A_631, %parallel_loop3A_665 : vector<16xf32>
      %parallel_loop3A_710 = arith.constant 128 : i32
      %parallel_loop3A_711 = arith.addi %parallel_loop3A_691, %parallel_loop3A_710 : i32
      %parallel_loop3A_712 = arith.index_cast %parallel_loop3A_523 : i32 to index
      %parallel_loop3A_713 = arith.index_cast %parallel_loop3A_711 : i32 to index
      %parallel_loop3A_714 = tpu.vector_load %arg16[%parallel_loop3A_712, %parallel_loop3A_713] {strides = array<i32>} : memref<32x384xf32, #tpu.memory_space<vmem>>, vector<16xf32>,
      tpu.vector_store %arg16[%parallel_loop3A_712, %parallel_loop3A_713], %parallel_loop3A_709 {strides = array<i32>} : memref<32x384xf32, #tpu.memory_space<vmem>>, vector<16xf32>,
      %parallel_loop3A_715 = arith.subf %parallel_loop3A_632, %parallel_loop3A_675 : vector<16xf32>
      %parallel_loop3A_716 = arith.constant 256 : i32
      %parallel_loop3A_717 = arith.addi %parallel_loop3A_691, %parallel_loop3A_716 : i32
      %parallel_loop3A_718 = arith.index_cast %parallel_loop3A_523 : i32 to index
      %parallel_loop3A_719 = arith.index_cast %parallel_loop3A_717 : i32 to index
      %parallel_loop3A_720 = tpu.vector_load %arg16[%parallel_loop3A_718, %parallel_loop3A_719] {strides = array<i32>} : memref<32x384xf32, #tpu.memory_space<vmem>>, vector<16xf32>,
      tpu.vector_store %arg16[%parallel_loop3A_718, %parallel_loop3A_719], %parallel_loop3A_715 {strides = array<i32>} : memref<32x384xf32, #tpu.memory_space<vmem>>, vector<16xf32>,
      %parallel_loop3A_721 = arith.constant 16 : i32
      %parallel_loop3A_722 = arith.muli %parallel_loop3A_521, %parallel_loop3A_721 : i32
      %parallel_loop3A_723 = arith.index_cast %parallel_loop3A_722 : i32 to index
      %parallel_loop3A_724 = tpu.vector_load %arg15[%parallel_loop3A_723] {strides = array<i32>} : memref<4096xi32, #tpu.memory_space<vmem>>, vector<16xi32>,
      tpu.vector_store %arg15[%parallel_loop3A_723], %parallel_loop3A_645 {strides = array<i32>} : memref<4096xi32, #tpu.memory_space<vmem>>, vector<16xi32>,
    } {sc.loop_unroll_factor = 2 : i64, sc.parallel_access}
    %add3A_67 = arith.constant 4096 : i32
    %add3A_68 = arith.addi %mul3A_2, %add3A_67 : i32
    %jit3A_69 = arith.constant 128 : i32
    %div3A_70 = arith.divsi %add3A_68, %jit3A_69 : i32
    %sign3A_71 = arith.constant 0 : i32
    %sign3A_72 = arith.cmpi sgt, %add3A_68, %sign3A_71 : i32
    %sign3A_73 = arith.extui %sign3A_72 : i1 to i32
    %sign3A_74 = arith.constant 0 : i32
    %sign3A_75 = arith.cmpi slt, %add3A_68, %sign3A_74 : i32
    %sign3A_76 = arith.extui %sign3A_75 : i1 to i32
    %sign3A_77 = arith.subi %sign3A_73, %sign3A_76 : i32
    %sign3A_78 = arith.constant 0 : i32
    %sign3A_79 = arith.cmpi sgt, %jit3A_69, %sign3A_78 : i32
    %sign3A_80 = arith.extui %sign3A_79 : i1 to i32
    %sign3A_81 = arith.constant 0 : i32
    %sign3A_82 = arith.cmpi slt, %jit3A_69, %sign3A_81 : i32
    %sign3A_83 = arith.extui %sign3A_82 : i1 to i32
    %sign3A_84 = arith.subi %sign3A_80, %sign3A_83 : i32
    %ne3A_85 = arith.cmpi ne, %sign3A_77, %sign3A_84 : i32
    %rem3A_86 = arith.remsi %add3A_68, %jit3A_69 : i32
    %ne3A_87 = arith.constant 0 : i32
    %ne3A_88 = arith.cmpi ne, %rem3A_86, %ne3A_87 : i32
    %and3A_89 = arith.andi %ne3A_85, %ne3A_88 : i1
    %sub3A_90 = arith.constant 1 : i32
    %sub3A_91 = arith.subi %div3A_70, %sub3A_90 : i32
    %select_n3A_92 = arith.select %and3A_89, %sub3A_91, %div3A_70 : i32
    %mul3A_93 = arith.constant 4 : i32
    %mul3A_94 = arith.muli %add3A_68, %mul3A_93 : i32
    %dma_start3A_95 = tpu.memref_slice %arg3[%mul3A_94] : memref<4194304xf32, #tpu.memory_space<hbm>> -> memref<16384xf32, #tpu.memory_space<hbm>>
    %dma_start3A_96 = tpu.memref_slice %arg3[%mul3A_94] : memref<4194304xf32, #tpu.memory_space<hbm>> -> memref<16384xf32, #tpu.memory_space<hbm>>
    tpu.enqueue_dma source(%arg13 : memref<16384xf32, #tpu.memory_space<vmem>>) target(%dma_start3A_96 : memref<16384xf32, #tpu.memory_space<hbm>>) target_semaphore(%arg20 : memref<!tpu.dma_semaphore, #tpu.memory_space<semaphore_mem>>)
    %dma_start3A_97 = arith.constant 0 : i32
    %dma_start3A_98 = tpu.memref_slice %arg4[%select_n3A_92, %dma_start3A_97] : memref<8192x512xi32, #tpu.memory_space<hbm>> -> memref<32x384xi32, #tpu.memory_space<hbm>>
    %dma_start3A_99 = arith.constant 0 : i32
    %dma_start3A_100 = tpu.memref_slice %arg4[%select_n3A_92, %dma_start3A_99] : memref<8192x512xi32, #tpu.memory_space<hbm>> -> memref<32x384xi32, #tpu.memory_space<hbm>>
    tpu.enqueue_dma source(%arg14 : memref<32x384xi32, #tpu.memory_space<vmem>>) target(%dma_start3A_100 : memref<32x384xi32, #tpu.memory_space<hbm>>) target_semaphore(%arg20 : memref<!tpu.dma_semaphore, #tpu.memory_space<semaphore_mem>>)
    %dma_start3A_101 = tpu.memref_slice %arg5[%add3A_68] : memref<1048576xi32, #tpu.memory_space<hbm>> -> memref<4096xi32, #tpu.memory_space<hbm>>
    %dma_start3A_102 = tpu.memref_slice %arg5[%add3A_68] : memref<1048576xi32, #tpu.memory_space<hbm>> -> memref<4096xi32, #tpu.memory_space<hbm>>
    tpu.enqueue_dma source(%arg15 : memref<4096xi32, #tpu.memory_space<vmem>>) target(%dma_start3A_102 : memref<4096xi32, #tpu.memory_space<hbm>>) target_semaphore(%arg20 : memref<!tpu.dma_semaphore, #tpu.memory_space<semaphore_mem>>)
    %dma_start3A_103 = arith.constant 0 : i32
    %dma_start3A_104 = tpu.memref_slice %arg6[%select_n3A_92, %dma_start3A_103] : memref<8192x512xf32, #tpu.memory_space<hbm>> -> memref<32x384xf32, #tpu.memory_space<hbm>>
    %dma_start3A_105 = arith.constant 0 : i32
    %dma_start3A_106 = tpu.memref_slice %arg6[%select_n3A_92, %dma_start3A_105] : memref<8192x512xf32, #tpu.memory_space<hbm>> -> memref<32x384xf32, #tpu.memory_space<hbm>>
    tpu.enqueue_dma source(%arg16 : memref<32x384xf32, #tpu.memory_space<vmem>>) target(%dma_start3A_106 : memref<32x384xf32, #tpu.memory_space<hbm>>) target_semaphore(%arg20 : memref<!tpu.dma_semaphore, #tpu.memory_space<semaphore_mem>>)
    %add3A_107 = arith.constant 12288 : i32
    %add3A_108 = arith.addi %mul3A_2, %add3A_107 : i32
    %mul3A_109 = arith.constant 4 : i32
    %mul3A_110 = arith.muli %add3A_108, %mul3A_109 : i32
    %dma_start3A_111 = tpu.memref_slice %arg2[%mul3A_110] : memref<4194304xf32, #tpu.memory_space<hbm>> -> memref<16384xf32, #tpu.memory_space<hbm>>
    %dma_start3A_112 = tpu.memref_slice %arg2[%mul3A_110] : memref<4194304xf32, #tpu.memory_space<hbm>> -> memref<16384xf32, #tpu.memory_space<hbm>>
    tpu.enqueue_dma source(%dma_start3A_112 : memref<16384xf32, #tpu.memory_space<hbm>>) target(%arg12 : memref<16384xf32, #tpu.memory_space<vmem>>) target_semaphore(%arg18 : memref<!tpu.dma_semaphore, #tpu.memory_space<semaphore_mem>>)
    %dma_wait3A_113 = tpu.memref_slice %arg3[%mul3A_40] : memref<4194304xf32, #tpu.memory_space<hbm>> -> memref<16384xf32, #tpu.memory_space<hbm>>
    %dma_wait3A_114 = tpu.memref_slice %arg3[%mul3A_40] : memref<4194304xf32, #tpu.memory_space<hbm>> -> memref<16384xf32, #tpu.memory_space<hbm>>
    tpu.wait_dma2 semaphore(%arg19 : memref<!tpu.dma_semaphore, #tpu.memory_space<semaphore_mem>>) src(%arg8 : memref<16384xf32, #tpu.memory_space<vmem>>) dst(%dma_wait3A_114 : memref<16384xf32, #tpu.memory_space<hbm>>)
    %dma_wait3A_115 = arith.constant 0 : i32
    %dma_wait3A_116 = tpu.memref_slice %arg4[%select_n3A, %dma_wait3A_115] : memref<8192x512xi32, #tpu.memory_space<hbm>> -> memref<32x384xi32, #tpu.memory_space<hbm>>
    %dma_wait3A_117 = arith.constant 0 : i32
    %dma_wait3A_118 = tpu.memref_slice %arg4[%select_n3A, %dma_wait3A_117] : memref<8192x512xi32, #tpu.memory_space<hbm>> -> memref<32x384xi32, #tpu.memory_space<hbm>>
    tpu.wait_dma2 semaphore(%arg19 : memref<!tpu.dma_semaphore, #tpu.memory_space<semaphore_mem>>) src(%arg9 : memref<32x384xi32, #tpu.memory_space<vmem>>) dst(%dma_wait3A_118 : memref<32x384xi32, #tpu.memory_space<hbm>>)
    %dma_wait3A_119 = tpu.memref_slice %arg5[%add3A_21] : memref<1048576xi32, #tpu.memory_space<hbm>> -> memref<4096xi32, #tpu.memory_space<hbm>>
    %dma_wait3A_120 = tpu.memref_slice %arg5[%add3A_21] : memref<1048576xi32, #tpu.memory_space<hbm>> -> memref<4096xi32, #tpu.memory_space<hbm>>
    tpu.wait_dma2 semaphore(%arg19 : memref<!tpu.dma_semaphore, #tpu.memory_space<semaphore_mem>>) src(%arg10 : memref<4096xi32, #tpu.memory_space<vmem>>) dst(%dma_wait3A_120 : memref<4096xi32, #tpu.memory_space<hbm>>)
    %dma_wait3A_121 = arith.constant 0 : i32
    %dma_wait3A_122 = tpu.memref_slice %arg6[%select_n3A, %dma_wait3A_121] : memref<8192x512xf32, #tpu.memory_space<hbm>> -> memref<32x384xf32, #tpu.memory_space<hbm>>
    %dma_wait3A_123 = arith.constant 0 : i32
    %dma_wait3A_124 = tpu.memref_slice %arg6[%select_n3A, %dma_wait3A_123] : memref<8192x512xf32, #tpu.memory_space<hbm>> -> memref<32x384xf32, #tpu.memory_space<hbm>>
    tpu.wait_dma2 semaphore(%arg19 : memref<!tpu.dma_semaphore, #tpu.memory_space<semaphore_mem>>) src(%arg11 : memref<32x384xf32, #tpu.memory_space<vmem>>) dst(%dma_wait3A_124 : memref<32x384xf32, #tpu.memory_space<hbm>>)
    %dma_wait3A_125 = tpu.memref_slice %arg2[%mul3A_56] : memref<4194304xf32, #tpu.memory_space<hbm>> -> memref<16384xf32, #tpu.memory_space<hbm>>
    %dma_wait3A_126 = tpu.memref_slice %arg2[%mul3A_56] : memref<4194304xf32, #tpu.memory_space<hbm>> -> memref<16384xf32, #tpu.memory_space<hbm>>
    tpu.wait_dma2 semaphore(%arg17 : memref<!tpu.dma_semaphore, #tpu.memory_space<semaphore_mem>>) src(%dma_wait3A_126 : memref<16384xf32, #tpu.memory_space<hbm>>) dst(%arg7 : memref<16384xf32, #tpu.memory_space<vmem>>)
    %add3A_127 = arith.constant 8192 : i32
    %add3A_128 = arith.addi %rem3A_3, %add3A_127 : i32
    %iota3A_129 = tpu.iota {dimensions = array<i32: 0>} : vector<16xi32>
    %parallel_loop3A_130 = arith.constant 0 : i32
    %parallel_loop3A_131 = arith.constant 256 : i32
    %parallel_loop3A_132 = arith.constant 1 : i32
    scf.for %parallel_loop3A_521 = %parallel_loop3A_130 to %parallel_loop3A_131 step %parallel_loop3A_132  : i32 {
      %parallel_loop3A_522 = arith.constant 3 : i32
      %parallel_loop3A_523 = arith.shrsi %parallel_loop3A_521, %parallel_loop3A_522 : i32
      %parallel_loop3A_524 = arith.constant 7 : i32
      %parallel_loop3A_525 = arith.andi %parallel_loop3A_521, %parallel_loop3A_524 : i32
      %parallel_loop3A_526 = arith.constant 512 : i32
      %parallel_loop3A_527 = arith.muli %parallel_loop3A_523, %parallel_loop3A_526 : i32
      %parallel_loop3A_528 = arith.constant 16 : i32
      %parallel_loop3A_529 = arith.muli %parallel_loop3A_525, %parallel_loop3A_528 : i32
      %parallel_loop3A_530 = arith.addi %parallel_loop3A_527, %parallel_loop3A_529 : i32
      %parallel_loop3A_531 = arith.index_cast %parallel_loop3A_530 : i32 to index
      %parallel_loop3A_532 = tpu.vector_load %arg7[%parallel_loop3A_531] {strides = array<i32>} : memref<16384xf32, #tpu.memory_space<vmem>>, vector<16xf32>,
      %parallel_loop3A_533 = arith.constant 128 : i32
      %parallel_loop3A_534 = arith.addi %parallel_loop3A_530, %parallel_loop3A_533 : i32
      %parallel_loop3A_535 = arith.index_cast %parallel_loop3A_534 : i32 to index
      %parallel_loop3A_536 = tpu.vector_load %arg7[%parallel_loop3A_535] {strides = array<i32>} : memref<16384xf32, #tpu.memory_space<vmem>>, vector<16xf32>,
      %parallel_loop3A_537 = arith.constant 256 : i32
      %parallel_loop3A_538 = arith.addi %parallel_loop3A_530, %parallel_loop3A_537 : i32
      %parallel_loop3A_539 = arith.index_cast %parallel_loop3A_538 : i32 to index
      %parallel_loop3A_540 = tpu.vector_load %arg7[%parallel_loop3A_539] {strides = array<i32>} : memref<16384xf32, #tpu.memory_space<vmem>>, vector<16xf32>,
      %parallel_loop3A_541 = arith.constant 384 : i32
      %parallel_loop3A_542 = arith.addi %parallel_loop3A_530, %parallel_loop3A_541 : i32
      %parallel_loop3A_543 = arith.index_cast %parallel_loop3A_542 : i32 to index
      %parallel_loop3A_544 = tpu.vector_load %arg7[%parallel_loop3A_543] {strides = array<i32>} : memref<16384xf32, #tpu.memory_space<vmem>>, vector<16xf32>,
      %parallel_loop3A_545 = arith.cmpf one, %parallel_loop3A_532, %parallel_loop3A_532 : vector<16xf32>
      %parallel_loop3A_546 = arith.cmpf one, %parallel_loop3A_536, %parallel_loop3A_536 : vector<16xf32>
      %parallel_loop3A_547 = arith.ori %parallel_loop3A_545, %parallel_loop3A_546 : vector<16xi1>
      %parallel_loop3A_548 = arith.cmpf one, %parallel_loop3A_540, %parallel_loop3A_540 : vector<16xf32>
      %parallel_loop3A_549 = arith.ori %parallel_loop3A_547, %parallel_loop3A_548 : vector<16xi1>
      %parallel_loop3A_550 = arith.cmpf one, %parallel_loop3A_544, %parallel_loop3A_544 : vector<16xf32>
      %parallel_loop3A_551 = arith.ori %parallel_loop3A_549, %parallel_loop3A_550 : vector<16xi1>
      %parallel_loop3A_552 = arith.constant 0.000000e+00 : f32
      %parallel_loop3A_553 = vector.broadcast %parallel_loop3A_552 : f32 to vector<16xf32>
      %parallel_loop3A_554 = arith.select %parallel_loop3A_551, %parallel_loop3A_553, %parallel_loop3A_532 : vector<16xi1>, vector<16xf32>
      %parallel_loop3A_555 = arith.constant 0.000000e+00 : f32
      %parallel_loop3A_556 = vector.broadcast %parallel_loop3A_555 : f32 to vector<16xf32>
      %parallel_loop3A_557 = arith.select %parallel_loop3A_551, %parallel_loop3A_556, %parallel_loop3A_536 : vector<16xi1>, vector<16xf32>
      %parallel_loop3A_558 = arith.constant 0.000000e+00 : f32
      %parallel_loop3A_559 = vector.broadcast %parallel_loop3A_558 : f32 to vector<16xf32>
      %parallel_loop3A_560 = arith.select %parallel_loop3A_551, %parallel_loop3A_559, %parallel_loop3A_540 : vector<16xi1>, vector<16xf32>
      %parallel_loop3A_561 = arith.constant 0.000000e+00 : f32
      %parallel_loop3A_562 = vector.broadcast %parallel_loop3A_561 : f32 to vector<16xf32>
      %parallel_loop3A_563 = arith.select %parallel_loop3A_551, %parallel_loop3A_562, %parallel_loop3A_544 : vector<16xi1>, vector<16xf32>
      %parallel_loop3A_564 = arith.constant -5.120000e+01 : f32
      %parallel_loop3A_565 = vector.broadcast %parallel_loop3A_564 : f32 to vector<16xf32>
      %parallel_loop3A_566 = arith.subf %parallel_loop3A_554, %parallel_loop3A_565 : vector<16xf32>
      %parallel_loop3A_567 = arith.constant 1.000000e+01 : f32
      %parallel_loop3A_568 = vector.broadcast %parallel_loop3A_567 : f32 to vector<16xf32>
      %parallel_loop3A_569 = arith.mulf %parallel_loop3A_566, %parallel_loop3A_568 : vector<16xf32>
      %parallel_loop3A_570 = arith.constant -5.120000e+01 : f32
      %parallel_loop3A_571 = vector.broadcast %parallel_loop3A_570 : f32 to vector<16xf32>
      %parallel_loop3A_572 = arith.subf %parallel_loop3A_557, %parallel_loop3A_571 : vector<16xf32>
      %parallel_loop3A_573 = arith.constant 1.000000e+01 : f32
      %parallel_loop3A_574 = vector.broadcast %parallel_loop3A_573 : f32 to vector<16xf32>
      %parallel_loop3A_575 = arith.mulf %parallel_loop3A_572, %parallel_loop3A_574 : vector<16xf32>
      %parallel_loop3A_576 = arith.constant -5.000000e+00 : f32
      %parallel_loop3A_577 = vector.broadcast %parallel_loop3A_576 : f32 to vector<16xf32>
      %parallel_loop3A_578 = arith.subf %parallel_loop3A_560, %parallel_loop3A_577 : vector<16xf32>
      %parallel_loop3A_579 = arith.constant 5.000000e+00 : f32
      %parallel_loop3A_580 = vector.broadcast %parallel_loop3A_579 : f32 to vector<16xf32>
      %parallel_loop3A_581 = arith.mulf %parallel_loop3A_578, %parallel_loop3A_580 : vector<16xf32>
      %parallel_loop3A_582 = arith.fptosi %parallel_loop3A_569 : vector<16xf32> to vector<16xi32>
      %parallel_loop3A_583 = arith.fptosi %parallel_loop3A_575 : vector<16xf32> to vector<16xi32>
      %parallel_loop3A_584 = arith.fptosi %parallel_loop3A_581 : vector<16xf32> to vector<16xi32>
      %parallel_loop3A_585 = arith.sitofp %parallel_loop3A_582 : vector<16xi32> to vector<16xf32>
      %parallel_loop3A_586 = arith.cmpf ogt, %parallel_loop3A_585, %parallel_loop3A_569 : vector<16xf32>
      %parallel_loop3A_587 = arith.constant 1 : i32
      %parallel_loop3A_588 = vector.broadcast %parallel_loop3A_587 : i32 to vector<16xi32>
      %parallel_loop3A_589 = arith.subi %parallel_loop3A_582, %parallel_loop3A_588 : vector<16xi32>
      %parallel_loop3A_590 = arith.select %parallel_loop3A_586, %parallel_loop3A_589, %parallel_loop3A_582 : vector<16xi1>, vector<16xi32>
      %parallel_loop3A_591 = arith.sitofp %parallel_loop3A_583 : vector<16xi32> to vector<16xf32>
      %parallel_loop3A_592 = arith.cmpf ogt, %parallel_loop3A_591, %parallel_loop3A_575 : vector<16xf32>
      %parallel_loop3A_593 = arith.constant 1 : i32
      %parallel_loop3A_594 = vector.broadcast %parallel_loop3A_593 : i32 to vector<16xi32>
      %parallel_loop3A_595 = arith.subi %parallel_loop3A_583, %parallel_loop3A_594 : vector<16xi32>
      %parallel_loop3A_596 = arith.select %parallel_loop3A_592, %parallel_loop3A_595, %parallel_loop3A_583 : vector<16xi1>, vector<16xi32>
      %parallel_loop3A_597 = arith.sitofp %parallel_loop3A_584 : vector<16xi32> to vector<16xf32>
      %parallel_loop3A_598 = arith.cmpf ogt, %parallel_loop3A_597, %parallel_loop3A_581 : vector<16xf32>
      %parallel_loop3A_599 = arith.constant 1 : i32
      %parallel_loop3A_600 = vector.broadcast %parallel_loop3A_599 : i32 to vector<16xi32>
      %parallel_loop3A_601 = arith.subi %parallel_loop3A_584, %parallel_loop3A_600 : vector<16xi32>
      %parallel_loop3A_602 = arith.select %parallel_loop3A_598, %parallel_loop3A_601, %parallel_loop3A_584 : vector<16xi1>, vector<16xi32>
      %parallel_loop3A_603 = arith.constant 0 : i32
      %parallel_loop3A_604 = vector.broadcast %parallel_loop3A_603 : i32 to vector<16xi32>
      %parallel_loop3A_605 = arith.cmpi sge, %parallel_loop3A_590, %parallel_loop3A_604 : vector<16xi32>
      %parallel_loop3A_606 = arith.constant 1024 : i32
      %parallel_loop3A_607 = vector.broadcast %parallel_loop3A_606 : i32 to vector<16xi32>
      %parallel_loop3A_608 = arith.cmpi slt, %parallel_loop3A_590, %parallel_loop3A_607 : vector<16xi32>
      %parallel_loop3A_609 = arith.andi %parallel_loop3A_605, %parallel_loop3A_608 : vector<16xi1>
      %parallel_loop3A_610 = arith.constant 0 : i32
      %parallel_loop3A_611 = vector.broadcast %parallel_loop3A_610 : i32 to vector<16xi32>
      %parallel_loop3A_612 = arith.cmpi sge, %parallel_loop3A_596, %parallel_loop3A_611 : vector<16xi32>
      %parallel_loop3A_613 = arith.andi %parallel_loop3A_609, %parallel_loop3A_612 : vector<16xi1>
      %parallel_loop3A_614 = arith.constant 1024 : i32
      %parallel_loop3A_615 = vector.broadcast %parallel_loop3A_614 : i32 to vector<16xi32>
      %parallel_loop3A_616 = arith.cmpi slt, %parallel_loop3A_596, %parallel_loop3A_615 : vector<16xi32>
      %parallel_loop3A_617 = arith.andi %parallel_loop3A_613, %parallel_loop3A_616 : vector<16xi1>
      %parallel_loop3A_618 = arith.constant 0 : i32
      %parallel_loop3A_619 = vector.broadcast %parallel_loop3A_618 : i32 to vector<16xi32>
      %parallel_loop3A_620 = arith.cmpi sge, %parallel_loop3A_602, %parallel_loop3A_619 : vector<16xi32>
      %parallel_loop3A_621 = arith.andi %parallel_loop3A_617, %parallel_loop3A_620 : vector<16xi1>
      %parallel_loop3A_622 = arith.constant 40 : i32
      %parallel_loop3A_623 = vector.broadcast %parallel_loop3A_622 : i32 to vector<16xi32>
      %parallel_loop3A_624 = arith.cmpi slt, %parallel_loop3A_602, %parallel_loop3A_623 : vector<16xi32>
      %parallel_loop3A_625 = arith.andi %parallel_loop3A_621, %parallel_loop3A_624 : vector<16xi1>
      %parallel_loop3A_626 = arith.constant 0.000000e+00 : f32
      %parallel_loop3A_627 = vector.broadcast %parallel_loop3A_626 : f32 to vector<16xf32>
      %parallel_loop3A_628 = arith.constant 0 : i32
      %parallel_loop3A_629 = vector.broadcast %parallel_loop3A_628 : i32 to vector<16xi32>
      %parallel_loop3A_630 = arith.select %parallel_loop3A_625, %parallel_loop3A_554, %parallel_loop3A_627 : vector<16xi1>, vector<16xf32>
      %parallel_loop3A_631 = arith.select %parallel_loop3A_625, %parallel_loop3A_557, %parallel_loop3A_627 : vector<16xi1>, vector<16xf32>
      %parallel_loop3A_632 = arith.select %parallel_loop3A_625, %parallel_loop3A_560, %parallel_loop3A_627 : vector<16xi1>, vector<16xf32>
      %parallel_loop3A_633 = arith.select %parallel_loop3A_625, %parallel_loop3A_563, %parallel_loop3A_627 : vector<16xi1>, vector<16xf32>
      %parallel_loop3A_634 = arith.select %parallel_loop3A_625, %parallel_loop3A_590, %parallel_loop3A_629 : vector<16xi1>, vector<16xi32>
      %parallel_loop3A_635 = arith.select %parallel_loop3A_625, %parallel_loop3A_596, %parallel_loop3A_629 : vector<16xi1>, vector<16xi32>
      %parallel_loop3A_636 = arith.select %parallel_loop3A_625, %parallel_loop3A_602, %parallel_loop3A_629 : vector<16xi1>, vector<16xi32>
      %parallel_loop3A_637 = arith.constant dense<true> : vector<16xi1>
      %parallel_loop3A_638 = arith.xori %parallel_loop3A_551, %parallel_loop3A_637 : vector<16xi1>
      %parallel_loop3A_639 = arith.andi %parallel_loop3A_625, %parallel_loop3A_638 : vector<16xi1>
      %parallel_loop3A_640 = arith.constant 16 : i32
      %parallel_loop3A_641 = arith.muli %parallel_loop3A_521, %parallel_loop3A_640 : i32
      %parallel_loop3A_642 = arith.addi %add3A_128, %parallel_loop3A_641 : i32
      %parallel_loop3A_643 = vector.broadcast %parallel_loop3A_642 : i32 to vector<16xi32>
      %parallel_loop3A_644 = arith.addi %iota3A_129, %parallel_loop3A_643 : vector<16xi32>
      %parallel_loop3A_645 = arith.select %parallel_loop3A_639, %parallel_loop3A_644, %parallel_loop3A_629 : vector<16xi1>, vector<16xi32>
      %parallel_loop3A_646 = arith.sitofp %parallel_loop3A_634 : vector<16xi32> to vector<16xf32>
      %parallel_loop3A_647 = arith.constant 1.000000e-01 : f32
      %parallel_loop3A_648 = vector.broadcast %parallel_loop3A_647 : f32 to vector<16xf32>
      %parallel_loop3A_649 = arith.mulf %parallel_loop3A_646, %parallel_loop3A_648 : vector<16xf32>
      %parallel_loop3A_650 = arith.constant -5.120000e+01 : f32
      %parallel_loop3A_651 = vector.broadcast %parallel_loop3A_650 : f32 to vector<16xf32>
      %parallel_loop3A_652 = arith.addf %parallel_loop3A_649, %parallel_loop3A_651 : vector<16xf32>
      %parallel_loop3A_653 = arith.constant 5.000000e-02 : f32
      %parallel_loop3A_654 = vector.broadcast %parallel_loop3A_653 : f32 to vector<16xf32>
      %parallel_loop3A_655 = arith.addf %parallel_loop3A_652, %parallel_loop3A_654 : vector<16xf32>
      %parallel_loop3A_656 = arith.sitofp %parallel_loop3A_635 : vector<16xi32> to vector<16xf32>
      %parallel_loop3A_657 = arith.constant 1.000000e-01 : f32
      %parallel_loop3A_658 = vector.broadcast %parallel_loop3A_657 : f32 to vector<16xf32>
      %parallel_loop3A_659 = arith.mulf %parallel_loop3A_656, %parallel_loop3A_658 : vector<16xf32>
      %parallel_loop3A_660 = arith.constant -5.120000e+01 : f32
      %parallel_loop3A_661 = vector.broadcast %parallel_loop3A_660 : f32 to vector<16xf32>
      %parallel_loop3A_662 = arith.addf %parallel_loop3A_659, %parallel_loop3A_661 : vector<16xf32>
      %parallel_loop3A_663 = arith.constant 5.000000e-02 : f32
      %parallel_loop3A_664 = vector.broadcast %parallel_loop3A_663 : f32 to vector<16xf32>
      %parallel_loop3A_665 = arith.addf %parallel_loop3A_662, %parallel_loop3A_664 : vector<16xf32>
      %parallel_loop3A_666 = arith.sitofp %parallel_loop3A_636 : vector<16xi32> to vector<16xf32>
      %parallel_loop3A_667 = arith.constant 2.000000e-01 : f32
      %parallel_loop3A_668 = vector.broadcast %parallel_loop3A_667 : f32 to vector<16xf32>
      %parallel_loop3A_669 = arith.mulf %parallel_loop3A_666, %parallel_loop3A_668 : vector<16xf32>
      %parallel_loop3A_670 = arith.constant -5.000000e+00 : f32
      %parallel_loop3A_671 = vector.broadcast %parallel_loop3A_670 : f32 to vector<16xf32>
      %parallel_loop3A_672 = arith.addf %parallel_loop3A_669, %parallel_loop3A_671 : vector<16xf32>
      %parallel_loop3A_673 = arith.constant 1.000000e-01 : f32
      %parallel_loop3A_674 = vector.broadcast %parallel_loop3A_673 : f32 to vector<16xf32>
      %parallel_loop3A_675 = arith.addf %parallel_loop3A_672, %parallel_loop3A_674 : vector<16xf32>
      %parallel_loop3A_676 = arith.index_cast %parallel_loop3A_530 : i32 to index
      %parallel_loop3A_677 = tpu.vector_load %arg8[%parallel_loop3A_676] {strides = array<i32>} : memref<16384xf32, #tpu.memory_space<vmem>>, vector<16xf32>,
      tpu.vector_store %arg8[%parallel_loop3A_676], %parallel_loop3A_630 {strides = array<i32>} : memref<16384xf32, #tpu.memory_space<vmem>>, vector<16xf32>,
      %parallel_loop3A_678 = arith.constant 128 : i32
      %parallel_loop3A_679 = arith.addi %parallel_loop3A_530, %parallel_loop3A_678 : i32
      %parallel_loop3A_680 = arith.index_cast %parallel_loop3A_679 : i32 to index
      %parallel_loop3A_681 = tpu.vector_load %arg8[%parallel_loop3A_680] {strides = array<i32>} : memref<16384xf32, #tpu.memory_space<vmem>>, vector<16xf32>,
      tpu.vector_store %arg8[%parallel_loop3A_680], %parallel_loop3A_631 {strides = array<i32>} : memref<16384xf32, #tpu.memory_space<vmem>>, vector<16xf32>,
      %parallel_loop3A_682 = arith.constant 256 : i32
      %parallel_loop3A_683 = arith.addi %parallel_loop3A_530, %parallel_loop3A_682 : i32
      %parallel_loop3A_684 = arith.index_cast %parallel_loop3A_683 : i32 to index
      %parallel_loop3A_685 = tpu.vector_load %arg8[%parallel_loop3A_684] {strides = array<i32>} : memref<16384xf32, #tpu.memory_space<vmem>>, vector<16xf32>,
      tpu.vector_store %arg8[%parallel_loop3A_684], %parallel_loop3A_632 {strides = array<i32>} : memref<16384xf32, #tpu.memory_space<vmem>>, vector<16xf32>,
      %parallel_loop3A_686 = arith.constant 384 : i32
      %parallel_loop3A_687 = arith.addi %parallel_loop3A_530, %parallel_loop3A_686 : i32
      %parallel_loop3A_688 = arith.index_cast %parallel_loop3A_687 : i32 to index
      %parallel_loop3A_689 = tpu.vector_load %arg8[%parallel_loop3A_688] {strides = array<i32>} : memref<16384xf32, #tpu.memory_space<vmem>>, vector<16xf32>,
      tpu.vector_store %arg8[%parallel_loop3A_688], %parallel_loop3A_633 {strides = array<i32>} : memref<16384xf32, #tpu.memory_space<vmem>>, vector<16xf32>,
      %parallel_loop3A_690 = arith.constant 16 : i32
      %parallel_loop3A_691 = arith.muli %parallel_loop3A_525, %parallel_loop3A_690 : i32
      %parallel_loop3A_692 = arith.index_cast %parallel_loop3A_523 : i32 to index
      %parallel_loop3A_693 = arith.index_cast %parallel_loop3A_691 : i32 to index
      %parallel_loop3A_694 = tpu.vector_load %arg9[%parallel_loop3A_692, %parallel_loop3A_693] {strides = array<i32>} : memref<32x384xi32, #tpu.memory_space<vmem>>, vector<16xi32>,
      tpu.vector_store %arg9[%parallel_loop3A_692, %parallel_loop3A_693], %parallel_loop3A_636 {strides = array<i32>} : memref<32x384xi32, #tpu.memory_space<vmem>>, vector<16xi32>,
      %parallel_loop3A_695 = arith.constant 128 : i32
      %parallel_loop3A_696 = arith.addi %parallel_loop3A_691, %parallel_loop3A_695 : i32
      %parallel_loop3A_697 = arith.index_cast %parallel_loop3A_523 : i32 to index
      %parallel_loop3A_698 = arith.index_cast %parallel_loop3A_696 : i32 to index
      %parallel_loop3A_699 = tpu.vector_load %arg9[%parallel_loop3A_697, %parallel_loop3A_698] {strides = array<i32>} : memref<32x384xi32, #tpu.memory_space<vmem>>, vector<16xi32>,
      tpu.vector_store %arg9[%parallel_loop3A_697, %parallel_loop3A_698], %parallel_loop3A_635 {strides = array<i32>} : memref<32x384xi32, #tpu.memory_space<vmem>>, vector<16xi32>,
      %parallel_loop3A_700 = arith.constant 256 : i32
      %parallel_loop3A_701 = arith.addi %parallel_loop3A_691, %parallel_loop3A_700 : i32
      %parallel_loop3A_702 = arith.index_cast %parallel_loop3A_523 : i32 to index
      %parallel_loop3A_703 = arith.index_cast %parallel_loop3A_701 : i32 to index
      %parallel_loop3A_704 = tpu.vector_load %arg9[%parallel_loop3A_702, %parallel_loop3A_703] {strides = array<i32>} : memref<32x384xi32, #tpu.memory_space<vmem>>, vector<16xi32>,
      tpu.vector_store %arg9[%parallel_loop3A_702, %parallel_loop3A_703], %parallel_loop3A_634 {strides = array<i32>} : memref<32x384xi32, #tpu.memory_space<vmem>>, vector<16xi32>,
      %parallel_loop3A_705 = arith.subf %parallel_loop3A_630, %parallel_loop3A_655 : vector<16xf32>
      %parallel_loop3A_706 = arith.index_cast %parallel_loop3A_523 : i32 to index
      %parallel_loop3A_707 = arith.index_cast %parallel_loop3A_691 : i32 to index
      %parallel_loop3A_708 = tpu.vector_load %arg11[%parallel_loop3A_706, %parallel_loop3A_707] {strides = array<i32>} : memref<32x384xf32, #tpu.memory_space<vmem>>, vector<16xf32>,
      tpu.vector_store %arg11[%parallel_loop3A_706, %parallel_loop3A_707], %parallel_loop3A_705 {strides = array<i32>} : memref<32x384xf32, #tpu.memory_space<vmem>>, vector<16xf32>,
      %parallel_loop3A_709 = arith.subf %parallel_loop3A_631, %parallel_loop3A_665 : vector<16xf32>
      %parallel_loop3A_710 = arith.constant 128 : i32
      %parallel_loop3A_711 = arith.addi %parallel_loop3A_691, %parallel_loop3A_710 : i32
      %parallel_loop3A_712 = arith.index_cast %parallel_loop3A_523 : i32 to index
      %parallel_loop3A_713 = arith.index_cast %parallel_loop3A_711 : i32 to index
      %parallel_loop3A_714 = tpu.vector_load %arg11[%parallel_loop3A_712, %parallel_loop3A_713] {strides = array<i32>} : memref<32x384xf32, #tpu.memory_space<vmem>>, vector<16xf32>,
      tpu.vector_store %arg11[%parallel_loop3A_712, %parallel_loop3A_713], %parallel_loop3A_709 {strides = array<i32>} : memref<32x384xf32, #tpu.memory_space<vmem>>, vector<16xf32>,
      %parallel_loop3A_715 = arith.subf %parallel_loop3A_632, %parallel_loop3A_675 : vector<16xf32>
      %parallel_loop3A_716 = arith.constant 256 : i32
      %parallel_loop3A_717 = arith.addi %parallel_loop3A_691, %parallel_loop3A_716 : i32
      %parallel_loop3A_718 = arith.index_cast %parallel_loop3A_523 : i32 to index
      %parallel_loop3A_719 = arith.index_cast %parallel_loop3A_717 : i32 to index
      %parallel_loop3A_720 = tpu.vector_load %arg11[%parallel_loop3A_718, %parallel_loop3A_719] {strides = array<i32>} : memref<32x384xf32, #tpu.memory_space<vmem>>, vector<16xf32>,
      tpu.vector_store %arg11[%parallel_loop3A_718, %parallel_loop3A_719], %parallel_loop3A_715 {strides = array<i32>} : memref<32x384xf32, #tpu.memory_space<vmem>>, vector<16xf32>,
      %parallel_loop3A_721 = arith.constant 16 : i32
      %parallel_loop3A_722 = arith.muli %parallel_loop3A_521, %parallel_loop3A_721 : i32
      %parallel_loop3A_723 = arith.index_cast %parallel_loop3A_722 : i32 to index
      %parallel_loop3A_724 = tpu.vector_load %arg10[%parallel_loop3A_723] {strides = array<i32>} : memref<4096xi32, #tpu.memory_space<vmem>>, vector<16xi32>,
      tpu.vector_store %arg10[%parallel_loop3A_723], %parallel_loop3A_645 {strides = array<i32>} : memref<4096xi32, #tpu.memory_space<vmem>>, vector<16xi32>,
    } {sc.loop_unroll_factor = 2 : i64, sc.parallel_access}
    %add3A_133 = arith.constant 8192 : i32
    %add3A_134 = arith.addi %mul3A_2, %add3A_133 : i32
    %jit3A_135 = arith.constant 128 : i32
    %div3A_136 = arith.divsi %add3A_134, %jit3A_135 : i32
    %sign3A_137 = arith.constant 0 : i32
    %sign3A_138 = arith.cmpi sgt, %add3A_134, %sign3A_137 : i32
    %sign3A_139 = arith.extui %sign3A_138 : i1 to i32
    %sign3A_140 = arith.constant 0 : i32
    %sign3A_141 = arith.cmpi slt, %add3A_134, %sign3A_140 : i32
    %sign3A_142 = arith.extui %sign3A_141 : i1 to i32
    %sign3A_143 = arith.subi %sign3A_139, %sign3A_142 : i32
    %sign3A_144 = arith.constant 0 : i32
    %sign3A_145 = arith.cmpi sgt, %jit3A_135, %sign3A_144 : i32
    %sign3A_146 = arith.extui %sign3A_145 : i1 to i32
    %sign3A_147 = arith.constant 0 : i32
    %sign3A_148 = arith.cmpi slt, %jit3A_135, %sign3A_147 : i32
    %sign3A_149 = arith.extui %sign3A_148 : i1 to i32
    %sign3A_150 = arith.subi %sign3A_146, %sign3A_149 : i32
    %ne3A_151 = arith.cmpi ne, %sign3A_143, %sign3A_150 : i32
    %rem3A_152 = arith.remsi %add3A_134, %jit3A_135 : i32
    %ne3A_153 = arith.constant 0 : i32
    %ne3A_154 = arith.cmpi ne, %rem3A_152, %ne3A_153 : i32
    %and3A_155 = arith.andi %ne3A_151, %ne3A_154 : i1
    %sub3A_156 = arith.constant 1 : i32
    %sub3A_157 = arith.subi %div3A_136, %sub3A_156 : i32
    %select_n3A_158 = arith.select %and3A_155, %sub3A_157, %div3A_136 : i32
    %mul3A_159 = arith.constant 4 : i32
    %mul3A_160 = arith.muli %add3A_134, %mul3A_159 : i32
    %dma_start3A_161 = tpu.memref_slice %arg3[%mul3A_160] : memref<4194304xf32, #tpu.memory_space<hbm>> -> memref<16384xf32, #tpu.memory_space<hbm>>
    %dma_start3A_162 = tpu.memref_slice %arg3[%mul3A_160] : memref<4194304xf32, #tpu.memory_space<hbm>> -> memref<16384xf32, #tpu.memory_space<hbm>>
    tpu.enqueue_dma source(%arg8 : memref<16384xf32, #tpu.memory_space<vmem>>) target(%dma_start3A_162 : memref<16384xf32, #tpu.memory_space<hbm>>) target_semaphore(%arg19 : memref<!tpu.dma_semaphore, #tpu.memory_space<semaphore_mem>>)
    %dma_start3A_163 = arith.constant 0 : i32
    %dma_start3A_164 = tpu.memref_slice %arg4[%select_n3A_158, %dma_start3A_163] : memref<8192x512xi32, #tpu.memory_space<hbm>> -> memref<32x384xi32, #tpu.memory_space<hbm>>
    %dma_start3A_165 = arith.constant 0 : i32
    %dma_start3A_166 = tpu.memref_slice %arg4[%select_n3A_158, %dma_start3A_165] : memref<8192x512xi32, #tpu.memory_space<hbm>> -> memref<32x384xi32, #tpu.memory_space<hbm>>
    tpu.enqueue_dma source(%arg9 : memref<32x384xi32, #tpu.memory_space<vmem>>) target(%dma_start3A_166 : memref<32x384xi32, #tpu.memory_space<hbm>>) target_semaphore(%arg19 : memref<!tpu.dma_semaphore, #tpu.memory_space<semaphore_mem>>)
    %dma_start3A_167 = tpu.memref_slice %arg5[%add3A_134] : memref<1048576xi32, #tpu.memory_space<hbm>> -> memref<4096xi32, #tpu.memory_space<hbm>>
    %dma_start3A_168 = tpu.memref_slice %arg5[%add3A_134] : memref<1048576xi32, #tpu.memory_space<hbm>> -> memref<4096xi32, #tpu.memory_space<hbm>>
    tpu.enqueue_dma source(%arg10 : memref<4096xi32, #tpu.memory_space<vmem>>) target(%dma_start3A_168 : memref<4096xi32, #tpu.memory_space<hbm>>) target_semaphore(%arg19 : memref<!tpu.dma_semaphore, #tpu.memory_space<semaphore_mem>>)
    %dma_start3A_169 = arith.constant 0 : i32
    %dma_start3A_170 = tpu.memref_slice %arg6[%select_n3A_158, %dma_start3A_169] : memref<8192x512xf32, #tpu.memory_space<hbm>> -> memref<32x384xf32, #tpu.memory_space<hbm>>
    %dma_start3A_171 = arith.constant 0 : i32
    %dma_start3A_172 = tpu.memref_slice %arg6[%select_n3A_158, %dma_start3A_171] : memref<8192x512xf32, #tpu.memory_space<hbm>> -> memref<32x384xf32, #tpu.memory_space<hbm>>
    tpu.enqueue_dma source(%arg11 : memref<32x384xf32, #tpu.memory_space<vmem>>) target(%dma_start3A_172 : memref<32x384xf32, #tpu.memory_space<hbm>>) target_semaphore(%arg19 : memref<!tpu.dma_semaphore, #tpu.memory_space<semaphore_mem>>)
    %add3A_173 = arith.constant 16384 : i32
    %add3A_174 = arith.addi %mul3A_2, %add3A_173 : i32
    %mul3A_175 = arith.constant 4 : i32
    %mul3A_176 = arith.muli %add3A_174, %mul3A_175 : i32
    %dma_start3A_177 = tpu.memref_slice %arg2[%mul3A_176] : memref<4194304xf32, #tpu.memory_space<hbm>> -> memref<16384xf32, #tpu.memory_space<hbm>>
    %dma_start3A_178 = tpu.memref_slice %arg2[%mul3A_176] : memref<4194304xf32, #tpu.memory_space<hbm>> -> memref<16384xf32, #tpu.memory_space<hbm>>
    tpu.enqueue_dma source(%dma_start3A_178 : memref<16384xf32, #tpu.memory_space<hbm>>) target(%arg7 : memref<16384xf32, #tpu.memory_space<vmem>>) target_semaphore(%arg17 : memref<!tpu.dma_semaphore, #tpu.memory_space<semaphore_mem>>)
    %dma_wait3A_179 = tpu.memref_slice %arg3[%mul3A_94] : memref<4194304xf32, #tpu.memory_space<hbm>> -> memref<16384xf32, #tpu.memory_space<hbm>>
    %dma_wait3A_180 = tpu.memref_slice %arg3[%mul3A_94] : memref<4194304xf32, #tpu.memory_space<hbm>> -> memref<16384xf32, #tpu.memory_space<hbm>>
    tpu.wait_dma2 semaphore(%arg20 : memref<!tpu.dma_semaphore, #tpu.memory_space<semaphore_mem>>) src(%arg13 : memref<16384xf32, #tpu.memory_space<vmem>>) dst(%dma_wait3A_180 : memref<16384xf32, #tpu.memory_space<hbm>>)
    %dma_wait3A_181 = arith.constant 0 : i32
    %dma_wait3A_182 = tpu.memref_slice %arg4[%select_n3A_92, %dma_wait3A_181] : memref<8192x512xi32, #tpu.memory_space<hbm>> -> memref<32x384xi32, #tpu.memory_space<hbm>>
    %dma_wait3A_183 = arith.constant 0 : i32
    %dma_wait3A_184 = tpu.memref_slice %arg4[%select_n3A_92, %dma_wait3A_183] : memref<8192x512xi32, #tpu.memory_space<hbm>> -> memref<32x384xi32, #tpu.memory_space<hbm>>
    tpu.wait_dma2 semaphore(%arg20 : memref<!tpu.dma_semaphore, #tpu.memory_space<semaphore_mem>>) src(%arg14 : memref<32x384xi32, #tpu.memory_space<vmem>>) dst(%dma_wait3A_184 : memref<32x384xi32, #tpu.memory_space<hbm>>)
    %dma_wait3A_185 = tpu.memref_slice %arg5[%add3A_68] : memref<1048576xi32, #tpu.memory_space<hbm>> -> memref<4096xi32, #tpu.memory_space<hbm>>
    %dma_wait3A_186 = tpu.memref_slice %arg5[%add3A_68] : memref<1048576xi32, #tpu.memory_space<hbm>> -> memref<4096xi32, #tpu.memory_space<hbm>>
    tpu.wait_dma2 semaphore(%arg20 : memref<!tpu.dma_semaphore, #tpu.memory_space<semaphore_mem>>) src(%arg15 : memref<4096xi32, #tpu.memory_space<vmem>>) dst(%dma_wait3A_186 : memref<4096xi32, #tpu.memory_space<hbm>>)
    %dma_wait3A_187 = arith.constant 0 : i32
    %dma_wait3A_188 = tpu.memref_slice %arg6[%select_n3A_92, %dma_wait3A_187] : memref<8192x512xf32, #tpu.memory_space<hbm>> -> memref<32x384xf32, #tpu.memory_space<hbm>>
    %dma_wait3A_189 = arith.constant 0 : i32
    %dma_wait3A_190 = tpu.memref_slice %arg6[%select_n3A_92, %dma_wait3A_189] : memref<8192x512xf32, #tpu.memory_space<hbm>> -> memref<32x384xf32, #tpu.memory_space<hbm>>
    tpu.wait_dma2 semaphore(%arg20 : memref<!tpu.dma_semaphore, #tpu.memory_space<semaphore_mem>>) src(%arg16 : memref<32x384xf32, #tpu.memory_space<vmem>>) dst(%dma_wait3A_190 : memref<32x384xf32, #tpu.memory_space<hbm>>)
    %dma_wait3A_191 = tpu.memref_slice %arg2[%mul3A_110] : memref<4194304xf32, #tpu.memory_space<hbm>> -> memref<16384xf32, #tpu.memory_space<hbm>>
    %dma_wait3A_192 = tpu.memref_slice %arg2[%mul3A_110] : memref<4194304xf32, #tpu.memory_space<hbm>> -> memref<16384xf32, #tpu.memory_space<hbm>>
    tpu.wait_dma2 semaphore(%arg18 : memref<!tpu.dma_semaphore, #tpu.memory_space<semaphore_mem>>) src(%dma_wait3A_192 : memref<16384xf32, #tpu.memory_space<hbm>>) dst(%arg12 : memref<16384xf32, #tpu.memory_space<vmem>>)
    %add3A_193 = arith.constant 12288 : i32
    %add3A_194 = arith.addi %rem3A_3, %add3A_193 : i32
    %iota3A_195 = tpu.iota {dimensions = array<i32: 0>} : vector<16xi32>
    %parallel_loop3A_196 = arith.constant 0 : i32
    %parallel_loop3A_197 = arith.constant 256 : i32
    %parallel_loop3A_198 = arith.constant 1 : i32
    scf.for %parallel_loop3A_521 = %parallel_loop3A_196 to %parallel_loop3A_197 step %parallel_loop3A_198  : i32 {
      %parallel_loop3A_522 = arith.constant 3 : i32
      %parallel_loop3A_523 = arith.shrsi %parallel_loop3A_521, %parallel_loop3A_522 : i32
      %parallel_loop3A_524 = arith.constant 7 : i32
      %parallel_loop3A_525 = arith.andi %parallel_loop3A_521, %parallel_loop3A_524 : i32
      %parallel_loop3A_526 = arith.constant 512 : i32
      %parallel_loop3A_527 = arith.muli %parallel_loop3A_523, %parallel_loop3A_526 : i32
      %parallel_loop3A_528 = arith.constant 16 : i32
      %parallel_loop3A_529 = arith.muli %parallel_loop3A_525, %parallel_loop3A_528 : i32
      %parallel_loop3A_530 = arith.addi %parallel_loop3A_527, %parallel_loop3A_529 : i32
      %parallel_loop3A_531 = arith.index_cast %parallel_loop3A_530 : i32 to index
      %parallel_loop3A_532 = tpu.vector_load %arg12[%parallel_loop3A_531] {strides = array<i32>} : memref<16384xf32, #tpu.memory_space<vmem>>, vector<16xf32>,
      %parallel_loop3A_533 = arith.constant 128 : i32
      %parallel_loop3A_534 = arith.addi %parallel_loop3A_530, %parallel_loop3A_533 : i32
      %parallel_loop3A_535 = arith.index_cast %parallel_loop3A_534 : i32 to index
      %parallel_loop3A_536 = tpu.vector_load %arg12[%parallel_loop3A_535] {strides = array<i32>} : memref<16384xf32, #tpu.memory_space<vmem>>, vector<16xf32>,
      %parallel_loop3A_537 = arith.constant 256 : i32
      %parallel_loop3A_538 = arith.addi %parallel_loop3A_530, %parallel_loop3A_537 : i32
      %parallel_loop3A_539 = arith.index_cast %parallel_loop3A_538 : i32 to index
      %parallel_loop3A_540 = tpu.vector_load %arg12[%parallel_loop3A_539] {strides = array<i32>} : memref<16384xf32, #tpu.memory_space<vmem>>, vector<16xf32>,
      %parallel_loop3A_541 = arith.constant 384 : i32
      %parallel_loop3A_542 = arith.addi %parallel_loop3A_530, %parallel_loop3A_541 : i32
      %parallel_loop3A_543 = arith.index_cast %parallel_loop3A_542 : i32 to index
      %parallel_loop3A_544 = tpu.vector_load %arg12[%parallel_loop3A_543] {strides = array<i32>} : memref<16384xf32, #tpu.memory_space<vmem>>, vector<16xf32>,
      %parallel_loop3A_545 = arith.cmpf one, %parallel_loop3A_532, %parallel_loop3A_532 : vector<16xf32>
      %parallel_loop3A_546 = arith.cmpf one, %parallel_loop3A_536, %parallel_loop3A_536 : vector<16xf32>
      %parallel_loop3A_547 = arith.ori %parallel_loop3A_545, %parallel_loop3A_546 : vector<16xi1>
      %parallel_loop3A_548 = arith.cmpf one, %parallel_loop3A_540, %parallel_loop3A_540 : vector<16xf32>
      %parallel_loop3A_549 = arith.ori %parallel_loop3A_547, %parallel_loop3A_548 : vector<16xi1>
      %parallel_loop3A_550 = arith.cmpf one, %parallel_loop3A_544, %parallel_loop3A_544 : vector<16xf32>
      %parallel_loop3A_551 = arith.ori %parallel_loop3A_549, %parallel_loop3A_550 : vector<16xi1>
      %parallel_loop3A_552 = arith.constant 0.000000e+00 : f32
      %parallel_loop3A_553 = vector.broadcast %parallel_loop3A_552 : f32 to vector<16xf32>
      %parallel_loop3A_554 = arith.select %parallel_loop3A_551, %parallel_loop3A_553, %parallel_loop3A_532 : vector<16xi1>, vector<16xf32>
      %parallel_loop3A_555 = arith.constant 0.000000e+00 : f32
      %parallel_loop3A_556 = vector.broadcast %parallel_loop3A_555 : f32 to vector<16xf32>
      %parallel_loop3A_557 = arith.select %parallel_loop3A_551, %parallel_loop3A_556, %parallel_loop3A_536 : vector<16xi1>, vector<16xf32>
      %parallel_loop3A_558 = arith.constant 0.000000e+00 : f32
      %parallel_loop3A_559 = vector.broadcast %parallel_loop3A_558 : f32 to vector<16xf32>
      %parallel_loop3A_560 = arith.select %parallel_loop3A_551, %parallel_loop3A_559, %parallel_loop3A_540 : vector<16xi1>, vector<16xf32>
      %parallel_loop3A_561 = arith.constant 0.000000e+00 : f32
      %parallel_loop3A_562 = vector.broadcast %parallel_loop3A_561 : f32 to vector<16xf32>
      %parallel_loop3A_563 = arith.select %parallel_loop3A_551, %parallel_loop3A_562, %parallel_loop3A_544 : vector<16xi1>, vector<16xf32>
      %parallel_loop3A_564 = arith.constant -5.120000e+01 : f32
      %parallel_loop3A_565 = vector.broadcast %parallel_loop3A_564 : f32 to vector<16xf32>
      %parallel_loop3A_566 = arith.subf %parallel_loop3A_554, %parallel_loop3A_565 : vector<16xf32>
      %parallel_loop3A_567 = arith.constant 1.000000e+01 : f32
      %parallel_loop3A_568 = vector.broadcast %parallel_loop3A_567 : f32 to vector<16xf32>
      %parallel_loop3A_569 = arith.mulf %parallel_loop3A_566, %parallel_loop3A_568 : vector<16xf32>
      %parallel_loop3A_570 = arith.constant -5.120000e+01 : f32
      %parallel_loop3A_571 = vector.broadcast %parallel_loop3A_570 : f32 to vector<16xf32>
      %parallel_loop3A_572 = arith.subf %parallel_loop3A_557, %parallel_loop3A_571 : vector<16xf32>
      %parallel_loop3A_573 = arith.constant 1.000000e+01 : f32
      %parallel_loop3A_574 = vector.broadcast %parallel_loop3A_573 : f32 to vector<16xf32>
      %parallel_loop3A_575 = arith.mulf %parallel_loop3A_572, %parallel_loop3A_574 : vector<16xf32>
      %parallel_loop3A_576 = arith.constant -5.000000e+00 : f32
      %parallel_loop3A_577 = vector.broadcast %parallel_loop3A_576 : f32 to vector<16xf32>
      %parallel_loop3A_578 = arith.subf %parallel_loop3A_560, %parallel_loop3A_577 : vector<16xf32>
      %parallel_loop3A_579 = arith.constant 5.000000e+00 : f32
      %parallel_loop3A_580 = vector.broadcast %parallel_loop3A_579 : f32 to vector<16xf32>
      %parallel_loop3A_581 = arith.mulf %parallel_loop3A_578, %parallel_loop3A_580 : vector<16xf32>
      %parallel_loop3A_582 = arith.fptosi %parallel_loop3A_569 : vector<16xf32> to vector<16xi32>
      %parallel_loop3A_583 = arith.fptosi %parallel_loop3A_575 : vector<16xf32> to vector<16xi32>
      %parallel_loop3A_584 = arith.fptosi %parallel_loop3A_581 : vector<16xf32> to vector<16xi32>
      %parallel_loop3A_585 = arith.sitofp %parallel_loop3A_582 : vector<16xi32> to vector<16xf32>
      %parallel_loop3A_586 = arith.cmpf ogt, %parallel_loop3A_585, %parallel_loop3A_569 : vector<16xf32>
      %parallel_loop3A_587 = arith.constant 1 : i32
      %parallel_loop3A_588 = vector.broadcast %parallel_loop3A_587 : i32 to vector<16xi32>
      %parallel_loop3A_589 = arith.subi %parallel_loop3A_582, %parallel_loop3A_588 : vector<16xi32>
      %parallel_loop3A_590 = arith.select %parallel_loop3A_586, %parallel_loop3A_589, %parallel_loop3A_582 : vector<16xi1>, vector<16xi32>
      %parallel_loop3A_591 = arith.sitofp %parallel_loop3A_583 : vector<16xi32> to vector<16xf32>
      %parallel_loop3A_592 = arith.cmpf ogt, %parallel_loop3A_591, %parallel_loop3A_575 : vector<16xf32>
      %parallel_loop3A_593 = arith.constant 1 : i32
      %parallel_loop3A_594 = vector.broadcast %parallel_loop3A_593 : i32 to vector<16xi32>
      %parallel_loop3A_595 = arith.subi %parallel_loop3A_583, %parallel_loop3A_594 : vector<16xi32>
      %parallel_loop3A_596 = arith.select %parallel_loop3A_592, %parallel_loop3A_595, %parallel_loop3A_583 : vector<16xi1>, vector<16xi32>
      %parallel_loop3A_597 = arith.sitofp %parallel_loop3A_584 : vector<16xi32> to vector<16xf32>
      %parallel_loop3A_598 = arith.cmpf ogt, %parallel_loop3A_597, %parallel_loop3A_581 : vector<16xf32>
      %parallel_loop3A_599 = arith.constant 1 : i32
      %parallel_loop3A_600 = vector.broadcast %parallel_loop3A_599 : i32 to vector<16xi32>
      %parallel_loop3A_601 = arith.subi %parallel_loop3A_584, %parallel_loop3A_600 : vector<16xi32>
      %parallel_loop3A_602 = arith.select %parallel_loop3A_598, %parallel_loop3A_601, %parallel_loop3A_584 : vector<16xi1>, vector<16xi32>
      %parallel_loop3A_603 = arith.constant 0 : i32
      %parallel_loop3A_604 = vector.broadcast %parallel_loop3A_603 : i32 to vector<16xi32>
      %parallel_loop3A_605 = arith.cmpi sge, %parallel_loop3A_590, %parallel_loop3A_604 : vector<16xi32>
      %parallel_loop3A_606 = arith.constant 1024 : i32
      %parallel_loop3A_607 = vector.broadcast %parallel_loop3A_606 : i32 to vector<16xi32>
      %parallel_loop3A_608 = arith.cmpi slt, %parallel_loop3A_590, %parallel_loop3A_607 : vector<16xi32>
      %parallel_loop3A_609 = arith.andi %parallel_loop3A_605, %parallel_loop3A_608 : vector<16xi1>
      %parallel_loop3A_610 = arith.constant 0 : i32
      %parallel_loop3A_611 = vector.broadcast %parallel_loop3A_610 : i32 to vector<16xi32>
      %parallel_loop3A_612 = arith.cmpi sge, %parallel_loop3A_596, %parallel_loop3A_611 : vector<16xi32>
      %parallel_loop3A_613 = arith.andi %parallel_loop3A_609, %parallel_loop3A_612 : vector<16xi1>
      %parallel_loop3A_614 = arith.constant 1024 : i32
      %parallel_loop3A_615 = vector.broadcast %parallel_loop3A_614 : i32 to vector<16xi32>
      %parallel_loop3A_616 = arith.cmpi slt, %parallel_loop3A_596, %parallel_loop3A_615 : vector<16xi32>
      %parallel_loop3A_617 = arith.andi %parallel_loop3A_613, %parallel_loop3A_616 : vector<16xi1>
      %parallel_loop3A_618 = arith.constant 0 : i32
      %parallel_loop3A_619 = vector.broadcast %parallel_loop3A_618 : i32 to vector<16xi32>
      %parallel_loop3A_620 = arith.cmpi sge, %parallel_loop3A_602, %parallel_loop3A_619 : vector<16xi32>
      %parallel_loop3A_621 = arith.andi %parallel_loop3A_617, %parallel_loop3A_620 : vector<16xi1>
      %parallel_loop3A_622 = arith.constant 40 : i32
      %parallel_loop3A_623 = vector.broadcast %parallel_loop3A_622 : i32 to vector<16xi32>
      %parallel_loop3A_624 = arith.cmpi slt, %parallel_loop3A_602, %parallel_loop3A_623 : vector<16xi32>
      %parallel_loop3A_625 = arith.andi %parallel_loop3A_621, %parallel_loop3A_624 : vector<16xi1>
      %parallel_loop3A_626 = arith.constant 0.000000e+00 : f32
      %parallel_loop3A_627 = vector.broadcast %parallel_loop3A_626 : f32 to vector<16xf32>
      %parallel_loop3A_628 = arith.constant 0 : i32
      %parallel_loop3A_629 = vector.broadcast %parallel_loop3A_628 : i32 to vector<16xi32>
      %parallel_loop3A_630 = arith.select %parallel_loop3A_625, %parallel_loop3A_554, %parallel_loop3A_627 : vector<16xi1>, vector<16xf32>
      %parallel_loop3A_631 = arith.select %parallel_loop3A_625, %parallel_loop3A_557, %parallel_loop3A_627 : vector<16xi1>, vector<16xf32>
      %parallel_loop3A_632 = arith.select %parallel_loop3A_625, %parallel_loop3A_560, %parallel_loop3A_627 : vector<16xi1>, vector<16xf32>
      %parallel_loop3A_633 = arith.select %parallel_loop3A_625, %parallel_loop3A_563, %parallel_loop3A_627 : vector<16xi1>, vector<16xf32>
      %parallel_loop3A_634 = arith.select %parallel_loop3A_625, %parallel_loop3A_590, %parallel_loop3A_629 : vector<16xi1>, vector<16xi32>
      %parallel_loop3A_635 = arith.select %parallel_loop3A_625, %parallel_loop3A_596, %parallel_loop3A_629 : vector<16xi1>, vector<16xi32>
      %parallel_loop3A_636 = arith.select %parallel_loop3A_625, %parallel_loop3A_602, %parallel_loop3A_629 : vector<16xi1>, vector<16xi32>
      %parallel_loop3A_637 = arith.constant dense<true> : vector<16xi1>
      %parallel_loop3A_638 = arith.xori %parallel_loop3A_551, %parallel_loop3A_637 : vector<16xi1>
      %parallel_loop3A_639 = arith.andi %parallel_loop3A_625, %parallel_loop3A_638 : vector<16xi1>
      %parallel_loop3A_640 = arith.constant 16 : i32
      %parallel_loop3A_641 = arith.muli %parallel_loop3A_521, %parallel_loop3A_640 : i32
      %parallel_loop3A_642 = arith.addi %add3A_194, %parallel_loop3A_641 : i32
      %parallel_loop3A_643 = vector.broadcast %parallel_loop3A_642 : i32 to vector<16xi32>
      %parallel_loop3A_644 = arith.addi %iota3A_195, %parallel_loop3A_643 : vector<16xi32>
      %parallel_loop3A_645 = arith.select %parallel_loop3A_639, %parallel_loop3A_644, %parallel_loop3A_629 : vector<16xi1>, vector<16xi32>
      %parallel_loop3A_646 = arith.sitofp %parallel_loop3A_634 : vector<16xi32> to vector<16xf32>
      %parallel_loop3A_647 = arith.constant 1.000000e-01 : f32
      %parallel_loop3A_648 = vector.broadcast %parallel_loop3A_647 : f32 to vector<16xf32>
      %parallel_loop3A_649 = arith.mulf %parallel_loop3A_646, %parallel_loop3A_648 : vector<16xf32>
      %parallel_loop3A_650 = arith.constant -5.120000e+01 : f32
      %parallel_loop3A_651 = vector.broadcast %parallel_loop3A_650 : f32 to vector<16xf32>
      %parallel_loop3A_652 = arith.addf %parallel_loop3A_649, %parallel_loop3A_651 : vector<16xf32>
      %parallel_loop3A_653 = arith.constant 5.000000e-02 : f32
      %parallel_loop3A_654 = vector.broadcast %parallel_loop3A_653 : f32 to vector<16xf32>
      %parallel_loop3A_655 = arith.addf %parallel_loop3A_652, %parallel_loop3A_654 : vector<16xf32>
      %parallel_loop3A_656 = arith.sitofp %parallel_loop3A_635 : vector<16xi32> to vector<16xf32>
      %parallel_loop3A_657 = arith.constant 1.000000e-01 : f32
      %parallel_loop3A_658 = vector.broadcast %parallel_loop3A_657 : f32 to vector<16xf32>
      %parallel_loop3A_659 = arith.mulf %parallel_loop3A_656, %parallel_loop3A_658 : vector<16xf32>
      %parallel_loop3A_660 = arith.constant -5.120000e+01 : f32
      %parallel_loop3A_661 = vector.broadcast %parallel_loop3A_660 : f32 to vector<16xf32>
      %parallel_loop3A_662 = arith.addf %parallel_loop3A_659, %parallel_loop3A_661 : vector<16xf32>
      %parallel_loop3A_663 = arith.constant 5.000000e-02 : f32
      %parallel_loop3A_664 = vector.broadcast %parallel_loop3A_663 : f32 to vector<16xf32>
      %parallel_loop3A_665 = arith.addf %parallel_loop3A_662, %parallel_loop3A_664 : vector<16xf32>
      %parallel_loop3A_666 = arith.sitofp %parallel_loop3A_636 : vector<16xi32> to vector<16xf32>
      %parallel_loop3A_667 = arith.constant 2.000000e-01 : f32
      %parallel_loop3A_668 = vector.broadcast %parallel_loop3A_667 : f32 to vector<16xf32>
      %parallel_loop3A_669 = arith.mulf %parallel_loop3A_666, %parallel_loop3A_668 : vector<16xf32>
      %parallel_loop3A_670 = arith.constant -5.000000e+00 : f32
      %parallel_loop3A_671 = vector.broadcast %parallel_loop3A_670 : f32 to vector<16xf32>
      %parallel_loop3A_672 = arith.addf %parallel_loop3A_669, %parallel_loop3A_671 : vector<16xf32>
      %parallel_loop3A_673 = arith.constant 1.000000e-01 : f32
      %parallel_loop3A_674 = vector.broadcast %parallel_loop3A_673 : f32 to vector<16xf32>
      %parallel_loop3A_675 = arith.addf %parallel_loop3A_672, %parallel_loop3A_674 : vector<16xf32>
      %parallel_loop3A_676 = arith.index_cast %parallel_loop3A_530 : i32 to index
      %parallel_loop3A_677 = tpu.vector_load %arg13[%parallel_loop3A_676] {strides = array<i32>} : memref<16384xf32, #tpu.memory_space<vmem>>, vector<16xf32>,
      tpu.vector_store %arg13[%parallel_loop3A_676], %parallel_loop3A_630 {strides = array<i32>} : memref<16384xf32, #tpu.memory_space<vmem>>, vector<16xf32>,
      %parallel_loop3A_678 = arith.constant 128 : i32
      %parallel_loop3A_679 = arith.addi %parallel_loop3A_530, %parallel_loop3A_678 : i32
      %parallel_loop3A_680 = arith.index_cast %parallel_loop3A_679 : i32 to index
      %parallel_loop3A_681 = tpu.vector_load %arg13[%parallel_loop3A_680] {strides = array<i32>} : memref<16384xf32, #tpu.memory_space<vmem>>, vector<16xf32>,
      tpu.vector_store %arg13[%parallel_loop3A_680], %parallel_loop3A_631 {strides = array<i32>} : memref<16384xf32, #tpu.memory_space<vmem>>, vector<16xf32>,
      %parallel_loop3A_682 = arith.constant 256 : i32
      %parallel_loop3A_683 = arith.addi %parallel_loop3A_530, %parallel_loop3A_682 : i32
      %parallel_loop3A_684 = arith.index_cast %parallel_loop3A_683 : i32 to index
      %parallel_loop3A_685 = tpu.vector_load %arg13[%parallel_loop3A_684] {strides = array<i32>} : memref<16384xf32, #tpu.memory_space<vmem>>, vector<16xf32>,
      tpu.vector_store %arg13[%parallel_loop3A_684], %parallel_loop3A_632 {strides = array<i32>} : memref<16384xf32, #tpu.memory_space<vmem>>, vector<16xf32>,
      %parallel_loop3A_686 = arith.constant 384 : i32
      %parallel_loop3A_687 = arith.addi %parallel_loop3A_530, %parallel_loop3A_686 : i32
      %parallel_loop3A_688 = arith.index_cast %parallel_loop3A_687 : i32 to index
      %parallel_loop3A_689 = tpu.vector_load %arg13[%parallel_loop3A_688] {strides = array<i32>} : memref<16384xf32, #tpu.memory_space<vmem>>, vector<16xf32>,
      tpu.vector_store %arg13[%parallel_loop3A_688], %parallel_loop3A_633 {strides = array<i32>} : memref<16384xf32, #tpu.memory_space<vmem>>, vector<16xf32>,
      %parallel_loop3A_690 = arith.constant 16 : i32
      %parallel_loop3A_691 = arith.muli %parallel_loop3A_525, %parallel_loop3A_690 : i32
      %parallel_loop3A_692 = arith.index_cast %parallel_loop3A_523 : i32 to index
      %parallel_loop3A_693 = arith.index_cast %parallel_loop3A_691 : i32 to index
      %parallel_loop3A_694 = tpu.vector_load %arg14[%parallel_loop3A_692, %parallel_loop3A_693] {strides = array<i32>} : memref<32x384xi32, #tpu.memory_space<vmem>>, vector<16xi32>,
      tpu.vector_store %arg14[%parallel_loop3A_692, %parallel_loop3A_693], %parallel_loop3A_636 {strides = array<i32>} : memref<32x384xi32, #tpu.memory_space<vmem>>, vector<16xi32>,
      %parallel_loop3A_695 = arith.constant 128 : i32
      %parallel_loop3A_696 = arith.addi %parallel_loop3A_691, %parallel_loop3A_695 : i32
      %parallel_loop3A_697 = arith.index_cast %parallel_loop3A_523 : i32 to index
      %parallel_loop3A_698 = arith.index_cast %parallel_loop3A_696 : i32 to index
      %parallel_loop3A_699 = tpu.vector_load %arg14[%parallel_loop3A_697, %parallel_loop3A_698] {strides = array<i32>} : memref<32x384xi32, #tpu.memory_space<vmem>>, vector<16xi32>,
      tpu.vector_store %arg14[%parallel_loop3A_697, %parallel_loop3A_698], %parallel_loop3A_635 {strides = array<i32>} : memref<32x384xi32, #tpu.memory_space<vmem>>, vector<16xi32>,
      %parallel_loop3A_700 = arith.constant 256 : i32
      %parallel_loop3A_701 = arith.addi %parallel_loop3A_691, %parallel_loop3A_700 : i32
      %parallel_loop3A_702 = arith.index_cast %parallel_loop3A_523 : i32 to index
      %parallel_loop3A_703 = arith.index_cast %parallel_loop3A_701 : i32 to index
      %parallel_loop3A_704 = tpu.vector_load %arg14[%parallel_loop3A_702, %parallel_loop3A_703] {strides = array<i32>} : memref<32x384xi32, #tpu.memory_space<vmem>>, vector<16xi32>,
      tpu.vector_store %arg14[%parallel_loop3A_702, %parallel_loop3A_703], %parallel_loop3A_634 {strides = array<i32>} : memref<32x384xi32, #tpu.memory_space<vmem>>, vector<16xi32>,
      %parallel_loop3A_705 = arith.subf %parallel_loop3A_630, %parallel_loop3A_655 : vector<16xf32>
      %parallel_loop3A_706 = arith.index_cast %parallel_loop3A_523 : i32 to index
      %parallel_loop3A_707 = arith.index_cast %parallel_loop3A_691 : i32 to index
      %parallel_loop3A_708 = tpu.vector_load %arg16[%parallel_loop3A_706, %parallel_loop3A_707] {strides = array<i32>} : memref<32x384xf32, #tpu.memory_space<vmem>>, vector<16xf32>,
      tpu.vector_store %arg16[%parallel_loop3A_706, %parallel_loop3A_707], %parallel_loop3A_705 {strides = array<i32>} : memref<32x384xf32, #tpu.memory_space<vmem>>, vector<16xf32>,
      %parallel_loop3A_709 = arith.subf %parallel_loop3A_631, %parallel_loop3A_665 : vector<16xf32>
      %parallel_loop3A_710 = arith.constant 128 : i32
      %parallel_loop3A_711 = arith.addi %parallel_loop3A_691, %parallel_loop3A_710 : i32
      %parallel_loop3A_712 = arith.index_cast %parallel_loop3A_523 : i32 to index
      %parallel_loop3A_713 = arith.index_cast %parallel_loop3A_711 : i32 to index
      %parallel_loop3A_714 = tpu.vector_load %arg16[%parallel_loop3A_712, %parallel_loop3A_713] {strides = array<i32>} : memref<32x384xf32, #tpu.memory_space<vmem>>, vector<16xf32>,
      tpu.vector_store %arg16[%parallel_loop3A_712, %parallel_loop3A_713], %parallel_loop3A_709 {strides = array<i32>} : memref<32x384xf32, #tpu.memory_space<vmem>>, vector<16xf32>,
      %parallel_loop3A_715 = arith.subf %parallel_loop3A_632, %parallel_loop3A_675 : vector<16xf32>
      %parallel_loop3A_716 = arith.constant 256 : i32
      %parallel_loop3A_717 = arith.addi %parallel_loop3A_691, %parallel_loop3A_716 : i32
      %parallel_loop3A_718 = arith.index_cast %parallel_loop3A_523 : i32 to index
      %parallel_loop3A_719 = arith.index_cast %parallel_loop3A_717 : i32 to index
      %parallel_loop3A_720 = tpu.vector_load %arg16[%parallel_loop3A_718, %parallel_loop3A_719] {strides = array<i32>} : memref<32x384xf32, #tpu.memory_space<vmem>>, vector<16xf32>,
      tpu.vector_store %arg16[%parallel_loop3A_718, %parallel_loop3A_719], %parallel_loop3A_715 {strides = array<i32>} : memref<32x384xf32, #tpu.memory_space<vmem>>, vector<16xf32>,
      %parallel_loop3A_721 = arith.constant 16 : i32
      %parallel_loop3A_722 = arith.muli %parallel_loop3A_521, %parallel_loop3A_721 : i32
      %parallel_loop3A_723 = arith.index_cast %parallel_loop3A_722 : i32 to index
      %parallel_loop3A_724 = tpu.vector_load %arg15[%parallel_loop3A_723] {strides = array<i32>} : memref<4096xi32, #tpu.memory_space<vmem>>, vector<16xi32>,
      tpu.vector_store %arg15[%parallel_loop3A_723], %parallel_loop3A_645 {strides = array<i32>} : memref<4096xi32, #tpu.memory_space<vmem>>, vector<16xi32>,
    } {sc.loop_unroll_factor = 2 : i64, sc.parallel_access}
    %add3A_199 = arith.constant 12288 : i32
    %add3A_200 = arith.addi %mul3A_2, %add3A_199 : i32
    %jit3A_201 = arith.constant 128 : i32
    %div3A_202 = arith.divsi %add3A_200, %jit3A_201 : i32
    %sign3A_203 = arith.constant 0 : i32
    %sign3A_204 = arith.cmpi sgt, %add3A_200, %sign3A_203 : i32
    %sign3A_205 = arith.extui %sign3A_204 : i1 to i32
    %sign3A_206 = arith.constant 0 : i32
    %sign3A_207 = arith.cmpi slt, %add3A_200, %sign3A_206 : i32
    %sign3A_208 = arith.extui %sign3A_207 : i1 to i32
    %sign3A_209 = arith.subi %sign3A_205, %sign3A_208 : i32
    %sign3A_210 = arith.constant 0 : i32
    %sign3A_211 = arith.cmpi sgt, %jit3A_201, %sign3A_210 : i32
    %sign3A_212 = arith.extui %sign3A_211 : i1 to i32
    %sign3A_213 = arith.constant 0 : i32
    %sign3A_214 = arith.cmpi slt, %jit3A_201, %sign3A_213 : i32
    %sign3A_215 = arith.extui %sign3A_214 : i1 to i32
    %sign3A_216 = arith.subi %sign3A_212, %sign3A_215 : i32
    %ne3A_217 = arith.cmpi ne, %sign3A_209, %sign3A_216 : i32
    %rem3A_218 = arith.remsi %add3A_200, %jit3A_201 : i32
    %ne3A_219 = arith.constant 0 : i32
    %ne3A_220 = arith.cmpi ne, %rem3A_218, %ne3A_219 : i32
    %and3A_221 = arith.andi %ne3A_217, %ne3A_220 : i1
    %sub3A_222 = arith.constant 1 : i32
    %sub3A_223 = arith.subi %div3A_202, %sub3A_222 : i32
    %select_n3A_224 = arith.select %and3A_221, %sub3A_223, %div3A_202 : i32
    %mul3A_225 = arith.constant 4 : i32
    %mul3A_226 = arith.muli %add3A_200, %mul3A_225 : i32
    %dma_start3A_227 = tpu.memref_slice %arg3[%mul3A_226] : memref<4194304xf32, #tpu.memory_space<hbm>> -> memref<16384xf32, #tpu.memory_space<hbm>>
    %dma_start3A_228 = tpu.memref_slice %arg3[%mul3A_226] : memref<4194304xf32, #tpu.memory_space<hbm>> -> memref<16384xf32, #tpu.memory_space<hbm>>
    tpu.enqueue_dma source(%arg13 : memref<16384xf32, #tpu.memory_space<vmem>>) target(%dma_start3A_228 : memref<16384xf32, #tpu.memory_space<hbm>>) target_semaphore(%arg20 : memref<!tpu.dma_semaphore, #tpu.memory_space<semaphore_mem>>)
    %dma_start3A_229 = arith.constant 0 : i32
    %dma_start3A_230 = tpu.memref_slice %arg4[%select_n3A_224, %dma_start3A_229] : memref<8192x512xi32, #tpu.memory_space<hbm>> -> memref<32x384xi32, #tpu.memory_space<hbm>>
    %dma_start3A_231 = arith.constant 0 : i32
    %dma_start3A_232 = tpu.memref_slice %arg4[%select_n3A_224, %dma_start3A_231] : memref<8192x512xi32, #tpu.memory_space<hbm>> -> memref<32x384xi32, #tpu.memory_space<hbm>>
    tpu.enqueue_dma source(%arg14 : memref<32x384xi32, #tpu.memory_space<vmem>>) target(%dma_start3A_232 : memref<32x384xi32, #tpu.memory_space<hbm>>) target_semaphore(%arg20 : memref<!tpu.dma_semaphore, #tpu.memory_space<semaphore_mem>>)
    %dma_start3A_233 = tpu.memref_slice %arg5[%add3A_200] : memref<1048576xi32, #tpu.memory_space<hbm>> -> memref<4096xi32, #tpu.memory_space<hbm>>
    %dma_start3A_234 = tpu.memref_slice %arg5[%add3A_200] : memref<1048576xi32, #tpu.memory_space<hbm>> -> memref<4096xi32, #tpu.memory_space<hbm>>
    tpu.enqueue_dma source(%arg15 : memref<4096xi32, #tpu.memory_space<vmem>>) target(%dma_start3A_234 : memref<4096xi32, #tpu.memory_space<hbm>>) target_semaphore(%arg20 : memref<!tpu.dma_semaphore, #tpu.memory_space<semaphore_mem>>)
    %dma_start3A_235 = arith.constant 0 : i32
    %dma_start3A_236 = tpu.memref_slice %arg6[%select_n3A_224, %dma_start3A_235] : memref<8192x512xf32, #tpu.memory_space<hbm>> -> memref<32x384xf32, #tpu.memory_space<hbm>>
    %dma_start3A_237 = arith.constant 0 : i32
    %dma_start3A_238 = tpu.memref_slice %arg6[%select_n3A_224, %dma_start3A_237] : memref<8192x512xf32, #tpu.memory_space<hbm>> -> memref<32x384xf32, #tpu.memory_space<hbm>>
    tpu.enqueue_dma source(%arg16 : memref<32x384xf32, #tpu.memory_space<vmem>>) target(%dma_start3A_238 : memref<32x384xf32, #tpu.memory_space<hbm>>) target_semaphore(%arg20 : memref<!tpu.dma_semaphore, #tpu.memory_space<semaphore_mem>>)
    %add3A_239 = arith.constant 20480 : i32
    %add3A_240 = arith.addi %mul3A_2, %add3A_239 : i32
    %mul3A_241 = arith.constant 4 : i32
    %mul3A_242 = arith.muli %add3A_240, %mul3A_241 : i32
    %dma_start3A_243 = tpu.memref_slice %arg2[%mul3A_242] : memref<4194304xf32, #tpu.memory_space<hbm>> -> memref<16384xf32, #tpu.memory_space<hbm>>
    %dma_start3A_244 = tpu.memref_slice %arg2[%mul3A_242] : memref<4194304xf32, #tpu.memory_space<hbm>> -> memref<16384xf32, #tpu.memory_space<hbm>>
    tpu.enqueue_dma source(%dma_start3A_244 : memref<16384xf32, #tpu.memory_space<hbm>>) target(%arg12 : memref<16384xf32, #tpu.memory_space<vmem>>) target_semaphore(%arg18 : memref<!tpu.dma_semaphore, #tpu.memory_space<semaphore_mem>>)
    %dma_wait3A_245 = tpu.memref_slice %arg3[%mul3A_160] : memref<4194304xf32, #tpu.memory_space<hbm>> -> memref<16384xf32, #tpu.memory_space<hbm>>
    %dma_wait3A_246 = tpu.memref_slice %arg3[%mul3A_160] : memref<4194304xf32, #tpu.memory_space<hbm>> -> memref<16384xf32, #tpu.memory_space<hbm>>
    tpu.wait_dma2 semaphore(%arg19 : memref<!tpu.dma_semaphore, #tpu.memory_space<semaphore_mem>>) src(%arg8 : memref<16384xf32, #tpu.memory_space<vmem>>) dst(%dma_wait3A_246 : memref<16384xf32, #tpu.memory_space<hbm>>)
    %dma_wait3A_247 = arith.constant 0 : i32
    %dma_wait3A_248 = tpu.memref_slice %arg4[%select_n3A_158, %dma_wait3A_247] : memref<8192x512xi32, #tpu.memory_space<hbm>> -> memref<32x384xi32, #tpu.memory_space<hbm>>
    %dma_wait3A_249 = arith.constant 0 : i32
    %dma_wait3A_250 = tpu.memref_slice %arg4[%select_n3A_158, %dma_wait3A_249] : memref<8192x512xi32, #tpu.memory_space<hbm>> -> memref<32x384xi32, #tpu.memory_space<hbm>>
    tpu.wait_dma2 semaphore(%arg19 : memref<!tpu.dma_semaphore, #tpu.memory_space<semaphore_mem>>) src(%arg9 : memref<32x384xi32, #tpu.memory_space<vmem>>) dst(%dma_wait3A_250 : memref<32x384xi32, #tpu.memory_space<hbm>>)
    %dma_wait3A_251 = tpu.memref_slice %arg5[%add3A_134] : memref<1048576xi32, #tpu.memory_space<hbm>> -> memref<4096xi32, #tpu.memory_space<hbm>>
    %dma_wait3A_252 = tpu.memref_slice %arg5[%add3A_134] : memref<1048576xi32, #tpu.memory_space<hbm>> -> memref<4096xi32, #tpu.memory_space<hbm>>
    tpu.wait_dma2 semaphore(%arg19 : memref<!tpu.dma_semaphore, #tpu.memory_space<semaphore_mem>>) src(%arg10 : memref<4096xi32, #tpu.memory_space<vmem>>) dst(%dma_wait3A_252 : memref<4096xi32, #tpu.memory_space<hbm>>)
    %dma_wait3A_253 = arith.constant 0 : i32
    %dma_wait3A_254 = tpu.memref_slice %arg6[%select_n3A_158, %dma_wait3A_253] : memref<8192x512xf32, #tpu.memory_space<hbm>> -> memref<32x384xf32, #tpu.memory_space<hbm>>
    %dma_wait3A_255 = arith.constant 0 : i32
    %dma_wait3A_256 = tpu.memref_slice %arg6[%select_n3A_158, %dma_wait3A_255] : memref<8192x512xf32, #tpu.memory_space<hbm>> -> memref<32x384xf32, #tpu.memory_space<hbm>>
    tpu.wait_dma2 semaphore(%arg19 : memref<!tpu.dma_semaphore, #tpu.memory_space<semaphore_mem>>) src(%arg11 : memref<32x384xf32, #tpu.memory_space<vmem>>) dst(%dma_wait3A_256 : memref<32x384xf32, #tpu.memory_space<hbm>>)
    %dma_wait3A_257 = tpu.memref_slice %arg2[%mul3A_176] : memref<4194304xf32, #tpu.memory_space<hbm>> -> memref<16384xf32, #tpu.memory_space<hbm>>
    %dma_wait3A_258 = tpu.memref_slice %arg2[%mul3A_176] : memref<4194304xf32, #tpu.memory_space<hbm>> -> memref<16384xf32, #tpu.memory_space<hbm>>
    tpu.wait_dma2 semaphore(%arg17 : memref<!tpu.dma_semaphore, #tpu.memory_space<semaphore_mem>>) src(%dma_wait3A_258 : memref<16384xf32, #tpu.memory_space<hbm>>) dst(%arg7 : memref<16384xf32, #tpu.memory_space<vmem>>)
    %add3A_259 = arith.constant 16384 : i32
    %add3A_260 = arith.addi %rem3A_3, %add3A_259 : i32
    %iota3A_261 = tpu.iota {dimensions = array<i32: 0>} : vector<16xi32>
    %parallel_loop3A_262 = arith.constant 0 : i32
    %parallel_loop3A_263 = arith.constant 256 : i32
    %parallel_loop3A_264 = arith.constant 1 : i32
    scf.for %parallel_loop3A_521 = %parallel_loop3A_262 to %parallel_loop3A_263 step %parallel_loop3A_264  : i32 {
      %parallel_loop3A_522 = arith.constant 3 : i32
      %parallel_loop3A_523 = arith.shrsi %parallel_loop3A_521, %parallel_loop3A_522 : i32
      %parallel_loop3A_524 = arith.constant 7 : i32
      %parallel_loop3A_525 = arith.andi %parallel_loop3A_521, %parallel_loop3A_524 : i32
      %parallel_loop3A_526 = arith.constant 512 : i32
      %parallel_loop3A_527 = arith.muli %parallel_loop3A_523, %parallel_loop3A_526 : i32
      %parallel_loop3A_528 = arith.constant 16 : i32
      %parallel_loop3A_529 = arith.muli %parallel_loop3A_525, %parallel_loop3A_528 : i32
      %parallel_loop3A_530 = arith.addi %parallel_loop3A_527, %parallel_loop3A_529 : i32
      %parallel_loop3A_531 = arith.index_cast %parallel_loop3A_530 : i32 to index
      %parallel_loop3A_532 = tpu.vector_load %arg7[%parallel_loop3A_531] {strides = array<i32>} : memref<16384xf32, #tpu.memory_space<vmem>>, vector<16xf32>,
      %parallel_loop3A_533 = arith.constant 128 : i32
      %parallel_loop3A_534 = arith.addi %parallel_loop3A_530, %parallel_loop3A_533 : i32
      %parallel_loop3A_535 = arith.index_cast %parallel_loop3A_534 : i32 to index
      %parallel_loop3A_536 = tpu.vector_load %arg7[%parallel_loop3A_535] {strides = array<i32>} : memref<16384xf32, #tpu.memory_space<vmem>>, vector<16xf32>,
      %parallel_loop3A_537 = arith.constant 256 : i32
      %parallel_loop3A_538 = arith.addi %parallel_loop3A_530, %parallel_loop3A_537 : i32
      %parallel_loop3A_539 = arith.index_cast %parallel_loop3A_538 : i32 to index
      %parallel_loop3A_540 = tpu.vector_load %arg7[%parallel_loop3A_539] {strides = array<i32>} : memref<16384xf32, #tpu.memory_space<vmem>>, vector<16xf32>,
      %parallel_loop3A_541 = arith.constant 384 : i32
      %parallel_loop3A_542 = arith.addi %parallel_loop3A_530, %parallel_loop3A_541 : i32
      %parallel_loop3A_543 = arith.index_cast %parallel_loop3A_542 : i32 to index
      %parallel_loop3A_544 = tpu.vector_load %arg7[%parallel_loop3A_543] {strides = array<i32>} : memref<16384xf32, #tpu.memory_space<vmem>>, vector<16xf32>,
      %parallel_loop3A_545 = arith.cmpf one, %parallel_loop3A_532, %parallel_loop3A_532 : vector<16xf32>
      %parallel_loop3A_546 = arith.cmpf one, %parallel_loop3A_536, %parallel_loop3A_536 : vector<16xf32>
      %parallel_loop3A_547 = arith.ori %parallel_loop3A_545, %parallel_loop3A_546 : vector<16xi1>
      %parallel_loop3A_548 = arith.cmpf one, %parallel_loop3A_540, %parallel_loop3A_540 : vector<16xf32>
      %parallel_loop3A_549 = arith.ori %parallel_loop3A_547, %parallel_loop3A_548 : vector<16xi1>
      %parallel_loop3A_550 = arith.cmpf one, %parallel_loop3A_544, %parallel_loop3A_544 : vector<16xf32>
      %parallel_loop3A_551 = arith.ori %parallel_loop3A_549, %parallel_loop3A_550 : vector<16xi1>
      %parallel_loop3A_552 = arith.constant 0.000000e+00 : f32
      %parallel_loop3A_553 = vector.broadcast %parallel_loop3A_552 : f32 to vector<16xf32>
      %parallel_loop3A_554 = arith.select %parallel_loop3A_551, %parallel_loop3A_553, %parallel_loop3A_532 : vector<16xi1>, vector<16xf32>
      %parallel_loop3A_555 = arith.constant 0.000000e+00 : f32
      %parallel_loop3A_556 = vector.broadcast %parallel_loop3A_555 : f32 to vector<16xf32>
      %parallel_loop3A_557 = arith.select %parallel_loop3A_551, %parallel_loop3A_556, %parallel_loop3A_536 : vector<16xi1>, vector<16xf32>
      %parallel_loop3A_558 = arith.constant 0.000000e+00 : f32
      %parallel_loop3A_559 = vector.broadcast %parallel_loop3A_558 : f32 to vector<16xf32>
      %parallel_loop3A_560 = arith.select %parallel_loop3A_551, %parallel_loop3A_559, %parallel_loop3A_540 : vector<16xi1>, vector<16xf32>
      %parallel_loop3A_561 = arith.constant 0.000000e+00 : f32
      %parallel_loop3A_562 = vector.broadcast %parallel_loop3A_561 : f32 to vector<16xf32>
      %parallel_loop3A_563 = arith.select %parallel_loop3A_551, %parallel_loop3A_562, %parallel_loop3A_544 : vector<16xi1>, vector<16xf32>
      %parallel_loop3A_564 = arith.constant -5.120000e+01 : f32
      %parallel_loop3A_565 = vector.broadcast %parallel_loop3A_564 : f32 to vector<16xf32>
      %parallel_loop3A_566 = arith.subf %parallel_loop3A_554, %parallel_loop3A_565 : vector<16xf32>
      %parallel_loop3A_567 = arith.constant 1.000000e+01 : f32
      %parallel_loop3A_568 = vector.broadcast %parallel_loop3A_567 : f32 to vector<16xf32>
      %parallel_loop3A_569 = arith.mulf %parallel_loop3A_566, %parallel_loop3A_568 : vector<16xf32>
      %parallel_loop3A_570 = arith.constant -5.120000e+01 : f32
      %parallel_loop3A_571 = vector.broadcast %parallel_loop3A_570 : f32 to vector<16xf32>
      %parallel_loop3A_572 = arith.subf %parallel_loop3A_557, %parallel_loop3A_571 : vector<16xf32>
      %parallel_loop3A_573 = arith.constant 1.000000e+01 : f32
      %parallel_loop3A_574 = vector.broadcast %parallel_loop3A_573 : f32 to vector<16xf32>
      %parallel_loop3A_575 = arith.mulf %parallel_loop3A_572, %parallel_loop3A_574 : vector<16xf32>
      %parallel_loop3A_576 = arith.constant -5.000000e+00 : f32
      %parallel_loop3A_577 = vector.broadcast %parallel_loop3A_576 : f32 to vector<16xf32>
      %parallel_loop3A_578 = arith.subf %parallel_loop3A_560, %parallel_loop3A_577 : vector<16xf32>
      %parallel_loop3A_579 = arith.constant 5.000000e+00 : f32
      %parallel_loop3A_580 = vector.broadcast %parallel_loop3A_579 : f32 to vector<16xf32>
      %parallel_loop3A_581 = arith.mulf %parallel_loop3A_578, %parallel_loop3A_580 : vector<16xf32>
      %parallel_loop3A_582 = arith.fptosi %parallel_loop3A_569 : vector<16xf32> to vector<16xi32>
      %parallel_loop3A_583 = arith.fptosi %parallel_loop3A_575 : vector<16xf32> to vector<16xi32>
      %parallel_loop3A_584 = arith.fptosi %parallel_loop3A_581 : vector<16xf32> to vector<16xi32>
      %parallel_loop3A_585 = arith.sitofp %parallel_loop3A_582 : vector<16xi32> to vector<16xf32>
      %parallel_loop3A_586 = arith.cmpf ogt, %parallel_loop3A_585, %parallel_loop3A_569 : vector<16xf32>
      %parallel_loop3A_587 = arith.constant 1 : i32
      %parallel_loop3A_588 = vector.broadcast %parallel_loop3A_587 : i32 to vector<16xi32>
      %parallel_loop3A_589 = arith.subi %parallel_loop3A_582, %parallel_loop3A_588 : vector<16xi32>
      %parallel_loop3A_590 = arith.select %parallel_loop3A_586, %parallel_loop3A_589, %parallel_loop3A_582 : vector<16xi1>, vector<16xi32>
      %parallel_loop3A_591 = arith.sitofp %parallel_loop3A_583 : vector<16xi32> to vector<16xf32>
      %parallel_loop3A_592 = arith.cmpf ogt, %parallel_loop3A_591, %parallel_loop3A_575 : vector<16xf32>
      %parallel_loop3A_593 = arith.constant 1 : i32
      %parallel_loop3A_594 = vector.broadcast %parallel_loop3A_593 : i32 to vector<16xi32>
      %parallel_loop3A_595 = arith.subi %parallel_loop3A_583, %parallel_loop3A_594 : vector<16xi32>
      %parallel_loop3A_596 = arith.select %parallel_loop3A_592, %parallel_loop3A_595, %parallel_loop3A_583 : vector<16xi1>, vector<16xi32>
      %parallel_loop3A_597 = arith.sitofp %parallel_loop3A_584 : vector<16xi32> to vector<16xf32>
      %parallel_loop3A_598 = arith.cmpf ogt, %parallel_loop3A_597, %parallel_loop3A_581 : vector<16xf32>
      %parallel_loop3A_599 = arith.constant 1 : i32
      %parallel_loop3A_600 = vector.broadcast %parallel_loop3A_599 : i32 to vector<16xi32>
      %parallel_loop3A_601 = arith.subi %parallel_loop3A_584, %parallel_loop3A_600 : vector<16xi32>
      %parallel_loop3A_602 = arith.select %parallel_loop3A_598, %parallel_loop3A_601, %parallel_loop3A_584 : vector<16xi1>, vector<16xi32>
      %parallel_loop3A_603 = arith.constant 0 : i32
      %parallel_loop3A_604 = vector.broadcast %parallel_loop3A_603 : i32 to vector<16xi32>
      %parallel_loop3A_605 = arith.cmpi sge, %parallel_loop3A_590, %parallel_loop3A_604 : vector<16xi32>
      %parallel_loop3A_606 = arith.constant 1024 : i32
      %parallel_loop3A_607 = vector.broadcast %parallel_loop3A_606 : i32 to vector<16xi32>
      %parallel_loop3A_608 = arith.cmpi slt, %parallel_loop3A_590, %parallel_loop3A_607 : vector<16xi32>
      %parallel_loop3A_609 = arith.andi %parallel_loop3A_605, %parallel_loop3A_608 : vector<16xi1>
      %parallel_loop3A_610 = arith.constant 0 : i32
      %parallel_loop3A_611 = vector.broadcast %parallel_loop3A_610 : i32 to vector<16xi32>
      %parallel_loop3A_612 = arith.cmpi sge, %parallel_loop3A_596, %parallel_loop3A_611 : vector<16xi32>
      %parallel_loop3A_613 = arith.andi %parallel_loop3A_609, %parallel_loop3A_612 : vector<16xi1>
      %parallel_loop3A_614 = arith.constant 1024 : i32
      %parallel_loop3A_615 = vector.broadcast %parallel_loop3A_614 : i32 to vector<16xi32>
      %parallel_loop3A_616 = arith.cmpi slt, %parallel_loop3A_596, %parallel_loop3A_615 : vector<16xi32>
      %parallel_loop3A_617 = arith.andi %parallel_loop3A_613, %parallel_loop3A_616 : vector<16xi1>
      %parallel_loop3A_618 = arith.constant 0 : i32
      %parallel_loop3A_619 = vector.broadcast %parallel_loop3A_618 : i32 to vector<16xi32>
      %parallel_loop3A_620 = arith.cmpi sge, %parallel_loop3A_602, %parallel_loop3A_619 : vector<16xi32>
      %parallel_loop3A_621 = arith.andi %parallel_loop3A_617, %parallel_loop3A_620 : vector<16xi1>
      %parallel_loop3A_622 = arith.constant 40 : i32
      %parallel_loop3A_623 = vector.broadcast %parallel_loop3A_622 : i32 to vector<16xi32>
      %parallel_loop3A_624 = arith.cmpi slt, %parallel_loop3A_602, %parallel_loop3A_623 : vector<16xi32>
      %parallel_loop3A_625 = arith.andi %parallel_loop3A_621, %parallel_loop3A_624 : vector<16xi1>
      %parallel_loop3A_626 = arith.constant 0.000000e+00 : f32
      %parallel_loop3A_627 = vector.broadcast %parallel_loop3A_626 : f32 to vector<16xf32>
      %parallel_loop3A_628 = arith.constant 0 : i32
      %parallel_loop3A_629 = vector.broadcast %parallel_loop3A_628 : i32 to vector<16xi32>
      %parallel_loop3A_630 = arith.select %parallel_loop3A_625, %parallel_loop3A_554, %parallel_loop3A_627 : vector<16xi1>, vector<16xf32>
      %parallel_loop3A_631 = arith.select %parallel_loop3A_625, %parallel_loop3A_557, %parallel_loop3A_627 : vector<16xi1>, vector<16xf32>
      %parallel_loop3A_632 = arith.select %parallel_loop3A_625, %parallel_loop3A_560, %parallel_loop3A_627 : vector<16xi1>, vector<16xf32>
      %parallel_loop3A_633 = arith.select %parallel_loop3A_625, %parallel_loop3A_563, %parallel_loop3A_627 : vector<16xi1>, vector<16xf32>
      %parallel_loop3A_634 = arith.select %parallel_loop3A_625, %parallel_loop3A_590, %parallel_loop3A_629 : vector<16xi1>, vector<16xi32>
      %parallel_loop3A_635 = arith.select %parallel_loop3A_625, %parallel_loop3A_596, %parallel_loop3A_629 : vector<16xi1>, vector<16xi32>
      %parallel_loop3A_636 = arith.select %parallel_loop3A_625, %parallel_loop3A_602, %parallel_loop3A_629 : vector<16xi1>, vector<16xi32>
      %parallel_loop3A_637 = arith.constant dense<true> : vector<16xi1>
      %parallel_loop3A_638 = arith.xori %parallel_loop3A_551, %parallel_loop3A_637 : vector<16xi1>
      %parallel_loop3A_639 = arith.andi %parallel_loop3A_625, %parallel_loop3A_638 : vector<16xi1>
      %parallel_loop3A_640 = arith.constant 16 : i32
      %parallel_loop3A_641 = arith.muli %parallel_loop3A_521, %parallel_loop3A_640 : i32
      %parallel_loop3A_642 = arith.addi %add3A_260, %parallel_loop3A_641 : i32
      %parallel_loop3A_643 = vector.broadcast %parallel_loop3A_642 : i32 to vector<16xi32>
      %parallel_loop3A_644 = arith.addi %iota3A_261, %parallel_loop3A_643 : vector<16xi32>
      %parallel_loop3A_645 = arith.select %parallel_loop3A_639, %parallel_loop3A_644, %parallel_loop3A_629 : vector<16xi1>, vector<16xi32>
      %parallel_loop3A_646 = arith.sitofp %parallel_loop3A_634 : vector<16xi32> to vector<16xf32>
      %parallel_loop3A_647 = arith.constant 1.000000e-01 : f32
      %parallel_loop3A_648 = vector.broadcast %parallel_loop3A_647 : f32 to vector<16xf32>
      %parallel_loop3A_649 = arith.mulf %parallel_loop3A_646, %parallel_loop3A_648 : vector<16xf32>
      %parallel_loop3A_650 = arith.constant -5.120000e+01 : f32
      %parallel_loop3A_651 = vector.broadcast %parallel_loop3A_650 : f32 to vector<16xf32>
      %parallel_loop3A_652 = arith.addf %parallel_loop3A_649, %parallel_loop3A_651 : vector<16xf32>
      %parallel_loop3A_653 = arith.constant 5.000000e-02 : f32
      %parallel_loop3A_654 = vector.broadcast %parallel_loop3A_653 : f32 to vector<16xf32>
      %parallel_loop3A_655 = arith.addf %parallel_loop3A_652, %parallel_loop3A_654 : vector<16xf32>
      %parallel_loop3A_656 = arith.sitofp %parallel_loop3A_635 : vector<16xi32> to vector<16xf32>
      %parallel_loop3A_657 = arith.constant 1.000000e-01 : f32
      %parallel_loop3A_658 = vector.broadcast %parallel_loop3A_657 : f32 to vector<16xf32>
      %parallel_loop3A_659 = arith.mulf %parallel_loop3A_656, %parallel_loop3A_658 : vector<16xf32>
      %parallel_loop3A_660 = arith.constant -5.120000e+01 : f32
      %parallel_loop3A_661 = vector.broadcast %parallel_loop3A_660 : f32 to vector<16xf32>
      %parallel_loop3A_662 = arith.addf %parallel_loop3A_659, %parallel_loop3A_661 : vector<16xf32>
      %parallel_loop3A_663 = arith.constant 5.000000e-02 : f32
      %parallel_loop3A_664 = vector.broadcast %parallel_loop3A_663 : f32 to vector<16xf32>
      %parallel_loop3A_665 = arith.addf %parallel_loop3A_662, %parallel_loop3A_664 : vector<16xf32>
      %parallel_loop3A_666 = arith.sitofp %parallel_loop3A_636 : vector<16xi32> to vector<16xf32>
      %parallel_loop3A_667 = arith.constant 2.000000e-01 : f32
      %parallel_loop3A_668 = vector.broadcast %parallel_loop3A_667 : f32 to vector<16xf32>
      %parallel_loop3A_669 = arith.mulf %parallel_loop3A_666, %parallel_loop3A_668 : vector<16xf32>
      %parallel_loop3A_670 = arith.constant -5.000000e+00 : f32
      %parallel_loop3A_671 = vector.broadcast %parallel_loop3A_670 : f32 to vector<16xf32>
      %parallel_loop3A_672 = arith.addf %parallel_loop3A_669, %parallel_loop3A_671 : vector<16xf32>
      %parallel_loop3A_673 = arith.constant 1.000000e-01 : f32
      %parallel_loop3A_674 = vector.broadcast %parallel_loop3A_673 : f32 to vector<16xf32>
      %parallel_loop3A_675 = arith.addf %parallel_loop3A_672, %parallel_loop3A_674 : vector<16xf32>
      %parallel_loop3A_676 = arith.index_cast %parallel_loop3A_530 : i32 to index
      %parallel_loop3A_677 = tpu.vector_load %arg8[%parallel_loop3A_676] {strides = array<i32>} : memref<16384xf32, #tpu.memory_space<vmem>>, vector<16xf32>,
      tpu.vector_store %arg8[%parallel_loop3A_676], %parallel_loop3A_630 {strides = array<i32>} : memref<16384xf32, #tpu.memory_space<vmem>>, vector<16xf32>,
      %parallel_loop3A_678 = arith.constant 128 : i32
      %parallel_loop3A_679 = arith.addi %parallel_loop3A_530, %parallel_loop3A_678 : i32
      %parallel_loop3A_680 = arith.index_cast %parallel_loop3A_679 : i32 to index
      %parallel_loop3A_681 = tpu.vector_load %arg8[%parallel_loop3A_680] {strides = array<i32>} : memref<16384xf32, #tpu.memory_space<vmem>>, vector<16xf32>,
      tpu.vector_store %arg8[%parallel_loop3A_680], %parallel_loop3A_631 {strides = array<i32>} : memref<16384xf32, #tpu.memory_space<vmem>>, vector<16xf32>,
      %parallel_loop3A_682 = arith.constant 256 : i32
      %parallel_loop3A_683 = arith.addi %parallel_loop3A_530, %parallel_loop3A_682 : i32
      %parallel_loop3A_684 = arith.index_cast %parallel_loop3A_683 : i32 to index
      %parallel_loop3A_685 = tpu.vector_load %arg8[%parallel_loop3A_684] {strides = array<i32>} : memref<16384xf32, #tpu.memory_space<vmem>>, vector<16xf32>,
      tpu.vector_store %arg8[%parallel_loop3A_684], %parallel_loop3A_632 {strides = array<i32>} : memref<16384xf32, #tpu.memory_space<vmem>>, vector<16xf32>,
      %parallel_loop3A_686 = arith.constant 384 : i32
      %parallel_loop3A_687 = arith.addi %parallel_loop3A_530, %parallel_loop3A_686 : i32
      %parallel_loop3A_688 = arith.index_cast %parallel_loop3A_687 : i32 to index
      %parallel_loop3A_689 = tpu.vector_load %arg8[%parallel_loop3A_688] {strides = array<i32>} : memref<16384xf32, #tpu.memory_space<vmem>>, vector<16xf32>,
      tpu.vector_store %arg8[%parallel_loop3A_688], %parallel_loop3A_633 {strides = array<i32>} : memref<16384xf32, #tpu.memory_space<vmem>>, vector<16xf32>,
      %parallel_loop3A_690 = arith.constant 16 : i32
      %parallel_loop3A_691 = arith.muli %parallel_loop3A_525, %parallel_loop3A_690 : i32
      %parallel_loop3A_692 = arith.index_cast %parallel_loop3A_523 : i32 to index
      %parallel_loop3A_693 = arith.index_cast %parallel_loop3A_691 : i32 to index
      %parallel_loop3A_694 = tpu.vector_load %arg9[%parallel_loop3A_692, %parallel_loop3A_693] {strides = array<i32>} : memref<32x384xi32, #tpu.memory_space<vmem>>, vector<16xi32>,
      tpu.vector_store %arg9[%parallel_loop3A_692, %parallel_loop3A_693], %parallel_loop3A_636 {strides = array<i32>} : memref<32x384xi32, #tpu.memory_space<vmem>>, vector<16xi32>,
      %parallel_loop3A_695 = arith.constant 128 : i32
      %parallel_loop3A_696 = arith.addi %parallel_loop3A_691, %parallel_loop3A_695 : i32
      %parallel_loop3A_697 = arith.index_cast %parallel_loop3A_523 : i32 to index
      %parallel_loop3A_698 = arith.index_cast %parallel_loop3A_696 : i32 to index
      %parallel_loop3A_699 = tpu.vector_load %arg9[%parallel_loop3A_697, %parallel_loop3A_698] {strides = array<i32>} : memref<32x384xi32, #tpu.memory_space<vmem>>, vector<16xi32>,
      tpu.vector_store %arg9[%parallel_loop3A_697, %parallel_loop3A_698], %parallel_loop3A_635 {strides = array<i32>} : memref<32x384xi32, #tpu.memory_space<vmem>>, vector<16xi32>,
      %parallel_loop3A_700 = arith.constant 256 : i32
      %parallel_loop3A_701 = arith.addi %parallel_loop3A_691, %parallel_loop3A_700 : i32
      %parallel_loop3A_702 = arith.index_cast %parallel_loop3A_523 : i32 to index
      %parallel_loop3A_703 = arith.index_cast %parallel_loop3A_701 : i32 to index
      %parallel_loop3A_704 = tpu.vector_load %arg9[%parallel_loop3A_702, %parallel_loop3A_703] {strides = array<i32>} : memref<32x384xi32, #tpu.memory_space<vmem>>, vector<16xi32>,
      tpu.vector_store %arg9[%parallel_loop3A_702, %parallel_loop3A_703], %parallel_loop3A_634 {strides = array<i32>} : memref<32x384xi32, #tpu.memory_space<vmem>>, vector<16xi32>,
      %parallel_loop3A_705 = arith.subf %parallel_loop3A_630, %parallel_loop3A_655 : vector<16xf32>
      %parallel_loop3A_706 = arith.index_cast %parallel_loop3A_523 : i32 to index
      %parallel_loop3A_707 = arith.index_cast %parallel_loop3A_691 : i32 to index
      %parallel_loop3A_708 = tpu.vector_load %arg11[%parallel_loop3A_706, %parallel_loop3A_707] {strides = array<i32>} : memref<32x384xf32, #tpu.memory_space<vmem>>, vector<16xf32>,
      tpu.vector_store %arg11[%parallel_loop3A_706, %parallel_loop3A_707], %parallel_loop3A_705 {strides = array<i32>} : memref<32x384xf32, #tpu.memory_space<vmem>>, vector<16xf32>,
      %parallel_loop3A_709 = arith.subf %parallel_loop3A_631, %parallel_loop3A_665 : vector<16xf32>
      %parallel_loop3A_710 = arith.constant 128 : i32
      %parallel_loop3A_711 = arith.addi %parallel_loop3A_691, %parallel_loop3A_710 : i32
      %parallel_loop3A_712 = arith.index_cast %parallel_loop3A_523 : i32 to index
      %parallel_loop3A_713 = arith.index_cast %parallel_loop3A_711 : i32 to index
      %parallel_loop3A_714 = tpu.vector_load %arg11[%parallel_loop3A_712, %parallel_loop3A_713] {strides = array<i32>} : memref<32x384xf32, #tpu.memory_space<vmem>>, vector<16xf32>,
      tpu.vector_store %arg11[%parallel_loop3A_712, %parallel_loop3A_713], %parallel_loop3A_709 {strides = array<i32>} : memref<32x384xf32, #tpu.memory_space<vmem>>, vector<16xf32>,
      %parallel_loop3A_715 = arith.subf %parallel_loop3A_632, %parallel_loop3A_675 : vector<16xf32>
      %parallel_loop3A_716 = arith.constant 256 : i32
      %parallel_loop3A_717 = arith.addi %parallel_loop3A_691, %parallel_loop3A_716 : i32
      %parallel_loop3A_718 = arith.index_cast %parallel_loop3A_523 : i32 to index
      %parallel_loop3A_719 = arith.index_cast %parallel_loop3A_717 : i32 to index
      %parallel_loop3A_720 = tpu.vector_load %arg11[%parallel_loop3A_718, %parallel_loop3A_719] {strides = array<i32>} : memref<32x384xf32, #tpu.memory_space<vmem>>, vector<16xf32>,
      tpu.vector_store %arg11[%parallel_loop3A_718, %parallel_loop3A_719], %parallel_loop3A_715 {strides = array<i32>} : memref<32x384xf32, #tpu.memory_space<vmem>>, vector<16xf32>,
      %parallel_loop3A_721 = arith.constant 16 : i32
      %parallel_loop3A_722 = arith.muli %parallel_loop3A_521, %parallel_loop3A_721 : i32
      %parallel_loop3A_723 = arith.index_cast %parallel_loop3A_722 : i32 to index
      %parallel_loop3A_724 = tpu.vector_load %arg10[%parallel_loop3A_723] {strides = array<i32>} : memref<4096xi32, #tpu.memory_space<vmem>>, vector<16xi32>,
      tpu.vector_store %arg10[%parallel_loop3A_723], %parallel_loop3A_645 {strides = array<i32>} : memref<4096xi32, #tpu.memory_space<vmem>>, vector<16xi32>,
    } {sc.loop_unroll_factor = 2 : i64, sc.parallel_access}
    %add3A_265 = arith.constant 16384 : i32
    %add3A_266 = arith.addi %mul3A_2, %add3A_265 : i32
    %jit3A_267 = arith.constant 128 : i32
    %div3A_268 = arith.divsi %add3A_266, %jit3A_267 : i32
    %sign3A_269 = arith.constant 0 : i32
    %sign3A_270 = arith.cmpi sgt, %add3A_266, %sign3A_269 : i32
    %sign3A_271 = arith.extui %sign3A_270 : i1 to i32
    %sign3A_272 = arith.constant 0 : i32
    %sign3A_273 = arith.cmpi slt, %add3A_266, %sign3A_272 : i32
    %sign3A_274 = arith.extui %sign3A_273 : i1 to i32
    %sign3A_275 = arith.subi %sign3A_271, %sign3A_274 : i32
    %sign3A_276 = arith.constant 0 : i32
    %sign3A_277 = arith.cmpi sgt, %jit3A_267, %sign3A_276 : i32
    %sign3A_278 = arith.extui %sign3A_277 : i1 to i32
    %sign3A_279 = arith.constant 0 : i32
    %sign3A_280 = arith.cmpi slt, %jit3A_267, %sign3A_279 : i32
    %sign3A_281 = arith.extui %sign3A_280 : i1 to i32
    %sign3A_282 = arith.subi %sign3A_278, %sign3A_281 : i32
    %ne3A_283 = arith.cmpi ne, %sign3A_275, %sign3A_282 : i32
    %rem3A_284 = arith.remsi %add3A_266, %jit3A_267 : i32
    %ne3A_285 = arith.constant 0 : i32
    %ne3A_286 = arith.cmpi ne, %rem3A_284, %ne3A_285 : i32
    %and3A_287 = arith.andi %ne3A_283, %ne3A_286 : i1
    %sub3A_288 = arith.constant 1 : i32
    %sub3A_289 = arith.subi %div3A_268, %sub3A_288 : i32
    %select_n3A_290 = arith.select %and3A_287, %sub3A_289, %div3A_268 : i32
    %mul3A_291 = arith.constant 4 : i32
    %mul3A_292 = arith.muli %add3A_266, %mul3A_291 : i32
    %dma_start3A_293 = tpu.memref_slice %arg3[%mul3A_292] : memref<4194304xf32, #tpu.memory_space<hbm>> -> memref<16384xf32, #tpu.memory_space<hbm>>
    %dma_start3A_294 = tpu.memref_slice %arg3[%mul3A_292] : memref<4194304xf32, #tpu.memory_space<hbm>> -> memref<16384xf32, #tpu.memory_space<hbm>>
    tpu.enqueue_dma source(%arg8 : memref<16384xf32, #tpu.memory_space<vmem>>) target(%dma_start3A_294 : memref<16384xf32, #tpu.memory_space<hbm>>) target_semaphore(%arg19 : memref<!tpu.dma_semaphore, #tpu.memory_space<semaphore_mem>>)
    %dma_start3A_295 = arith.constant 0 : i32
    %dma_start3A_296 = tpu.memref_slice %arg4[%select_n3A_290, %dma_start3A_295] : memref<8192x512xi32, #tpu.memory_space<hbm>> -> memref<32x384xi32, #tpu.memory_space<hbm>>
    %dma_start3A_297 = arith.constant 0 : i32
    %dma_start3A_298 = tpu.memref_slice %arg4[%select_n3A_290, %dma_start3A_297] : memref<8192x512xi32, #tpu.memory_space<hbm>> -> memref<32x384xi32, #tpu.memory_space<hbm>>
    tpu.enqueue_dma source(%arg9 : memref<32x384xi32, #tpu.memory_space<vmem>>) target(%dma_start3A_298 : memref<32x384xi32, #tpu.memory_space<hbm>>) target_semaphore(%arg19 : memref<!tpu.dma_semaphore, #tpu.memory_space<semaphore_mem>>)
    %dma_start3A_299 = tpu.memref_slice %arg5[%add3A_266] : memref<1048576xi32, #tpu.memory_space<hbm>> -> memref<4096xi32, #tpu.memory_space<hbm>>
    %dma_start3A_300 = tpu.memref_slice %arg5[%add3A_266] : memref<1048576xi32, #tpu.memory_space<hbm>> -> memref<4096xi32, #tpu.memory_space<hbm>>
    tpu.enqueue_dma source(%arg10 : memref<4096xi32, #tpu.memory_space<vmem>>) target(%dma_start3A_300 : memref<4096xi32, #tpu.memory_space<hbm>>) target_semaphore(%arg19 : memref<!tpu.dma_semaphore, #tpu.memory_space<semaphore_mem>>)
    %dma_start3A_301 = arith.constant 0 : i32
    %dma_start3A_302 = tpu.memref_slice %arg6[%select_n3A_290, %dma_start3A_301] : memref<8192x512xf32, #tpu.memory_space<hbm>> -> memref<32x384xf32, #tpu.memory_space<hbm>>
    %dma_start3A_303 = arith.constant 0 : i32
    %dma_start3A_304 = tpu.memref_slice %arg6[%select_n3A_290, %dma_start3A_303] : memref<8192x512xf32, #tpu.memory_space<hbm>> -> memref<32x384xf32, #tpu.memory_space<hbm>>
    tpu.enqueue_dma source(%arg11 : memref<32x384xf32, #tpu.memory_space<vmem>>) target(%dma_start3A_304 : memref<32x384xf32, #tpu.memory_space<hbm>>) target_semaphore(%arg19 : memref<!tpu.dma_semaphore, #tpu.memory_space<semaphore_mem>>)
    %add3A_305 = arith.constant 24576 : i32
    %add3A_306 = arith.addi %mul3A_2, %add3A_305 : i32
    %mul3A_307 = arith.constant 4 : i32
    %mul3A_308 = arith.muli %add3A_306, %mul3A_307 : i32
    %dma_start3A_309 = tpu.memref_slice %arg2[%mul3A_308] : memref<4194304xf32, #tpu.memory_space<hbm>> -> memref<16384xf32, #tpu.memory_space<hbm>>
    %dma_start3A_310 = tpu.memref_slice %arg2[%mul3A_308] : memref<4194304xf32, #tpu.memory_space<hbm>> -> memref<16384xf32, #tpu.memory_space<hbm>>
    tpu.enqueue_dma source(%dma_start3A_310 : memref<16384xf32, #tpu.memory_space<hbm>>) target(%arg7 : memref<16384xf32, #tpu.memory_space<vmem>>) target_semaphore(%arg17 : memref<!tpu.dma_semaphore, #tpu.memory_space<semaphore_mem>>)
    %dma_wait3A_311 = tpu.memref_slice %arg3[%mul3A_226] : memref<4194304xf32, #tpu.memory_space<hbm>> -> memref<16384xf32, #tpu.memory_space<hbm>>
    %dma_wait3A_312 = tpu.memref_slice %arg3[%mul3A_226] : memref<4194304xf32, #tpu.memory_space<hbm>> -> memref<16384xf32, #tpu.memory_space<hbm>>
    tpu.wait_dma2 semaphore(%arg20 : memref<!tpu.dma_semaphore, #tpu.memory_space<semaphore_mem>>) src(%arg13 : memref<16384xf32, #tpu.memory_space<vmem>>) dst(%dma_wait3A_312 : memref<16384xf32, #tpu.memory_space<hbm>>)
    %dma_wait3A_313 = arith.constant 0 : i32
    %dma_wait3A_314 = tpu.memref_slice %arg4[%select_n3A_224, %dma_wait3A_313] : memref<8192x512xi32, #tpu.memory_space<hbm>> -> memref<32x384xi32, #tpu.memory_space<hbm>>
    %dma_wait3A_315 = arith.constant 0 : i32
    %dma_wait3A_316 = tpu.memref_slice %arg4[%select_n3A_224, %dma_wait3A_315] : memref<8192x512xi32, #tpu.memory_space<hbm>> -> memref<32x384xi32, #tpu.memory_space<hbm>>
    tpu.wait_dma2 semaphore(%arg20 : memref<!tpu.dma_semaphore, #tpu.memory_space<semaphore_mem>>) src(%arg14 : memref<32x384xi32, #tpu.memory_space<vmem>>) dst(%dma_wait3A_316 : memref<32x384xi32, #tpu.memory_space<hbm>>)
    %dma_wait3A_317 = tpu.memref_slice %arg5[%add3A_200] : memref<1048576xi32, #tpu.memory_space<hbm>> -> memref<4096xi32, #tpu.memory_space<hbm>>
    %dma_wait3A_318 = tpu.memref_slice %arg5[%add3A_200] : memref<1048576xi32, #tpu.memory_space<hbm>> -> memref<4096xi32, #tpu.memory_space<hbm>>
    tpu.wait_dma2 semaphore(%arg20 : memref<!tpu.dma_semaphore, #tpu.memory_space<semaphore_mem>>) src(%arg15 : memref<4096xi32, #tpu.memory_space<vmem>>) dst(%dma_wait3A_318 : memref<4096xi32, #tpu.memory_space<hbm>>)
    %dma_wait3A_319 = arith.constant 0 : i32
    %dma_wait3A_320 = tpu.memref_slice %arg6[%select_n3A_224, %dma_wait3A_319] : memref<8192x512xf32, #tpu.memory_space<hbm>> -> memref<32x384xf32, #tpu.memory_space<hbm>>
    %dma_wait3A_321 = arith.constant 0 : i32
    %dma_wait3A_322 = tpu.memref_slice %arg6[%select_n3A_224, %dma_wait3A_321] : memref<8192x512xf32, #tpu.memory_space<hbm>> -> memref<32x384xf32, #tpu.memory_space<hbm>>
    tpu.wait_dma2 semaphore(%arg20 : memref<!tpu.dma_semaphore, #tpu.memory_space<semaphore_mem>>) src(%arg16 : memref<32x384xf32, #tpu.memory_space<vmem>>) dst(%dma_wait3A_322 : memref<32x384xf32, #tpu.memory_space<hbm>>)
    %dma_wait3A_323 = tpu.memref_slice %arg2[%mul3A_242] : memref<4194304xf32, #tpu.memory_space<hbm>> -> memref<16384xf32, #tpu.memory_space<hbm>>
    %dma_wait3A_324 = tpu.memref_slice %arg2[%mul3A_242] : memref<4194304xf32, #tpu.memory_space<hbm>> -> memref<16384xf32, #tpu.memory_space<hbm>>
    tpu.wait_dma2 semaphore(%arg18 : memref<!tpu.dma_semaphore, #tpu.memory_space<semaphore_mem>>) src(%dma_wait3A_324 : memref<16384xf32, #tpu.memory_space<hbm>>) dst(%arg12 : memref<16384xf32, #tpu.memory_space<vmem>>)
    %add3A_325 = arith.constant 20480 : i32
    %add3A_326 = arith.addi %rem3A_3, %add3A_325 : i32
    %iota3A_327 = tpu.iota {dimensions = array<i32: 0>} : vector<16xi32>
    %parallel_loop3A_328 = arith.constant 0 : i32
    %parallel_loop3A_329 = arith.constant 256 : i32
    %parallel_loop3A_330 = arith.constant 1 : i32
    scf.for %parallel_loop3A_521 = %parallel_loop3A_328 to %parallel_loop3A_329 step %parallel_loop3A_330  : i32 {
      %parallel_loop3A_522 = arith.constant 3 : i32
      %parallel_loop3A_523 = arith.shrsi %parallel_loop3A_521, %parallel_loop3A_522 : i32
      %parallel_loop3A_524 = arith.constant 7 : i32
      %parallel_loop3A_525 = arith.andi %parallel_loop3A_521, %parallel_loop3A_524 : i32
      %parallel_loop3A_526 = arith.constant 512 : i32
      %parallel_loop3A_527 = arith.muli %parallel_loop3A_523, %parallel_loop3A_526 : i32
      %parallel_loop3A_528 = arith.constant 16 : i32
      %parallel_loop3A_529 = arith.muli %parallel_loop3A_525, %parallel_loop3A_528 : i32
      %parallel_loop3A_530 = arith.addi %parallel_loop3A_527, %parallel_loop3A_529 : i32
      %parallel_loop3A_531 = arith.index_cast %parallel_loop3A_530 : i32 to index
      %parallel_loop3A_532 = tpu.vector_load %arg12[%parallel_loop3A_531] {strides = array<i32>} : memref<16384xf32, #tpu.memory_space<vmem>>, vector<16xf32>,
      %parallel_loop3A_533 = arith.constant 128 : i32
      %parallel_loop3A_534 = arith.addi %parallel_loop3A_530, %parallel_loop3A_533 : i32
      %parallel_loop3A_535 = arith.index_cast %parallel_loop3A_534 : i32 to index
      %parallel_loop3A_536 = tpu.vector_load %arg12[%parallel_loop3A_535] {strides = array<i32>} : memref<16384xf32, #tpu.memory_space<vmem>>, vector<16xf32>,
      %parallel_loop3A_537 = arith.constant 256 : i32
      %parallel_loop3A_538 = arith.addi %parallel_loop3A_530, %parallel_loop3A_537 : i32
      %parallel_loop3A_539 = arith.index_cast %parallel_loop3A_538 : i32 to index
      %parallel_loop3A_540 = tpu.vector_load %arg12[%parallel_loop3A_539] {strides = array<i32>} : memref<16384xf32, #tpu.memory_space<vmem>>, vector<16xf32>,
      %parallel_loop3A_541 = arith.constant 384 : i32
      %parallel_loop3A_542 = arith.addi %parallel_loop3A_530, %parallel_loop3A_541 : i32
      %parallel_loop3A_543 = arith.index_cast %parallel_loop3A_542 : i32 to index
      %parallel_loop3A_544 = tpu.vector_load %arg12[%parallel_loop3A_543] {strides = array<i32>} : memref<16384xf32, #tpu.memory_space<vmem>>, vector<16xf32>,
      %parallel_loop3A_545 = arith.cmpf one, %parallel_loop3A_532, %parallel_loop3A_532 : vector<16xf32>
      %parallel_loop3A_546 = arith.cmpf one, %parallel_loop3A_536, %parallel_loop3A_536 : vector<16xf32>
      %parallel_loop3A_547 = arith.ori %parallel_loop3A_545, %parallel_loop3A_546 : vector<16xi1>
      %parallel_loop3A_548 = arith.cmpf one, %parallel_loop3A_540, %parallel_loop3A_540 : vector<16xf32>
      %parallel_loop3A_549 = arith.ori %parallel_loop3A_547, %parallel_loop3A_548 : vector<16xi1>
      %parallel_loop3A_550 = arith.cmpf one, %parallel_loop3A_544, %parallel_loop3A_544 : vector<16xf32>
      %parallel_loop3A_551 = arith.ori %parallel_loop3A_549, %parallel_loop3A_550 : vector<16xi1>
      %parallel_loop3A_552 = arith.constant 0.000000e+00 : f32
      %parallel_loop3A_553 = vector.broadcast %parallel_loop3A_552 : f32 to vector<16xf32>
      %parallel_loop3A_554 = arith.select %parallel_loop3A_551, %parallel_loop3A_553, %parallel_loop3A_532 : vector<16xi1>, vector<16xf32>
      %parallel_loop3A_555 = arith.constant 0.000000e+00 : f32
      %parallel_loop3A_556 = vector.broadcast %parallel_loop3A_555 : f32 to vector<16xf32>
      %parallel_loop3A_557 = arith.select %parallel_loop3A_551, %parallel_loop3A_556, %parallel_loop3A_536 : vector<16xi1>, vector<16xf32>
      %parallel_loop3A_558 = arith.constant 0.000000e+00 : f32
      %parallel_loop3A_559 = vector.broadcast %parallel_loop3A_558 : f32 to vector<16xf32>
      %parallel_loop3A_560 = arith.select %parallel_loop3A_551, %parallel_loop3A_559, %parallel_loop3A_540 : vector<16xi1>, vector<16xf32>
      %parallel_loop3A_561 = arith.constant 0.000000e+00 : f32
      %parallel_loop3A_562 = vector.broadcast %parallel_loop3A_561 : f32 to vector<16xf32>
      %parallel_loop3A_563 = arith.select %parallel_loop3A_551, %parallel_loop3A_562, %parallel_loop3A_544 : vector<16xi1>, vector<16xf32>
      %parallel_loop3A_564 = arith.constant -5.120000e+01 : f32
      %parallel_loop3A_565 = vector.broadcast %parallel_loop3A_564 : f32 to vector<16xf32>
      %parallel_loop3A_566 = arith.subf %parallel_loop3A_554, %parallel_loop3A_565 : vector<16xf32>
      %parallel_loop3A_567 = arith.constant 1.000000e+01 : f32
      %parallel_loop3A_568 = vector.broadcast %parallel_loop3A_567 : f32 to vector<16xf32>
      %parallel_loop3A_569 = arith.mulf %parallel_loop3A_566, %parallel_loop3A_568 : vector<16xf32>
      %parallel_loop3A_570 = arith.constant -5.120000e+01 : f32
      %parallel_loop3A_571 = vector.broadcast %parallel_loop3A_570 : f32 to vector<16xf32>
      %parallel_loop3A_572 = arith.subf %parallel_loop3A_557, %parallel_loop3A_571 : vector<16xf32>
      %parallel_loop3A_573 = arith.constant 1.000000e+01 : f32
      %parallel_loop3A_574 = vector.broadcast %parallel_loop3A_573 : f32 to vector<16xf32>
      %parallel_loop3A_575 = arith.mulf %parallel_loop3A_572, %parallel_loop3A_574 : vector<16xf32>
      %parallel_loop3A_576 = arith.constant -5.000000e+00 : f32
      %parallel_loop3A_577 = vector.broadcast %parallel_loop3A_576 : f32 to vector<16xf32>
      %parallel_loop3A_578 = arith.subf %parallel_loop3A_560, %parallel_loop3A_577 : vector<16xf32>
      %parallel_loop3A_579 = arith.constant 5.000000e+00 : f32
      %parallel_loop3A_580 = vector.broadcast %parallel_loop3A_579 : f32 to vector<16xf32>
      %parallel_loop3A_581 = arith.mulf %parallel_loop3A_578, %parallel_loop3A_580 : vector<16xf32>
      %parallel_loop3A_582 = arith.fptosi %parallel_loop3A_569 : vector<16xf32> to vector<16xi32>
      %parallel_loop3A_583 = arith.fptosi %parallel_loop3A_575 : vector<16xf32> to vector<16xi32>
      %parallel_loop3A_584 = arith.fptosi %parallel_loop3A_581 : vector<16xf32> to vector<16xi32>
      %parallel_loop3A_585 = arith.sitofp %parallel_loop3A_582 : vector<16xi32> to vector<16xf32>
      %parallel_loop3A_586 = arith.cmpf ogt, %parallel_loop3A_585, %parallel_loop3A_569 : vector<16xf32>
      %parallel_loop3A_587 = arith.constant 1 : i32
      %parallel_loop3A_588 = vector.broadcast %parallel_loop3A_587 : i32 to vector<16xi32>
      %parallel_loop3A_589 = arith.subi %parallel_loop3A_582, %parallel_loop3A_588 : vector<16xi32>
      %parallel_loop3A_590 = arith.select %parallel_loop3A_586, %parallel_loop3A_589, %parallel_loop3A_582 : vector<16xi1>, vector<16xi32>
      %parallel_loop3A_591 = arith.sitofp %parallel_loop3A_583 : vector<16xi32> to vector<16xf32>
      %parallel_loop3A_592 = arith.cmpf ogt, %parallel_loop3A_591, %parallel_loop3A_575 : vector<16xf32>
      %parallel_loop3A_593 = arith.constant 1 : i32
      %parallel_loop3A_594 = vector.broadcast %parallel_loop3A_593 : i32 to vector<16xi32>
      %parallel_loop3A_595 = arith.subi %parallel_loop3A_583, %parallel_loop3A_594 : vector<16xi32>
      %parallel_loop3A_596 = arith.select %parallel_loop3A_592, %parallel_loop3A_595, %parallel_loop3A_583 : vector<16xi1>, vector<16xi32>
      %parallel_loop3A_597 = arith.sitofp %parallel_loop3A_584 : vector<16xi32> to vector<16xf32>
      %parallel_loop3A_598 = arith.cmpf ogt, %parallel_loop3A_597, %parallel_loop3A_581 : vector<16xf32>
      %parallel_loop3A_599 = arith.constant 1 : i32
      %parallel_loop3A_600 = vector.broadcast %parallel_loop3A_599 : i32 to vector<16xi32>
      %parallel_loop3A_601 = arith.subi %parallel_loop3A_584, %parallel_loop3A_600 : vector<16xi32>
      %parallel_loop3A_602 = arith.select %parallel_loop3A_598, %parallel_loop3A_601, %parallel_loop3A_584 : vector<16xi1>, vector<16xi32>
      %parallel_loop3A_603 = arith.constant 0 : i32
      %parallel_loop3A_604 = vector.broadcast %parallel_loop3A_603 : i32 to vector<16xi32>
      %parallel_loop3A_605 = arith.cmpi sge, %parallel_loop3A_590, %parallel_loop3A_604 : vector<16xi32>
      %parallel_loop3A_606 = arith.constant 1024 : i32
      %parallel_loop3A_607 = vector.broadcast %parallel_loop3A_606 : i32 to vector<16xi32>
      %parallel_loop3A_608 = arith.cmpi slt, %parallel_loop3A_590, %parallel_loop3A_607 : vector<16xi32>
      %parallel_loop3A_609 = arith.andi %parallel_loop3A_605, %parallel_loop3A_608 : vector<16xi1>
      %parallel_loop3A_610 = arith.constant 0 : i32
      %parallel_loop3A_611 = vector.broadcast %parallel_loop3A_610 : i32 to vector<16xi32>
      %parallel_loop3A_612 = arith.cmpi sge, %parallel_loop3A_596, %parallel_loop3A_611 : vector<16xi32>
      %parallel_loop3A_613 = arith.andi %parallel_loop3A_609, %parallel_loop3A_612 : vector<16xi1>
      %parallel_loop3A_614 = arith.constant 1024 : i32
      %parallel_loop3A_615 = vector.broadcast %parallel_loop3A_614 : i32 to vector<16xi32>
      %parallel_loop3A_616 = arith.cmpi slt, %parallel_loop3A_596, %parallel_loop3A_615 : vector<16xi32>
      %parallel_loop3A_617 = arith.andi %parallel_loop3A_613, %parallel_loop3A_616 : vector<16xi1>
      %parallel_loop3A_618 = arith.constant 0 : i32
      %parallel_loop3A_619 = vector.broadcast %parallel_loop3A_618 : i32 to vector<16xi32>
      %parallel_loop3A_620 = arith.cmpi sge, %parallel_loop3A_602, %parallel_loop3A_619 : vector<16xi32>
      %parallel_loop3A_621 = arith.andi %parallel_loop3A_617, %parallel_loop3A_620 : vector<16xi1>
      %parallel_loop3A_622 = arith.constant 40 : i32
      %parallel_loop3A_623 = vector.broadcast %parallel_loop3A_622 : i32 to vector<16xi32>
      %parallel_loop3A_624 = arith.cmpi slt, %parallel_loop3A_602, %parallel_loop3A_623 : vector<16xi32>
      %parallel_loop3A_625 = arith.andi %parallel_loop3A_621, %parallel_loop3A_624 : vector<16xi1>
      %parallel_loop3A_626 = arith.constant 0.000000e+00 : f32
      %parallel_loop3A_627 = vector.broadcast %parallel_loop3A_626 : f32 to vector<16xf32>
      %parallel_loop3A_628 = arith.constant 0 : i32
      %parallel_loop3A_629 = vector.broadcast %parallel_loop3A_628 : i32 to vector<16xi32>
      %parallel_loop3A_630 = arith.select %parallel_loop3A_625, %parallel_loop3A_554, %parallel_loop3A_627 : vector<16xi1>, vector<16xf32>
      %parallel_loop3A_631 = arith.select %parallel_loop3A_625, %parallel_loop3A_557, %parallel_loop3A_627 : vector<16xi1>, vector<16xf32>
      %parallel_loop3A_632 = arith.select %parallel_loop3A_625, %parallel_loop3A_560, %parallel_loop3A_627 : vector<16xi1>, vector<16xf32>
      %parallel_loop3A_633 = arith.select %parallel_loop3A_625, %parallel_loop3A_563, %parallel_loop3A_627 : vector<16xi1>, vector<16xf32>
      %parallel_loop3A_634 = arith.select %parallel_loop3A_625, %parallel_loop3A_590, %parallel_loop3A_629 : vector<16xi1>, vector<16xi32>
      %parallel_loop3A_635 = arith.select %parallel_loop3A_625, %parallel_loop3A_596, %parallel_loop3A_629 : vector<16xi1>, vector<16xi32>
      %parallel_loop3A_636 = arith.select %parallel_loop3A_625, %parallel_loop3A_602, %parallel_loop3A_629 : vector<16xi1>, vector<16xi32>
      %parallel_loop3A_637 = arith.constant dense<true> : vector<16xi1>
      %parallel_loop3A_638 = arith.xori %parallel_loop3A_551, %parallel_loop3A_637 : vector<16xi1>
      %parallel_loop3A_639 = arith.andi %parallel_loop3A_625, %parallel_loop3A_638 : vector<16xi1>
      %parallel_loop3A_640 = arith.constant 16 : i32
      %parallel_loop3A_641 = arith.muli %parallel_loop3A_521, %parallel_loop3A_640 : i32
      %parallel_loop3A_642 = arith.addi %add3A_326, %parallel_loop3A_641 : i32
      %parallel_loop3A_643 = vector.broadcast %parallel_loop3A_642 : i32 to vector<16xi32>
      %parallel_loop3A_644 = arith.addi %iota3A_327, %parallel_loop3A_643 : vector<16xi32>
      %parallel_loop3A_645 = arith.select %parallel_loop3A_639, %parallel_loop3A_644, %parallel_loop3A_629 : vector<16xi1>, vector<16xi32>
      %parallel_loop3A_646 = arith.sitofp %parallel_loop3A_634 : vector<16xi32> to vector<16xf32>
      %parallel_loop3A_647 = arith.constant 1.000000e-01 : f32
      %parallel_loop3A_648 = vector.broadcast %parallel_loop3A_647 : f32 to vector<16xf32>
      %parallel_loop3A_649 = arith.mulf %parallel_loop3A_646, %parallel_loop3A_648 : vector<16xf32>
      %parallel_loop3A_650 = arith.constant -5.120000e+01 : f32
      %parallel_loop3A_651 = vector.broadcast %parallel_loop3A_650 : f32 to vector<16xf32>
      %parallel_loop3A_652 = arith.addf %parallel_loop3A_649, %parallel_loop3A_651 : vector<16xf32>
      %parallel_loop3A_653 = arith.constant 5.000000e-02 : f32
      %parallel_loop3A_654 = vector.broadcast %parallel_loop3A_653 : f32 to vector<16xf32>
      %parallel_loop3A_655 = arith.addf %parallel_loop3A_652, %parallel_loop3A_654 : vector<16xf32>
      %parallel_loop3A_656 = arith.sitofp %parallel_loop3A_635 : vector<16xi32> to vector<16xf32>
      %parallel_loop3A_657 = arith.constant 1.000000e-01 : f32
      %parallel_loop3A_658 = vector.broadcast %parallel_loop3A_657 : f32 to vector<16xf32>
      %parallel_loop3A_659 = arith.mulf %parallel_loop3A_656, %parallel_loop3A_658 : vector<16xf32>
      %parallel_loop3A_660 = arith.constant -5.120000e+01 : f32
      %parallel_loop3A_661 = vector.broadcast %parallel_loop3A_660 : f32 to vector<16xf32>
      %parallel_loop3A_662 = arith.addf %parallel_loop3A_659, %parallel_loop3A_661 : vector<16xf32>
      %parallel_loop3A_663 = arith.constant 5.000000e-02 : f32
      %parallel_loop3A_664 = vector.broadcast %parallel_loop3A_663 : f32 to vector<16xf32>
      %parallel_loop3A_665 = arith.addf %parallel_loop3A_662, %parallel_loop3A_664 : vector<16xf32>
      %parallel_loop3A_666 = arith.sitofp %parallel_loop3A_636 : vector<16xi32> to vector<16xf32>
      %parallel_loop3A_667 = arith.constant 2.000000e-01 : f32
      %parallel_loop3A_668 = vector.broadcast %parallel_loop3A_667 : f32 to vector<16xf32>
      %parallel_loop3A_669 = arith.mulf %parallel_loop3A_666, %parallel_loop3A_668 : vector<16xf32>
      %parallel_loop3A_670 = arith.constant -5.000000e+00 : f32
      %parallel_loop3A_671 = vector.broadcast %parallel_loop3A_670 : f32 to vector<16xf32>
      %parallel_loop3A_672 = arith.addf %parallel_loop3A_669, %parallel_loop3A_671 : vector<16xf32>
      %parallel_loop3A_673 = arith.constant 1.000000e-01 : f32
      %parallel_loop3A_674 = vector.broadcast %parallel_loop3A_673 : f32 to vector<16xf32>
      %parallel_loop3A_675 = arith.addf %parallel_loop3A_672, %parallel_loop3A_674 : vector<16xf32>
      %parallel_loop3A_676 = arith.index_cast %parallel_loop3A_530 : i32 to index
      %parallel_loop3A_677 = tpu.vector_load %arg13[%parallel_loop3A_676] {strides = array<i32>} : memref<16384xf32, #tpu.memory_space<vmem>>, vector<16xf32>,
      tpu.vector_store %arg13[%parallel_loop3A_676], %parallel_loop3A_630 {strides = array<i32>} : memref<16384xf32, #tpu.memory_space<vmem>>, vector<16xf32>,
      %parallel_loop3A_678 = arith.constant 128 : i32
      %parallel_loop3A_679 = arith.addi %parallel_loop3A_530, %parallel_loop3A_678 : i32
      %parallel_loop3A_680 = arith.index_cast %parallel_loop3A_679 : i32 to index
      %parallel_loop3A_681 = tpu.vector_load %arg13[%parallel_loop3A_680] {strides = array<i32>} : memref<16384xf32, #tpu.memory_space<vmem>>, vector<16xf32>,
      tpu.vector_store %arg13[%parallel_loop3A_680], %parallel_loop3A_631 {strides = array<i32>} : memref<16384xf32, #tpu.memory_space<vmem>>, vector<16xf32>,
      %parallel_loop3A_682 = arith.constant 256 : i32
      %parallel_loop3A_683 = arith.addi %parallel_loop3A_530, %parallel_loop3A_682 : i32
      %parallel_loop3A_684 = arith.index_cast %parallel_loop3A_683 : i32 to index
      %parallel_loop3A_685 = tpu.vector_load %arg13[%parallel_loop3A_684] {strides = array<i32>} : memref<16384xf32, #tpu.memory_space<vmem>>, vector<16xf32>,
      tpu.vector_store %arg13[%parallel_loop3A_684], %parallel_loop3A_632 {strides = array<i32>} : memref<16384xf32, #tpu.memory_space<vmem>>, vector<16xf32>,
      %parallel_loop3A_686 = arith.constant 384 : i32
      %parallel_loop3A_687 = arith.addi %parallel_loop3A_530, %parallel_loop3A_686 : i32
      %parallel_loop3A_688 = arith.index_cast %parallel_loop3A_687 : i32 to index
      %parallel_loop3A_689 = tpu.vector_load %arg13[%parallel_loop3A_688] {strides = array<i32>} : memref<16384xf32, #tpu.memory_space<vmem>>, vector<16xf32>,
      tpu.vector_store %arg13[%parallel_loop3A_688], %parallel_loop3A_633 {strides = array<i32>} : memref<16384xf32, #tpu.memory_space<vmem>>, vector<16xf32>,
      %parallel_loop3A_690 = arith.constant 16 : i32
      %parallel_loop3A_691 = arith.muli %parallel_loop3A_525, %parallel_loop3A_690 : i32
      %parallel_loop3A_692 = arith.index_cast %parallel_loop3A_523 : i32 to index
      %parallel_loop3A_693 = arith.index_cast %parallel_loop3A_691 : i32 to index
      %parallel_loop3A_694 = tpu.vector_load %arg14[%parallel_loop3A_692, %parallel_loop3A_693] {strides = array<i32>} : memref<32x384xi32, #tpu.memory_space<vmem>>, vector<16xi32>,
      tpu.vector_store %arg14[%parallel_loop3A_692, %parallel_loop3A_693], %parallel_loop3A_636 {strides = array<i32>} : memref<32x384xi32, #tpu.memory_space<vmem>>, vector<16xi32>,
      %parallel_loop3A_695 = arith.constant 128 : i32
      %parallel_loop3A_696 = arith.addi %parallel_loop3A_691, %parallel_loop3A_695 : i32
      %parallel_loop3A_697 = arith.index_cast %parallel_loop3A_523 : i32 to index
      %parallel_loop3A_698 = arith.index_cast %parallel_loop3A_696 : i32 to index
      %parallel_loop3A_699 = tpu.vector_load %arg14[%parallel_loop3A_697, %parallel_loop3A_698] {strides = array<i32>} : memref<32x384xi32, #tpu.memory_space<vmem>>, vector<16xi32>,
      tpu.vector_store %arg14[%parallel_loop3A_697, %parallel_loop3A_698], %parallel_loop3A_635 {strides = array<i32>} : memref<32x384xi32, #tpu.memory_space<vmem>>, vector<16xi32>,
      %parallel_loop3A_700 = arith.constant 256 : i32
      %parallel_loop3A_701 = arith.addi %parallel_loop3A_691, %parallel_loop3A_700 : i32
      %parallel_loop3A_702 = arith.index_cast %parallel_loop3A_523 : i32 to index
      %parallel_loop3A_703 = arith.index_cast %parallel_loop3A_701 : i32 to index
      %parallel_loop3A_704 = tpu.vector_load %arg14[%parallel_loop3A_702, %parallel_loop3A_703] {strides = array<i32>} : memref<32x384xi32, #tpu.memory_space<vmem>>, vector<16xi32>,
      tpu.vector_store %arg14[%parallel_loop3A_702, %parallel_loop3A_703], %parallel_loop3A_634 {strides = array<i32>} : memref<32x384xi32, #tpu.memory_space<vmem>>, vector<16xi32>,
      %parallel_loop3A_705 = arith.subf %parallel_loop3A_630, %parallel_loop3A_655 : vector<16xf32>
      %parallel_loop3A_706 = arith.index_cast %parallel_loop3A_523 : i32 to index
      %parallel_loop3A_707 = arith.index_cast %parallel_loop3A_691 : i32 to index
      %parallel_loop3A_708 = tpu.vector_load %arg16[%parallel_loop3A_706, %parallel_loop3A_707] {strides = array<i32>} : memref<32x384xf32, #tpu.memory_space<vmem>>, vector<16xf32>,
      tpu.vector_store %arg16[%parallel_loop3A_706, %parallel_loop3A_707], %parallel_loop3A_705 {strides = array<i32>} : memref<32x384xf32, #tpu.memory_space<vmem>>, vector<16xf32>,
      %parallel_loop3A_709 = arith.subf %parallel_loop3A_631, %parallel_loop3A_665 : vector<16xf32>
      %parallel_loop3A_710 = arith.constant 128 : i32
      %parallel_loop3A_711 = arith.addi %parallel_loop3A_691, %parallel_loop3A_710 : i32
      %parallel_loop3A_712 = arith.index_cast %parallel_loop3A_523 : i32 to index
      %parallel_loop3A_713 = arith.index_cast %parallel_loop3A_711 : i32 to index
      %parallel_loop3A_714 = tpu.vector_load %arg16[%parallel_loop3A_712, %parallel_loop3A_713] {strides = array<i32>} : memref<32x384xf32, #tpu.memory_space<vmem>>, vector<16xf32>,
      tpu.vector_store %arg16[%parallel_loop3A_712, %parallel_loop3A_713], %parallel_loop3A_709 {strides = array<i32>} : memref<32x384xf32, #tpu.memory_space<vmem>>, vector<16xf32>,
      %parallel_loop3A_715 = arith.subf %parallel_loop3A_632, %parallel_loop3A_675 : vector<16xf32>
      %parallel_loop3A_716 = arith.constant 256 : i32
      %parallel_loop3A_717 = arith.addi %parallel_loop3A_691, %parallel_loop3A_716 : i32
      %parallel_loop3A_718 = arith.index_cast %parallel_loop3A_523 : i32 to index
      %parallel_loop3A_719 = arith.index_cast %parallel_loop3A_717 : i32 to index
      %parallel_loop3A_720 = tpu.vector_load %arg16[%parallel_loop3A_718, %parallel_loop3A_719] {strides = array<i32>} : memref<32x384xf32, #tpu.memory_space<vmem>>, vector<16xf32>,
      tpu.vector_store %arg16[%parallel_loop3A_718, %parallel_loop3A_719], %parallel_loop3A_715 {strides = array<i32>} : memref<32x384xf32, #tpu.memory_space<vmem>>, vector<16xf32>,
      %parallel_loop3A_721 = arith.constant 16 : i32
      %parallel_loop3A_722 = arith.muli %parallel_loop3A_521, %parallel_loop3A_721 : i32
      %parallel_loop3A_723 = arith.index_cast %parallel_loop3A_722 : i32 to index
      %parallel_loop3A_724 = tpu.vector_load %arg15[%parallel_loop3A_723] {strides = array<i32>} : memref<4096xi32, #tpu.memory_space<vmem>>, vector<16xi32>,
      tpu.vector_store %arg15[%parallel_loop3A_723], %parallel_loop3A_645 {strides = array<i32>} : memref<4096xi32, #tpu.memory_space<vmem>>, vector<16xi32>,
    } {sc.loop_unroll_factor = 2 : i64, sc.parallel_access}
    %add3A_331 = arith.constant 20480 : i32
    %add3A_332 = arith.addi %mul3A_2, %add3A_331 : i32
    %jit3A_333 = arith.constant 128 : i32
    %div3A_334 = arith.divsi %add3A_332, %jit3A_333 : i32
    %sign3A_335 = arith.constant 0 : i32
    %sign3A_336 = arith.cmpi sgt, %add3A_332, %sign3A_335 : i32
    %sign3A_337 = arith.extui %sign3A_336 : i1 to i32
    %sign3A_338 = arith.constant 0 : i32
    %sign3A_339 = arith.cmpi slt, %add3A_332, %sign3A_338 : i32
    %sign3A_340 = arith.extui %sign3A_339 : i1 to i32
    %sign3A_341 = arith.subi %sign3A_337, %sign3A_340 : i32
    %sign3A_342 = arith.constant 0 : i32
    %sign3A_343 = arith.cmpi sgt, %jit3A_333, %sign3A_342 : i32
    %sign3A_344 = arith.extui %sign3A_343 : i1 to i32
    %sign3A_345 = arith.constant 0 : i32
    %sign3A_346 = arith.cmpi slt, %jit3A_333, %sign3A_345 : i32
    %sign3A_347 = arith.extui %sign3A_346 : i1 to i32
    %sign3A_348 = arith.subi %sign3A_344, %sign3A_347 : i32
    %ne3A_349 = arith.cmpi ne, %sign3A_341, %sign3A_348 : i32
    %rem3A_350 = arith.remsi %add3A_332, %jit3A_333 : i32
    %ne3A_351 = arith.constant 0 : i32
    %ne3A_352 = arith.cmpi ne, %rem3A_350, %ne3A_351 : i32
    %and3A_353 = arith.andi %ne3A_349, %ne3A_352 : i1
    %sub3A_354 = arith.constant 1 : i32
    %sub3A_355 = arith.subi %div3A_334, %sub3A_354 : i32
    %select_n3A_356 = arith.select %and3A_353, %sub3A_355, %div3A_334 : i32
    %mul3A_357 = arith.constant 4 : i32
    %mul3A_358 = arith.muli %add3A_332, %mul3A_357 : i32
    %dma_start3A_359 = tpu.memref_slice %arg3[%mul3A_358] : memref<4194304xf32, #tpu.memory_space<hbm>> -> memref<16384xf32, #tpu.memory_space<hbm>>
    %dma_start3A_360 = tpu.memref_slice %arg3[%mul3A_358] : memref<4194304xf32, #tpu.memory_space<hbm>> -> memref<16384xf32, #tpu.memory_space<hbm>>
    tpu.enqueue_dma source(%arg13 : memref<16384xf32, #tpu.memory_space<vmem>>) target(%dma_start3A_360 : memref<16384xf32, #tpu.memory_space<hbm>>) target_semaphore(%arg20 : memref<!tpu.dma_semaphore, #tpu.memory_space<semaphore_mem>>)
    %dma_start3A_361 = arith.constant 0 : i32
    %dma_start3A_362 = tpu.memref_slice %arg4[%select_n3A_356, %dma_start3A_361] : memref<8192x512xi32, #tpu.memory_space<hbm>> -> memref<32x384xi32, #tpu.memory_space<hbm>>
    %dma_start3A_363 = arith.constant 0 : i32
    %dma_start3A_364 = tpu.memref_slice %arg4[%select_n3A_356, %dma_start3A_363] : memref<8192x512xi32, #tpu.memory_space<hbm>> -> memref<32x384xi32, #tpu.memory_space<hbm>>
    tpu.enqueue_dma source(%arg14 : memref<32x384xi32, #tpu.memory_space<vmem>>) target(%dma_start3A_364 : memref<32x384xi32, #tpu.memory_space<hbm>>) target_semaphore(%arg20 : memref<!tpu.dma_semaphore, #tpu.memory_space<semaphore_mem>>)
    %dma_start3A_365 = tpu.memref_slice %arg5[%add3A_332] : memref<1048576xi32, #tpu.memory_space<hbm>> -> memref<4096xi32, #tpu.memory_space<hbm>>
    %dma_start3A_366 = tpu.memref_slice %arg5[%add3A_332] : memref<1048576xi32, #tpu.memory_space<hbm>> -> memref<4096xi32, #tpu.memory_space<hbm>>
    tpu.enqueue_dma source(%arg15 : memref<4096xi32, #tpu.memory_space<vmem>>) target(%dma_start3A_366 : memref<4096xi32, #tpu.memory_space<hbm>>) target_semaphore(%arg20 : memref<!tpu.dma_semaphore, #tpu.memory_space<semaphore_mem>>)
    %dma_start3A_367 = arith.constant 0 : i32
    %dma_start3A_368 = tpu.memref_slice %arg6[%select_n3A_356, %dma_start3A_367] : memref<8192x512xf32, #tpu.memory_space<hbm>> -> memref<32x384xf32, #tpu.memory_space<hbm>>
    %dma_start3A_369 = arith.constant 0 : i32
    %dma_start3A_370 = tpu.memref_slice %arg6[%select_n3A_356, %dma_start3A_369] : memref<8192x512xf32, #tpu.memory_space<hbm>> -> memref<32x384xf32, #tpu.memory_space<hbm>>
    tpu.enqueue_dma source(%arg16 : memref<32x384xf32, #tpu.memory_space<vmem>>) target(%dma_start3A_370 : memref<32x384xf32, #tpu.memory_space<hbm>>) target_semaphore(%arg20 : memref<!tpu.dma_semaphore, #tpu.memory_space<semaphore_mem>>)
    %add3A_371 = arith.constant 28672 : i32
    %add3A_372 = arith.addi %mul3A_2, %add3A_371 : i32
    %mul3A_373 = arith.constant 4 : i32
    %mul3A_374 = arith.muli %add3A_372, %mul3A_373 : i32
    %dma_start3A_375 = tpu.memref_slice %arg2[%mul3A_374] : memref<4194304xf32, #tpu.memory_space<hbm>> -> memref<16384xf32, #tpu.memory_space<hbm>>
    %dma_start3A_376 = tpu.memref_slice %arg2[%mul3A_374] : memref<4194304xf32, #tpu.memory_space<hbm>> -> memref<16384xf32, #tpu.memory_space<hbm>>
    tpu.enqueue_dma source(%dma_start3A_376 : memref<16384xf32, #tpu.memory_space<hbm>>) target(%arg12 : memref<16384xf32, #tpu.memory_space<vmem>>) target_semaphore(%arg18 : memref<!tpu.dma_semaphore, #tpu.memory_space<semaphore_mem>>)
    %dma_wait3A_377 = tpu.memref_slice %arg3[%mul3A_292] : memref<4194304xf32, #tpu.memory_space<hbm>> -> memref<16384xf32, #tpu.memory_space<hbm>>
    %dma_wait3A_378 = tpu.memref_slice %arg3[%mul3A_292] : memref<4194304xf32, #tpu.memory_space<hbm>> -> memref<16384xf32, #tpu.memory_space<hbm>>
    tpu.wait_dma2 semaphore(%arg19 : memref<!tpu.dma_semaphore, #tpu.memory_space<semaphore_mem>>) src(%arg8 : memref<16384xf32, #tpu.memory_space<vmem>>) dst(%dma_wait3A_378 : memref<16384xf32, #tpu.memory_space<hbm>>)
    %dma_wait3A_379 = arith.constant 0 : i32
    %dma_wait3A_380 = tpu.memref_slice %arg4[%select_n3A_290, %dma_wait3A_379] : memref<8192x512xi32, #tpu.memory_space<hbm>> -> memref<32x384xi32, #tpu.memory_space<hbm>>
    %dma_wait3A_381 = arith.constant 0 : i32
    %dma_wait3A_382 = tpu.memref_slice %arg4[%select_n3A_290, %dma_wait3A_381] : memref<8192x512xi32, #tpu.memory_space<hbm>> -> memref<32x384xi32, #tpu.memory_space<hbm>>
    tpu.wait_dma2 semaphore(%arg19 : memref<!tpu.dma_semaphore, #tpu.memory_space<semaphore_mem>>) src(%arg9 : memref<32x384xi32, #tpu.memory_space<vmem>>) dst(%dma_wait3A_382 : memref<32x384xi32, #tpu.memory_space<hbm>>)
    %dma_wait3A_383 = tpu.memref_slice %arg5[%add3A_266] : memref<1048576xi32, #tpu.memory_space<hbm>> -> memref<4096xi32, #tpu.memory_space<hbm>>
    %dma_wait3A_384 = tpu.memref_slice %arg5[%add3A_266] : memref<1048576xi32, #tpu.memory_space<hbm>> -> memref<4096xi32, #tpu.memory_space<hbm>>
    tpu.wait_dma2 semaphore(%arg19 : memref<!tpu.dma_semaphore, #tpu.memory_space<semaphore_mem>>) src(%arg10 : memref<4096xi32, #tpu.memory_space<vmem>>) dst(%dma_wait3A_384 : memref<4096xi32, #tpu.memory_space<hbm>>)
    %dma_wait3A_385 = arith.constant 0 : i32
    %dma_wait3A_386 = tpu.memref_slice %arg6[%select_n3A_290, %dma_wait3A_385] : memref<8192x512xf32, #tpu.memory_space<hbm>> -> memref<32x384xf32, #tpu.memory_space<hbm>>
    %dma_wait3A_387 = arith.constant 0 : i32
    %dma_wait3A_388 = tpu.memref_slice %arg6[%select_n3A_290, %dma_wait3A_387] : memref<8192x512xf32, #tpu.memory_space<hbm>> -> memref<32x384xf32, #tpu.memory_space<hbm>>
    tpu.wait_dma2 semaphore(%arg19 : memref<!tpu.dma_semaphore, #tpu.memory_space<semaphore_mem>>) src(%arg11 : memref<32x384xf32, #tpu.memory_space<vmem>>) dst(%dma_wait3A_388 : memref<32x384xf32, #tpu.memory_space<hbm>>)
    %dma_wait3A_389 = tpu.memref_slice %arg2[%mul3A_308] : memref<4194304xf32, #tpu.memory_space<hbm>> -> memref<16384xf32, #tpu.memory_space<hbm>>
    %dma_wait3A_390 = tpu.memref_slice %arg2[%mul3A_308] : memref<4194304xf32, #tpu.memory_space<hbm>> -> memref<16384xf32, #tpu.memory_space<hbm>>
    tpu.wait_dma2 semaphore(%arg17 : memref<!tpu.dma_semaphore, #tpu.memory_space<semaphore_mem>>) src(%dma_wait3A_390 : memref<16384xf32, #tpu.memory_space<hbm>>) dst(%arg7 : memref<16384xf32, #tpu.memory_space<vmem>>)
    %add3A_391 = arith.constant 24576 : i32
    %add3A_392 = arith.addi %rem3A_3, %add3A_391 : i32
    %iota3A_393 = tpu.iota {dimensions = array<i32: 0>} : vector<16xi32>
    %parallel_loop3A_394 = arith.constant 0 : i32
    %parallel_loop3A_395 = arith.constant 256 : i32
    %parallel_loop3A_396 = arith.constant 1 : i32
    scf.for %parallel_loop3A_521 = %parallel_loop3A_394 to %parallel_loop3A_395 step %parallel_loop3A_396  : i32 {
      %parallel_loop3A_522 = arith.constant 3 : i32
      %parallel_loop3A_523 = arith.shrsi %parallel_loop3A_521, %parallel_loop3A_522 : i32
      %parallel_loop3A_524 = arith.constant 7 : i32
      %parallel_loop3A_525 = arith.andi %parallel_loop3A_521, %parallel_loop3A_524 : i32
      %parallel_loop3A_526 = arith.constant 512 : i32
      %parallel_loop3A_527 = arith.muli %parallel_loop3A_523, %parallel_loop3A_526 : i32
      %parallel_loop3A_528 = arith.constant 16 : i32
      %parallel_loop3A_529 = arith.muli %parallel_loop3A_525, %parallel_loop3A_528 : i32
      %parallel_loop3A_530 = arith.addi %parallel_loop3A_527, %parallel_loop3A_529 : i32
      %parallel_loop3A_531 = arith.index_cast %parallel_loop3A_530 : i32 to index
      %parallel_loop3A_532 = tpu.vector_load %arg7[%parallel_loop3A_531] {strides = array<i32>} : memref<16384xf32, #tpu.memory_space<vmem>>, vector<16xf32>,
      %parallel_loop3A_533 = arith.constant 128 : i32
      %parallel_loop3A_534 = arith.addi %parallel_loop3A_530, %parallel_loop3A_533 : i32
      %parallel_loop3A_535 = arith.index_cast %parallel_loop3A_534 : i32 to index
      %parallel_loop3A_536 = tpu.vector_load %arg7[%parallel_loop3A_535] {strides = array<i32>} : memref<16384xf32, #tpu.memory_space<vmem>>, vector<16xf32>,
      %parallel_loop3A_537 = arith.constant 256 : i32
      %parallel_loop3A_538 = arith.addi %parallel_loop3A_530, %parallel_loop3A_537 : i32
      %parallel_loop3A_539 = arith.index_cast %parallel_loop3A_538 : i32 to index
      %parallel_loop3A_540 = tpu.vector_load %arg7[%parallel_loop3A_539] {strides = array<i32>} : memref<16384xf32, #tpu.memory_space<vmem>>, vector<16xf32>,
      %parallel_loop3A_541 = arith.constant 384 : i32
      %parallel_loop3A_542 = arith.addi %parallel_loop3A_530, %parallel_loop3A_541 : i32
      %parallel_loop3A_543 = arith.index_cast %parallel_loop3A_542 : i32 to index
      %parallel_loop3A_544 = tpu.vector_load %arg7[%parallel_loop3A_543] {strides = array<i32>} : memref<16384xf32, #tpu.memory_space<vmem>>, vector<16xf32>,
      %parallel_loop3A_545 = arith.cmpf one, %parallel_loop3A_532, %parallel_loop3A_532 : vector<16xf32>
      %parallel_loop3A_546 = arith.cmpf one, %parallel_loop3A_536, %parallel_loop3A_536 : vector<16xf32>
      %parallel_loop3A_547 = arith.ori %parallel_loop3A_545, %parallel_loop3A_546 : vector<16xi1>
      %parallel_loop3A_548 = arith.cmpf one, %parallel_loop3A_540, %parallel_loop3A_540 : vector<16xf32>
      %parallel_loop3A_549 = arith.ori %parallel_loop3A_547, %parallel_loop3A_548 : vector<16xi1>
      %parallel_loop3A_550 = arith.cmpf one, %parallel_loop3A_544, %parallel_loop3A_544 : vector<16xf32>
      %parallel_loop3A_551 = arith.ori %parallel_loop3A_549, %parallel_loop3A_550 : vector<16xi1>
      %parallel_loop3A_552 = arith.constant 0.000000e+00 : f32
      %parallel_loop3A_553 = vector.broadcast %parallel_loop3A_552 : f32 to vector<16xf32>
      %parallel_loop3A_554 = arith.select %parallel_loop3A_551, %parallel_loop3A_553, %parallel_loop3A_532 : vector<16xi1>, vector<16xf32>
      %parallel_loop3A_555 = arith.constant 0.000000e+00 : f32
      %parallel_loop3A_556 = vector.broadcast %parallel_loop3A_555 : f32 to vector<16xf32>
      %parallel_loop3A_557 = arith.select %parallel_loop3A_551, %parallel_loop3A_556, %parallel_loop3A_536 : vector<16xi1>, vector<16xf32>
      %parallel_loop3A_558 = arith.constant 0.000000e+00 : f32
      %parallel_loop3A_559 = vector.broadcast %parallel_loop3A_558 : f32 to vector<16xf32>
      %parallel_loop3A_560 = arith.select %parallel_loop3A_551, %parallel_loop3A_559, %parallel_loop3A_540 : vector<16xi1>, vector<16xf32>
      %parallel_loop3A_561 = arith.constant 0.000000e+00 : f32
      %parallel_loop3A_562 = vector.broadcast %parallel_loop3A_561 : f32 to vector<16xf32>
      %parallel_loop3A_563 = arith.select %parallel_loop3A_551, %parallel_loop3A_562, %parallel_loop3A_544 : vector<16xi1>, vector<16xf32>
      %parallel_loop3A_564 = arith.constant -5.120000e+01 : f32
      %parallel_loop3A_565 = vector.broadcast %parallel_loop3A_564 : f32 to vector<16xf32>
      %parallel_loop3A_566 = arith.subf %parallel_loop3A_554, %parallel_loop3A_565 : vector<16xf32>
      %parallel_loop3A_567 = arith.constant 1.000000e+01 : f32
      %parallel_loop3A_568 = vector.broadcast %parallel_loop3A_567 : f32 to vector<16xf32>
      %parallel_loop3A_569 = arith.mulf %parallel_loop3A_566, %parallel_loop3A_568 : vector<16xf32>
      %parallel_loop3A_570 = arith.constant -5.120000e+01 : f32
      %parallel_loop3A_571 = vector.broadcast %parallel_loop3A_570 : f32 to vector<16xf32>
      %parallel_loop3A_572 = arith.subf %parallel_loop3A_557, %parallel_loop3A_571 : vector<16xf32>
      %parallel_loop3A_573 = arith.constant 1.000000e+01 : f32
      %parallel_loop3A_574 = vector.broadcast %parallel_loop3A_573 : f32 to vector<16xf32>
      %parallel_loop3A_575 = arith.mulf %parallel_loop3A_572, %parallel_loop3A_574 : vector<16xf32>
      %parallel_loop3A_576 = arith.constant -5.000000e+00 : f32
      %parallel_loop3A_577 = vector.broadcast %parallel_loop3A_576 : f32 to vector<16xf32>
      %parallel_loop3A_578 = arith.subf %parallel_loop3A_560, %parallel_loop3A_577 : vector<16xf32>
      %parallel_loop3A_579 = arith.constant 5.000000e+00 : f32
      %parallel_loop3A_580 = vector.broadcast %parallel_loop3A_579 : f32 to vector<16xf32>
      %parallel_loop3A_581 = arith.mulf %parallel_loop3A_578, %parallel_loop3A_580 : vector<16xf32>
      %parallel_loop3A_582 = arith.fptosi %parallel_loop3A_569 : vector<16xf32> to vector<16xi32>
      %parallel_loop3A_583 = arith.fptosi %parallel_loop3A_575 : vector<16xf32> to vector<16xi32>
      %parallel_loop3A_584 = arith.fptosi %parallel_loop3A_581 : vector<16xf32> to vector<16xi32>
      %parallel_loop3A_585 = arith.sitofp %parallel_loop3A_582 : vector<16xi32> to vector<16xf32>
      %parallel_loop3A_586 = arith.cmpf ogt, %parallel_loop3A_585, %parallel_loop3A_569 : vector<16xf32>
      %parallel_loop3A_587 = arith.constant 1 : i32
      %parallel_loop3A_588 = vector.broadcast %parallel_loop3A_587 : i32 to vector<16xi32>
      %parallel_loop3A_589 = arith.subi %parallel_loop3A_582, %parallel_loop3A_588 : vector<16xi32>
      %parallel_loop3A_590 = arith.select %parallel_loop3A_586, %parallel_loop3A_589, %parallel_loop3A_582 : vector<16xi1>, vector<16xi32>
      %parallel_loop3A_591 = arith.sitofp %parallel_loop3A_583 : vector<16xi32> to vector<16xf32>
      %parallel_loop3A_592 = arith.cmpf ogt, %parallel_loop3A_591, %parallel_loop3A_575 : vector<16xf32>
      %parallel_loop3A_593 = arith.constant 1 : i32
      %parallel_loop3A_594 = vector.broadcast %parallel_loop3A_593 : i32 to vector<16xi32>
      %parallel_loop3A_595 = arith.subi %parallel_loop3A_583, %parallel_loop3A_594 : vector<16xi32>
      %parallel_loop3A_596 = arith.select %parallel_loop3A_592, %parallel_loop3A_595, %parallel_loop3A_583 : vector<16xi1>, vector<16xi32>
      %parallel_loop3A_597 = arith.sitofp %parallel_loop3A_584 : vector<16xi32> to vector<16xf32>
      %parallel_loop3A_598 = arith.cmpf ogt, %parallel_loop3A_597, %parallel_loop3A_581 : vector<16xf32>
      %parallel_loop3A_599 = arith.constant 1 : i32
      %parallel_loop3A_600 = vector.broadcast %parallel_loop3A_599 : i32 to vector<16xi32>
      %parallel_loop3A_601 = arith.subi %parallel_loop3A_584, %parallel_loop3A_600 : vector<16xi32>
      %parallel_loop3A_602 = arith.select %parallel_loop3A_598, %parallel_loop3A_601, %parallel_loop3A_584 : vector<16xi1>, vector<16xi32>
      %parallel_loop3A_603 = arith.constant 0 : i32
      %parallel_loop3A_604 = vector.broadcast %parallel_loop3A_603 : i32 to vector<16xi32>
      %parallel_loop3A_605 = arith.cmpi sge, %parallel_loop3A_590, %parallel_loop3A_604 : vector<16xi32>
      %parallel_loop3A_606 = arith.constant 1024 : i32
      %parallel_loop3A_607 = vector.broadcast %parallel_loop3A_606 : i32 to vector<16xi32>
      %parallel_loop3A_608 = arith.cmpi slt, %parallel_loop3A_590, %parallel_loop3A_607 : vector<16xi32>
      %parallel_loop3A_609 = arith.andi %parallel_loop3A_605, %parallel_loop3A_608 : vector<16xi1>
      %parallel_loop3A_610 = arith.constant 0 : i32
      %parallel_loop3A_611 = vector.broadcast %parallel_loop3A_610 : i32 to vector<16xi32>
      %parallel_loop3A_612 = arith.cmpi sge, %parallel_loop3A_596, %parallel_loop3A_611 : vector<16xi32>
      %parallel_loop3A_613 = arith.andi %parallel_loop3A_609, %parallel_loop3A_612 : vector<16xi1>
      %parallel_loop3A_614 = arith.constant 1024 : i32
      %parallel_loop3A_615 = vector.broadcast %parallel_loop3A_614 : i32 to vector<16xi32>
      %parallel_loop3A_616 = arith.cmpi slt, %parallel_loop3A_596, %parallel_loop3A_615 : vector<16xi32>
      %parallel_loop3A_617 = arith.andi %parallel_loop3A_613, %parallel_loop3A_616 : vector<16xi1>
      %parallel_loop3A_618 = arith.constant 0 : i32
      %parallel_loop3A_619 = vector.broadcast %parallel_loop3A_618 : i32 to vector<16xi32>
      %parallel_loop3A_620 = arith.cmpi sge, %parallel_loop3A_602, %parallel_loop3A_619 : vector<16xi32>
      %parallel_loop3A_621 = arith.andi %parallel_loop3A_617, %parallel_loop3A_620 : vector<16xi1>
      %parallel_loop3A_622 = arith.constant 40 : i32
      %parallel_loop3A_623 = vector.broadcast %parallel_loop3A_622 : i32 to vector<16xi32>
      %parallel_loop3A_624 = arith.cmpi slt, %parallel_loop3A_602, %parallel_loop3A_623 : vector<16xi32>
      %parallel_loop3A_625 = arith.andi %parallel_loop3A_621, %parallel_loop3A_624 : vector<16xi1>
      %parallel_loop3A_626 = arith.constant 0.000000e+00 : f32
      %parallel_loop3A_627 = vector.broadcast %parallel_loop3A_626 : f32 to vector<16xf32>
      %parallel_loop3A_628 = arith.constant 0 : i32
      %parallel_loop3A_629 = vector.broadcast %parallel_loop3A_628 : i32 to vector<16xi32>
      %parallel_loop3A_630 = arith.select %parallel_loop3A_625, %parallel_loop3A_554, %parallel_loop3A_627 : vector<16xi1>, vector<16xf32>
      %parallel_loop3A_631 = arith.select %parallel_loop3A_625, %parallel_loop3A_557, %parallel_loop3A_627 : vector<16xi1>, vector<16xf32>
      %parallel_loop3A_632 = arith.select %parallel_loop3A_625, %parallel_loop3A_560, %parallel_loop3A_627 : vector<16xi1>, vector<16xf32>
      %parallel_loop3A_633 = arith.select %parallel_loop3A_625, %parallel_loop3A_563, %parallel_loop3A_627 : vector<16xi1>, vector<16xf32>
      %parallel_loop3A_634 = arith.select %parallel_loop3A_625, %parallel_loop3A_590, %parallel_loop3A_629 : vector<16xi1>, vector<16xi32>
      %parallel_loop3A_635 = arith.select %parallel_loop3A_625, %parallel_loop3A_596, %parallel_loop3A_629 : vector<16xi1>, vector<16xi32>
      %parallel_loop3A_636 = arith.select %parallel_loop3A_625, %parallel_loop3A_602, %parallel_loop3A_629 : vector<16xi1>, vector<16xi32>
      %parallel_loop3A_637 = arith.constant dense<true> : vector<16xi1>
      %parallel_loop3A_638 = arith.xori %parallel_loop3A_551, %parallel_loop3A_637 : vector<16xi1>
      %parallel_loop3A_639 = arith.andi %parallel_loop3A_625, %parallel_loop3A_638 : vector<16xi1>
      %parallel_loop3A_640 = arith.constant 16 : i32
      %parallel_loop3A_641 = arith.muli %parallel_loop3A_521, %parallel_loop3A_640 : i32
      %parallel_loop3A_642 = arith.addi %add3A_392, %parallel_loop3A_641 : i32
      %parallel_loop3A_643 = vector.broadcast %parallel_loop3A_642 : i32 to vector<16xi32>
      %parallel_loop3A_644 = arith.addi %iota3A_393, %parallel_loop3A_643 : vector<16xi32>
      %parallel_loop3A_645 = arith.select %parallel_loop3A_639, %parallel_loop3A_644, %parallel_loop3A_629 : vector<16xi1>, vector<16xi32>
      %parallel_loop3A_646 = arith.sitofp %parallel_loop3A_634 : vector<16xi32> to vector<16xf32>
      %parallel_loop3A_647 = arith.constant 1.000000e-01 : f32
      %parallel_loop3A_648 = vector.broadcast %parallel_loop3A_647 : f32 to vector<16xf32>
      %parallel_loop3A_649 = arith.mulf %parallel_loop3A_646, %parallel_loop3A_648 : vector<16xf32>
      %parallel_loop3A_650 = arith.constant -5.120000e+01 : f32
      %parallel_loop3A_651 = vector.broadcast %parallel_loop3A_650 : f32 to vector<16xf32>
      %parallel_loop3A_652 = arith.addf %parallel_loop3A_649, %parallel_loop3A_651 : vector<16xf32>
      %parallel_loop3A_653 = arith.constant 5.000000e-02 : f32
      %parallel_loop3A_654 = vector.broadcast %parallel_loop3A_653 : f32 to vector<16xf32>
      %parallel_loop3A_655 = arith.addf %parallel_loop3A_652, %parallel_loop3A_654 : vector<16xf32>
      %parallel_loop3A_656 = arith.sitofp %parallel_loop3A_635 : vector<16xi32> to vector<16xf32>
      %parallel_loop3A_657 = arith.constant 1.000000e-01 : f32
      %parallel_loop3A_658 = vector.broadcast %parallel_loop3A_657 : f32 to vector<16xf32>
      %parallel_loop3A_659 = arith.mulf %parallel_loop3A_656, %parallel_loop3A_658 : vector<16xf32>
      %parallel_loop3A_660 = arith.constant -5.120000e+01 : f32
      %parallel_loop3A_661 = vector.broadcast %parallel_loop3A_660 : f32 to vector<16xf32>
      %parallel_loop3A_662 = arith.addf %parallel_loop3A_659, %parallel_loop3A_661 : vector<16xf32>
      %parallel_loop3A_663 = arith.constant 5.000000e-02 : f32
      %parallel_loop3A_664 = vector.broadcast %parallel_loop3A_663 : f32 to vector<16xf32>
      %parallel_loop3A_665 = arith.addf %parallel_loop3A_662, %parallel_loop3A_664 : vector<16xf32>
      %parallel_loop3A_666 = arith.sitofp %parallel_loop3A_636 : vector<16xi32> to vector<16xf32>
      %parallel_loop3A_667 = arith.constant 2.000000e-01 : f32
      %parallel_loop3A_668 = vector.broadcast %parallel_loop3A_667 : f32 to vector<16xf32>
      %parallel_loop3A_669 = arith.mulf %parallel_loop3A_666, %parallel_loop3A_668 : vector<16xf32>
      %parallel_loop3A_670 = arith.constant -5.000000e+00 : f32
      %parallel_loop3A_671 = vector.broadcast %parallel_loop3A_670 : f32 to vector<16xf32>
      %parallel_loop3A_672 = arith.addf %parallel_loop3A_669, %parallel_loop3A_671 : vector<16xf32>
      %parallel_loop3A_673 = arith.constant 1.000000e-01 : f32
      %parallel_loop3A_674 = vector.broadcast %parallel_loop3A_673 : f32 to vector<16xf32>
      %parallel_loop3A_675 = arith.addf %parallel_loop3A_672, %parallel_loop3A_674 : vector<16xf32>
      %parallel_loop3A_676 = arith.index_cast %parallel_loop3A_530 : i32 to index
      %parallel_loop3A_677 = tpu.vector_load %arg8[%parallel_loop3A_676] {strides = array<i32>} : memref<16384xf32, #tpu.memory_space<vmem>>, vector<16xf32>,
      tpu.vector_store %arg8[%parallel_loop3A_676], %parallel_loop3A_630 {strides = array<i32>} : memref<16384xf32, #tpu.memory_space<vmem>>, vector<16xf32>,
      %parallel_loop3A_678 = arith.constant 128 : i32
      %parallel_loop3A_679 = arith.addi %parallel_loop3A_530, %parallel_loop3A_678 : i32
      %parallel_loop3A_680 = arith.index_cast %parallel_loop3A_679 : i32 to index
      %parallel_loop3A_681 = tpu.vector_load %arg8[%parallel_loop3A_680] {strides = array<i32>} : memref<16384xf32, #tpu.memory_space<vmem>>, vector<16xf32>,
      tpu.vector_store %arg8[%parallel_loop3A_680], %parallel_loop3A_631 {strides = array<i32>} : memref<16384xf32, #tpu.memory_space<vmem>>, vector<16xf32>,
      %parallel_loop3A_682 = arith.constant 256 : i32
      %parallel_loop3A_683 = arith.addi %parallel_loop3A_530, %parallel_loop3A_682 : i32
      %parallel_loop3A_684 = arith.index_cast %parallel_loop3A_683 : i32 to index
      %parallel_loop3A_685 = tpu.vector_load %arg8[%parallel_loop3A_684] {strides = array<i32>} : memref<16384xf32, #tpu.memory_space<vmem>>, vector<16xf32>,
      tpu.vector_store %arg8[%parallel_loop3A_684], %parallel_loop3A_632 {strides = array<i32>} : memref<16384xf32, #tpu.memory_space<vmem>>, vector<16xf32>,
      %parallel_loop3A_686 = arith.constant 384 : i32
      %parallel_loop3A_687 = arith.addi %parallel_loop3A_530, %parallel_loop3A_686 : i32
      %parallel_loop3A_688 = arith.index_cast %parallel_loop3A_687 : i32 to index
      %parallel_loop3A_689 = tpu.vector_load %arg8[%parallel_loop3A_688] {strides = array<i32>} : memref<16384xf32, #tpu.memory_space<vmem>>, vector<16xf32>,
      tpu.vector_store %arg8[%parallel_loop3A_688], %parallel_loop3A_633 {strides = array<i32>} : memref<16384xf32, #tpu.memory_space<vmem>>, vector<16xf32>,
      %parallel_loop3A_690 = arith.constant 16 : i32
      %parallel_loop3A_691 = arith.muli %parallel_loop3A_525, %parallel_loop3A_690 : i32
      %parallel_loop3A_692 = arith.index_cast %parallel_loop3A_523 : i32 to index
      %parallel_loop3A_693 = arith.index_cast %parallel_loop3A_691 : i32 to index
      %parallel_loop3A_694 = tpu.vector_load %arg9[%parallel_loop3A_692, %parallel_loop3A_693] {strides = array<i32>} : memref<32x384xi32, #tpu.memory_space<vmem>>, vector<16xi32>,
      tpu.vector_store %arg9[%parallel_loop3A_692, %parallel_loop3A_693], %parallel_loop3A_636 {strides = array<i32>} : memref<32x384xi32, #tpu.memory_space<vmem>>, vector<16xi32>,
      %parallel_loop3A_695 = arith.constant 128 : i32
      %parallel_loop3A_696 = arith.addi %parallel_loop3A_691, %parallel_loop3A_695 : i32
      %parallel_loop3A_697 = arith.index_cast %parallel_loop3A_523 : i32 to index
      %parallel_loop3A_698 = arith.index_cast %parallel_loop3A_696 : i32 to index
      %parallel_loop3A_699 = tpu.vector_load %arg9[%parallel_loop3A_697, %parallel_loop3A_698] {strides = array<i32>} : memref<32x384xi32, #tpu.memory_space<vmem>>, vector<16xi32>,
      tpu.vector_store %arg9[%parallel_loop3A_697, %parallel_loop3A_698], %parallel_loop3A_635 {strides = array<i32>} : memref<32x384xi32, #tpu.memory_space<vmem>>, vector<16xi32>,
      %parallel_loop3A_700 = arith.constant 256 : i32
      %parallel_loop3A_701 = arith.addi %parallel_loop3A_691, %parallel_loop3A_700 : i32
      %parallel_loop3A_702 = arith.index_cast %parallel_loop3A_523 : i32 to index
      %parallel_loop3A_703 = arith.index_cast %parallel_loop3A_701 : i32 to index
      %parallel_loop3A_704 = tpu.vector_load %arg9[%parallel_loop3A_702, %parallel_loop3A_703] {strides = array<i32>} : memref<32x384xi32, #tpu.memory_space<vmem>>, vector<16xi32>,
      tpu.vector_store %arg9[%parallel_loop3A_702, %parallel_loop3A_703], %parallel_loop3A_634 {strides = array<i32>} : memref<32x384xi32, #tpu.memory_space<vmem>>, vector<16xi32>,
      %parallel_loop3A_705 = arith.subf %parallel_loop3A_630, %parallel_loop3A_655 : vector<16xf32>
      %parallel_loop3A_706 = arith.index_cast %parallel_loop3A_523 : i32 to index
      %parallel_loop3A_707 = arith.index_cast %parallel_loop3A_691 : i32 to index
      %parallel_loop3A_708 = tpu.vector_load %arg11[%parallel_loop3A_706, %parallel_loop3A_707] {strides = array<i32>} : memref<32x384xf32, #tpu.memory_space<vmem>>, vector<16xf32>,
      tpu.vector_store %arg11[%parallel_loop3A_706, %parallel_loop3A_707], %parallel_loop3A_705 {strides = array<i32>} : memref<32x384xf32, #tpu.memory_space<vmem>>, vector<16xf32>,
      %parallel_loop3A_709 = arith.subf %parallel_loop3A_631, %parallel_loop3A_665 : vector<16xf32>
      %parallel_loop3A_710 = arith.constant 128 : i32
      %parallel_loop3A_711 = arith.addi %parallel_loop3A_691, %parallel_loop3A_710 : i32
      %parallel_loop3A_712 = arith.index_cast %parallel_loop3A_523 : i32 to index
      %parallel_loop3A_713 = arith.index_cast %parallel_loop3A_711 : i32 to index
      %parallel_loop3A_714 = tpu.vector_load %arg11[%parallel_loop3A_712, %parallel_loop3A_713] {strides = array<i32>} : memref<32x384xf32, #tpu.memory_space<vmem>>, vector<16xf32>,
      tpu.vector_store %arg11[%parallel_loop3A_712, %parallel_loop3A_713], %parallel_loop3A_709 {strides = array<i32>} : memref<32x384xf32, #tpu.memory_space<vmem>>, vector<16xf32>,
      %parallel_loop3A_715 = arith.subf %parallel_loop3A_632, %parallel_loop3A_675 : vector<16xf32>
      %parallel_loop3A_716 = arith.constant 256 : i32
      %parallel_loop3A_717 = arith.addi %parallel_loop3A_691, %parallel_loop3A_716 : i32
      %parallel_loop3A_718 = arith.index_cast %parallel_loop3A_523 : i32 to index
      %parallel_loop3A_719 = arith.index_cast %parallel_loop3A_717 : i32 to index
      %parallel_loop3A_720 = tpu.vector_load %arg11[%parallel_loop3A_718, %parallel_loop3A_719] {strides = array<i32>} : memref<32x384xf32, #tpu.memory_space<vmem>>, vector<16xf32>,
      tpu.vector_store %arg11[%parallel_loop3A_718, %parallel_loop3A_719], %parallel_loop3A_715 {strides = array<i32>} : memref<32x384xf32, #tpu.memory_space<vmem>>, vector<16xf32>,
      %parallel_loop3A_721 = arith.constant 16 : i32
      %parallel_loop3A_722 = arith.muli %parallel_loop3A_521, %parallel_loop3A_721 : i32
      %parallel_loop3A_723 = arith.index_cast %parallel_loop3A_722 : i32 to index
      %parallel_loop3A_724 = tpu.vector_load %arg10[%parallel_loop3A_723] {strides = array<i32>} : memref<4096xi32, #tpu.memory_space<vmem>>, vector<16xi32>,
      tpu.vector_store %arg10[%parallel_loop3A_723], %parallel_loop3A_645 {strides = array<i32>} : memref<4096xi32, #tpu.memory_space<vmem>>, vector<16xi32>,
    } {sc.loop_unroll_factor = 2 : i64, sc.parallel_access}
    %add3A_397 = arith.constant 24576 : i32
    %add3A_398 = arith.addi %mul3A_2, %add3A_397 : i32
    %jit3A_399 = arith.constant 128 : i32
    %div3A_400 = arith.divsi %add3A_398, %jit3A_399 : i32
    %sign3A_401 = arith.constant 0 : i32
    %sign3A_402 = arith.cmpi sgt, %add3A_398, %sign3A_401 : i32
    %sign3A_403 = arith.extui %sign3A_402 : i1 to i32
    %sign3A_404 = arith.constant 0 : i32
    %sign3A_405 = arith.cmpi slt, %add3A_398, %sign3A_404 : i32
    %sign3A_406 = arith.extui %sign3A_405 : i1 to i32
    %sign3A_407 = arith.subi %sign3A_403, %sign3A_406 : i32
    %sign3A_408 = arith.constant 0 : i32
    %sign3A_409 = arith.cmpi sgt, %jit3A_399, %sign3A_408 : i32
    %sign3A_410 = arith.extui %sign3A_409 : i1 to i32
    %sign3A_411 = arith.constant 0 : i32
    %sign3A_412 = arith.cmpi slt, %jit3A_399, %sign3A_411 : i32
    %sign3A_413 = arith.extui %sign3A_412 : i1 to i32
    %sign3A_414 = arith.subi %sign3A_410, %sign3A_413 : i32
    %ne3A_415 = arith.cmpi ne, %sign3A_407, %sign3A_414 : i32
    %rem3A_416 = arith.remsi %add3A_398, %jit3A_399 : i32
    %ne3A_417 = arith.constant 0 : i32
    %ne3A_418 = arith.cmpi ne, %rem3A_416, %ne3A_417 : i32
    %and3A_419 = arith.andi %ne3A_415, %ne3A_418 : i1
    %sub3A_420 = arith.constant 1 : i32
    %sub3A_421 = arith.subi %div3A_400, %sub3A_420 : i32
    %select_n3A_422 = arith.select %and3A_419, %sub3A_421, %div3A_400 : i32
    %mul3A_423 = arith.constant 4 : i32
    %mul3A_424 = arith.muli %add3A_398, %mul3A_423 : i32
    %dma_start3A_425 = tpu.memref_slice %arg3[%mul3A_424] : memref<4194304xf32, #tpu.memory_space<hbm>> -> memref<16384xf32, #tpu.memory_space<hbm>>
    %dma_start3A_426 = tpu.memref_slice %arg3[%mul3A_424] : memref<4194304xf32, #tpu.memory_space<hbm>> -> memref<16384xf32, #tpu.memory_space<hbm>>
    tpu.enqueue_dma source(%arg8 : memref<16384xf32, #tpu.memory_space<vmem>>) target(%dma_start3A_426 : memref<16384xf32, #tpu.memory_space<hbm>>) target_semaphore(%arg19 : memref<!tpu.dma_semaphore, #tpu.memory_space<semaphore_mem>>)
    %dma_start3A_427 = arith.constant 0 : i32
    %dma_start3A_428 = tpu.memref_slice %arg4[%select_n3A_422, %dma_start3A_427] : memref<8192x512xi32, #tpu.memory_space<hbm>> -> memref<32x384xi32, #tpu.memory_space<hbm>>
    %dma_start3A_429 = arith.constant 0 : i32
    %dma_start3A_430 = tpu.memref_slice %arg4[%select_n3A_422, %dma_start3A_429] : memref<8192x512xi32, #tpu.memory_space<hbm>> -> memref<32x384xi32, #tpu.memory_space<hbm>>
    tpu.enqueue_dma source(%arg9 : memref<32x384xi32, #tpu.memory_space<vmem>>) target(%dma_start3A_430 : memref<32x384xi32, #tpu.memory_space<hbm>>) target_semaphore(%arg19 : memref<!tpu.dma_semaphore, #tpu.memory_space<semaphore_mem>>)
    %dma_start3A_431 = tpu.memref_slice %arg5[%add3A_398] : memref<1048576xi32, #tpu.memory_space<hbm>> -> memref<4096xi32, #tpu.memory_space<hbm>>
    %dma_start3A_432 = tpu.memref_slice %arg5[%add3A_398] : memref<1048576xi32, #tpu.memory_space<hbm>> -> memref<4096xi32, #tpu.memory_space<hbm>>
    tpu.enqueue_dma source(%arg10 : memref<4096xi32, #tpu.memory_space<vmem>>) target(%dma_start3A_432 : memref<4096xi32, #tpu.memory_space<hbm>>) target_semaphore(%arg19 : memref<!tpu.dma_semaphore, #tpu.memory_space<semaphore_mem>>)
    %dma_start3A_433 = arith.constant 0 : i32
    %dma_start3A_434 = tpu.memref_slice %arg6[%select_n3A_422, %dma_start3A_433] : memref<8192x512xf32, #tpu.memory_space<hbm>> -> memref<32x384xf32, #tpu.memory_space<hbm>>
    %dma_start3A_435 = arith.constant 0 : i32
    %dma_start3A_436 = tpu.memref_slice %arg6[%select_n3A_422, %dma_start3A_435] : memref<8192x512xf32, #tpu.memory_space<hbm>> -> memref<32x384xf32, #tpu.memory_space<hbm>>
    tpu.enqueue_dma source(%arg11 : memref<32x384xf32, #tpu.memory_space<vmem>>) target(%dma_start3A_436 : memref<32x384xf32, #tpu.memory_space<hbm>>) target_semaphore(%arg19 : memref<!tpu.dma_semaphore, #tpu.memory_space<semaphore_mem>>)
    %dma_wait3A_437 = tpu.memref_slice %arg3[%mul3A_358] : memref<4194304xf32, #tpu.memory_space<hbm>> -> memref<16384xf32, #tpu.memory_space<hbm>>
    %dma_wait3A_438 = tpu.memref_slice %arg3[%mul3A_358] : memref<4194304xf32, #tpu.memory_space<hbm>> -> memref<16384xf32, #tpu.memory_space<hbm>>
    tpu.wait_dma2 semaphore(%arg20 : memref<!tpu.dma_semaphore, #tpu.memory_space<semaphore_mem>>) src(%arg13 : memref<16384xf32, #tpu.memory_space<vmem>>) dst(%dma_wait3A_438 : memref<16384xf32, #tpu.memory_space<hbm>>)
    %dma_wait3A_439 = arith.constant 0 : i32
    %dma_wait3A_440 = tpu.memref_slice %arg4[%select_n3A_356, %dma_wait3A_439] : memref<8192x512xi32, #tpu.memory_space<hbm>> -> memref<32x384xi32, #tpu.memory_space<hbm>>
    %dma_wait3A_441 = arith.constant 0 : i32
    %dma_wait3A_442 = tpu.memref_slice %arg4[%select_n3A_356, %dma_wait3A_441] : memref<8192x512xi32, #tpu.memory_space<hbm>> -> memref<32x384xi32, #tpu.memory_space<hbm>>
    tpu.wait_dma2 semaphore(%arg20 : memref<!tpu.dma_semaphore, #tpu.memory_space<semaphore_mem>>) src(%arg14 : memref<32x384xi32, #tpu.memory_space<vmem>>) dst(%dma_wait3A_442 : memref<32x384xi32, #tpu.memory_space<hbm>>)
    %dma_wait3A_443 = tpu.memref_slice %arg5[%add3A_332] : memref<1048576xi32, #tpu.memory_space<hbm>> -> memref<4096xi32, #tpu.memory_space<hbm>>
    %dma_wait3A_444 = tpu.memref_slice %arg5[%add3A_332] : memref<1048576xi32, #tpu.memory_space<hbm>> -> memref<4096xi32, #tpu.memory_space<hbm>>
    tpu.wait_dma2 semaphore(%arg20 : memref<!tpu.dma_semaphore, #tpu.memory_space<semaphore_mem>>) src(%arg15 : memref<4096xi32, #tpu.memory_space<vmem>>) dst(%dma_wait3A_444 : memref<4096xi32, #tpu.memory_space<hbm>>)
    %dma_wait3A_445 = arith.constant 0 : i32
    %dma_wait3A_446 = tpu.memref_slice %arg6[%select_n3A_356, %dma_wait3A_445] : memref<8192x512xf32, #tpu.memory_space<hbm>> -> memref<32x384xf32, #tpu.memory_space<hbm>>
    %dma_wait3A_447 = arith.constant 0 : i32
    %dma_wait3A_448 = tpu.memref_slice %arg6[%select_n3A_356, %dma_wait3A_447] : memref<8192x512xf32, #tpu.memory_space<hbm>> -> memref<32x384xf32, #tpu.memory_space<hbm>>
    tpu.wait_dma2 semaphore(%arg20 : memref<!tpu.dma_semaphore, #tpu.memory_space<semaphore_mem>>) src(%arg16 : memref<32x384xf32, #tpu.memory_space<vmem>>) dst(%dma_wait3A_448 : memref<32x384xf32, #tpu.memory_space<hbm>>)
    %dma_wait3A_449 = tpu.memref_slice %arg2[%mul3A_374] : memref<4194304xf32, #tpu.memory_space<hbm>> -> memref<16384xf32, #tpu.memory_space<hbm>>
    %dma_wait3A_450 = tpu.memref_slice %arg2[%mul3A_374] : memref<4194304xf32, #tpu.memory_space<hbm>> -> memref<16384xf32, #tpu.memory_space<hbm>>
    tpu.wait_dma2 semaphore(%arg18 : memref<!tpu.dma_semaphore, #tpu.memory_space<semaphore_mem>>) src(%dma_wait3A_450 : memref<16384xf32, #tpu.memory_space<hbm>>) dst(%arg12 : memref<16384xf32, #tpu.memory_space<vmem>>)
    %add3A_451 = arith.constant 28672 : i32
    %add3A_452 = arith.addi %rem3A_3, %add3A_451 : i32
    %iota3A_453 = tpu.iota {dimensions = array<i32: 0>} : vector<16xi32>
    %parallel_loop3A_454 = arith.constant 0 : i32
    %parallel_loop3A_455 = arith.constant 256 : i32
    %parallel_loop3A_456 = arith.constant 1 : i32
    scf.for %parallel_loop3A_521 = %parallel_loop3A_454 to %parallel_loop3A_455 step %parallel_loop3A_456  : i32 {
      %parallel_loop3A_522 = arith.constant 3 : i32
      %parallel_loop3A_523 = arith.shrsi %parallel_loop3A_521, %parallel_loop3A_522 : i32
      %parallel_loop3A_524 = arith.constant 7 : i32
      %parallel_loop3A_525 = arith.andi %parallel_loop3A_521, %parallel_loop3A_524 : i32
      %parallel_loop3A_526 = arith.constant 512 : i32
      %parallel_loop3A_527 = arith.muli %parallel_loop3A_523, %parallel_loop3A_526 : i32
      %parallel_loop3A_528 = arith.constant 16 : i32
      %parallel_loop3A_529 = arith.muli %parallel_loop3A_525, %parallel_loop3A_528 : i32
      %parallel_loop3A_530 = arith.addi %parallel_loop3A_527, %parallel_loop3A_529 : i32
      %parallel_loop3A_531 = arith.index_cast %parallel_loop3A_530 : i32 to index
      %parallel_loop3A_532 = tpu.vector_load %arg12[%parallel_loop3A_531] {strides = array<i32>} : memref<16384xf32, #tpu.memory_space<vmem>>, vector<16xf32>,
      %parallel_loop3A_533 = arith.constant 128 : i32
      %parallel_loop3A_534 = arith.addi %parallel_loop3A_530, %parallel_loop3A_533 : i32
      %parallel_loop3A_535 = arith.index_cast %parallel_loop3A_534 : i32 to index
      %parallel_loop3A_536 = tpu.vector_load %arg12[%parallel_loop3A_535] {strides = array<i32>} : memref<16384xf32, #tpu.memory_space<vmem>>, vector<16xf32>,
      %parallel_loop3A_537 = arith.constant 256 : i32
      %parallel_loop3A_538 = arith.addi %parallel_loop3A_530, %parallel_loop3A_537 : i32
      %parallel_loop3A_539 = arith.index_cast %parallel_loop3A_538 : i32 to index
      %parallel_loop3A_540 = tpu.vector_load %arg12[%parallel_loop3A_539] {strides = array<i32>} : memref<16384xf32, #tpu.memory_space<vmem>>, vector<16xf32>,
      %parallel_loop3A_541 = arith.constant 384 : i32
      %parallel_loop3A_542 = arith.addi %parallel_loop3A_530, %parallel_loop3A_541 : i32
      %parallel_loop3A_543 = arith.index_cast %parallel_loop3A_542 : i32 to index
      %parallel_loop3A_544 = tpu.vector_load %arg12[%parallel_loop3A_543] {strides = array<i32>} : memref<16384xf32, #tpu.memory_space<vmem>>, vector<16xf32>,
      %parallel_loop3A_545 = arith.cmpf one, %parallel_loop3A_532, %parallel_loop3A_532 : vector<16xf32>
      %parallel_loop3A_546 = arith.cmpf one, %parallel_loop3A_536, %parallel_loop3A_536 : vector<16xf32>
      %parallel_loop3A_547 = arith.ori %parallel_loop3A_545, %parallel_loop3A_546 : vector<16xi1>
      %parallel_loop3A_548 = arith.cmpf one, %parallel_loop3A_540, %parallel_loop3A_540 : vector<16xf32>
      %parallel_loop3A_549 = arith.ori %parallel_loop3A_547, %parallel_loop3A_548 : vector<16xi1>
      %parallel_loop3A_550 = arith.cmpf one, %parallel_loop3A_544, %parallel_loop3A_544 : vector<16xf32>
      %parallel_loop3A_551 = arith.ori %parallel_loop3A_549, %parallel_loop3A_550 : vector<16xi1>
      %parallel_loop3A_552 = arith.constant 0.000000e+00 : f32
      %parallel_loop3A_553 = vector.broadcast %parallel_loop3A_552 : f32 to vector<16xf32>
      %parallel_loop3A_554 = arith.select %parallel_loop3A_551, %parallel_loop3A_553, %parallel_loop3A_532 : vector<16xi1>, vector<16xf32>
      %parallel_loop3A_555 = arith.constant 0.000000e+00 : f32
      %parallel_loop3A_556 = vector.broadcast %parallel_loop3A_555 : f32 to vector<16xf32>
      %parallel_loop3A_557 = arith.select %parallel_loop3A_551, %parallel_loop3A_556, %parallel_loop3A_536 : vector<16xi1>, vector<16xf32>
      %parallel_loop3A_558 = arith.constant 0.000000e+00 : f32
      %parallel_loop3A_559 = vector.broadcast %parallel_loop3A_558 : f32 to vector<16xf32>
      %parallel_loop3A_560 = arith.select %parallel_loop3A_551, %parallel_loop3A_559, %parallel_loop3A_540 : vector<16xi1>, vector<16xf32>
      %parallel_loop3A_561 = arith.constant 0.000000e+00 : f32
      %parallel_loop3A_562 = vector.broadcast %parallel_loop3A_561 : f32 to vector<16xf32>
      %parallel_loop3A_563 = arith.select %parallel_loop3A_551, %parallel_loop3A_562, %parallel_loop3A_544 : vector<16xi1>, vector<16xf32>
      %parallel_loop3A_564 = arith.constant -5.120000e+01 : f32
      %parallel_loop3A_565 = vector.broadcast %parallel_loop3A_564 : f32 to vector<16xf32>
      %parallel_loop3A_566 = arith.subf %parallel_loop3A_554, %parallel_loop3A_565 : vector<16xf32>
      %parallel_loop3A_567 = arith.constant 1.000000e+01 : f32
      %parallel_loop3A_568 = vector.broadcast %parallel_loop3A_567 : f32 to vector<16xf32>
      %parallel_loop3A_569 = arith.mulf %parallel_loop3A_566, %parallel_loop3A_568 : vector<16xf32>
      %parallel_loop3A_570 = arith.constant -5.120000e+01 : f32
      %parallel_loop3A_571 = vector.broadcast %parallel_loop3A_570 : f32 to vector<16xf32>
      %parallel_loop3A_572 = arith.subf %parallel_loop3A_557, %parallel_loop3A_571 : vector<16xf32>
      %parallel_loop3A_573 = arith.constant 1.000000e+01 : f32
      %parallel_loop3A_574 = vector.broadcast %parallel_loop3A_573 : f32 to vector<16xf32>
      %parallel_loop3A_575 = arith.mulf %parallel_loop3A_572, %parallel_loop3A_574 : vector<16xf32>
      %parallel_loop3A_576 = arith.constant -5.000000e+00 : f32
      %parallel_loop3A_577 = vector.broadcast %parallel_loop3A_576 : f32 to vector<16xf32>
      %parallel_loop3A_578 = arith.subf %parallel_loop3A_560, %parallel_loop3A_577 : vector<16xf32>
      %parallel_loop3A_579 = arith.constant 5.000000e+00 : f32
      %parallel_loop3A_580 = vector.broadcast %parallel_loop3A_579 : f32 to vector<16xf32>
      %parallel_loop3A_581 = arith.mulf %parallel_loop3A_578, %parallel_loop3A_580 : vector<16xf32>
      %parallel_loop3A_582 = arith.fptosi %parallel_loop3A_569 : vector<16xf32> to vector<16xi32>
      %parallel_loop3A_583 = arith.fptosi %parallel_loop3A_575 : vector<16xf32> to vector<16xi32>
      %parallel_loop3A_584 = arith.fptosi %parallel_loop3A_581 : vector<16xf32> to vector<16xi32>
      %parallel_loop3A_585 = arith.sitofp %parallel_loop3A_582 : vector<16xi32> to vector<16xf32>
      %parallel_loop3A_586 = arith.cmpf ogt, %parallel_loop3A_585, %parallel_loop3A_569 : vector<16xf32>
      %parallel_loop3A_587 = arith.constant 1 : i32
      %parallel_loop3A_588 = vector.broadcast %parallel_loop3A_587 : i32 to vector<16xi32>
      %parallel_loop3A_589 = arith.subi %parallel_loop3A_582, %parallel_loop3A_588 : vector<16xi32>
      %parallel_loop3A_590 = arith.select %parallel_loop3A_586, %parallel_loop3A_589, %parallel_loop3A_582 : vector<16xi1>, vector<16xi32>
      %parallel_loop3A_591 = arith.sitofp %parallel_loop3A_583 : vector<16xi32> to vector<16xf32>
      %parallel_loop3A_592 = arith.cmpf ogt, %parallel_loop3A_591, %parallel_loop3A_575 : vector<16xf32>
      %parallel_loop3A_593 = arith.constant 1 : i32
      %parallel_loop3A_594 = vector.broadcast %parallel_loop3A_593 : i32 to vector<16xi32>
      %parallel_loop3A_595 = arith.subi %parallel_loop3A_583, %parallel_loop3A_594 : vector<16xi32>
      %parallel_loop3A_596 = arith.select %parallel_loop3A_592, %parallel_loop3A_595, %parallel_loop3A_583 : vector<16xi1>, vector<16xi32>
      %parallel_loop3A_597 = arith.sitofp %parallel_loop3A_584 : vector<16xi32> to vector<16xf32>
      %parallel_loop3A_598 = arith.cmpf ogt, %parallel_loop3A_597, %parallel_loop3A_581 : vector<16xf32>
      %parallel_loop3A_599 = arith.constant 1 : i32
      %parallel_loop3A_600 = vector.broadcast %parallel_loop3A_599 : i32 to vector<16xi32>
      %parallel_loop3A_601 = arith.subi %parallel_loop3A_584, %parallel_loop3A_600 : vector<16xi32>
      %parallel_loop3A_602 = arith.select %parallel_loop3A_598, %parallel_loop3A_601, %parallel_loop3A_584 : vector<16xi1>, vector<16xi32>
      %parallel_loop3A_603 = arith.constant 0 : i32
      %parallel_loop3A_604 = vector.broadcast %parallel_loop3A_603 : i32 to vector<16xi32>
      %parallel_loop3A_605 = arith.cmpi sge, %parallel_loop3A_590, %parallel_loop3A_604 : vector<16xi32>
      %parallel_loop3A_606 = arith.constant 1024 : i32
      %parallel_loop3A_607 = vector.broadcast %parallel_loop3A_606 : i32 to vector<16xi32>
      %parallel_loop3A_608 = arith.cmpi slt, %parallel_loop3A_590, %parallel_loop3A_607 : vector<16xi32>
      %parallel_loop3A_609 = arith.andi %parallel_loop3A_605, %parallel_loop3A_608 : vector<16xi1>
      %parallel_loop3A_610 = arith.constant 0 : i32
      %parallel_loop3A_611 = vector.broadcast %parallel_loop3A_610 : i32 to vector<16xi32>
      %parallel_loop3A_612 = arith.cmpi sge, %parallel_loop3A_596, %parallel_loop3A_611 : vector<16xi32>
      %parallel_loop3A_613 = arith.andi %parallel_loop3A_609, %parallel_loop3A_612 : vector<16xi1>
      %parallel_loop3A_614 = arith.constant 1024 : i32
      %parallel_loop3A_615 = vector.broadcast %parallel_loop3A_614 : i32 to vector<16xi32>
      %parallel_loop3A_616 = arith.cmpi slt, %parallel_loop3A_596, %parallel_loop3A_615 : vector<16xi32>
      %parallel_loop3A_617 = arith.andi %parallel_loop3A_613, %parallel_loop3A_616 : vector<16xi1>
      %parallel_loop3A_618 = arith.constant 0 : i32
      %parallel_loop3A_619 = vector.broadcast %parallel_loop3A_618 : i32 to vector<16xi32>
      %parallel_loop3A_620 = arith.cmpi sge, %parallel_loop3A_602, %parallel_loop3A_619 : vector<16xi32>
      %parallel_loop3A_621 = arith.andi %parallel_loop3A_617, %parallel_loop3A_620 : vector<16xi1>
      %parallel_loop3A_622 = arith.constant 40 : i32
      %parallel_loop3A_623 = vector.broadcast %parallel_loop3A_622 : i32 to vector<16xi32>
      %parallel_loop3A_624 = arith.cmpi slt, %parallel_loop3A_602, %parallel_loop3A_623 : vector<16xi32>
      %parallel_loop3A_625 = arith.andi %parallel_loop3A_621, %parallel_loop3A_624 : vector<16xi1>
      %parallel_loop3A_626 = arith.constant 0.000000e+00 : f32
      %parallel_loop3A_627 = vector.broadcast %parallel_loop3A_626 : f32 to vector<16xf32>
      %parallel_loop3A_628 = arith.constant 0 : i32
      %parallel_loop3A_629 = vector.broadcast %parallel_loop3A_628 : i32 to vector<16xi32>
      %parallel_loop3A_630 = arith.select %parallel_loop3A_625, %parallel_loop3A_554, %parallel_loop3A_627 : vector<16xi1>, vector<16xf32>
      %parallel_loop3A_631 = arith.select %parallel_loop3A_625, %parallel_loop3A_557, %parallel_loop3A_627 : vector<16xi1>, vector<16xf32>
      %parallel_loop3A_632 = arith.select %parallel_loop3A_625, %parallel_loop3A_560, %parallel_loop3A_627 : vector<16xi1>, vector<16xf32>
      %parallel_loop3A_633 = arith.select %parallel_loop3A_625, %parallel_loop3A_563, %parallel_loop3A_627 : vector<16xi1>, vector<16xf32>
      %parallel_loop3A_634 = arith.select %parallel_loop3A_625, %parallel_loop3A_590, %parallel_loop3A_629 : vector<16xi1>, vector<16xi32>
      %parallel_loop3A_635 = arith.select %parallel_loop3A_625, %parallel_loop3A_596, %parallel_loop3A_629 : vector<16xi1>, vector<16xi32>
      %parallel_loop3A_636 = arith.select %parallel_loop3A_625, %parallel_loop3A_602, %parallel_loop3A_629 : vector<16xi1>, vector<16xi32>
      %parallel_loop3A_637 = arith.constant dense<true> : vector<16xi1>
      %parallel_loop3A_638 = arith.xori %parallel_loop3A_551, %parallel_loop3A_637 : vector<16xi1>
      %parallel_loop3A_639 = arith.andi %parallel_loop3A_625, %parallel_loop3A_638 : vector<16xi1>
      %parallel_loop3A_640 = arith.constant 16 : i32
      %parallel_loop3A_641 = arith.muli %parallel_loop3A_521, %parallel_loop3A_640 : i32
      %parallel_loop3A_642 = arith.addi %add3A_452, %parallel_loop3A_641 : i32
      %parallel_loop3A_643 = vector.broadcast %parallel_loop3A_642 : i32 to vector<16xi32>
      %parallel_loop3A_644 = arith.addi %iota3A_453, %parallel_loop3A_643 : vector<16xi32>
      %parallel_loop3A_645 = arith.select %parallel_loop3A_639, %parallel_loop3A_644, %parallel_loop3A_629 : vector<16xi1>, vector<16xi32>
      %parallel_loop3A_646 = arith.sitofp %parallel_loop3A_634 : vector<16xi32> to vector<16xf32>
      %parallel_loop3A_647 = arith.constant 1.000000e-01 : f32
      %parallel_loop3A_648 = vector.broadcast %parallel_loop3A_647 : f32 to vector<16xf32>
      %parallel_loop3A_649 = arith.mulf %parallel_loop3A_646, %parallel_loop3A_648 : vector<16xf32>
      %parallel_loop3A_650 = arith.constant -5.120000e+01 : f32
      %parallel_loop3A_651 = vector.broadcast %parallel_loop3A_650 : f32 to vector<16xf32>
      %parallel_loop3A_652 = arith.addf %parallel_loop3A_649, %parallel_loop3A_651 : vector<16xf32>
      %parallel_loop3A_653 = arith.constant 5.000000e-02 : f32
      %parallel_loop3A_654 = vector.broadcast %parallel_loop3A_653 : f32 to vector<16xf32>
      %parallel_loop3A_655 = arith.addf %parallel_loop3A_652, %parallel_loop3A_654 : vector<16xf32>
      %parallel_loop3A_656 = arith.sitofp %parallel_loop3A_635 : vector<16xi32> to vector<16xf32>
      %parallel_loop3A_657 = arith.constant 1.000000e-01 : f32
      %parallel_loop3A_658 = vector.broadcast %parallel_loop3A_657 : f32 to vector<16xf32>
      %parallel_loop3A_659 = arith.mulf %parallel_loop3A_656, %parallel_loop3A_658 : vector<16xf32>
      %parallel_loop3A_660 = arith.constant -5.120000e+01 : f32
      %parallel_loop3A_661 = vector.broadcast %parallel_loop3A_660 : f32 to vector<16xf32>
      %parallel_loop3A_662 = arith.addf %parallel_loop3A_659, %parallel_loop3A_661 : vector<16xf32>
      %parallel_loop3A_663 = arith.constant 5.000000e-02 : f32
      %parallel_loop3A_664 = vector.broadcast %parallel_loop3A_663 : f32 to vector<16xf32>
      %parallel_loop3A_665 = arith.addf %parallel_loop3A_662, %parallel_loop3A_664 : vector<16xf32>
      %parallel_loop3A_666 = arith.sitofp %parallel_loop3A_636 : vector<16xi32> to vector<16xf32>
      %parallel_loop3A_667 = arith.constant 2.000000e-01 : f32
      %parallel_loop3A_668 = vector.broadcast %parallel_loop3A_667 : f32 to vector<16xf32>
      %parallel_loop3A_669 = arith.mulf %parallel_loop3A_666, %parallel_loop3A_668 : vector<16xf32>
      %parallel_loop3A_670 = arith.constant -5.000000e+00 : f32
      %parallel_loop3A_671 = vector.broadcast %parallel_loop3A_670 : f32 to vector<16xf32>
      %parallel_loop3A_672 = arith.addf %parallel_loop3A_669, %parallel_loop3A_671 : vector<16xf32>
      %parallel_loop3A_673 = arith.constant 1.000000e-01 : f32
      %parallel_loop3A_674 = vector.broadcast %parallel_loop3A_673 : f32 to vector<16xf32>
      %parallel_loop3A_675 = arith.addf %parallel_loop3A_672, %parallel_loop3A_674 : vector<16xf32>
      %parallel_loop3A_676 = arith.index_cast %parallel_loop3A_530 : i32 to index
      %parallel_loop3A_677 = tpu.vector_load %arg13[%parallel_loop3A_676] {strides = array<i32>} : memref<16384xf32, #tpu.memory_space<vmem>>, vector<16xf32>,
      tpu.vector_store %arg13[%parallel_loop3A_676], %parallel_loop3A_630 {strides = array<i32>} : memref<16384xf32, #tpu.memory_space<vmem>>, vector<16xf32>,
      %parallel_loop3A_678 = arith.constant 128 : i32
      %parallel_loop3A_679 = arith.addi %parallel_loop3A_530, %parallel_loop3A_678 : i32
      %parallel_loop3A_680 = arith.index_cast %parallel_loop3A_679 : i32 to index
      %parallel_loop3A_681 = tpu.vector_load %arg13[%parallel_loop3A_680] {strides = array<i32>} : memref<16384xf32, #tpu.memory_space<vmem>>, vector<16xf32>,
      tpu.vector_store %arg13[%parallel_loop3A_680], %parallel_loop3A_631 {strides = array<i32>} : memref<16384xf32, #tpu.memory_space<vmem>>, vector<16xf32>,
      %parallel_loop3A_682 = arith.constant 256 : i32
      %parallel_loop3A_683 = arith.addi %parallel_loop3A_530, %parallel_loop3A_682 : i32
      %parallel_loop3A_684 = arith.index_cast %parallel_loop3A_683 : i32 to index
      %parallel_loop3A_685 = tpu.vector_load %arg13[%parallel_loop3A_684] {strides = array<i32>} : memref<16384xf32, #tpu.memory_space<vmem>>, vector<16xf32>,
      tpu.vector_store %arg13[%parallel_loop3A_684], %parallel_loop3A_632 {strides = array<i32>} : memref<16384xf32, #tpu.memory_space<vmem>>, vector<16xf32>,
      %parallel_loop3A_686 = arith.constant 384 : i32
      %parallel_loop3A_687 = arith.addi %parallel_loop3A_530, %parallel_loop3A_686 : i32
      %parallel_loop3A_688 = arith.index_cast %parallel_loop3A_687 : i32 to index
      %parallel_loop3A_689 = tpu.vector_load %arg13[%parallel_loop3A_688] {strides = array<i32>} : memref<16384xf32, #tpu.memory_space<vmem>>, vector<16xf32>,
      tpu.vector_store %arg13[%parallel_loop3A_688], %parallel_loop3A_633 {strides = array<i32>} : memref<16384xf32, #tpu.memory_space<vmem>>, vector<16xf32>,
      %parallel_loop3A_690 = arith.constant 16 : i32
      %parallel_loop3A_691 = arith.muli %parallel_loop3A_525, %parallel_loop3A_690 : i32
      %parallel_loop3A_692 = arith.index_cast %parallel_loop3A_523 : i32 to index
      %parallel_loop3A_693 = arith.index_cast %parallel_loop3A_691 : i32 to index
      %parallel_loop3A_694 = tpu.vector_load %arg14[%parallel_loop3A_692, %parallel_loop3A_693] {strides = array<i32>} : memref<32x384xi32, #tpu.memory_space<vmem>>, vector<16xi32>,
      tpu.vector_store %arg14[%parallel_loop3A_692, %parallel_loop3A_693], %parallel_loop3A_636 {strides = array<i32>} : memref<32x384xi32, #tpu.memory_space<vmem>>, vector<16xi32>,
      %parallel_loop3A_695 = arith.constant 128 : i32
      %parallel_loop3A_696 = arith.addi %parallel_loop3A_691, %parallel_loop3A_695 : i32
      %parallel_loop3A_697 = arith.index_cast %parallel_loop3A_523 : i32 to index
      %parallel_loop3A_698 = arith.index_cast %parallel_loop3A_696 : i32 to index
      %parallel_loop3A_699 = tpu.vector_load %arg14[%parallel_loop3A_697, %parallel_loop3A_698] {strides = array<i32>} : memref<32x384xi32, #tpu.memory_space<vmem>>, vector<16xi32>,
      tpu.vector_store %arg14[%parallel_loop3A_697, %parallel_loop3A_698], %parallel_loop3A_635 {strides = array<i32>} : memref<32x384xi32, #tpu.memory_space<vmem>>, vector<16xi32>,
      %parallel_loop3A_700 = arith.constant 256 : i32
      %parallel_loop3A_701 = arith.addi %parallel_loop3A_691, %parallel_loop3A_700 : i32
      %parallel_loop3A_702 = arith.index_cast %parallel_loop3A_523 : i32 to index
      %parallel_loop3A_703 = arith.index_cast %parallel_loop3A_701 : i32 to index
      %parallel_loop3A_704 = tpu.vector_load %arg14[%parallel_loop3A_702, %parallel_loop3A_703] {strides = array<i32>} : memref<32x384xi32, #tpu.memory_space<vmem>>, vector<16xi32>,
      tpu.vector_store %arg14[%parallel_loop3A_702, %parallel_loop3A_703], %parallel_loop3A_634 {strides = array<i32>} : memref<32x384xi32, #tpu.memory_space<vmem>>, vector<16xi32>,
      %parallel_loop3A_705 = arith.subf %parallel_loop3A_630, %parallel_loop3A_655 : vector<16xf32>
      %parallel_loop3A_706 = arith.index_cast %parallel_loop3A_523 : i32 to index
      %parallel_loop3A_707 = arith.index_cast %parallel_loop3A_691 : i32 to index
      %parallel_loop3A_708 = tpu.vector_load %arg16[%parallel_loop3A_706, %parallel_loop3A_707] {strides = array<i32>} : memref<32x384xf32, #tpu.memory_space<vmem>>, vector<16xf32>,
      tpu.vector_store %arg16[%parallel_loop3A_706, %parallel_loop3A_707], %parallel_loop3A_705 {strides = array<i32>} : memref<32x384xf32, #tpu.memory_space<vmem>>, vector<16xf32>,
      %parallel_loop3A_709 = arith.subf %parallel_loop3A_631, %parallel_loop3A_665 : vector<16xf32>
      %parallel_loop3A_710 = arith.constant 128 : i32
      %parallel_loop3A_711 = arith.addi %parallel_loop3A_691, %parallel_loop3A_710 : i32
      %parallel_loop3A_712 = arith.index_cast %parallel_loop3A_523 : i32 to index
      %parallel_loop3A_713 = arith.index_cast %parallel_loop3A_711 : i32 to index
      %parallel_loop3A_714 = tpu.vector_load %arg16[%parallel_loop3A_712, %parallel_loop3A_713] {strides = array<i32>} : memref<32x384xf32, #tpu.memory_space<vmem>>, vector<16xf32>,
      tpu.vector_store %arg16[%parallel_loop3A_712, %parallel_loop3A_713], %parallel_loop3A_709 {strides = array<i32>} : memref<32x384xf32, #tpu.memory_space<vmem>>, vector<16xf32>,
      %parallel_loop3A_715 = arith.subf %parallel_loop3A_632, %parallel_loop3A_675 : vector<16xf32>
      %parallel_loop3A_716 = arith.constant 256 : i32
      %parallel_loop3A_717 = arith.addi %parallel_loop3A_691, %parallel_loop3A_716 : i32
      %parallel_loop3A_718 = arith.index_cast %parallel_loop3A_523 : i32 to index
      %parallel_loop3A_719 = arith.index_cast %parallel_loop3A_717 : i32 to index
      %parallel_loop3A_720 = tpu.vector_load %arg16[%parallel_loop3A_718, %parallel_loop3A_719] {strides = array<i32>} : memref<32x384xf32, #tpu.memory_space<vmem>>, vector<16xf32>,
      tpu.vector_store %arg16[%parallel_loop3A_718, %parallel_loop3A_719], %parallel_loop3A_715 {strides = array<i32>} : memref<32x384xf32, #tpu.memory_space<vmem>>, vector<16xf32>,
      %parallel_loop3A_721 = arith.constant 16 : i32
      %parallel_loop3A_722 = arith.muli %parallel_loop3A_521, %parallel_loop3A_721 : i32
      %parallel_loop3A_723 = arith.index_cast %parallel_loop3A_722 : i32 to index
      %parallel_loop3A_724 = tpu.vector_load %arg15[%parallel_loop3A_723] {strides = array<i32>} : memref<4096xi32, #tpu.memory_space<vmem>>, vector<16xi32>,
      tpu.vector_store %arg15[%parallel_loop3A_723], %parallel_loop3A_645 {strides = array<i32>} : memref<4096xi32, #tpu.memory_space<vmem>>, vector<16xi32>,
    } {sc.loop_unroll_factor = 2 : i64, sc.parallel_access}
    %add3A_457 = arith.constant 28672 : i32
    %add3A_458 = arith.addi %mul3A_2, %add3A_457 : i32
    %jit3A_459 = arith.constant 128 : i32
    %div3A_460 = arith.divsi %add3A_458, %jit3A_459 : i32
    %sign3A_461 = arith.constant 0 : i32
    %sign3A_462 = arith.cmpi sgt, %add3A_458, %sign3A_461 : i32
    %sign3A_463 = arith.extui %sign3A_462 : i1 to i32
    %sign3A_464 = arith.constant 0 : i32
    %sign3A_465 = arith.cmpi slt, %add3A_458, %sign3A_464 : i32
    %sign3A_466 = arith.extui %sign3A_465 : i1 to i32
    %sign3A_467 = arith.subi %sign3A_463, %sign3A_466 : i32
    %sign3A_468 = arith.constant 0 : i32
    %sign3A_469 = arith.cmpi sgt, %jit3A_459, %sign3A_468 : i32
    %sign3A_470 = arith.extui %sign3A_469 : i1 to i32
    %sign3A_471 = arith.constant 0 : i32
    %sign3A_472 = arith.cmpi slt, %jit3A_459, %sign3A_471 : i32
    %sign3A_473 = arith.extui %sign3A_472 : i1 to i32
    %sign3A_474 = arith.subi %sign3A_470, %sign3A_473 : i32
    %ne3A_475 = arith.cmpi ne, %sign3A_467, %sign3A_474 : i32
    %rem3A_476 = arith.remsi %add3A_458, %jit3A_459 : i32
    %ne3A_477 = arith.constant 0 : i32
    %ne3A_478 = arith.cmpi ne, %rem3A_476, %ne3A_477 : i32
    %and3A_479 = arith.andi %ne3A_475, %ne3A_478 : i1
    %sub3A_480 = arith.constant 1 : i32
    %sub3A_481 = arith.subi %div3A_460, %sub3A_480 : i32
    %select_n3A_482 = arith.select %and3A_479, %sub3A_481, %div3A_460 : i32
    %mul3A_483 = arith.constant 4 : i32
    %mul3A_484 = arith.muli %add3A_458, %mul3A_483 : i32
    %dma_start3A_485 = tpu.memref_slice %arg3[%mul3A_484] : memref<4194304xf32, #tpu.memory_space<hbm>> -> memref<16384xf32, #tpu.memory_space<hbm>>
    %dma_start3A_486 = tpu.memref_slice %arg3[%mul3A_484] : memref<4194304xf32, #tpu.memory_space<hbm>> -> memref<16384xf32, #tpu.memory_space<hbm>>
    tpu.enqueue_dma source(%arg13 : memref<16384xf32, #tpu.memory_space<vmem>>) target(%dma_start3A_486 : memref<16384xf32, #tpu.memory_space<hbm>>) target_semaphore(%arg20 : memref<!tpu.dma_semaphore, #tpu.memory_space<semaphore_mem>>)
    %dma_start3A_487 = arith.constant 0 : i32
    %dma_start3A_488 = tpu.memref_slice %arg4[%select_n3A_482, %dma_start3A_487] : memref<8192x512xi32, #tpu.memory_space<hbm>> -> memref<32x384xi32, #tpu.memory_space<hbm>>
    %dma_start3A_489 = arith.constant 0 : i32
    %dma_start3A_490 = tpu.memref_slice %arg4[%select_n3A_482, %dma_start3A_489] : memref<8192x512xi32, #tpu.memory_space<hbm>> -> memref<32x384xi32, #tpu.memory_space<hbm>>
    tpu.enqueue_dma source(%arg14 : memref<32x384xi32, #tpu.memory_space<vmem>>) target(%dma_start3A_490 : memref<32x384xi32, #tpu.memory_space<hbm>>) target_semaphore(%arg20 : memref<!tpu.dma_semaphore, #tpu.memory_space<semaphore_mem>>)
    %dma_start3A_491 = tpu.memref_slice %arg5[%add3A_458] : memref<1048576xi32, #tpu.memory_space<hbm>> -> memref<4096xi32, #tpu.memory_space<hbm>>
    %dma_start3A_492 = tpu.memref_slice %arg5[%add3A_458] : memref<1048576xi32, #tpu.memory_space<hbm>> -> memref<4096xi32, #tpu.memory_space<hbm>>
    tpu.enqueue_dma source(%arg15 : memref<4096xi32, #tpu.memory_space<vmem>>) target(%dma_start3A_492 : memref<4096xi32, #tpu.memory_space<hbm>>) target_semaphore(%arg20 : memref<!tpu.dma_semaphore, #tpu.memory_space<semaphore_mem>>)
    %dma_start3A_493 = arith.constant 0 : i32
    %dma_start3A_494 = tpu.memref_slice %arg6[%select_n3A_482, %dma_start3A_493] : memref<8192x512xf32, #tpu.memory_space<hbm>> -> memref<32x384xf32, #tpu.memory_space<hbm>>
    %dma_start3A_495 = arith.constant 0 : i32
    %dma_start3A_496 = tpu.memref_slice %arg6[%select_n3A_482, %dma_start3A_495] : memref<8192x512xf32, #tpu.memory_space<hbm>> -> memref<32x384xf32, #tpu.memory_space<hbm>>
    tpu.enqueue_dma source(%arg16 : memref<32x384xf32, #tpu.memory_space<vmem>>) target(%dma_start3A_496 : memref<32x384xf32, #tpu.memory_space<hbm>>) target_semaphore(%arg20 : memref<!tpu.dma_semaphore, #tpu.memory_space<semaphore_mem>>)
    %dma_wait3A_497 = tpu.memref_slice %arg3[%mul3A_424] : memref<4194304xf32, #tpu.memory_space<hbm>> -> memref<16384xf32, #tpu.memory_space<hbm>>
    %dma_wait3A_498 = tpu.memref_slice %arg3[%mul3A_424] : memref<4194304xf32, #tpu.memory_space<hbm>> -> memref<16384xf32, #tpu.memory_space<hbm>>
    tpu.wait_dma2 semaphore(%arg19 : memref<!tpu.dma_semaphore, #tpu.memory_space<semaphore_mem>>) src(%arg8 : memref<16384xf32, #tpu.memory_space<vmem>>) dst(%dma_wait3A_498 : memref<16384xf32, #tpu.memory_space<hbm>>)
    %dma_wait3A_499 = arith.constant 0 : i32
    %dma_wait3A_500 = tpu.memref_slice %arg4[%select_n3A_422, %dma_wait3A_499] : memref<8192x512xi32, #tpu.memory_space<hbm>> -> memref<32x384xi32, #tpu.memory_space<hbm>>
    %dma_wait3A_501 = arith.constant 0 : i32
    %dma_wait3A_502 = tpu.memref_slice %arg4[%select_n3A_422, %dma_wait3A_501] : memref<8192x512xi32, #tpu.memory_space<hbm>> -> memref<32x384xi32, #tpu.memory_space<hbm>>
    tpu.wait_dma2 semaphore(%arg19 : memref<!tpu.dma_semaphore, #tpu.memory_space<semaphore_mem>>) src(%arg9 : memref<32x384xi32, #tpu.memory_space<vmem>>) dst(%dma_wait3A_502 : memref<32x384xi32, #tpu.memory_space<hbm>>)
    %dma_wait3A_503 = tpu.memref_slice %arg5[%add3A_398] : memref<1048576xi32, #tpu.memory_space<hbm>> -> memref<4096xi32, #tpu.memory_space<hbm>>
    %dma_wait3A_504 = tpu.memref_slice %arg5[%add3A_398] : memref<1048576xi32, #tpu.memory_space<hbm>> -> memref<4096xi32, #tpu.memory_space<hbm>>
    tpu.wait_dma2 semaphore(%arg19 : memref<!tpu.dma_semaphore, #tpu.memory_space<semaphore_mem>>) src(%arg10 : memref<4096xi32, #tpu.memory_space<vmem>>) dst(%dma_wait3A_504 : memref<4096xi32, #tpu.memory_space<hbm>>)
    %dma_wait3A_505 = arith.constant 0 : i32
    %dma_wait3A_506 = tpu.memref_slice %arg6[%select_n3A_422, %dma_wait3A_505] : memref<8192x512xf32, #tpu.memory_space<hbm>> -> memref<32x384xf32, #tpu.memory_space<hbm>>
    %dma_wait3A_507 = arith.constant 0 : i32
    %dma_wait3A_508 = tpu.memref_slice %arg6[%select_n3A_422, %dma_wait3A_507] : memref<8192x512xf32, #tpu.memory_space<hbm>> -> memref<32x384xf32, #tpu.memory_space<hbm>>
    tpu.wait_dma2 semaphore(%arg19 : memref<!tpu.dma_semaphore, #tpu.memory_space<semaphore_mem>>) src(%arg11 : memref<32x384xf32, #tpu.memory_space<vmem>>) dst(%dma_wait3A_508 : memref<32x384xf32, #tpu.memory_space<hbm>>)
    %dma_wait3A_509 = tpu.memref_slice %arg3[%mul3A_484] : memref<4194304xf32, #tpu.memory_space<hbm>> -> memref<16384xf32, #tpu.memory_space<hbm>>
    %dma_wait3A_510 = tpu.memref_slice %arg3[%mul3A_484] : memref<4194304xf32, #tpu.memory_space<hbm>> -> memref<16384xf32, #tpu.memory_space<hbm>>
    tpu.wait_dma2 semaphore(%arg20 : memref<!tpu.dma_semaphore, #tpu.memory_space<semaphore_mem>>) src(%arg13 : memref<16384xf32, #tpu.memory_space<vmem>>) dst(%dma_wait3A_510 : memref<16384xf32, #tpu.memory_space<hbm>>)
    %dma_wait3A_511 = arith.constant 0 : i32
    %dma_wait3A_512 = tpu.memref_slice %arg4[%select_n3A_482, %dma_wait3A_511] : memref<8192x512xi32, #tpu.memory_space<hbm>> -> memref<32x384xi32, #tpu.memory_space<hbm>>
    %dma_wait3A_513 = arith.constant 0 : i32
    %dma_wait3A_514 = tpu.memref_slice %arg4[%select_n3A_482, %dma_wait3A_513] : memref<8192x512xi32, #tpu.memory_space<hbm>> -> memref<32x384xi32, #tpu.memory_space<hbm>>
    tpu.wait_dma2 semaphore(%arg20 : memref<!tpu.dma_semaphore, #tpu.memory_space<semaphore_mem>>) src(%arg14 : memref<32x384xi32, #tpu.memory_space<vmem>>) dst(%dma_wait3A_514 : memref<32x384xi32, #tpu.memory_space<hbm>>)
    %dma_wait3A_515 = tpu.memref_slice %arg5[%add3A_458] : memref<1048576xi32, #tpu.memory_space<hbm>> -> memref<4096xi32, #tpu.memory_space<hbm>>
    %dma_wait3A_516 = tpu.memref_slice %arg5[%add3A_458] : memref<1048576xi32, #tpu.memory_space<hbm>> -> memref<4096xi32, #tpu.memory_space<hbm>>
    tpu.wait_dma2 semaphore(%arg20 : memref<!tpu.dma_semaphore, #tpu.memory_space<semaphore_mem>>) src(%arg15 : memref<4096xi32, #tpu.memory_space<vmem>>) dst(%dma_wait3A_516 : memref<4096xi32, #tpu.memory_space<hbm>>)
    %dma_wait3A_517 = arith.constant 0 : i32
    %dma_wait3A_518 = tpu.memref_slice %arg6[%select_n3A_482, %dma_wait3A_517] : memref<8192x512xf32, #tpu.memory_space<hbm>> -> memref<32x384xf32, #tpu.memory_space<hbm>>
    %dma_wait3A_519 = arith.constant 0 : i32
    %dma_wait3A_520 = tpu.memref_slice %arg6[%select_n3A_482, %dma_wait3A_519] : memref<8192x512xf32, #tpu.memory_space<hbm>> -> memref<32x384xf32, #tpu.memory_space<hbm>>
    tpu.wait_dma2 semaphore(%arg20 : memref<!tpu.dma_semaphore, #tpu.memory_space<semaphore_mem>>) src(%arg16 : memref<32x384xf32, #tpu.memory_space<vmem>>) dst(%dma_wait3A_520 : memref<32x384xf32, #tpu.memory_space<hbm>>)
    return
  }
}

</mosaic_0001>

<sc_bundles>
// kernel: kernel.3.cloned.1.call-start
scs
__scs_entry_jumppad:
0x0: {  	(pc) =	sbr.rel $0x88, $3  }
0x1: {  	(tag) =	ssettag $0x0;
	lr =	simm.s32 $0x1  }
0x2: {  	[smem:$0x3FA0] =	sst lr;
	_ =	strace $0xD0000000  }
0x3: {  	_ = 	snop  }
0x4: {  	_ = 	snop  }
0x5: {  	_ = 	snop  }
0x6: {  	_ = 	snop  }
0x7: {  	_ = 	snop  }
__scs_overlays_trampoline_lowered:
0x8: {  	[smem:$0x3FAF] =	sst s0  }
0x9: {  	[smem:$0x3FB0] =	sst s1  }
0xa: {  	[smem:$0x3FB1] =	sst s2  }
0xb: {  	[smem:$0x3FB2] =	sst s3  }
0xc: {  	[smem:$0x3FB3] =	sst s4  }
0xd: {  	[smem:$0x3FB4] =	sst s5  }
0xe: {  	[smem:$0x3FB5] =	sst s6  }
0xf: {  	[smem:$0x3FB6] =	sst s7  }
0x10: {  	[smem:$0x3FB7] =	sst s8  }
0x11: {  	[smem:$0x3FB8] =	sst s9;
	s0 =	simm.s32 @!p0 $0x0  }
0x12: {  	s1 =	sld [smem:$0x3F9E];
	s0 =	simm.s32 @p0 $0x1  }
0x13: {  	[smem:$0x3FB9] =	sst s0;
	s0 =	simm.s32 @!p1 $0x0  }
0x14: {  	s2 =	sld [smem:$0x3F9D];
	s0 =	simm.s32 @p1 $0x1  }
0x15: {  	[smem:$0x3FBA] =	sst s0;
	s0 =	simm.s32 @!p2 $0x0  }
0x16: {  	s3 =	sld [smem:$0x3FDB];
	s0 =	simm.s32 @p2 $0x1  }
0x17: {  	s4 =	simm.s32 $0x1BF5;
	[smem:$0x3FBC] =	sst s0  }
0x18: {  	s0 =	sld [smem:$0x3F9F];
	_ =	swait.ge [sflag:s4], $0x0  }
0x19: {  	s7 =	sld [smem:$0x3FA0]  }
0x1a: {  	s8 =	sadd.s32 $0xFFFFE003, lr  }
0x1b: {  	s9 =	sadd.s32 $0xFFFFFEF7, lr;
	s5 =	simm.s32 $0xFFFFFFFF;
	p2 =	slt.u32 s8, $0xFFFFF086  }
0x1c: {  	p1 =	slt.u32 s9, $0xF7A;
	s5 =	simm.s32 @!p2 $0x0  }
0x1d: {  	s5 =	simm.s32 @p1 $0x1;
	p0 =	seq.s32 s7, s2  }
0x1e: {  	s7 =	smul.u32 @!p0 $0xF7A, s2;
	p2 =	seq.s32 @!p0 s5, $0x0  }
0x1f: {  	s9 =	smul.u32 $0xF7A, s1;
	s8 =	simm.s32 @!p0 $0x1BF5;
	p2 =	por !p2, p0  }
0x20: {  	[sflag:s8] =	ssyncset.s32 @!p0 $0xFFFFF086;
	s6 =	sadd.s32 @!p0 s3, s7;
	s7 =	simm.s32 @!p0 $0x108  }
0x21: {  	s3 =	sadd.s32 s3, s9;
	s6 =	sadd.s32 @!p0 $0x88, s6;
	s7 =	simm.s32 @p2 $0x1082  }
0x22: {  	[simem:s7], [sflag:s8] =	dma.local @!p0 [hbm:s6], $0xF7A  }
0x23: {  	s9 =	sor.u32 $0xD0000000, s2;
	s6 =	simm.s32 $0x108;
	_ =	swait.ge @!p0 [sflag:s8], $0x0  }
0x24: {  	s3 =	sadd.s32 $0x88, s3;
	s6 =	simm.s32 @!p1 $0x1082;
	[sflag:s4] =	ssyncset.s32 $0xFFFFF086  }
0x25: {  	[simem:s6], [sflag:s4] =	dma.local [hbm:s3], $0xF7A  }
0x26: {  	[smem:$0x3FA0] =	sst s1;
	(tag) =	ssettag s2;
	_ =	strace s9  }
0x27: {  	s1 =	sld [smem:$0x3FB0]  }
0x28: {  	s2 =	sld [smem:$0x3FB1]  }
0x29: {  	s4 =	sld [smem:$0x3FB3]  }
0x2a: {  	p0 =	seq.s32 s5, $0x0;
	s5 =	sld [smem:$0x3FB4]  }
0x2b: {  	s6 =	sld [smem:$0x3FB5]  }
0x2c: {  	s7 =	sld [smem:$0x3FB6]  }
0x2d: {  	s3 =	simm.s32 $0x108;
	s8 =	sld [smem:$0x3FB7]  }
0x2e: {  	s3 =	simm.s32 @!p0 $0x1082;
	s9 =	sld [smem:$0x3FB8]  }
0x2f: {  	lr =	sadd.s32 s0, s3;
	s0 =	sld [smem:$0x3FAF]  }
0x30: {  	s3 =	sld [smem:$0x3FB2]  }
0x31: {  	[smem:$0x3FBB] =	sst s10  }
0x32: {  	s10 =	sld [smem:$0x3FB9];
	_ =	sdelay $0x3  }
0x33: {  	p0 =	seq.s32 s10, $0x1;
	s10 =	sld [smem:$0x3FBB];
	_ =	sdelay $0x3  }
0x34: {  	[smem:$0x3FBB] =	sst s10  }
0x35: {  	s10 =	sld [smem:$0x3FBA];
	_ =	sdelay $0x3  }
0x36: {  	p1 =	seq.s32 s10, $0x1;
	s10 =	sld [smem:$0x3FBB];
	_ =	sdelay $0x3  }
0x37: {  	[smem:$0x3FBB] =	sst s10  }
0x38: {  	s10 =	sld [smem:$0x3FBC]  }
0x39: {  	_ = 	snop;
	(pc) =	sbr.ind lr, $3  }
0x3a: {  	_ = 	snop  }
0x3b: {  	_ = 	snop  }
0x3c: {  	p2 =	seq.s32 s10, $0x1;
	s10 =	sld [smem:$0x3FBB]  }
0x3d: {  	_ =	shalt  }
0x3e: {  	_ =	shalt  }
0x3f: {  	_ =	shalt  }
0x40: {  	_ =	shalt  }
0x41: {  	_ =	shalt  }
0x42: {  	_ =	shalt  }
0x43: {  	_ =	shalt  }
0x44: {  	_ =	shalt  }
0x45: {  	_ =	shalt  }
0x46: {  	_ =	shalt  }
0x47: {  	_ =	shalt  }
0x48: {  	_ =	shalt  }
0x49: {  	_ =	shalt  }
0x4a: {  	_ =	shalt  }
0x4b: {  	_ =	shalt  }
0x4c: {  	_ =	shalt  }
0x4d: {  	_ =	shalt  }
0x4e: {  	_ =	shalt  }
0x4f: {  	_ =	shalt  }
0x50: {  	_ =	shalt  }
0x51: {  	_ =	shalt  }
0x52: {  	_ =	shalt  }
0x53: {  	_ =	shalt  }
0x54: {  	_ =	shalt  }
0x55: {  	_ =	shalt  }
0x56: {  	_ =	shalt  }
0x57: {  	_ =	shalt  }
0x58: {  	_ =	shalt  }
0x59: {  	_ =	shalt  }
0x5a: {  	_ =	shalt  }
0x5b: {  	_ =	shalt  }
0x5c: {  	_ =	shalt  }
0x5d: {  	_ =	shalt  }
0x5e: {  	_ =	shalt  }
0x5f: {  	_ =	shalt  }
0x60: {  	_ =	shalt  }
0x61: {  	_ =	shalt  }
0x62: {  	_ =	shalt  }
0x63: {  	_ =	shalt  }
0x64: {  	_ =	shalt  }
0x65: {  	_ =	shalt  }
0x66: {  	_ =	shalt  }
0x67: {  	_ =	shalt  }
0x68: {  	_ =	shalt  }
0x69: {  	_ =	shalt  }
0x6a: {  	_ =	shalt  }
0x6b: {  	_ =	shalt  }
0x6c: {  	_ =	shalt  }
0x6d: {  	_ =	shalt  }
0x6e: {  	_ =	shalt  }
0x6f: {  	_ =	shalt  }
0x70: {  	_ =	shalt  }
0x71: {  	_ =	shalt  }
0x72: {  	_ =	shalt  }
0x73: {  	_ =	shalt  }
0x74: {  	_ =	shalt  }
0x75: {  	_ =	shalt  }
0x76: {  	_ =	shalt  }
0x77: {  	_ =	shalt  }
0x78: {  	_ =	shalt  }
0x79: {  	_ =	shalt  }
0x7a: {  	_ =	shalt  }
0x7b: {  	_ =	shalt  }
0x7c: {  	_ =	shalt  }
0x7d: {  	_ =	shalt  }
0x7e: {  	_ =	shalt  }
0x7f: {  	_ =	shalt  }
0x80: {  	_ =	shalt  }
0x81: {  	_ =	shalt  }
0x82: {  	_ =	shalt  }
0x83: {  	_ =	shalt  }
0x84: {  	_ =	shalt  }
0x85: {  	_ =	shalt  }
0x86: {  	_ =	shalt  }
0x87: {  	_ =	shalt  }
.Lfunc_end0:
.L_simem_size_0:
called_computation_lowered:
.L_overlay_start_0:
0x88: {  	s2 =	sld [smem:$0x3FD9]  }
0x89: {  	s3 =	sld [smem:$0x3FFE];
	_ =	sdelay $0x1  }
0x8a: {  	s1 =	srdreg.scid  }
0x8b: {  	s0 =	sand.u32 $0x1, s1  }
0x8c: {  	s15 =	sshll.u32 s0, $0xA;
	s2 =	sadd.s32 s3, s2  }
0x8d: {  	s2 =	sadd.s32 s2, s15  }
0x8e: {  	[smem:$0x3FC7] =	sst s2  }
0x8f: {  	_ = 	snop  }
0x90: {  	s2 =	sld [smem:$0x3FD0];
	_ =	sdelay $0x2  }
0x91: {  	s4 =	simm.s32 $0xA;
	s5 =	simm.s32 $0x10;
	s16 =	sld [smem:$0x3FC9]  }
0x92: {  	[smem:s5], [sflag:s4] =	dma.local [hbm:s2], $0x1  }
0x93: {  	_ =	swait.eq [sflag:s4], $0x1  }
0x94: {  	s17 =	sld [smem:$0x10]  }
0x95: {  	s18 =	sld [smem:$0x11];
	[sflag:s4] =	ssyncset.done $0x0  }
0x96: {  	s6 =	sld [smem:$0x12];
	[sflag:s4] =	ssyncadd.s32 $0xFFFFFFFF  }
0x97: {  	s19 =	sld [smem:$0x13];
	(tm) =	ssettm $0x1  }
0x98: {  	s7 =	sld [smem:$0x3FFB];
	_ =	sdelay $0x3  }
0x99: {  	_ =	strace s7  }
0x9a: {  	s7 =	sld [smem:$0x3FFC];
	_ =	sdelay $0x3  }
0x9b: {  	_ =	strace s7  }
0x9c: {  	s7 =	sld [smem:$0x3FFD];
	_ =	sdelay $0x3  }
0x9d: {  	_ =	strace s7  }
0x9e: {  	_ =	strace $0x8FFFFFFF  }
0x9f: {  	s20 =	sld [smem:$0x3FDB];
	_ =	sdelay $0x1  }
0xa0: {  	s8 =	simm.s32 $_scs_section_size  }
0xa1: {  	s9 =	simm.s32 $_size__tile_overlayer_lowered;
	s10 =	simm.s32 $_tile_overlayer_lowered  }
0xa2: {  	s23 =	simm.s32 $0x1BFF;
	s22 =	sshll.u32 s10, $0x1;
	s7 =	sadd.s32 s8, s20  }
0xa3: {  	s11 =	simm.s32 $0x0;
	s21 =	sshll.u32 s9, $0x1;
	s9 =	sadd.s32 s22, s7  }
0xa4: {  	[timem:s11], [sflag:s23] =	dma.local [hbm:s9], s21  }
0xa5: {  	_ =	swait.ge [sflag:s23], s21  }
0xa6: {  	s8 =	ssub.s32 $0x0, s21;
	[sflag:s23] =	ssyncset.done $0x0  }
0xa7: {  	[sflag:s23] =	ssyncadd.s32 s8;
	_ =	sdelay $0x1  }
0xa8: {  	s24 =	simm.s32 $0x1B8B  }
0xa9: {  	_ =	swait.ge [sflag:s24], $0x1  }
0xaa: {  	[sflag:s24] =	ssyncset.done $0x0  }
0xab: {  	s25 =	simm.s32 $0x1B8E;
	[sflag:s24] =	ssyncadd.s32 $0xFFFFFFFF  }
0xac: {  	s26 =	simm.s32 $execute0_lowered;
	[smem:$0x3FD2] =	sst s25  }
0xad: {  	s8 =	sshll.u32 s26, $0x1;
	_ =	strace $0x80000046;
	[dreg:$0x1] =	wrdreg $0xFFFFFFFF  }
0xae: {  	s28 =	simm.s32 $_size_execute0_lowered;
	s7 =	sadd.s32 s7, s8;
	[dreg:$0x0] =	wrdreg $0x0  }
0xaf: {  	s8 =	sshll.u32 s28, $0x1;
	[dreg:$0x2] =	wrdreg s7  }
0xb0: {  	[dreg:$0x3] =	wrdreg s8  }
0xb1: {  	[dreg:$0x4] =	wrdreg $0xC0  }
0xb2: {  	_ =	task [dreg:s11], $0x5FFFF  }
0xb3: {  	[dreg:$0x1] =	wrdreg $0xFFFFFFFF  }
0xb4: {  	[dreg:$0x0] =	wrdreg $0x60  }
0xb5: {  	[dreg:$0x2] =	wrdreg s16  }
0xb6: {  	[dreg:$0x3] =	wrdreg s17  }
0xb7: {  	[dreg:$0x4] =	wrdreg s18  }
0xb8: {  	[dreg:$0x5] =	wrdreg s6  }
0xb9: {  	[dreg:$0x6] =	wrdreg s19  }
0xba: {  	[dreg:$0x7] =	wrdreg $0x9  }
0xbb: {  	_ =	task.clear_ibuf [dreg:s11], $0x8FFFF;
	_ =	strace $0x90000046  }
0xbc: {  	s29 =	simm.s32 $0x9;
	_ =	strace $0x80000048  }
0xbd: {  	_ =	swait.ge [sflag:s29], $0x1  }
0xbe: {  	[sflag:s29] =	ssyncadd.s32 $0xFFFFFFFF  }
0xbf: {  	_ =	strace $0x90000048  }
0xc0: {  	_ =	sfence  }
0xc1: {  	s30 =	sld [smem:$0x0];
	_ =	sdelay $0x2  }
0xc2: {  	s31 =	sshll.u32 s1, $0xD;
	s1 =	sshrl.u32 s1, $0x2  }
0xc3: {  	s3 =	sand.u32 $0x4000, s31;
	s1 =	sadd.s32 s1, s30  }
0xc4: {  	s0 =	sor.u32 s3, s0;
	s1 =	sshll.u32 s1, $0x11  }
0xc5: {  	s0 =	sor.u32 s1, s0  }
0xc6: {  	s0 =	sadd.s32 $0x8F2B, s0  }
0xc7: {  	[sflag:s0] =	ssyncadd.remote.s32 $0x1  }
0xc8: {  	_ =	sfence.sel $0xFFFF  }
0xc9: {  	[dreg:$0x0] =	wrdreg $0xFFFFFFFF;
	(pc) =	sbr.abs _section_cstart, $3  }
0xca: {  	[dreg:$0x1] =	wrdreg $0xFFFFFFFF  }
0xcb: {  	_ =	task.clear_ibuf [dreg:s11], $0x2FFFF;
	_ =	strace $0x9FFFFFFF  }
0xcc: {  	(tm) =	ssettm $0x7FFFFFFF  }
0xcd: {  	_ =	shalt  }
tec
execute0_lowered:
.L_overlay_start_1:
0x0: {  	(tag) =	ssettag $0x1  }
0x1: {  	s4 =	rddreg [dreg:$0x0]  }
0x2: {  	s0 =	rddreg [dreg:$0x1]  }
0x3: {  	s2 =	rddreg [dreg:$0x2]  }
0x4: {  	s7 =	rddreg [dreg:$0x3]  }
0x5: {  	s1 =	srdreg.scid;
	s19 =	stileid.u32  }
0x6: {  	s3 =	rddreg [dreg:$0x4];
	s5 =	sand.u32 $0x1, s1;
	s6 =	sshll.u32 s19, $0x1  }
0x7: {  	s1 =	simm.s32 $0x0;
	s8 =	ssub.s32 $0x2, s5;
	s9 =	sor.u32 s5, s6  }
0x8: {  	[smem:$0x7FF] =	sst s1;
	s26 =	sshrl.u32 s8, $0x1;
	s10 =	sshll.u32 s9, $0xF  }
0x9: {  	s31 =	sshll.u32 s9, $0xE;
	s9 =	sshll.u32 s9, $0xC;
	s6 =	ssub.s32 s8, s26  }
0xa: {  	s11 =	sor.u32 $0x1000, s10;
	s12 =	sadd.s32 s4, s31;
	s9 =	sadd.s32 s7, s9  }
0xb: {  	s21 =	sor.u32 $0x2000, s10;
	s22 =	sor.u32 $0x3000, s10;
	[dreg:$0x6] =	wrdreg s12  }
0xc: {  	s24 =	sadd.s32 s0, s31;
	s25 =	sadd.s32 s2, s31;
	[dreg:$0x7] =	wrdreg s9  }
0xd: {  	s26 =	sadd.s32 s3, s31;
	s20 =	sshrl.u32 s11, $0x1;
	[dreg:$0xf] =	wrdreg s24  }
0xe: {  	s11 =	sshrl.u32 s11, $0x3;
	s13 =	sshrl.u32 s21, $0x3;
	[dreg:$0x10] =	wrdreg s25  }
0xf: {  	s14 =	sshrl.u32 s22, $0x3;
	[dreg:$0x11] =	wrdreg s26;
	s11 =	sadd.s32 s7, s11  }
0x10: {  	s31 =	sshrl.u32 s21, $0x1;
	s13 =	sadd.s32 s7, s13;
	[dreg:$0x8] =	wrdreg s11  }
0x11: {  	s14 =	sadd.s32 s7, s14;
	s9 =	sadd.s32 s4, s20;
	[dreg:$0x9] =	wrdreg s13  }
0x12: {  	s21 =	sadd.s32 s0, s31;
	s13 =	sor.u32 $0x4000, s10;
	[dreg:$0xa] =	wrdreg s14  }
0x13: {  	s14 =	sor.u32 $0x5000, s10;
	[dreg:$0x12] =	wrdreg s9;
	s9 =	sadd.s32 s4, s31  }
0x14: {  	[dreg:$0x17] =	wrdreg s21;
	s15 =	sshrl.u32 s13, $0x3;
	s16 =	sshrl.u32 s14, $0x3  }
0x15: {  	[dreg:$0x16] =	wrdreg s9;
	s15 =	sadd.s32 s7, s15;
	s16 =	sadd.s32 s7, s16  }
0x16: {  	[dreg:$0xb] =	wrdreg s15;
	s15 =	sor.u32 $0x6000, s10;
	s10 =	sor.u32 $0x7000, s10  }
0x17: {  	[dreg:$0xc] =	wrdreg s16;
	s16 =	sadd.s32 s0, s20;
	s17 =	sshrl.u32 s15, $0x3  }
0x18: {  	s18 =	sshrl.u32 s10, $0x3;
	[dreg:$0x13] =	wrdreg s16;
	s23 =	sadd.s32 s7, s17  }
0x19: {  	s7 =	sadd.s32 s7, s18;
	[dreg:$0xd] =	wrdreg s23  }
0x1a: {  	s17 =	sadd.s32 s2, s20;
	[dreg:$0xe] =	wrdreg s7  }
0x1b: {  	s18 =	sadd.s32 s3, s20;
	[dreg:$0x14] =	wrdreg s17  }
0x1c: {  	s20 =	sshrl.u32 s22, $0x1;
	s22 =	sadd.s32 s2, s31;
	[dreg:$0x15] =	wrdreg s18  }
0x1d: {  	[dreg:$0x18] =	wrdreg s22;
	s7 =	sadd.s32 s3, s31  }
0x1e: {  	s24 =	sadd.s32 s4, s20;
	[dreg:$0x19] =	wrdreg s7  }
0x1f: {  	s25 =	sadd.s32 s0, s20;
	[dreg:$0x1a] =	wrdreg s24  }
0x20: {  	s26 =	sadd.s32 s2, s20;
	[dreg:$0x1b] =	wrdreg s25  }
0x21: {  	s23 =	sshrl.u32 s13, $0x1;
	s8 =	sadd.s32 s3, s20;
	[dreg:$0x1c] =	wrdreg s26  }
0x22: {  	[dreg:$0x1d] =	wrdreg s8;
	s11 =	sadd.s32 s4, s23  }
0x23: {  	s12 =	sadd.s32 s0, s23;
	[dreg:$0x1e] =	wrdreg s11  }
0x24: {  	s13 =	sadd.s32 s2, s23;
	[dreg:$0x1f] =	wrdreg s12  }
0x25: {  	s31 =	sshrl.u32 s14, $0x1;
	s7 =	sadd.s32 s3, s23;
	[smem:$0x7EF] =	sst s13  }
0x26: {  	s14 =	sshrl.u32 s15, $0x1;
	s15 =	sadd.s32 s4, s31;
	[smem:$0x7F0] =	sst s7  }
0x27: {  	s16 =	sadd.s32 s0, s31;
	[smem:$0x7F1] =	sst s15  }
0x28: {  	s17 =	sadd.s32 s2, s31;
	[smem:$0x7F2] =	sst s16  }
0x29: {  	s28 =	simm.s32 $0x3;
	s8 =	sadd.s32 s3, s31;
	[smem:$0x7F3] =	sst s17  }
0x2a: {  	s18 =	sshrl.u32 s10, $0x1;
	s20 =	sadd.s32 s4, s14;
	[smem:$0x7F4] =	sst s8  }
0x2b: {  	s29 =	simm.s32 $0x4;
	s4 =	sadd.s32 s4, s18;
	[smem:$0x7F5] =	sst s20  }
0x2c: {  	s30 =	simm.s32 $0x0;
	s21 =	sadd.s32 s0, s14;
	[smem:$0x7F6] =	sst s4  }
0x2d: {  	s22 =	sadd.s32 s2, s14;
	s23 =	sadd.s32 s3, s14;
	[smem:$0x7F7] =	sst s21  }
0x2e: {  	s0 =	sadd.s32 s0, s18;
	s24 =	sadd.s32 s2, s18;
	[smem:$0x7F8] =	sst s22  }
0x2f: {  	s25 =	sshll.u32 s5, $0xF;
	s26 =	sshll.u32 s19, $0x10;
	[smem:$0x7F9] =	sst s23  }
0x30: {  	s3 =	sadd.s32 s3, s18;
	s31 =	smax.u32 s6, $0x1;
	[smem:$0x7FA] =	sst s0  }
0x31: {  	s18 =	simm.s32 $0x200;
	s19 =	simm.s32 $0x8000;
	[smem:$0x7FB] =	sst s24  }
0x32: {  	[smem:$0x7FC] =	sst s3;
	s0 =	sor.u32 s25, s26;
	s15 =	simm.s32 $0x1  }
0x33: {  	s16 =	simm.s32 $0x4000;
	s17 =	simm.s32 $0x180;
	s20 =	simm.s32 $0xB000  }
0x34: {  	s21 =	simm.s32 $0xC000;
	s22 =	simm.s32 $0x2;
	s23 =	simm.s32 $0x13000  }
0x35: {  	s24 =	simm.s32 $0x17000;
	s25 =	simm.s32 $0x1A000;
	s26 =	simm.s32 $0x1B000  }
0x36: {  	v0 =	vimm.s32 $0x0;
	v1 =	vlaneseq.u32;
	_ =	strace $0x80000047;
	[smem:$0x7FD] =	sst s31;
	s13 =	sand.u32 $0x38000, s0  }
.LBB2_1:
0x37: {  	s0 =	rddreg [dreg:$0x6]  }
0x38: {  	[tilespmem:s1], [sflag:$0x1] =	stream.linear.gather [hbm4b:s0+s1], $0x4000, $0x38;
	[tilespmem:$0x1E000] =	vst v63  }
0x39: {  	s8 =	rddreg [dreg:$0x12];
	s2 =	simm.s32 $0xF000  }
0x3a: {  	[tilespmem:s2], [sflag:$0x2] =	stream.linear.gather [hbm4b:s8+s1], $0x4000, $0x38;
	[tilespmem:$0x1E000] =	vst v63  }
0x3b: {  	s9 =	simm.s32 $0x10;
	_ =	swait.ge [sflag:s15], $0x4000  }
0x3c: {  	s4 =	simm.s32 $0x0;
	s3 =	sand.u32 $0x70, s9;
	[sflag:s15] =	ssyncset.done $0x0  }
0x3d: {  	s6 =	sor.u32 s4, s3;
	[sflag:s15] =	ssyncadd.s32 $0xFFFFC000  }
0x3e: {  	s10 =	simm.s32 $0x0;
	v2 =	vld [tilespmem:s6+$0x100]  }
0x3f: {  	s11 =	sand.u32 $0x60, s10;
	s0 =	simm.s32 $0x30;
	v3 =	vld [tilespmem:s6+$0x0]  }
0x40: {  	s9 =	simm.s32 $0x0;
	s4 =	sor.u32 s11, s4;
	s5 =	sand.u32 $0x70, s0;
	v4 =	vld [tilespmem:s6+$0x80]  }
0x41: {  	s8 =	sor.u32 s9, s5;
	v5 =	vld [tilespmem:s4+$0x0]  }
0x42: {  	v27 =	vld [tilespmem:s8+$0x100];
	_ =	sdelay $0x2  }
0x43: {  	v7 =	vld [tilespmem:s4+$0x80];
	v6 =	vadd.f32 $5.000000000e+00, v2;
	v8 =	vadd.f32 $5.120000080e+01, v3  }
0x44: {  	v23 =	vld [tilespmem:s8+$0x0];
	v9 =	vadd.f32 $5.120000080e+01, v4;
	v10 =	vadd.f32 $5.120000080e+01, v5  }
0x45: {  	v30 =	vadd.f32 $5.000000000e+00, v27;
	v6 =	vmul.f32 $5.000000000e+00, v6;
	v8 =	vmul.f32 $1.000000000e+01, v8  }
0x46: {  	v9 =	vmul.f32 $1.000000000e+01, v9;
	v10 =	vmul.f32 $1.000000000e+01, v10  }
0x47: {  	v12 =	vld [tilespmem:s4+$0x100];
	v30 =	vmul.f32 $5.000000000e+00, v30;
	v11 =	vtrunc.f32 v6  }
0x48: {  	v15 =	vadd.f32 $5.120000080e+01, v7;
	v13 =	vtrunc.f32 v8;
	v14 =	vtrunc.f32 v9  }
0x49: {  	v29 =	vadd.f32 $5.120000080e+01, v23;
	v16 =	vcvt.f32.s32 v13;
	v17 =	vcvt.f32.s32 v11  }
0x4a: {  	v18 =	vcvt.f32.s32 v14;
	vm0 =	vlt.f32 v8, v13;
	vm1 =	vlt.f32 v9, v14  }
0x4b: {  	v14 =	vmul.f32 $1.000000000e+01, v15;
	v8 =	vsel vm0, $0xFFFFFFFF, v0;
	v9 =	vsel vm1, $0xFFFFFFFF, v0  }
0x4c: {  	vm0 =	vlt.f32 v6, v11;
	v11 =	vadd.f32 $5.000000000e+00, v12;
	v6 =	vadd.s32 v16, v8  }
0x4d: {  	v8 =	vadd.s32 v18, v9;
	v9 =	vsel vm0, $0xFFFFFFFF, v0;
	v15 =	vtrunc.f32 v14  }
0x4e: {  	v9 =	vadd.s32 v17, v9;
	v13 =	vor.u32 v6, v8;
	v11 =	vmul.f32 $5.000000000e+00, v11  }
0x4f: {  	vm2 =	vlt.f32 v14, v15;
	vm0 =	vlt.u32 v13, $0x400;
	vm1 =	vlt.u32 v9, $0x28  }
0x50: {  	v13 =	vtrunc.f32 v10;
	v20 =	vsel vm2, $0xFFFFFFFF, v0;
	vm0 =	vmand vm0, vm1  }
0x51: {  	v16 =	vcvt.f32.s32 v13;
	vm1 =	vlt.f32 v10, v13;
	v10 =	vld [tilespmem:s6+$0x180];
	v17 =	vnsel vm0, $0x0, v6  }
0x52: {  	v6 =	vcvt.f32.s32 v15;
	v18 =	vnsel vm0, $0x0, v8;
	v9 =	vnsel vm0, $0x0, v9  }
0x53: {  	v14 =	vnsel vm0, $0x0, v3;
	v15 =	vtrunc.f32 v11;
	v13 =	vcvt.s32.f32 v17  }
0x54: {  	v19 =	vnsel vm0, $0x0, v4;
	v8 =	vcvt.s32.f32 v18;
	v21 =	vcvt.f32.s32 v15  }
0x55: {  	v2 =	vnsel vm0, $0x0, v2;
	v3 =	vmul.f32 $1.000000010e-01, v13;
	v13 =	vcvt.s32.f32 v9  }
0x56: {  	v6 =	vadd.s32 v6, v20;
	v4 =	vmul.f32 $1.000000010e-01, v8;
	v10 =	vnsel vm0, $0x0, v10  }
0x57: {  	v3 =	vadd.f32 $-5.120000080e+01, v3;
	v8 =	vmul.f32 $2.000000030e-01, v13;
	v13 =	vsel vm1, $0xFFFFFFFF, v0  }
0x58: {  	v26 =	vld [tilespmem:s8+$0x80];
	v4 =	vadd.f32 $-5.120000080e+01, v4;
	vm1 =	vlt.f32 v11, v15;
	v11 =	vadd.s32 v16, v13  }
0x59: {  	v13 =	vsel vm1, $0xFFFFFFFF, v0;
	v3 =	vadd.f32 $5.000000070e-02, v3;
	v8 =	vadd.f32 $-5.000000000e+00, v8  }
0x5a: {  	v4 =	vadd.f32 $5.000000070e-02, v4;
	v13 =	vadd.s32 v21, v13;
	v15 =	vor.u32 v11, v6  }
0x5b: {  	vm1 =	vlt.u32 v15, $0x400;
	vm2 =	vlt.u32 v13, $0x28;
	v8 =	vadd.f32 $1.000000010e-01, v8  }
0x5c: {  	s10 =	sadd.s32 $0x10, s13;
	v16 =	vsub.f32 v14, v3;
	v20 =	vsub.f32 v19, v4;
	vm1 =	vmand vm1, vm2  }
0x5d: {  	s7 =	simm.s32 $0x20;
	[tilespmem:s6+$0x4080] =	vst v19;
	v3 =	vor.u32 s10, v1;
	v19 =	vadd.f32 $5.120000080e+01, v26;
	v22 =	vnsel vm1, $0x0, v11  }
0x5e: {  	s12 =	simm.s32 $0x0;
	s7 =	sand.u32 $0x60, s7;
	s10 =	sadd.s32 $0xFFFFFFF0, s10;
	v24 =	vnsel vm0, $0x0, v3;
	v25 =	vnsel vm1, $0x0, v6;
	v28 =	vnsel vm1, $0x0, v13  }
0x5f: {  	s31 =	sor.u32 s7, s9;
	s9 =	smul.u32 $0x180, s12;
	[tilespmem:s6+$0x4000] =	vst v14;
	v15 =	vld [tilespmem:s4+$0x180];
	v5 =	vnsel vm1, $0x0, v5;
	v14 =	vor.u32 s10, v1;
	v4 =	vcvt.s32.f32 v22  }
0x60: {  	[tilespmem:s6+$0x4100] =	vst v2;
	v21 =	vsub.f32 v2, v8;
	v8 =	vcvt.s32.f32 v25;
	v11 =	vcvt.s32.f32 v28  }
0x61: {  	s3 =	sor.u32 s9, s3;
	[tilespmem:s6+$0x4180] =	vst v10;
	v6 =	vld [tilespmem:s31+$0x0];
	v2 =	vnsel vm1, $0x0, v14;
	v14 =	vmul.f32 $1.000000000e+01, v29;
	v19 =	vmul.f32 $1.000000000e+01, v19  }
0x62: {  	v3 =	vnsel vm1, $0x0, v7;
	[tilespmem:s3+$0xC000] =	vst v16;
	v16 =	vtrunc.f32 v30;
	v13 =	vmul.f32 $1.000000010e-01, v4  }
0x63: {  	[tilespmem:s3+$0x8000] =	vst v9;
	v4 =	vnsel vm1, $0x0, v12;
	v12 =	vmul.f32 $1.000000010e-01, v8;
	v9 =	vtrunc.f32 v14  }
0x64: {  	v11 =	vmul.f32 $2.000000030e-01, v11;
	v15 =	vnsel vm1, $0x0, v15;
	vm0 =	vlt.f32 v14, v9  }
0x65: {  	v7 =	vld [tilespmem:s31+$0x80];
	v14 =	vtrunc.f32 v19;
	v13 =	vadd.f32 $-5.120000080e+01, v13;
	v12 =	vadd.f32 $-5.120000080e+01, v12  }
0x66: {  	v8 =	vld [tilespmem:s31+$0x100];
	v57 =	vadd.f32 $-5.000000000e+00, v11;
	v10 =	vadd.f32 $5.120000080e+01, v6;
	vm1 =	vlt.f32 v19, v14  }
0x67: {  	[tilespmem:s3+$0xC080] =	vst v20;
	v19 =	vcvt.f32.s32 v16;
	v14 =	vcvt.f32.s32 v14;
	v20 =	vsel vm0, $0xFFFFFFFF, v0  }
0x68: {  	[tilespmem:s3+$0x8080] =	vst v18;
	vm0 =	vlt.f32 v30, v16;
	v16 =	vsel vm1, $0xFFFFFFFF, v0;
	v11 =	vadd.f32 $5.000000070e-02, v13  }
0x69: {  	[tilespmem:s3+$0x8100] =	vst v17;
	v17 =	vmul.f32 $1.000000000e+01, v10;
	v10 =	vadd.f32 $5.000000070e-02, v12;
	v12 =	vcvt.f32.s32 v9  }
0x6a: {  	[tilespmem:s4+$0x4000] =	vst v5;
	v13 =	vadd.f32 $5.120000080e+01, v7;
	v9 =	vadd.f32 $1.000000010e-01, v57;
	v16 =	vadd.s32 v14, v16  }
0x6b: {  	[tilespmem:s4+$0x4080] =	vst v3;
	v14 =	vsel vm0, $0xFFFFFFFF, v0;
	v18 =	vadd.f32 $5.000000000e+00, v8;
	v12 =	vadd.s32 v12, v20  }
0x6c: {  	[tilespmem:s3+$0xC100] =	vst v21;
	s3 =	simm.s32 $0xB010;
	v19 =	vadd.s32 v19, v14;
	v20 =	vmul.f32 $1.000000000e+01, v13;
	v13 =	vor.u32 v12, v16  }
0x6d: {  	[tilespmem:s3+$0x0] =	vst v24;
	vm1 =	vlt.u32 v19, $0x28;
	v21 =	vmul.f32 $5.000000000e+00, v18;
	vm0 =	vlt.u32 v13, $0x400  }
0x6e: {  	[tilespmem:s4+$0x4100] =	vst v4;
	v18 =	vtrunc.f32 v17;
	v58 =	vtrunc.f32 v20;
	vm0 =	vmand vm0, vm1  }
0x6f: {  	s2 =	sor.u32 s11, s9;
	[tilespmem:s4+$0x4180] =	vst v15;
	v59 =	vcvt.f32.s32 v18;
	v14 =	vcvt.f32.s32 v58;
	v13 =	vnsel vm0, $0x0, v12  }
0x70: {  	[tilespmem:s2+$0x8000] =	vst v28;
	vm1 =	vlt.f32 v17, v18;
	v12 =	vld [tilespmem:s8+$0x180];
	v60 =	vnsel vm0, $0x0, v16;
	v15 =	vcvt.s32.f32 v13  }
0x71: {  	[tilespmem:s2+$0x8080] =	vst v25;
	vm2 =	vlt.f32 v20, v58;
	v17 =	vnsel vm0, $0x0, v19;
	v18 =	vcvt.s32.f32 v60  }
0x72: {  	[tilespmem:s2+$0x8100] =	vst v22;
	v22 =	vnsel vm0, $0x0, v23;
	v20 =	vcvt.s32.f32 v17;
	v19 =	vmul.f32 $1.000000010e-01, v15  }
0x73: {  	s14 =	simm.s32 $0x0;
	v23 =	vtrunc.f32 v21;
	v16 =	vnsel vm0, $0x0, v26;
	[tilespmem:s8+$0x4000] =	vst v22;
	v18 =	vmul.f32 $1.000000010e-01, v18  }
0x74: {  	s4 =	smul.u32 $0x180, s14;
	[tilespmem:s8+$0x4080] =	vst v16;
	v15 =	vnsel vm0, $0x0, v27;
	v20 =	vmul.f32 $2.000000030e-01, v20;
	v61 =	vadd.f32 $-5.120000080e+01, v19  }
0x75: {  	v62 =	vsel vm1, $0xFFFFFFFF, v0;
	[tilespmem:s8+$0x4100] =	vst v15;
	v12 =	vnsel vm0, $0x0, v12;
	v63 =	vadd.f32 $-5.120000080e+01, v18  }
0x76: {  	s11 =	sor.u32 s4, s5;
	vm1 =	vlt.f32 v21, v23;
	v20 =	vadd.f32 $-5.000000000e+00, v20;
	[tilespmem:s8+$0x4180] =	vst v12;
	v24 =	vadd.f32 $5.000000070e-02, v61  }
0x77: {  	v19 =	vsel vm2, $0xFFFFFFFF, v0;
	v18 =	vcvt.f32.s32 v23;
	v21 =	vadd.f32 $5.000000070e-02, v63;
	[tilespmem:s11+$0x8000] =	vst v17  }
0x78: {  	s5 =	simm.s32 $0x2;
	s6 =	sor.u32 s7, s4;
	s4 =	simm.s32 $0xB010;
	v12 =	vld [tilespmem:s31+$0x180];
	v17 =	vadd.s32 v59, v62;
	v20 =	vadd.f32 $1.000000010e-01, v20;
	[tilespmem:s11+$0x8080] =	vst v60;
	v22 =	vsub.f32 v22, v24  }
.LBB2_2:
0x79: {  	v14 =	vadd.s32 v14, v19;
	v19 =	vsel vm1, $0xFFFFFFFF, v0  }
0x7a: {  	s5 =	sadd.s32 $0x2, s5;
	[tilespmem:s11+$0x8100] =	vst v13;
	v13 =	vsub.f32 v16, v21;
	v16 =	vadd.s32 v18, v19;
	v18 =	vor.u32 v17, v14  }
0x7b: {  	s12 =	sadd.s32 s0, s13;
	s0 =	sadd.s32 $0x20, s0;
	s8 =	sshrl.u32 s5, $0x3;
	[tilespmem:s11+$0xC000] =	vst v22;
	v15 =	vsub.f32 v15, v20;
	vm1 =	vlt.u32 v18, $0x400;
	vm2 =	vlt.u32 v16, $0x28  }
0x7c: {  	s9 =	sadd.s32 $0xFFFFFFF0, s0;
	s7 =	sand.u32 $0x70, s0;
	s1 =	sshll.u32 s8, $0x9;
	v18 =	vor.u32 s12, v1;
	[tilespmem:s11+$0xC080] =	vst v13;
	vm1 =	vmand vm1, vm2  }
0x7d: {  	v11 =	vsub.f32 v5, v11;
	s3 =	sadd.s32 $0x20, s3;
	s10 =	sand.u32 $0x60, s9;
	s9 =	sor.u32 s1, s7;
	v13 =	vnsel vm0, $0x0, v18;
	[tilespmem:s11+$0xC100] =	vst v15;
	v17 =	vnsel vm1, $0x0, v17  }
0x7e: {  	s1 =	sor.u32 s10, s1;
	s11 =	sadd.s32 $0xFFFFFFF0, s12;
	v15 =	vld [tilespmem:s9+$0x100];
	v14 =	vnsel vm1, $0x0, v14;
	v16 =	vnsel vm1, $0x0, v16;
	[tilespmem:s3+$0x0] =	vst v13;
	v13 =	vcvt.s32.f32 v17  }
0x7f: {  	v5 =	vnsel vm1, $0x0, v6;
	v7 =	vnsel vm1, $0x0, v7;
	v18 =	vld [tilespmem:s9+$0x0];
	v19 =	vcvt.s32.f32 v14;
	[tilespmem:s2+$0xC000] =	vst v11  }
0x80: {  	p0 =	slt.u32 s5, $0xFE;
	v8 =	vnsel vm1, $0x0, v8;
	v11 =	vcvt.s32.f32 v16;
	v20 =	vld [tilespmem:s9+$0x80];
	[tilespmem:s31+$0x4000] =	vst v5;
	v13 =	vmul.f32 $1.000000010e-01, v13  }
0x81: {  	v10 =	vsub.f32 v3, v10;
	v9 =	vsub.f32 v4, v9;
	v3 =	vmovc v7;
	v6 =	vld [tilespmem:s1+$0x0];
	v19 =	vmul.f32 $1.000000010e-01, v19;
	[tilespmem:s31+$0x4080] =	vst v7  }
0x82: {  	v21 =	vor.u32 s11, v1;
	v4 =	vmovc v8;
	v11 =	vmul.f32 $2.000000030e-01, v11;
	v7 =	vld [tilespmem:s1+$0x80];
	[tilespmem:s31+$0x4100] =	vst v8;
	v13 =	vadd.f32 $-5.120000080e+01, v13  }
0x83: {  	v22 =	vnsel vm1, $0x0, v12;
	v8 =	vld [tilespmem:s1+$0x100];
	v19 =	vadd.f32 $-5.120000080e+01, v19;
	[tilespmem:s2+$0xC080] =	vst v10;
	v10 =	vadd.f32 $5.000000000e+00, v15  }
0x84: {  	v21 =	vnsel vm1, $0x0, v21;
	v23 =	vadd.f32 $-5.000000000e+00, v11;
	v12 =	vld [tilespmem:s1+$0x180];
	[tilespmem:s31+$0x4180] =	vst v22;
	s31 =	smov.u32 s1;
	v22 =	vadd.f32 $5.120000080e+01, v18  }
0x85: {  	v24 =	vadd.f32 $5.120000080e+01, v20;
	[tilespmem:s2+$0xC100] =	vst v9;
	s2 =	smov.u32 s6;
	v11 =	vadd.f32 $5.000000070e-02, v13  }
0x86: {  	v25 =	vmul.f32 $5.000000000e+00, v10;
	v10 =	vadd.f32 $5.000000070e-02, v19;
	v9 =	vadd.f32 $5.120000080e+01, v6;
	[tilespmem:s2+$0x8000] =	vst v16  }
0x87: {  	v16 =	vmul.f32 $1.000000000e+01, v22;
	v13 =	vadd.f32 $5.120000080e+01, v7;
	v22 =	vmul.f32 $1.000000000e+01, v24;
	[tilespmem:s2+$0x8080] =	vst v14  }
0x88: {  	v26 =	vtrunc.f32 v25;
	v24 =	vmul.f32 $1.000000000e+01, v9;
	v14 =	vadd.f32 $5.000000000e+00, v8;
	[tilespmem:s2+$0x8100] =	vst v17  }
0x89: {  	v17 =	vtrunc.f32 v16;
	v9 =	vadd.f32 $1.000000010e-01, v23;
	v27 =	vtrunc.f32 v22;
	[tilespmem:s4+$0xFFFFFFF0] =	vst v2;
	v2 =	vmovc v21;
	s4 =	smov.u32 s3  }
0x8a: {  	v19 =	vcvt.f32.s32 v17;
	v21 =	vcvt.f32.s32 v26;
	vm0 =	vlt.f32 v16, v17  }
0x8b: {  	v23 =	vcvt.f32.s32 v27;
	vm1 =	vlt.f32 v22, v27;
	v16 =	vsel vm0, $0xFFFFFFFF, v0  }
0x8c: {  	vm0 =	vlt.f32 v25, v26;
	v22 =	vmul.f32 $1.000000000e+01, v13;
	v17 =	vsel vm1, $0xFFFFFFFF, v0  }
0x8d: {  	v16 =	vadd.s32 v19, v16;
	v19 =	vsel vm0, $0xFFFFFFFF, v0;
	v17 =	vadd.s32 v23, v17  }
0x8e: {  	v19 =	vadd.s32 v21, v19;
	v21 =	vmul.f32 $5.000000000e+00, v14;
	v13 =	vor.u32 v16, v17  }
0x8f: {  	v23 =	vtrunc.f32 v24;
	vm1 =	vlt.u32 v19, $0x28;
	vm0 =	vlt.u32 v13, $0x400  }
0x90: {  	v25 =	vtrunc.f32 v22;
	v26 =	vcvt.f32.s32 v23;
	vm0 =	vmand vm0, vm1  }
0x91: {  	v14 =	vcvt.f32.s32 v25;
	vm1 =	vlt.f32 v24, v23;
	v13 =	vnsel vm0, $0x0, v16  }
0x92: {  	v24 =	vnsel vm0, $0x0, v17;
	v17 =	vnsel vm0, $0x0, v19;
	v16 =	vcvt.s32.f32 v13;
	v23 =	vld [tilespmem:s9+$0x180]  }
0x93: {  	vm2 =	vlt.f32 v22, v25;
	v19 =	vcvt.s32.f32 v24;
	v25 =	vcvt.s32.f32 v17  }
0x94: {  	s1 =	smul.u32 $0x180, s8;
	v27 =	vtrunc.f32 v21;
	v22 =	vnsel vm0, $0x0, v18;
	v18 =	vmul.f32 $1.000000010e-01, v16  }
0x95: {  	v16 =	vnsel vm0, $0x0, v20;
	v19 =	vmul.f32 $1.000000010e-01, v19;
	v20 =	vmul.f32 $2.000000030e-01, v25;
	[tilespmem:s9+$0x4000] =	vst v22  }
.Ltmp0:
0x96: {  	v15 =	vnsel vm0, $0x0, v15;
	v18 =	vadd.f32 $-5.120000080e+01, v18;
	[tilespmem:s9+$0x4080] =	vst v16;
	(pc) =	sbr.rel @p0 .LBB2_2-.Ltmp0, $4  }
0x97: {  	v25 =	vsel vm1, $0xFFFFFFFF, v0;
	v28 =	vadd.f32 $-5.120000080e+01, v19;
	v23 =	vnsel vm0, $0x0, v23;
	[tilespmem:s9+$0x4100] =	vst v15  }
0x98: {  	s6 =	sor.u32 s10, s1;
	s11 =	sor.u32 s1, s7;
	v19 =	vsel vm2, $0xFFFFFFFF, v0;
	v20 =	vadd.f32 $-5.000000000e+00, v20;
	v29 =	vadd.f32 $5.000000070e-02, v18;
	[tilespmem:s9+$0x4180] =	vst v23  }
0x99: {  	vm1 =	vlt.f32 v21, v27;
	v18 =	vcvt.f32.s32 v27;
	v21 =	vadd.f32 $5.000000070e-02, v28;
	[tilespmem:s11+$0x8000] =	vst v17  }
0x9a: {  	v20 =	vadd.f32 $1.000000010e-01, v20;
	v17 =	vadd.s32 v26, v25;
	v22 =	vsub.f32 v22, v29;
	[tilespmem:s11+$0x8080] =	vst v24  }
0x9b: {  	v14 =	vadd.s32 v14, v19;
	[tilespmem:s11+$0x8100] =	vst v13;
	v13 =	vsub.f32 v16, v21  }
0x9c: {  	v16 =	vsel vm1, $0xFFFFFFFF, v0;
	v5 =	vsub.f32 v5, v11;
	v3 =	vsub.f32 v3, v10;
	[tilespmem:s11+$0xC000] =	vst v22  }
0x9d: {  	s0 =	sadd.s32 s0, s13;
	v19 =	vor.u32 v17, v14;
	v15 =	vsub.f32 v15, v20;
	v16 =	vadd.s32 v18, v16;
	[tilespmem:s11+$0xC080] =	vst v13  }
0x9e: {  	v18 =	vor.u32 s0, v1;
	vm1 =	vlt.u32 v19, $0x400;
	vm2 =	vlt.u32 v16, $0x28;
	[tilespmem:s2+$0xC000] =	vst v5  }
0x9f: {  	v13 =	vnsel vm0, $0x0, v18;
	[tilespmem:s2+$0xC080] =	vst v3;
	vm0 =	vmand vm1, vm2  }
0xa0: {  	s1 =	sadd.s32 $0x20, s3;
	v4 =	vsub.f32 v4, v9;
	[tilespmem:s11+$0xC100] =	vst v15;
	v11 =	vnsel vm0, $0x0, v17  }
0xa1: {  	[tilespmem:s1+$0x0] =	vst v13;
	v13 =	vnsel vm0, $0x0, v14;
	v14 =	vcvt.s32.f32 v11  }
0xa2: {  	[tilespmem:s2+$0xC100] =	vst v4;
	v5 =	vnsel vm0, $0x0, v16;
	v15 =	vcvt.s32.f32 v13  }
0xa3: {  	[tilespmem:s4+$0xFFFFFFF0] =	vst v2;
	v6 =	vnsel vm0, $0x0, v6;
	v10 =	vcvt.s32.f32 v5;
	v14 =	vmul.f32 $1.000000010e-01, v14  }
0xa4: {  	v7 =	vnsel vm0, $0x0, v7;
	[tilespmem:s31+$0x4000] =	vst v6;
	v15 =	vmul.f32 $1.000000010e-01, v15  }
0xa5: {  	v9 =	vnsel vm0, $0x0, v12;
	[tilespmem:s31+$0x4080] =	vst v7;
	v3 =	vmul.f32 $2.000000030e-01, v10;
	v10 =	vadd.f32 $-5.120000080e+01, v14  }
0xa6: {  	v8 =	vnsel vm0, $0x0, v8;
	[tilespmem:s31+$0x4180] =	vst v9;
	v9 =	vadd.f32 $-5.120000080e+01, v15  }
0xa7: {  	[tilespmem:s31+$0x4100] =	vst v8;
	v3 =	vadd.f32 $-5.000000000e+00, v3;
	v4 =	vadd.f32 $5.000000070e-02, v10  }
0xa8: {  	[tilespmem:s6+$0x8000] =	vst v5;
	v5 =	vadd.f32 $5.000000070e-02, v9  }
0xa9: {  	[tilespmem:s6+$0x8080] =	vst v13;
	v3 =	vadd.f32 $1.000000010e-01, v3;
	v4 =	vsub.f32 v6, v4  }
0xaa: {  	[tilespmem:s6+$0x8100] =	vst v11;
	v2 =	vsub.f32 v7, v5  }
0xab: {  	s0 =	sadd.s32 $0xFFFFFFF0, s0;
	v3 =	vsub.f32 v8, v3;
	[tilespmem:s6+$0xC000] =	vst v4  }
0xac: {  	v4 =	vor.u32 s0, v1;
	[tilespmem:s6+$0xC080] =	vst v2  }
0xad: {  	[tilespmem:s6+$0xC100] =	vst v3;
	v2 =	vnsel vm0, $0x0, v4  }
0xae: {  	[tilespmem:s1+$0xFFFFFFF0] =	vst v2  }
0xaf: {  	s5 =	simm.s32 $0x0;
	s1 =	rddreg [dreg:$0xf]  }
0xb0: {  	[hbm4b:s1+s5] =	stream.linear.scatter [tilespmem:s16], [sflag:$0x3], $0x4000, $0x38;
	[tilespmem:$0x1E000] =	vst v63  }
0xb1: {  	s6 =	rddreg [dreg:$0x10]  }
0xb2: {  	[hbm4b:s6+s17] =	stream.strided.scatter [tilespmem:s19], [sflag:$0x3], $0x3000, s18, s17, $0x38;
	[tilespmem:$0x1E000] =	vst v63  }
0xb3: {  	s7 =	rddreg [dreg:$0x7]  }
0xb4: {  	[hbm4b:s7+s5] =	stream.linear.scatter [tilespmem:s20], [sflag:$0x3], $0x1000, $0x38;
	[tilespmem:$0x1E000] =	vst v63  }
0xb5: {  	s8 =	rddreg [dreg:$0x11]  }
0xb6: {  	[hbm4b:s8+s17] =	stream.strided.scatter [tilespmem:s21], [sflag:$0x3], $0x3000, s18, s17, $0x38;
	[tilespmem:$0x1E000] =	vst v63  }
0xb7: {  	s9 =	rddreg [dreg:$0x16]  }
0xb8: {  	[tilespmem:s5], [sflag:$0x1] =	stream.linear.gather [hbm4b:s9+s5], $0x4000, $0x38;
	[tilespmem:$0x1E000] =	vst v63  }
0xb9: {  	s10 =	simm.s32 $0x10;
	_ =	swait.ge [sflag:s22], $0x4000  }
0xba: {  	s3 =	sand.u32 $0x70, s10;
	s11 =	simm.s32 $0x0;
	[sflag:s22] =	ssyncset.done $0x0  }
0xbb: {  	s6 =	sor.u32 s11, s3;
	[sflag:s22] =	ssyncadd.s32 $0xFFFFC000  }
0xbc: {  	v2 =	vld [tilespmem:s6+$0xF100]  }
0xbd: {  	s12 =	simm.s32 $0x30;
	s2 =	sand.u32 $0x60, s5;
	v3 =	vld [tilespmem:s6+$0xF000]  }
0xbe: {  	s4 =	sor.u32 s2, s11;
	s9 =	simm.s32 $0x0;
	s5 =	sand.u32 $0x70, s12;
	v4 =	vld [tilespmem:s6+$0xF080]  }
0xbf: {  	s8 =	sor.u32 s9, s5;
	v5 =	vld [tilespmem:s4+$0xF000]  }
0xc0: {  	v27 =	vld [tilespmem:s8+$0xF100];
	_ =	sdelay $0x2  }
0xc1: {  	v7 =	vld [tilespmem:s4+$0xF080];
	v6 =	vadd.f32 $5.000000000e+00, v2;
	v8 =	vadd.f32 $5.120000080e+01, v3  }
0xc2: {  	v23 =	vld [tilespmem:s8+$0xF000];
	v9 =	vadd.f32 $5.120000080e+01, v4;
	v10 =	vadd.f32 $5.120000080e+01, v5  }
0xc3: {  	v30 =	vadd.f32 $5.000000000e+00, v27;
	v6 =	vmul.f32 $5.000000000e+00, v6;
	v8 =	vmul.f32 $1.000000000e+01, v8  }
0xc4: {  	v9 =	vmul.f32 $1.000000000e+01, v9;
	v10 =	vmul.f32 $1.000000000e+01, v10  }
0xc5: {  	v12 =	vld [tilespmem:s4+$0xF100];
	v30 =	vmul.f32 $5.000000000e+00, v30;
	v11 =	vtrunc.f32 v6  }
0xc6: {  	v15 =	vadd.f32 $5.120000080e+01, v7;
	v13 =	vtrunc.f32 v8;
	v14 =	vtrunc.f32 v9  }
0xc7: {  	v29 =	vadd.f32 $5.120000080e+01, v23;
	v16 =	vcvt.f32.s32 v13;
	v17 =	vcvt.f32.s32 v11  }
0xc8: {  	v18 =	vcvt.f32.s32 v14;
	vm0 =	vlt.f32 v8, v13;
	vm1 =	vlt.f32 v9, v14  }
0xc9: {  	v14 =	vmul.f32 $1.000000000e+01, v15;
	v8 =	vsel vm0, $0xFFFFFFFF, v0;
	v9 =	vsel vm1, $0xFFFFFFFF, v0  }
0xca: {  	vm0 =	vlt.f32 v6, v11;
	v11 =	vadd.f32 $5.000000000e+00, v12;
	v6 =	vadd.s32 v16, v8  }
0xcb: {  	v8 =	vadd.s32 v18, v9;
	v9 =	vsel vm0, $0xFFFFFFFF, v0;
	v15 =	vtrunc.f32 v14  }
0xcc: {  	v9 =	vadd.s32 v17, v9;
	v13 =	vor.u32 v6, v8;
	v11 =	vmul.f32 $5.000000000e+00, v11  }
0xcd: {  	vm2 =	vlt.f32 v14, v15;
	vm0 =	vlt.u32 v13, $0x400;
	vm1 =	vlt.u32 v9, $0x28  }
0xce: {  	v13 =	vtrunc.f32 v10;
	v20 =	vsel vm2, $0xFFFFFFFF, v0;
	vm0 =	vmand vm0, vm1  }
0xcf: {  	v16 =	vcvt.f32.s32 v13;
	vm1 =	vlt.f32 v10, v13;
	v10 =	vld [tilespmem:s6+$0xF180];
	v17 =	vnsel vm0, $0x0, v6  }
0xd0: {  	v6 =	vcvt.f32.s32 v15;
	v18 =	vnsel vm0, $0x0, v8;
	v9 =	vnsel vm0, $0x0, v9  }
0xd1: {  	v14 =	vnsel vm0, $0x0, v3;
	v15 =	vtrunc.f32 v11;
	v13 =	vcvt.s32.f32 v17  }
0xd2: {  	v19 =	vnsel vm0, $0x0, v4;
	v8 =	vcvt.s32.f32 v18;
	v21 =	vcvt.f32.s32 v15  }
0xd3: {  	v2 =	vnsel vm0, $0x0, v2;
	v3 =	vmul.f32 $1.000000010e-01, v13;
	v13 =	vcvt.s32.f32 v9  }
0xd4: {  	v6 =	vadd.s32 v6, v20;
	v4 =	vmul.f32 $1.000000010e-01, v8;
	v10 =	vnsel vm0, $0x0, v10  }
0xd5: {  	v3 =	vadd.f32 $-5.120000080e+01, v3;
	v8 =	vmul.f32 $2.000000030e-01, v13;
	v13 =	vsel vm1, $0xFFFFFFFF, v0  }
0xd6: {  	v26 =	vld [tilespmem:s8+$0xF080];
	v4 =	vadd.f32 $-5.120000080e+01, v4;
	vm1 =	vlt.f32 v11, v15;
	v11 =	vadd.s32 v16, v13  }
0xd7: {  	v13 =	vsel vm1, $0xFFFFFFFF, v0;
	v3 =	vadd.f32 $5.000000070e-02, v3;
	v8 =	vadd.f32 $-5.000000000e+00, v8  }
0xd8: {  	v4 =	vadd.f32 $5.000000070e-02, v4;
	v13 =	vadd.s32 v21, v13;
	v15 =	vor.u32 v11, v6  }
0xd9: {  	s14 =	sadd.s32 $0x0, s13;
	vm1 =	vlt.u32 v15, $0x400;
	vm2 =	vlt.u32 v13, $0x28;
	v8 =	vadd.f32 $1.000000010e-01, v8  }
0xda: {  	s1 =	sadd.s32 $0x1000, s14;
	s7 =	sadd.s32 $0x1010, s14;
	[tilespmem:s6+$0x13000] =	vst v14;
	v16 =	vsub.f32 v14, v3;
	v20 =	vsub.f32 v19, v4;
	vm1 =	vmand vm1, vm2  }
0xdb: {  	s0 =	simm.s32 $0x20;
	[tilespmem:s6+$0x13080] =	vst v19;
	v3 =	vor.u32 s7, v1;
	v14 =	vor.u32 s1, v1;
	v19 =	vadd.f32 $5.120000080e+01, v26  }
0xdc: {  	s10 =	sand.u32 $0x60, s0;
	s11 =	simm.s32 $0x0;
	v22 =	vnsel vm1, $0x0, v11;
	v24 =	vnsel vm0, $0x0, v3;
	v25 =	vnsel vm1, $0x0, v6  }
0xdd: {  	s31 =	sor.u32 s10, s9;
	s9 =	smul.u32 $0x180, s11;
	v15 =	vld [tilespmem:s4+$0xF180];
	v28 =	vnsel vm1, $0x0, v13;
	v5 =	vnsel vm1, $0x0, v5;
	v4 =	vcvt.s32.f32 v22  }
0xde: {  	[tilespmem:s6+$0x13100] =	vst v2;
	v21 =	vsub.f32 v2, v8;
	v8 =	vcvt.s32.f32 v25;
	v11 =	vcvt.s32.f32 v28  }
0xdf: {  	s12 =	sor.u32 s9, s3;
	[tilespmem:s6+$0x13180] =	vst v10;
	v6 =	vld [tilespmem:s31+$0xF000];
	v2 =	vnsel vm1, $0x0, v14;
	v14 =	vmul.f32 $1.000000000e+01, v29;
	v19 =	vmul.f32 $1.000000000e+01, v19  }
0xe0: {  	v3 =	vnsel vm1, $0x0, v7;
	[tilespmem:s12+$0x1B000] =	vst v16;
	v16 =	vtrunc.f32 v30;
	v13 =	vmul.f32 $1.000000010e-01, v4  }
0xe1: {  	[tilespmem:s12+$0x17000] =	vst v9;
	v4 =	vnsel vm1, $0x0, v12;
	v12 =	vmul.f32 $1.000000010e-01, v8;
	v9 =	vtrunc.f32 v14  }
0xe2: {  	v11 =	vmul.f32 $2.000000030e-01, v11;
	v15 =	vnsel vm1, $0x0, v15;
	vm0 =	vlt.f32 v14, v9  }
0xe3: {  	v7 =	vld [tilespmem:s31+$0xF080];
	v14 =	vtrunc.f32 v19;
	v13 =	vadd.f32 $-5.120000080e+01, v13;
	v12 =	vadd.f32 $-5.120000080e+01, v12  }
0xe4: {  	v8 =	vld [tilespmem:s31+$0xF100];
	v57 =	vadd.f32 $-5.000000000e+00, v11;
	v10 =	vadd.f32 $5.120000080e+01, v6;
	vm1 =	vlt.f32 v19, v14  }
0xe5: {  	[tilespmem:s12+$0x1B080] =	vst v20;
	v19 =	vcvt.f32.s32 v16;
	v14 =	vcvt.f32.s32 v14;
	v20 =	vsel vm0, $0xFFFFFFFF, v0  }
0xe6: {  	[tilespmem:s12+$0x17080] =	vst v18;
	vm0 =	vlt.f32 v30, v16;
	v16 =	vsel vm1, $0xFFFFFFFF, v0;
	v11 =	vadd.f32 $5.000000070e-02, v13  }
0xe7: {  	[tilespmem:s12+$0x17100] =	vst v17;
	v17 =	vmul.f32 $1.000000000e+01, v10;
	v10 =	vadd.f32 $5.000000070e-02, v12;
	v12 =	vcvt.f32.s32 v9  }
0xe8: {  	[tilespmem:s4+$0x13000] =	vst v5;
	v13 =	vadd.f32 $5.120000080e+01, v7;
	v9 =	vadd.f32 $1.000000010e-01, v57;
	v16 =	vadd.s32 v14, v16  }
0xe9: {  	[tilespmem:s4+$0x13080] =	vst v3;
	v14 =	vsel vm0, $0xFFFFFFFF, v0;
	v18 =	vadd.f32 $5.000000000e+00, v8;
	v12 =	vadd.s32 v12, v20  }
0xea: {  	s3 =	simm.s32 $0x1A010;
	[tilespmem:s12+$0x1B100] =	vst v21;
	v19 =	vadd.s32 v19, v14;
	v20 =	vmul.f32 $1.000000000e+01, v13;
	v13 =	vor.u32 v12, v16  }
0xeb: {  	[tilespmem:s3+$0x0] =	vst v24;
	vm1 =	vlt.u32 v19, $0x28;
	v21 =	vmul.f32 $5.000000000e+00, v18;
	vm0 =	vlt.u32 v13, $0x400  }
0xec: {  	[tilespmem:s4+$0x13100] =	vst v4;
	v18 =	vtrunc.f32 v17;
	v58 =	vtrunc.f32 v20;
	vm0 =	vmand vm0, vm1  }
0xed: {  	s2 =	sor.u32 s2, s9;
	[tilespmem:s4+$0x13180] =	vst v15;
	v59 =	vcvt.f32.s32 v18;
	v14 =	vcvt.f32.s32 v58;
	v13 =	vnsel vm0, $0x0, v12  }
0xee: {  	[tilespmem:s2+$0x17000] =	vst v28;
	vm1 =	vlt.f32 v17, v18;
	v12 =	vld [tilespmem:s8+$0xF180];
	v60 =	vnsel vm0, $0x0, v16;
	v15 =	vcvt.s32.f32 v13  }
0xef: {  	[tilespmem:s2+$0x17080] =	vst v25;
	vm2 =	vlt.f32 v20, v58;
	v17 =	vnsel vm0, $0x0, v19;
	v18 =	vcvt.s32.f32 v60  }
0xf0: {  	[tilespmem:s2+$0x17100] =	vst v22;
	v22 =	vnsel vm0, $0x0, v23;
	v20 =	vcvt.s32.f32 v17;
	v19 =	vmul.f32 $1.000000010e-01, v15  }
0xf1: {  	s14 =	simm.s32 $0x0;
	v23 =	vtrunc.f32 v21;
	v16 =	vnsel vm0, $0x0, v26;
	[tilespmem:s8+$0x13000] =	vst v22;
	v18 =	vmul.f32 $1.000000010e-01, v18  }
0xf2: {  	s1 =	smul.u32 $0x180, s14;
	[tilespmem:s8+$0x13080] =	vst v16;
	v15 =	vnsel vm0, $0x0, v27;
	v20 =	vmul.f32 $2.000000030e-01, v20;
	v61 =	vadd.f32 $-5.120000080e+01, v19  }
0xf3: {  	v62 =	vsel vm1, $0xFFFFFFFF, v0;
	[tilespmem:s8+$0x13100] =	vst v15;
	v12 =	vnsel vm0, $0x0, v12;
	v63 =	vadd.f32 $-5.120000080e+01, v18  }
0xf4: {  	s11 =	sor.u32 s1, s5;
	vm1 =	vlt.f32 v21, v23;
	v20 =	vadd.f32 $-5.000000000e+00, v20;
	[tilespmem:s8+$0x13180] =	vst v12;
	v24 =	vadd.f32 $5.000000070e-02, v61  }
0xf5: {  	v19 =	vsel vm2, $0xFFFFFFFF, v0;
	v18 =	vcvt.f32.s32 v23;
	v21 =	vadd.f32 $5.000000070e-02, v63;
	[tilespmem:s11+$0x17000] =	vst v17  }
0xf6: {  	s5 =	simm.s32 $0x2;
	s6 =	sor.u32 s10, s1;
	s4 =	simm.s32 $0x1A010;
	v12 =	vld [tilespmem:s31+$0xF180];
	v17 =	vadd.s32 v59, v62;
	v20 =	vadd.f32 $1.000000010e-01, v20;
	[tilespmem:s11+$0x17080] =	vst v60;
	v22 =	vsub.f32 v22, v24  }
.LBB2_4:
0xf7: {  	v14 =	vadd.s32 v14, v19;
	v19 =	vsel vm1, $0xFFFFFFFF, v0  }
0xf8: {  	s5 =	sadd.s32 $0x2, s5;
	s1 =	sadd.s32 s0, s13;
	[tilespmem:s11+$0x17100] =	vst v13;
	v13 =	vsub.f32 v16, v21;
	s0 =	sadd.s32 $0x20, s0;
	v16 =	vadd.s32 v18, v19;
	v18 =	vor.u32 v17, v14  }
0xf9: {  	s9 =	sshrl.u32 s5, $0x3;
	s7 =	sadd.s32 $0x10, s0;
	s10 =	sadd.s32 $0x1010, s1;
	[tilespmem:s11+$0x1B000] =	vst v22;
	v15 =	vsub.f32 v15, v20;
	vm1 =	vlt.u32 v18, $0x400;
	vm2 =	vlt.u32 v16, $0x28  }
0xfa: {  	s8 =	sand.u32 $0x60, s0;
	s12 =	sshll.u32 s9, $0x9;
	s7 =	sand.u32 $0x70, s7;
	v18 =	vor.u32 s10, v1;
	[tilespmem:s11+$0x1B080] =	vst v13;
	vm1 =	vmand vm1, vm2  }
0xfb: {  	v11 =	vsub.f32 v5, v11;
	s3 =	sadd.s32 $0x20, s3;
	s14 =	sor.u32 s8, s12;
	s10 =	sor.u32 s12, s7;
	v13 =	vnsel vm0, $0x0, v18;
	[tilespmem:s11+$0x1B100] =	vst v15;
	v17 =	vnsel vm1, $0x0, v17  }
0xfc: {  	s1 =	sadd.s32 $0x1000, s1;
	v15 =	vld [tilespmem:s10+$0xF100];
	v14 =	vnsel vm1, $0x0, v14;
	v16 =	vnsel vm1, $0x0, v16;
	[tilespmem:s3+$0x0] =	vst v13;
	v13 =	vcvt.s32.f32 v17  }
0xfd: {  	v5 =	vnsel vm1, $0x0, v6;
	v7 =	vnsel vm1, $0x0, v7;
	v18 =	vld [tilespmem:s10+$0xF000];
	v19 =	vcvt.s32.f32 v14;
	[tilespmem:s2+$0x1B000] =	vst v11  }
0xfe: {  	p0 =	slt.u32 s5, $0xFE;
	v8 =	vnsel vm1, $0x0, v8;
	v11 =	vcvt.s32.f32 v16;
	v20 =	vld [tilespmem:s10+$0xF080];
	[tilespmem:s31+$0x13000] =	vst v5;
	v13 =	vmul.f32 $1.000000010e-01, v13  }
0xff: {  	v10 =	vsub.f32 v3, v10;
	v9 =	vsub.f32 v4, v9;
	v3 =	vmovc v7;
	v6 =	vld [tilespmem:s14+$0xF000];
	v19 =	vmul.f32 $1.000000010e-01, v19;
	[tilespmem:s31+$0x13080] =	vst v7  }
0x100: {  	v21 =	vor.u32 s1, v1;
	v4 =	vmovc v8;
	v11 =	vmul.f32 $2.000000030e-01, v11;
	v7 =	vld [tilespmem:s14+$0xF080];
	[tilespmem:s31+$0x13100] =	vst v8;
	v13 =	vadd.f32 $-5.120000080e+01, v13  }
0x101: {  	v22 =	vnsel vm1, $0x0, v12;
	v8 =	vld [tilespmem:s14+$0xF100];
	v19 =	vadd.f32 $-5.120000080e+01, v19;
	[tilespmem:s2+$0x1B080] =	vst v10;
	v10 =	vadd.f32 $5.000000000e+00, v15  }
0x102: {  	v21 =	vnsel vm1, $0x0, v21;
	v23 =	vadd.f32 $-5.000000000e+00, v11;
	v12 =	vld [tilespmem:s14+$0xF180];
	[tilespmem:s31+$0x13180] =	vst v22;
	s31 =	smov.u32 s14;
	v22 =	vadd.f32 $5.120000080e+01, v18  }
0x103: {  	v24 =	vadd.f32 $5.120000080e+01, v20;
	[tilespmem:s2+$0x1B100] =	vst v9;
	s2 =	smov.u32 s6;
	v11 =	vadd.f32 $5.000000070e-02, v13  }
0x104: {  	v25 =	vmul.f32 $5.000000000e+00, v10;
	v10 =	vadd.f32 $5.000000070e-02, v19;
	v9 =	vadd.f32 $5.120000080e+01, v6;
	[tilespmem:s2+$0x17000] =	vst v16  }
0x105: {  	v16 =	vmul.f32 $1.000000000e+01, v22;
	v13 =	vadd.f32 $5.120000080e+01, v7;
	v22 =	vmul.f32 $1.000000000e+01, v24;
	[tilespmem:s2+$0x17080] =	vst v14  }
0x106: {  	v26 =	vtrunc.f32 v25;
	v24 =	vmul.f32 $1.000000000e+01, v9;
	v14 =	vadd.f32 $5.000000000e+00, v8;
	[tilespmem:s2+$0x17100] =	vst v17  }
0x107: {  	v17 =	vtrunc.f32 v16;
	v9 =	vadd.f32 $1.000000010e-01, v23;
	v27 =	vtrunc.f32 v22;
	[tilespmem:s4+$0xFFFFFFF0] =	vst v2;
	v2 =	vmovc v21;
	s4 =	smov.u32 s3  }
0x108: {  	v19 =	vcvt.f32.s32 v17;
	v21 =	vcvt.f32.s32 v26;
	vm0 =	vlt.f32 v16, v17  }
0x109: {  	v23 =	vcvt.f32.s32 v27;
	vm1 =	vlt.f32 v22, v27;
	v16 =	vsel vm0, $0xFFFFFFFF, v0  }
0x10a: {  	vm0 =	vlt.f32 v25, v26;
	v22 =	vmul.f32 $1.000000000e+01, v13;
	v17 =	vsel vm1, $0xFFFFFFFF, v0  }
0x10b: {  	v16 =	vadd.s32 v19, v16;
	v19 =	vsel vm0, $0xFFFFFFFF, v0;
	v17 =	vadd.s32 v23, v17  }
0x10c: {  	v19 =	vadd.s32 v21, v19;
	v21 =	vmul.f32 $5.000000000e+00, v14;
	v13 =	vor.u32 v16, v17  }
0x10d: {  	v23 =	vtrunc.f32 v24;
	vm1 =	vlt.u32 v19, $0x28;
	vm0 =	vlt.u32 v13, $0x400  }
0x10e: {  	v25 =	vtrunc.f32 v22;
	v26 =	vcvt.f32.s32 v23;
	vm0 =	vmand vm0, vm1  }
0x10f: {  	v14 =	vcvt.f32.s32 v25;
	vm1 =	vlt.f32 v24, v23;
	v13 =	vnsel vm0, $0x0, v16  }
0x110: {  	v24 =	vnsel vm0, $0x0, v17;
	v17 =	vnsel vm0, $0x0, v19;
	v16 =	vcvt.s32.f32 v13;
	v23 =	vld [tilespmem:s10+$0xF180]  }
0x111: {  	vm2 =	vlt.f32 v22, v25;
	v19 =	vcvt.s32.f32 v24;
	v25 =	vcvt.s32.f32 v17  }
0x112: {  	s1 =	smul.u32 $0x180, s9;
	v27 =	vtrunc.f32 v21;
	v22 =	vnsel vm0, $0x0, v18;
	v18 =	vmul.f32 $1.000000010e-01, v16  }
0x113: {  	v16 =	vnsel vm0, $0x0, v20;
	v19 =	vmul.f32 $1.000000010e-01, v19;
	v20 =	vmul.f32 $2.000000030e-01, v25;
	[tilespmem:s10+$0x13000] =	vst v22  }
.Ltmp1:
0x114: {  	v15 =	vnsel vm0, $0x0, v15;
	v18 =	vadd.f32 $-5.120000080e+01, v18;
	[tilespmem:s10+$0x13080] =	vst v16;
	(pc) =	sbr.rel @p0 .LBB2_4-.Ltmp1, $4  }
0x115: {  	v25 =	vsel vm1, $0xFFFFFFFF, v0;
	v28 =	vadd.f32 $-5.120000080e+01, v19;
	v23 =	vnsel vm0, $0x0, v23;
	[tilespmem:s10+$0x13100] =	vst v15  }
0x116: {  	s11 =	sor.u32 s1, s7;
	s6 =	sor.u32 s8, s1;
	v19 =	vsel vm2, $0xFFFFFFFF, v0;
	v20 =	vadd.f32 $-5.000000000e+00, v20;
	v29 =	vadd.f32 $5.000000070e-02, v18;
	[tilespmem:s10+$0x13180] =	vst v23  }
0x117: {  	vm1 =	vlt.f32 v21, v27;
	v18 =	vcvt.f32.s32 v27;
	v21 =	vadd.f32 $5.000000070e-02, v28;
	[tilespmem:s11+$0x17000] =	vst v17  }
0x118: {  	v20 =	vadd.f32 $1.000000010e-01, v20;
	v17 =	vadd.s32 v26, v25;
	v22 =	vsub.f32 v22, v29;
	[tilespmem:s11+$0x17080] =	vst v24  }
0x119: {  	v14 =	vadd.s32 v14, v19;
	[tilespmem:s11+$0x17100] =	vst v13;
	v13 =	vsub.f32 v16, v21  }
0x11a: {  	s0 =	sadd.s32 s0, s13;
	v16 =	vsel vm1, $0xFFFFFFFF, v0;
	v5 =	vsub.f32 v5, v11;
	v3 =	vsub.f32 v3, v10;
	[tilespmem:s11+$0x1B000] =	vst v22  }
0x11b: {  	v19 =	vor.u32 v17, v14;
	s1 =	sadd.s32 $0x1010, s0;
	v15 =	vsub.f32 v15, v20;
	v16 =	vadd.s32 v18, v16;
	[tilespmem:s11+$0x1B080] =	vst v13  }
0x11c: {  	vm1 =	vlt.u32 v19, $0x400;
	v18 =	vor.u32 s1, v1;
	vm2 =	vlt.u32 v16, $0x28;
	[tilespmem:s2+$0x1B000] =	vst v5  }
0x11d: {  	[tilespmem:s2+$0x1B080] =	vst v3;
	v13 =	vnsel vm0, $0x0, v18;
	vm0 =	vmand vm1, vm2  }
0x11e: {  	s3 =	sadd.s32 $0x20, s3;
	v4 =	vsub.f32 v4, v9;
	[tilespmem:s11+$0x1B100] =	vst v15;
	v11 =	vnsel vm0, $0x0, v17  }
0x11f: {  	[tilespmem:s3+$0x0] =	vst v13;
	v13 =	vnsel vm0, $0x0, v14;
	v14 =	vcvt.s32.f32 v11  }
0x120: {  	[tilespmem:s2+$0x1B100] =	vst v4;
	v5 =	vnsel vm0, $0x0, v16;
	v15 =	vcvt.s32.f32 v13  }
0x121: {  	[tilespmem:s4+$0xFFFFFFF0] =	vst v2;
	v6 =	vnsel vm0, $0x0, v6;
	v10 =	vcvt.s32.f32 v5;
	v14 =	vmul.f32 $1.000000010e-01, v14  }
0x122: {  	v7 =	vnsel vm0, $0x0, v7;
	[tilespmem:s31+$0x13000] =	vst v6;
	v15 =	vmul.f32 $1.000000010e-01, v15  }
0x123: {  	v9 =	vnsel vm0, $0x0, v12;
	[tilespmem:s31+$0x13080] =	vst v7;
	v3 =	vmul.f32 $2.000000030e-01, v10;
	v10 =	vadd.f32 $-5.120000080e+01, v14  }
0x124: {  	v8 =	vnsel vm0, $0x0, v8;
	[tilespmem:s31+$0x13180] =	vst v9;
	v9 =	vadd.f32 $-5.120000080e+01, v15  }
0x125: {  	[tilespmem:s31+$0x13100] =	vst v8;
	v3 =	vadd.f32 $-5.000000000e+00, v3;
	v4 =	vadd.f32 $5.000000070e-02, v10  }
0x126: {  	[tilespmem:s6+$0x17000] =	vst v5;
	v5 =	vadd.f32 $5.000000070e-02, v9  }
0x127: {  	[tilespmem:s6+$0x17080] =	vst v13;
	v3 =	vadd.f32 $1.000000010e-01, v3;
	v4 =	vsub.f32 v6, v4  }
0x128: {  	[tilespmem:s6+$0x17100] =	vst v11;
	v2 =	vsub.f32 v7, v5  }
0x129: {  	s0 =	sadd.s32 $0x1000, s0;
	v3 =	vsub.f32 v8, v3;
	[tilespmem:s6+$0x1B000] =	vst v4  }
0x12a: {  	v4 =	vor.u32 s0, v1;
	[tilespmem:s6+$0x1B080] =	vst v2  }
0x12b: {  	[tilespmem:s6+$0x1B100] =	vst v3;
	v2 =	vnsel vm0, $0x0, v4  }
0x12c: {  	[tilespmem:s3+$0xFFFFFFF0] =	vst v2  }
0x12d: {  	s4 =	simm.s32 $0x0;
	s1 =	rddreg [dreg:$0x13]  }
0x12e: {  	[hbm4b:s1+s4] =	stream.linear.scatter [tilespmem:s23], [sflag:$0x4], $0x4000, $0x38;
	[tilespmem:$0x1E000] =	vst v63  }
0x12f: {  	s5 =	rddreg [dreg:$0x14]  }
0x130: {  	[hbm4b:s5+s17] =	stream.strided.scatter [tilespmem:s24], [sflag:$0x4], $0x3000, s18, s17, $0x38;
	[tilespmem:$0x1E000] =	vst v63  }
0x131: {  	s6 =	rddreg [dreg:$0x8]  }
0x132: {  	[hbm4b:s6+s4] =	stream.linear.scatter [tilespmem:s25], [sflag:$0x4], $0x1000, $0x38;
	[tilespmem:$0x1E000] =	vst v63  }
0x133: {  	s7 =	rddreg [dreg:$0x15]  }
0x134: {  	[hbm4b:s7+s17] =	stream.strided.scatter [tilespmem:s26], [sflag:$0x4], $0x3000, s18, s17, $0x38;
	[tilespmem:$0x1E000] =	vst v63  }
0x135: {  	s9 =	simm.s32 $0xF000;
	s8 =	rddreg [dreg:$0x1a]  }
0x136: {  	[tilespmem:s9], [sflag:$0x2] =	stream.linear.gather [hbm4b:s8+s4], $0x4000, $0x38;
	[tilespmem:$0x1E000] =	vst v63  }
0x137: {  	_ =	swait.ge [sflag:s28], $0x4000  }
0x138: {  	[sflag:s28] =	ssyncset.done $0x0  }
0x139: {  	[sflag:s28] =	ssyncadd.s32 $0xFFFFC000  }
0x13a: {  	_ =	swait.ge [sflag:s28], $0x3000  }
0x13b: {  	[sflag:s28] =	ssyncset.done $0x0  }
0x13c: {  	[sflag:s28] =	ssyncadd.s32 $0xFFFFD000  }
0x13d: {  	_ =	swait.ge [sflag:s28], $0x1000  }
0x13e: {  	[sflag:s28] =	ssyncset.done $0x0  }
0x13f: {  	[sflag:s28] =	ssyncadd.s32 $0xFFFFF000  }
0x140: {  	_ =	swait.ge [sflag:s28], $0x3000  }
0x141: {  	[sflag:s28] =	ssyncset.done $0x0  }
0x142: {  	[sflag:s28] =	ssyncadd.s32 $0xFFFFD000  }
0x143: {  	s10 =	simm.s32 $0x10;
	_ =	swait.ge [sflag:s15], $0x4000  }
0x144: {  	s11 =	simm.s32 $0x0;
	s3 =	sand.u32 $0x70, s10;
	[sflag:s15] =	ssyncset.done $0x0  }
0x145: {  	s6 =	sor.u32 s11, s3;
	[sflag:s15] =	ssyncadd.s32 $0xFFFFC000  }
0x146: {  	v2 =	vld [tilespmem:s6+$0x100]  }
0x147: {  	s12 =	simm.s32 $0x30;
	s2 =	sand.u32 $0x60, s4;
	v3 =	vld [tilespmem:s6+$0x0]  }
0x148: {  	s5 =	sand.u32 $0x70, s12;
	s4 =	sor.u32 s2, s11;
	s9 =	simm.s32 $0x0;
	v4 =	vld [tilespmem:s6+$0x80]  }
0x149: {  	s8 =	sor.u32 s9, s5;
	v5 =	vld [tilespmem:s4+$0x0]  }
0x14a: {  	v22 =	vld [tilespmem:s8+$0x0]  }
0x14b: {  	v26 =	vld [tilespmem:s8+$0x100];
	_ =	sdelay $0x1  }
0x14c: {  	v6 =	vadd.f32 $5.000000000e+00, v2  }
0x14d: {  	v8 =	vadd.f32 $5.120000080e+01, v3;
	v9 =	vadd.f32 $5.120000080e+01, v4  }
0x14e: {  	v7 =	vld [tilespmem:s4+$0x80];
	v10 =	vadd.f32 $5.120000080e+01, v5;
	v29 =	vadd.f32 $5.120000080e+01, v22  }
0x14f: {  	v30 =	vadd.f32 $5.000000000e+00, v26;
	v6 =	vmul.f32 $5.000000000e+00, v6;
	v8 =	vmul.f32 $1.000000000e+01, v8  }
0x150: {  	v9 =	vmul.f32 $1.000000000e+01, v9;
	v10 =	vmul.f32 $1.000000000e+01, v10  }
0x151: {  	v12 =	vld [tilespmem:s4+$0x100];
	v29 =	vmul.f32 $1.000000000e+01, v29;
	v30 =	vmul.f32 $5.000000000e+00, v30  }
0x152: {  	v11 =	vtrunc.f32 v6;
	v13 =	vtrunc.f32 v8  }
0x153: {  	v15 =	vadd.f32 $5.120000080e+01, v7;
	v14 =	vtrunc.f32 v9;
	v16 =	vcvt.f32.s32 v13  }
0x154: {  	v17 =	vcvt.f32.s32 v11;
	v18 =	vcvt.f32.s32 v14;
	vm0 =	vlt.f32 v8, v13  }
0x155: {  	vm1 =	vlt.f32 v9, v14;
	v14 =	vmul.f32 $1.000000000e+01, v15;
	v8 =	vsel vm0, $0xFFFFFFFF, v0  }
0x156: {  	v9 =	vsel vm1, $0xFFFFFFFF, v0;
	vm0 =	vlt.f32 v6, v11;
	v11 =	vadd.f32 $5.000000000e+00, v12  }
0x157: {  	v6 =	vadd.s32 v16, v8;
	v8 =	vadd.s32 v18, v9;
	v9 =	vsel vm0, $0xFFFFFFFF, v0  }
0x158: {  	v15 =	vtrunc.f32 v14;
	v9 =	vadd.s32 v17, v9;
	v13 =	vor.u32 v6, v8  }
0x159: {  	v11 =	vmul.f32 $5.000000000e+00, v11;
	vm2 =	vlt.f32 v14, v15;
	vm0 =	vlt.u32 v13, $0x400  }
0x15a: {  	vm1 =	vlt.u32 v9, $0x28;
	v13 =	vtrunc.f32 v10;
	v20 =	vsel vm2, $0xFFFFFFFF, v0  }
0x15b: {  	vm0 =	vmand vm0, vm1;
	v16 =	vcvt.f32.s32 v13;
	vm1 =	vlt.f32 v10, v13  }
0x15c: {  	v10 =	vld [tilespmem:s6+$0x180];
	v17 =	vnsel vm0, $0x0, v6;
	v6 =	vcvt.f32.s32 v15;
	v18 =	vnsel vm0, $0x0, v8  }
0x15d: {  	v9 =	vnsel vm0, $0x0, v9;
	v3 =	vnsel vm0, $0x0, v3;
	v13 =	vcvt.s32.f32 v17  }
0x15e: {  	v15 =	vtrunc.f32 v11;
	v19 =	vnsel vm0, $0x0, v4;
	v8 =	vcvt.s32.f32 v18  }
0x15f: {  	v2 =	vnsel vm0, $0x0, v2;
	v14 =	vcvt.s32.f32 v9;
	v13 =	vmul.f32 $1.000000010e-01, v13  }
0x160: {  	v21 =	vcvt.f32.s32 v15;
	v6 =	vadd.s32 v6, v20;
	v4 =	vmul.f32 $1.000000010e-01, v8  }
0x161: {  	v10 =	vnsel vm0, $0x0, v10;
	v8 =	vadd.f32 $-5.120000080e+01, v13;
	v13 =	vmul.f32 $2.000000030e-01, v14  }
0x162: {  	v25 =	vld [tilespmem:s8+$0x80];
	v14 =	vsel vm1, $0xFFFFFFFF, v0;
	v4 =	vadd.f32 $-5.120000080e+01, v4;
	vm1 =	vlt.f32 v11, v15  }
0x163: {  	v11 =	vadd.s32 v16, v14;
	v14 =	vsel vm1, $0xFFFFFFFF, v0;
	v13 =	vadd.f32 $-5.000000000e+00, v13  }
0x164: {  	v8 =	vadd.f32 $5.000000070e-02, v8;
	v4 =	vadd.f32 $5.000000070e-02, v4;
	v15 =	vor.u32 v11, v6  }
0x165: {  	s14 =	sadd.s32 $0x0, s13;
	v14 =	vadd.s32 v21, v14;
	vm1 =	vlt.u32 v15, $0x400;
	v13 =	vadd.f32 $1.000000010e-01, v13  }
0x166: {  	s7 =	sadd.s32 $0x2010, s14;
	vm2 =	vlt.u32 v14, $0x28;
	v16 =	vsub.f32 v3, v8;
	v20 =	vsub.f32 v19, v4  }
0x167: {  	s11 =	simm.s32 $0x0;
	[tilespmem:s6+$0x4080] =	vst v19;
	vm1 =	vmand vm1, vm2;
	v4 =	vor.u32 s7, v1;
	v19 =	vadd.f32 $5.120000080e+01, v25  }
0x168: {  	s0 =	simm.s32 $0x20;
	s1 =	sadd.s32 $0x2000, s14;
	s12 =	smul.u32 $0x180, s11;
	[tilespmem:s6+$0x4000] =	vst v3;
	v21 =	vnsel vm1, $0x0, v11;
	v23 =	vnsel vm0, $0x0, v4;
	v24 =	vnsel vm1, $0x0, v6  }
0x169: {  	s10 =	sand.u32 $0x60, s0;
	[tilespmem:s6+$0x4100] =	vst v2;
	v27 =	vnsel vm1, $0x0, v14;
	v11 =	vor.u32 s1, v1;
	v6 =	vnsel vm1, $0x0, v5  }
0x16a: {  	s31 =	sor.u32 s10, s9;
	[tilespmem:s6+$0x4180] =	vst v10;
	v15 =	vld [tilespmem:s4+$0x180];
	v3 =	vnsel vm1, $0x0, v12;
	s1 =	sor.u32 s12, s3;
	v4 =	vcvt.s32.f32 v21;
	v8 =	vcvt.s32.f32 v24  }
0x16b: {  	v5 =	vld [tilespmem:s31+$0x0];
	v13 =	vsub.f32 v2, v13;
	v14 =	vcvt.s32.f32 v27;
	v19 =	vmul.f32 $1.000000000e+01, v19;
	[tilespmem:s1+$0x8000] =	vst v9  }
0x16c: {  	v2 =	vnsel vm1, $0x0, v11;
	v9 =	vtrunc.f32 v29;
	[tilespmem:s1+$0xC000] =	vst v16;
	v16 =	vtrunc.f32 v30  }
0x16d: {  	[tilespmem:s1+$0xC080] =	vst v20;
	vm0 =	vlt.f32 v29, v9;
	v20 =	vcvt.f32.s32 v16;
	v28 =	vmul.f32 $1.000000010e-01, v4  }
0x16e: {  	v4 =	vnsel vm1, $0x0, v7;
	v12 =	vmul.f32 $1.000000010e-01, v8;
	v7 =	vld [tilespmem:s31+$0x80];
	v14 =	vmul.f32 $2.000000030e-01, v14  }
0x16f: {  	v8 =	vld [tilespmem:s31+$0x100];
	v15 =	vnsel vm1, $0x0, v15;
	v57 =	vtrunc.f32 v19;
	[tilespmem:s1+$0xC100] =	vst v13;
	v13 =	vsel vm0, $0xFFFFFFFF, v0  }
0x170: {  	vm0 =	vlt.f32 v30, v16;
	v12 =	vadd.f32 $-5.120000080e+01, v12;
	v10 =	vadd.f32 $5.120000080e+01, v5  }
0x171: {  	vm1 =	vlt.f32 v19, v57;
	v28 =	vadd.f32 $-5.120000080e+01, v28;
	v14 =	vadd.f32 $-5.000000000e+00, v14  }
0x172: {  	[tilespmem:s1+$0x8100] =	vst v17;
	v17 =	vmul.f32 $1.000000000e+01, v10;
	v10 =	vadd.f32 $5.000000070e-02, v12;
	v12 =	vcvt.f32.s32 v9  }
0x173: {  	[tilespmem:s1+$0x8080] =	vst v18;
	v9 =	vadd.f32 $1.000000010e-01, v14;
	v14 =	vcvt.f32.s32 v57;
	v18 =	vadd.f32 $5.120000080e+01, v7  }
0x174: {  	v16 =	vsel vm1, $0xFFFFFFFF, v0;
	v19 =	vadd.f32 $5.000000000e+00, v8;
	v12 =	vadd.s32 v12, v13  }
0x175: {  	s3 =	simm.s32 $0xB010;
	[tilespmem:s4+$0x4000] =	vst v6;
	v16 =	vadd.s32 v14, v16;
	v13 =	vsel vm0, $0xFFFFFFFF, v0;
	v18 =	vmul.f32 $1.000000000e+01, v18  }
0x176: {  	[tilespmem:s3+$0x0] =	vst v23;
	v20 =	vadd.s32 v20, v13;
	v13 =	vor.u32 v12, v16;
	v23 =	vmul.f32 $5.000000000e+00, v19  }
0x177: {  	[tilespmem:s4+$0x4100] =	vst v3;
	v19 =	vtrunc.f32 v17;
	vm0 =	vlt.u32 v13, $0x400;
	vm1 =	vlt.u32 v20, $0x28  }
0x178: {  	[tilespmem:s4+$0x4080] =	vst v4;
	v11 =	vadd.f32 $5.000000070e-02, v28;
	v59 =	vcvt.f32.s32 v19;
	vm0 =	vmand vm0, vm1  }
0x179: {  	s2 =	sor.u32 s2, s12;
	[tilespmem:s4+$0x4180] =	vst v15;
	v58 =	vtrunc.f32 v18;
	vm1 =	vlt.f32 v17, v19;
	v13 =	vnsel vm0, $0x0, v12  }
0x17a: {  	[tilespmem:s2+$0x8100] =	vst v21;
	v21 =	vtrunc.f32 v23;
	v12 =	vld [tilespmem:s8+$0x180];
	v60 =	vnsel vm0, $0x0, v16;
	v15 =	vcvt.s32.f32 v13  }
0x17b: {  	[tilespmem:s2+$0x8000] =	vst v27;
	vm2 =	vlt.f32 v18, v58;
	v17 =	vnsel vm0, $0x0, v20;
	v18 =	vcvt.s32.f32 v60  }
0x17c: {  	[tilespmem:s2+$0x8080] =	vst v24;
	v22 =	vnsel vm0, $0x0, v22;
	v20 =	vcvt.s32.f32 v17;
	v19 =	vmul.f32 $1.000000010e-01, v15  }
0x17d: {  	s14 =	simm.s32 $0x0;
	v14 =	vcvt.f32.s32 v58;
	v16 =	vnsel vm0, $0x0, v25;
	[tilespmem:s8+$0x4000] =	vst v22;
	v18 =	vmul.f32 $1.000000010e-01, v18  }
0x17e: {  	s1 =	smul.u32 $0x180, s14;
	[tilespmem:s8+$0x4080] =	vst v16;
	v15 =	vnsel vm0, $0x0, v26;
	v20 =	vmul.f32 $2.000000030e-01, v20;
	v61 =	vadd.f32 $-5.120000080e+01, v19  }
0x17f: {  	v62 =	vsel vm1, $0xFFFFFFFF, v0;
	[tilespmem:s8+$0x4100] =	vst v15;
	v12 =	vnsel vm0, $0x0, v12;
	v63 =	vadd.f32 $-5.120000080e+01, v18  }
0x180: {  	s11 =	sor.u32 s1, s5;
	vm1 =	vlt.f32 v23, v21;
	v20 =	vadd.f32 $-5.000000000e+00, v20;
	[tilespmem:s8+$0x4180] =	vst v12;
	v24 =	vadd.f32 $5.000000070e-02, v61  }
0x181: {  	v19 =	vsel vm2, $0xFFFFFFFF, v0;
	v18 =	vcvt.f32.s32 v21;
	v21 =	vadd.f32 $5.000000070e-02, v63;
	[tilespmem:s11+$0x8000] =	vst v17  }
0x182: {  	s4 =	simm.s32 $0xB010;
	s5 =	simm.s32 $0x2;
	s6 =	sor.u32 s10, s1;
	v12 =	vld [tilespmem:s31+$0x180];
	v17 =	vadd.s32 v59, v62;
	v20 =	vadd.f32 $1.000000010e-01, v20;
	[tilespmem:s11+$0x8080] =	vst v60;
	v22 =	vsub.f32 v22, v24  }
.LBB2_6:
0x183: {  	v14 =	vadd.s32 v14, v19;
	v19 =	vsel vm1, $0xFFFFFFFF, v0  }
0x184: {  	s5 =	sadd.s32 $0x2, s5;
	s1 =	sadd.s32 s0, s13;
	[tilespmem:s11+$0x8100] =	vst v13;
	v13 =	vsub.f32 v16, v21;
	s0 =	sadd.s32 $0x20, s0;
	v16 =	vadd.s32 v18, v19;
	v18 =	vor.u32 v17, v14  }
0x185: {  	s9 =	sshrl.u32 s5, $0x3;
	s7 =	sadd.s32 $0x10, s0;
	s10 =	sadd.s32 $0x2010, s1;
	[tilespmem:s11+$0xC000] =	vst v22;
	v15 =	vsub.f32 v15, v20;
	vm1 =	vlt.u32 v18, $0x400;
	vm2 =	vlt.u32 v16, $0x28  }
0x186: {  	s8 =	sand.u32 $0x60, s0;
	s12 =	sshll.u32 s9, $0x9;
	s7 =	sand.u32 $0x70, s7;
	v18 =	vor.u32 s10, v1;
	[tilespmem:s11+$0xC080] =	vst v13;
	vm1 =	vmand vm1, vm2  }
0x187: {  	v11 =	vsub.f32 v6, v11;
	s3 =	sadd.s32 $0x20, s3;
	s14 =	sor.u32 s8, s12;
	s10 =	sor.u32 s12, s7;
	v13 =	vnsel vm0, $0x0, v18;
	[tilespmem:s11+$0xC100] =	vst v15;
	v17 =	vnsel vm1, $0x0, v17  }
0x188: {  	s1 =	sadd.s32 $0x2000, s1;
	v15 =	vld [tilespmem:s10+$0x100];
	v14 =	vnsel vm1, $0x0, v14;
	v16 =	vnsel vm1, $0x0, v16;
	[tilespmem:s3+$0x0] =	vst v13;
	v13 =	vcvt.s32.f32 v17  }
0x189: {  	v6 =	vnsel vm1, $0x0, v5;
	v7 =	vnsel vm1, $0x0, v7;
	v18 =	vld [tilespmem:s10+$0x0];
	v19 =	vcvt.s32.f32 v14;
	[tilespmem:s2+$0xC000] =	vst v11  }
0x18a: {  	p0 =	slt.u32 s5, $0xFE;
	v8 =	vnsel vm1, $0x0, v8;
	v11 =	vcvt.s32.f32 v16;
	v20 =	vld [tilespmem:s10+$0x80];
	[tilespmem:s31+$0x4000] =	vst v6;
	v13 =	vmul.f32 $1.000000010e-01, v13  }
0x18b: {  	v10 =	vsub.f32 v4, v10;
	v9 =	vsub.f32 v3, v9;
	v4 =	vmovc v7;
	v5 =	vld [tilespmem:s14+$0x0];
	v19 =	vmul.f32 $1.000000010e-01, v19;
	[tilespmem:s31+$0x4080] =	vst v7  }
0x18c: {  	v21 =	vor.u32 s1, v1;
	v3 =	vmovc v8;
	v11 =	vmul.f32 $2.000000030e-01, v11;
	v7 =	vld [tilespmem:s14+$0x80];
	[tilespmem:s31+$0x4100] =	vst v8;
	v13 =	vadd.f32 $-5.120000080e+01, v13  }
0x18d: {  	v22 =	vnsel vm1, $0x0, v12;
	v8 =	vld [tilespmem:s14+$0x100];
	v19 =	vadd.f32 $-5.120000080e+01, v19;
	[tilespmem:s2+$0xC080] =	vst v10;
	v10 =	vadd.f32 $5.000000000e+00, v15  }
0x18e: {  	v21 =	vnsel vm1, $0x0, v21;
	v23 =	vadd.f32 $-5.000000000e+00, v11;
	v12 =	vld [tilespmem:s14+$0x180];
	[tilespmem:s31+$0x4180] =	vst v22;
	s31 =	smov.u32 s14;
	v22 =	vadd.f32 $5.120000080e+01, v18  }
0x18f: {  	v24 =	vadd.f32 $5.120000080e+01, v20;
	[tilespmem:s2+$0xC100] =	vst v9;
	s2 =	smov.u32 s6;
	v11 =	vadd.f32 $5.000000070e-02, v13  }
0x190: {  	v25 =	vmul.f32 $5.000000000e+00, v10;
	v10 =	vadd.f32 $5.000000070e-02, v19;
	v9 =	vadd.f32 $5.120000080e+01, v5;
	[tilespmem:s2+$0x8000] =	vst v16  }
0x191: {  	v16 =	vmul.f32 $1.000000000e+01, v22;
	v13 =	vadd.f32 $5.120000080e+01, v7;
	v22 =	vmul.f32 $1.000000000e+01, v24;
	[tilespmem:s2+$0x8080] =	vst v14  }
0x192: {  	v26 =	vtrunc.f32 v25;
	v24 =	vmul.f32 $1.000000000e+01, v9;
	v14 =	vadd.f32 $5.000000000e+00, v8;
	[tilespmem:s2+$0x8100] =	vst v17  }
0x193: {  	v17 =	vtrunc.f32 v16;
	v9 =	vadd.f32 $1.000000010e-01, v23;
	v27 =	vtrunc.f32 v22;
	[tilespmem:s4+$0xFFFFFFF0] =	vst v2;
	v2 =	vmovc v21;
	s4 =	smov.u32 s3  }
0x194: {  	v19 =	vcvt.f32.s32 v17;
	v21 =	vcvt.f32.s32 v26;
	vm0 =	vlt.f32 v16, v17  }
0x195: {  	v23 =	vcvt.f32.s32 v27;
	vm1 =	vlt.f32 v22, v27;
	v16 =	vsel vm0, $0xFFFFFFFF, v0  }
0x196: {  	vm0 =	vlt.f32 v25, v26;
	v22 =	vmul.f32 $1.000000000e+01, v13;
	v17 =	vsel vm1, $0xFFFFFFFF, v0  }
0x197: {  	v16 =	vadd.s32 v19, v16;
	v19 =	vsel vm0, $0xFFFFFFFF, v0;
	v17 =	vadd.s32 v23, v17  }
0x198: {  	v19 =	vadd.s32 v21, v19;
	v21 =	vmul.f32 $5.000000000e+00, v14;
	v13 =	vor.u32 v16, v17  }
0x199: {  	v23 =	vtrunc.f32 v24;
	vm1 =	vlt.u32 v19, $0x28;
	vm0 =	vlt.u32 v13, $0x400  }
0x19a: {  	v25 =	vtrunc.f32 v22;
	v26 =	vcvt.f32.s32 v23;
	vm0 =	vmand vm0, vm1  }
0x19b: {  	v14 =	vcvt.f32.s32 v25;
	vm1 =	vlt.f32 v24, v23;
	v13 =	vnsel vm0, $0x0, v16  }
0x19c: {  	v24 =	vnsel vm0, $0x0, v17;
	v17 =	vnsel vm0, $0x0, v19;
	v16 =	vcvt.s32.f32 v13;
	v23 =	vld [tilespmem:s10+$0x180]  }
0x19d: {  	vm2 =	vlt.f32 v22, v25;
	v19 =	vcvt.s32.f32 v24;
	v25 =	vcvt.s32.f32 v17  }
0x19e: {  	s1 =	smul.u32 $0x180, s9;
	v27 =	vtrunc.f32 v21;
	v22 =	vnsel vm0, $0x0, v18;
	v18 =	vmul.f32 $1.000000010e-01, v16  }
0x19f: {  	v16 =	vnsel vm0, $0x0, v20;
	v19 =	vmul.f32 $1.000000010e-01, v19;
	v20 =	vmul.f32 $2.000000030e-01, v25;
	[tilespmem:s10+$0x4000] =	vst v22  }
.Ltmp2:
0x1a0: {  	v15 =	vnsel vm0, $0x0, v15;
	v18 =	vadd.f32 $-5.120000080e+01, v18;
	[tilespmem:s10+$0x4080] =	vst v16;
	(pc) =	sbr.rel @p0 .LBB2_6-.Ltmp2, $4  }
0x1a1: {  	v25 =	vsel vm1, $0xFFFFFFFF, v0;
	v28 =	vadd.f32 $-5.120000080e+01, v19;
	v23 =	vnsel vm0, $0x0, v23;
	[tilespmem:s10+$0x4100] =	vst v15  }
0x1a2: {  	s11 =	sor.u32 s1, s7;
	s6 =	sor.u32 s8, s1;
	v19 =	vsel vm2, $0xFFFFFFFF, v0;
	v20 =	vadd.f32 $-5.000000000e+00, v20;
	v29 =	vadd.f32 $5.000000070e-02, v18;
	[tilespmem:s10+$0x4180] =	vst v23  }
0x1a3: {  	vm1 =	vlt.f32 v21, v27;
	v18 =	vcvt.f32.s32 v27;
	v21 =	vadd.f32 $5.000000070e-02, v28;
	[tilespmem:s11+$0x8000] =	vst v17  }
0x1a4: {  	v20 =	vadd.f32 $1.000000010e-01, v20;
	v17 =	vadd.s32 v26, v25;
	v22 =	vsub.f32 v22, v29;
	[tilespmem:s11+$0x8080] =	vst v24  }
0x1a5: {  	v14 =	vadd.s32 v14, v19;
	[tilespmem:s11+$0x8100] =	vst v13;
	v13 =	vsub.f32 v16, v21  }
0x1a6: {  	s0 =	sadd.s32 s0, s13;
	v16 =	vsel vm1, $0xFFFFFFFF, v0;
	v6 =	vsub.f32 v6, v11;
	v4 =	vsub.f32 v4, v10;
	[tilespmem:s11+$0xC000] =	vst v22  }
0x1a7: {  	v19 =	vor.u32 v17, v14;
	s1 =	sadd.s32 $0x2010, s0;
	v15 =	vsub.f32 v15, v20;
	v16 =	vadd.s32 v18, v16;
	[tilespmem:s11+$0xC080] =	vst v13  }
0x1a8: {  	vm1 =	vlt.u32 v19, $0x400;
	v18 =	vor.u32 s1, v1;
	vm2 =	vlt.u32 v16, $0x28;
	[tilespmem:s2+$0xC000] =	vst v6  }
0x1a9: {  	[tilespmem:s2+$0xC080] =	vst v4;
	v13 =	vnsel vm0, $0x0, v18;
	vm0 =	vmand vm1, vm2  }
0x1aa: {  	s3 =	sadd.s32 $0x20, s3;
	v3 =	vsub.f32 v3, v9;
	[tilespmem:s11+$0xC100] =	vst v15;
	v11 =	vnsel vm0, $0x0, v17  }
0x1ab: {  	[tilespmem:s3+$0x0] =	vst v13;
	v13 =	vnsel vm0, $0x0, v14;
	v14 =	vcvt.s32.f32 v11  }
0x1ac: {  	[tilespmem:s2+$0xC100] =	vst v3;
	v6 =	vnsel vm0, $0x0, v16;
	v15 =	vcvt.s32.f32 v13  }
0x1ad: {  	[tilespmem:s4+$0xFFFFFFF0] =	vst v2;
	v5 =	vnsel vm0, $0x0, v5;
	v10 =	vcvt.s32.f32 v6;
	v14 =	vmul.f32 $1.000000010e-01, v14  }
0x1ae: {  	v7 =	vnsel vm0, $0x0, v7;
	[tilespmem:s31+$0x4000] =	vst v5;
	v15 =	vmul.f32 $1.000000010e-01, v15  }
0x1af: {  	v9 =	vnsel vm0, $0x0, v12;
	[tilespmem:s31+$0x4080] =	vst v7;
	v4 =	vmul.f32 $2.000000030e-01, v10;
	v10 =	vadd.f32 $-5.120000080e+01, v14  }
0x1b0: {  	v8 =	vnsel vm0, $0x0, v8;
	[tilespmem:s31+$0x4180] =	vst v9;
	v9 =	vadd.f32 $-5.120000080e+01, v15  }
0x1b1: {  	[tilespmem:s31+$0x4100] =	vst v8;
	v3 =	vadd.f32 $-5.000000000e+00, v4;
	v4 =	vadd.f32 $5.000000070e-02, v10  }
0x1b2: {  	[tilespmem:s6+$0x8000] =	vst v6;
	v6 =	vadd.f32 $5.000000070e-02, v9  }
0x1b3: {  	[tilespmem:s6+$0x8080] =	vst v13;
	v3 =	vadd.f32 $1.000000010e-01, v3;
	v4 =	vsub.f32 v5, v4  }
0x1b4: {  	[tilespmem:s6+$0x8100] =	vst v11;
	v2 =	vsub.f32 v7, v6  }
0x1b5: {  	s0 =	sadd.s32 $0x2000, s0;
	v3 =	vsub.f32 v8, v3;
	[tilespmem:s6+$0xC000] =	vst v4  }
0x1b6: {  	v4 =	vor.u32 s0, v1;
	[tilespmem:s6+$0xC080] =	vst v2  }
0x1b7: {  	[tilespmem:s6+$0xC100] =	vst v3;
	v2 =	vnsel vm0, $0x0, v4  }
0x1b8: {  	[tilespmem:s3+$0xFFFFFFF0] =	vst v2  }
0x1b9: {  	s5 =	simm.s32 $0x0;
	s1 =	rddreg [dreg:$0x17]  }
0x1ba: {  	[hbm4b:s1+s5] =	stream.linear.scatter [tilespmem:s16], [sflag:$0x3], $0x4000, $0x38;
	[tilespmem:$0x1E000] =	vst v63  }
0x1bb: {  	s6 =	rddreg [dreg:$0x18]  }
0x1bc: {  	[hbm4b:s6+s17] =	stream.strided.scatter [tilespmem:s19], [sflag:$0x3], $0x3000, s18, s17, $0x38;
	[tilespmem:$0x1E000] =	vst v63  }
0x1bd: {  	s7 =	rddreg [dreg:$0x9]  }
0x1be: {  	[hbm4b:s7+s5] =	stream.linear.scatter [tilespmem:s20], [sflag:$0x3], $0x1000, $0x38;
	[tilespmem:$0x1E000] =	vst v63  }
0x1bf: {  	s8 =	rddreg [dreg:$0x19]  }
0x1c0: {  	[hbm4b:s8+s17] =	stream.strided.scatter [tilespmem:s21], [sflag:$0x3], $0x3000, s18, s17, $0x38;
	[tilespmem:$0x1E000] =	vst v63  }
0x1c1: {  	s9 =	rddreg [dreg:$0x1e]  }
0x1c2: {  	[tilespmem:s5], [sflag:$0x1] =	stream.linear.gather [hbm4b:s9+s5], $0x4000, $0x38;
	[tilespmem:$0x1E000] =	vst v63  }
0x1c3: {  	_ =	swait.ge [sflag:s29], $0x4000  }
0x1c4: {  	[sflag:s29] =	ssyncset.done $0x0  }
0x1c5: {  	[sflag:s29] =	ssyncadd.s32 $0xFFFFC000  }
0x1c6: {  	_ =	swait.ge [sflag:s29], $0x3000  }
0x1c7: {  	[sflag:s29] =	ssyncset.done $0x0  }
0x1c8: {  	[sflag:s29] =	ssyncadd.s32 $0xFFFFD000  }
0x1c9: {  	_ =	swait.ge [sflag:s29], $0x1000  }
0x1ca: {  	[sflag:s29] =	ssyncset.done $0x0  }
0x1cb: {  	[sflag:s29] =	ssyncadd.s32 $0xFFFFF000  }
0x1cc: {  	_ =	swait.ge [sflag:s29], $0x3000  }
0x1cd: {  	[sflag:s29] =	ssyncset.done $0x0  }
0x1ce: {  	[sflag:s29] =	ssyncadd.s32 $0xFFFFD000  }
0x1cf: {  	s10 =	simm.s32 $0x10;
	_ =	swait.ge [sflag:s22], $0x4000  }
0x1d0: {  	s11 =	simm.s32 $0x0;
	s3 =	sand.u32 $0x70, s10;
	[sflag:s22] =	ssyncset.done $0x0  }
0x1d1: {  	s6 =	sor.u32 s11, s3;
	[sflag:s22] =	ssyncadd.s32 $0xFFFFC000  }
0x1d2: {  	v2 =	vld [tilespmem:s6+$0xF100]  }
0x1d3: {  	s12 =	simm.s32 $0x30;
	s2 =	sand.u32 $0x60, s5;
	v3 =	vld [tilespmem:s6+$0xF000]  }
0x1d4: {  	s4 =	sor.u32 s2, s11;
	s9 =	simm.s32 $0x0;
	s5 =	sand.u32 $0x70, s12;
	v4 =	vld [tilespmem:s6+$0xF080]  }
0x1d5: {  	s8 =	sor.u32 s9, s5;
	v5 =	vld [tilespmem:s4+$0xF000]  }
0x1d6: {  	v27 =	vld [tilespmem:s8+$0xF100];
	_ =	sdelay $0x2  }
0x1d7: {  	v7 =	vld [tilespmem:s4+$0xF080];
	v6 =	vadd.f32 $5.000000000e+00, v2;
	v8 =	vadd.f32 $5.120000080e+01, v3  }
0x1d8: {  	v23 =	vld [tilespmem:s8+$0xF000];
	v9 =	vadd.f32 $5.120000080e+01, v4;
	v10 =	vadd.f32 $5.120000080e+01, v5  }
0x1d9: {  	v30 =	vadd.f32 $5.000000000e+00, v27;
	v6 =	vmul.f32 $5.000000000e+00, v6;
	v8 =	vmul.f32 $1.000000000e+01, v8  }
0x1da: {  	v9 =	vmul.f32 $1.000000000e+01, v9;
	v10 =	vmul.f32 $1.000000000e+01, v10  }
0x1db: {  	v12 =	vld [tilespmem:s4+$0xF100];
	v30 =	vmul.f32 $5.000000000e+00, v30;
	v11 =	vtrunc.f32 v6  }
0x1dc: {  	v15 =	vadd.f32 $5.120000080e+01, v7;
	v13 =	vtrunc.f32 v8;
	v14 =	vtrunc.f32 v9  }
0x1dd: {  	v29 =	vadd.f32 $5.120000080e+01, v23;
	v16 =	vcvt.f32.s32 v13;
	v17 =	vcvt.f32.s32 v11  }
0x1de: {  	v18 =	vcvt.f32.s32 v14;
	vm0 =	vlt.f32 v8, v13;
	vm1 =	vlt.f32 v9, v14  }
0x1df: {  	v14 =	vmul.f32 $1.000000000e+01, v15;
	v8 =	vsel vm0, $0xFFFFFFFF, v0;
	v9 =	vsel vm1, $0xFFFFFFFF, v0  }
0x1e0: {  	vm0 =	vlt.f32 v6, v11;
	v11 =	vadd.f32 $5.000000000e+00, v12;
	v6 =	vadd.s32 v16, v8  }
0x1e1: {  	v8 =	vadd.s32 v18, v9;
	v9 =	vsel vm0, $0xFFFFFFFF, v0;
	v15 =	vtrunc.f32 v14  }
0x1e2: {  	v9 =	vadd.s32 v17, v9;
	v13 =	vor.u32 v6, v8;
	v11 =	vmul.f32 $5.000000000e+00, v11  }
0x1e3: {  	vm2 =	vlt.f32 v14, v15;
	vm0 =	vlt.u32 v13, $0x400;
	vm1 =	vlt.u32 v9, $0x28  }
0x1e4: {  	v13 =	vtrunc.f32 v10;
	v20 =	vsel vm2, $0xFFFFFFFF, v0;
	vm0 =	vmand vm0, vm1  }
0x1e5: {  	v16 =	vcvt.f32.s32 v13;
	vm1 =	vlt.f32 v10, v13;
	v10 =	vld [tilespmem:s6+$0xF180];
	v17 =	vnsel vm0, $0x0, v6  }
0x1e6: {  	v6 =	vcvt.f32.s32 v15;
	v18 =	vnsel vm0, $0x0, v8;
	v9 =	vnsel vm0, $0x0, v9  }
0x1e7: {  	v14 =	vnsel vm0, $0x0, v3;
	v15 =	vtrunc.f32 v11;
	v13 =	vcvt.s32.f32 v17  }
0x1e8: {  	v19 =	vnsel vm0, $0x0, v4;
	v8 =	vcvt.s32.f32 v18;
	v21 =	vcvt.f32.s32 v15  }
0x1e9: {  	v2 =	vnsel vm0, $0x0, v2;
	v3 =	vmul.f32 $1.000000010e-01, v13;
	v13 =	vcvt.s32.f32 v9  }
0x1ea: {  	v6 =	vadd.s32 v6, v20;
	v4 =	vmul.f32 $1.000000010e-01, v8;
	v10 =	vnsel vm0, $0x0, v10  }
0x1eb: {  	v3 =	vadd.f32 $-5.120000080e+01, v3;
	v8 =	vmul.f32 $2.000000030e-01, v13;
	v13 =	vsel vm1, $0xFFFFFFFF, v0  }
0x1ec: {  	v26 =	vld [tilespmem:s8+$0xF080];
	v4 =	vadd.f32 $-5.120000080e+01, v4;
	vm1 =	vlt.f32 v11, v15;
	v11 =	vadd.s32 v16, v13  }
0x1ed: {  	v13 =	vsel vm1, $0xFFFFFFFF, v0;
	v3 =	vadd.f32 $5.000000070e-02, v3;
	v8 =	vadd.f32 $-5.000000000e+00, v8  }
0x1ee: {  	v4 =	vadd.f32 $5.000000070e-02, v4;
	v13 =	vadd.s32 v21, v13;
	v15 =	vor.u32 v11, v6  }
0x1ef: {  	s14 =	sadd.s32 $0x0, s13;
	vm1 =	vlt.u32 v15, $0x400;
	vm2 =	vlt.u32 v13, $0x28;
	v8 =	vadd.f32 $1.000000010e-01, v8  }
0x1f0: {  	s1 =	sadd.s32 $0x3000, s14;
	s7 =	sadd.s32 $0x3010, s14;
	[tilespmem:s6+$0x13000] =	vst v14;
	v16 =	vsub.f32 v14, v3;
	v20 =	vsub.f32 v19, v4;
	vm1 =	vmand vm1, vm2  }
0x1f1: {  	s0 =	simm.s32 $0x20;
	[tilespmem:s6+$0x13080] =	vst v19;
	v3 =	vor.u32 s7, v1;
	v14 =	vor.u32 s1, v1;
	v19 =	vadd.f32 $5.120000080e+01, v26  }
0x1f2: {  	s10 =	sand.u32 $0x60, s0;
	s11 =	simm.s32 $0x0;
	v22 =	vnsel vm1, $0x0, v11;
	v24 =	vnsel vm0, $0x0, v3;
	v25 =	vnsel vm1, $0x0, v6  }
0x1f3: {  	s31 =	sor.u32 s10, s9;
	s9 =	smul.u32 $0x180, s11;
	v15 =	vld [tilespmem:s4+$0xF180];
	v28 =	vnsel vm1, $0x0, v13;
	v5 =	vnsel vm1, $0x0, v5;
	v4 =	vcvt.s32.f32 v22  }
0x1f4: {  	[tilespmem:s6+$0x13100] =	vst v2;
	v21 =	vsub.f32 v2, v8;
	v8 =	vcvt.s32.f32 v25;
	v11 =	vcvt.s32.f32 v28  }
0x1f5: {  	s12 =	sor.u32 s9, s3;
	[tilespmem:s6+$0x13180] =	vst v10;
	v6 =	vld [tilespmem:s31+$0xF000];
	v2 =	vnsel vm1, $0x0, v14;
	v14 =	vmul.f32 $1.000000000e+01, v29;
	v19 =	vmul.f32 $1.000000000e+01, v19  }
0x1f6: {  	v3 =	vnsel vm1, $0x0, v7;
	[tilespmem:s12+$0x1B000] =	vst v16;
	v16 =	vtrunc.f32 v30;
	v13 =	vmul.f32 $1.000000010e-01, v4  }
0x1f7: {  	[tilespmem:s12+$0x17000] =	vst v9;
	v4 =	vnsel vm1, $0x0, v12;
	v12 =	vmul.f32 $1.000000010e-01, v8;
	v9 =	vtrunc.f32 v14  }
0x1f8: {  	v11 =	vmul.f32 $2.000000030e-01, v11;
	v15 =	vnsel vm1, $0x0, v15;
	vm0 =	vlt.f32 v14, v9  }
0x1f9: {  	v7 =	vld [tilespmem:s31+$0xF080];
	v14 =	vtrunc.f32 v19;
	v13 =	vadd.f32 $-5.120000080e+01, v13;
	v12 =	vadd.f32 $-5.120000080e+01, v12  }
0x1fa: {  	v8 =	vld [tilespmem:s31+$0xF100];
	v57 =	vadd.f32 $-5.000000000e+00, v11;
	v10 =	vadd.f32 $5.120000080e+01, v6;
	vm1 =	vlt.f32 v19, v14  }
0x1fb: {  	[tilespmem:s12+$0x1B080] =	vst v20;
	v19 =	vcvt.f32.s32 v16;
	v14 =	vcvt.f32.s32 v14;
	v20 =	vsel vm0, $0xFFFFFFFF, v0  }
0x1fc: {  	[tilespmem:s12+$0x17080] =	vst v18;
	vm0 =	vlt.f32 v30, v16;
	v16 =	vsel vm1, $0xFFFFFFFF, v0;
	v11 =	vadd.f32 $5.000000070e-02, v13  }
0x1fd: {  	[tilespmem:s12+$0x17100] =	vst v17;
	v17 =	vmul.f32 $1.000000000e+01, v10;
	v10 =	vadd.f32 $5.000000070e-02, v12;
	v12 =	vcvt.f32.s32 v9  }
0x1fe: {  	[tilespmem:s4+$0x13000] =	vst v5;
	v13 =	vadd.f32 $5.120000080e+01, v7;
	v9 =	vadd.f32 $1.000000010e-01, v57;
	v16 =	vadd.s32 v14, v16  }
0x1ff: {  	[tilespmem:s4+$0x13080] =	vst v3;
	v14 =	vsel vm0, $0xFFFFFFFF, v0;
	v18 =	vadd.f32 $5.000000000e+00, v8;
	v12 =	vadd.s32 v12, v20  }
0x200: {  	s3 =	simm.s32 $0x1A010;
	[tilespmem:s12+$0x1B100] =	vst v21;
	v19 =	vadd.s32 v19, v14;
	v20 =	vmul.f32 $1.000000000e+01, v13;
	v13 =	vor.u32 v12, v16  }
0x201: {  	[tilespmem:s3+$0x0] =	vst v24;
	vm1 =	vlt.u32 v19, $0x28;
	v21 =	vmul.f32 $5.000000000e+00, v18;
	vm0 =	vlt.u32 v13, $0x400  }
0x202: {  	[tilespmem:s4+$0x13100] =	vst v4;
	v18 =	vtrunc.f32 v17;
	v58 =	vtrunc.f32 v20;
	vm0 =	vmand vm0, vm1  }
0x203: {  	s2 =	sor.u32 s2, s9;
	[tilespmem:s4+$0x13180] =	vst v15;
	v59 =	vcvt.f32.s32 v18;
	v14 =	vcvt.f32.s32 v58;
	v13 =	vnsel vm0, $0x0, v12  }
0x204: {  	[tilespmem:s2+$0x17000] =	vst v28;
	vm1 =	vlt.f32 v17, v18;
	v12 =	vld [tilespmem:s8+$0xF180];
	v60 =	vnsel vm0, $0x0, v16;
	v15 =	vcvt.s32.f32 v13  }
0x205: {  	[tilespmem:s2+$0x17080] =	vst v25;
	vm2 =	vlt.f32 v20, v58;
	v17 =	vnsel vm0, $0x0, v19;
	v18 =	vcvt.s32.f32 v60  }
0x206: {  	[tilespmem:s2+$0x17100] =	vst v22;
	v22 =	vnsel vm0, $0x0, v23;
	v20 =	vcvt.s32.f32 v17;
	v19 =	vmul.f32 $1.000000010e-01, v15  }
0x207: {  	s14 =	simm.s32 $0x0;
	v23 =	vtrunc.f32 v21;
	v16 =	vnsel vm0, $0x0, v26;
	[tilespmem:s8+$0x13000] =	vst v22;
	v18 =	vmul.f32 $1.000000010e-01, v18  }
0x208: {  	s1 =	smul.u32 $0x180, s14;
	[tilespmem:s8+$0x13080] =	vst v16;
	v15 =	vnsel vm0, $0x0, v27;
	v20 =	vmul.f32 $2.000000030e-01, v20;
	v61 =	vadd.f32 $-5.120000080e+01, v19  }
0x209: {  	v62 =	vsel vm1, $0xFFFFFFFF, v0;
	[tilespmem:s8+$0x13100] =	vst v15;
	v12 =	vnsel vm0, $0x0, v12;
	v63 =	vadd.f32 $-5.120000080e+01, v18  }
0x20a: {  	s11 =	sor.u32 s1, s5;
	vm1 =	vlt.f32 v21, v23;
	v20 =	vadd.f32 $-5.000000000e+00, v20;
	[tilespmem:s8+$0x13180] =	vst v12;
	v24 =	vadd.f32 $5.000000070e-02, v61  }
0x20b: {  	v19 =	vsel vm2, $0xFFFFFFFF, v0;
	v18 =	vcvt.f32.s32 v23;
	v21 =	vadd.f32 $5.000000070e-02, v63;
	[tilespmem:s11+$0x17000] =	vst v17  }
0x20c: {  	s5 =	simm.s32 $0x2;
	s6 =	sor.u32 s10, s1;
	s4 =	simm.s32 $0x1A010;
	v12 =	vld [tilespmem:s31+$0xF180];
	v17 =	vadd.s32 v59, v62;
	v20 =	vadd.f32 $1.000000010e-01, v20;
	[tilespmem:s11+$0x17080] =	vst v60;
	v22 =	vsub.f32 v22, v24  }
.LBB2_8:
0x20d: {  	v14 =	vadd.s32 v14, v19;
	v19 =	vsel vm1, $0xFFFFFFFF, v0  }
0x20e: {  	s5 =	sadd.s32 $0x2, s5;
	s1 =	sadd.s32 s0, s13;
	[tilespmem:s11+$0x17100] =	vst v13;
	v13 =	vsub.f32 v16, v21;
	s0 =	sadd.s32 $0x20, s0;
	v16 =	vadd.s32 v18, v19;
	v18 =	vor.u32 v17, v14  }
0x20f: {  	s9 =	sshrl.u32 s5, $0x3;
	s7 =	sadd.s32 $0x10, s0;
	s10 =	sadd.s32 $0x3010, s1;
	[tilespmem:s11+$0x1B000] =	vst v22;
	v15 =	vsub.f32 v15, v20;
	vm1 =	vlt.u32 v18, $0x400;
	vm2 =	vlt.u32 v16, $0x28  }
0x210: {  	s8 =	sand.u32 $0x60, s0;
	s12 =	sshll.u32 s9, $0x9;
	s7 =	sand.u32 $0x70, s7;
	v18 =	vor.u32 s10, v1;
	[tilespmem:s11+$0x1B080] =	vst v13;
	vm1 =	vmand vm1, vm2  }
0x211: {  	v11 =	vsub.f32 v5, v11;
	s3 =	sadd.s32 $0x20, s3;
	s14 =	sor.u32 s8, s12;
	s10 =	sor.u32 s12, s7;
	v13 =	vnsel vm0, $0x0, v18;
	[tilespmem:s11+$0x1B100] =	vst v15;
	v17 =	vnsel vm1, $0x0, v17  }
0x212: {  	s1 =	sadd.s32 $0x3000, s1;
	v15 =	vld [tilespmem:s10+$0xF100];
	v14 =	vnsel vm1, $0x0, v14;
	v16 =	vnsel vm1, $0x0, v16;
	[tilespmem:s3+$0x0] =	vst v13;
	v13 =	vcvt.s32.f32 v17  }
0x213: {  	v5 =	vnsel vm1, $0x0, v6;
	v7 =	vnsel vm1, $0x0, v7;
	v18 =	vld [tilespmem:s10+$0xF000];
	v19 =	vcvt.s32.f32 v14;
	[tilespmem:s2+$0x1B000] =	vst v11  }
0x214: {  	p0 =	slt.u32 s5, $0xFE;
	v8 =	vnsel vm1, $0x0, v8;
	v11 =	vcvt.s32.f32 v16;
	v20 =	vld [tilespmem:s10+$0xF080];
	[tilespmem:s31+$0x13000] =	vst v5;
	v13 =	vmul.f32 $1.000000010e-01, v13  }
0x215: {  	v10 =	vsub.f32 v3, v10;
	v9 =	vsub.f32 v4, v9;
	v3 =	vmovc v7;
	v6 =	vld [tilespmem:s14+$0xF000];
	v19 =	vmul.f32 $1.000000010e-01, v19;
	[tilespmem:s31+$0x13080] =	vst v7  }
0x216: {  	v21 =	vor.u32 s1, v1;
	v4 =	vmovc v8;
	v11 =	vmul.f32 $2.000000030e-01, v11;
	v7 =	vld [tilespmem:s14+$0xF080];
	[tilespmem:s31+$0x13100] =	vst v8;
	v13 =	vadd.f32 $-5.120000080e+01, v13  }
0x217: {  	v22 =	vnsel vm1, $0x0, v12;
	v8 =	vld [tilespmem:s14+$0xF100];
	v19 =	vadd.f32 $-5.120000080e+01, v19;
	[tilespmem:s2+$0x1B080] =	vst v10;
	v10 =	vadd.f32 $5.000000000e+00, v15  }
0x218: {  	v21 =	vnsel vm1, $0x0, v21;
	v23 =	vadd.f32 $-5.000000000e+00, v11;
	v12 =	vld [tilespmem:s14+$0xF180];
	[tilespmem:s31+$0x13180] =	vst v22;
	s31 =	smov.u32 s14;
	v22 =	vadd.f32 $5.120000080e+01, v18  }
0x219: {  	v24 =	vadd.f32 $5.120000080e+01, v20;
	[tilespmem:s2+$0x1B100] =	vst v9;
	s2 =	smov.u32 s6;
	v11 =	vadd.f32 $5.000000070e-02, v13  }
0x21a: {  	v25 =	vmul.f32 $5.000000000e+00, v10;
	v10 =	vadd.f32 $5.000000070e-02, v19;
	v9 =	vadd.f32 $5.120000080e+01, v6;
	[tilespmem:s2+$0x17000] =	vst v16  }
0x21b: {  	v16 =	vmul.f32 $1.000000000e+01, v22;
	v13 =	vadd.f32 $5.120000080e+01, v7;
	v22 =	vmul.f32 $1.000000000e+01, v24;
	[tilespmem:s2+$0x17080] =	vst v14  }
0x21c: {  	v26 =	vtrunc.f32 v25;
	v24 =	vmul.f32 $1.000000000e+01, v9;
	v14 =	vadd.f32 $5.000000000e+00, v8;
	[tilespmem:s2+$0x17100] =	vst v17  }
0x21d: {  	v17 =	vtrunc.f32 v16;
	v9 =	vadd.f32 $1.000000010e-01, v23;
	v27 =	vtrunc.f32 v22;
	[tilespmem:s4+$0xFFFFFFF0] =	vst v2;
	v2 =	vmovc v21;
	s4 =	smov.u32 s3  }
0x21e: {  	v19 =	vcvt.f32.s32 v17;
	v21 =	vcvt.f32.s32 v26;
	vm0 =	vlt.f32 v16, v17  }
0x21f: {  	v23 =	vcvt.f32.s32 v27;
	vm1 =	vlt.f32 v22, v27;
	v16 =	vsel vm0, $0xFFFFFFFF, v0  }
0x220: {  	vm0 =	vlt.f32 v25, v26;
	v22 =	vmul.f32 $1.000000000e+01, v13;
	v17 =	vsel vm1, $0xFFFFFFFF, v0  }
0x221: {  	v16 =	vadd.s32 v19, v16;
	v19 =	vsel vm0, $0xFFFFFFFF, v0;
	v17 =	vadd.s32 v23, v17  }
0x222: {  	v19 =	vadd.s32 v21, v19;
	v21 =	vmul.f32 $5.000000000e+00, v14;
	v13 =	vor.u32 v16, v17  }
0x223: {  	v23 =	vtrunc.f32 v24;
	vm1 =	vlt.u32 v19, $0x28;
	vm0 =	vlt.u32 v13, $0x400  }
0x224: {  	v25 =	vtrunc.f32 v22;
	v26 =	vcvt.f32.s32 v23;
	vm0 =	vmand vm0, vm1  }
0x225: {  	v14 =	vcvt.f32.s32 v25;
	vm1 =	vlt.f32 v24, v23;
	v13 =	vnsel vm0, $0x0, v16  }
0x226: {  	v24 =	vnsel vm0, $0x0, v17;
	v17 =	vnsel vm0, $0x0, v19;
	v16 =	vcvt.s32.f32 v13;
	v23 =	vld [tilespmem:s10+$0xF180]  }
0x227: {  	vm2 =	vlt.f32 v22, v25;
	v19 =	vcvt.s32.f32 v24;
	v25 =	vcvt.s32.f32 v17  }
0x228: {  	s1 =	smul.u32 $0x180, s9;
	v27 =	vtrunc.f32 v21;
	v22 =	vnsel vm0, $0x0, v18;
	v18 =	vmul.f32 $1.000000010e-01, v16  }
0x229: {  	v16 =	vnsel vm0, $0x0, v20;
	v19 =	vmul.f32 $1.000000010e-01, v19;
	v20 =	vmul.f32 $2.000000030e-01, v25;
	[tilespmem:s10+$0x13000] =	vst v22  }
.Ltmp3:
0x22a: {  	v15 =	vnsel vm0, $0x0, v15;
	v18 =	vadd.f32 $-5.120000080e+01, v18;
	[tilespmem:s10+$0x13080] =	vst v16;
	(pc) =	sbr.rel @p0 .LBB2_8-.Ltmp3, $4  }
0x22b: {  	v25 =	vsel vm1, $0xFFFFFFFF, v0;
	v28 =	vadd.f32 $-5.120000080e+01, v19;
	v23 =	vnsel vm0, $0x0, v23;
	[tilespmem:s10+$0x13100] =	vst v15  }
0x22c: {  	s11 =	sor.u32 s1, s7;
	s6 =	sor.u32 s8, s1;
	v19 =	vsel vm2, $0xFFFFFFFF, v0;
	v20 =	vadd.f32 $-5.000000000e+00, v20;
	v29 =	vadd.f32 $5.000000070e-02, v18;
	[tilespmem:s10+$0x13180] =	vst v23  }
0x22d: {  	vm1 =	vlt.f32 v21, v27;
	v18 =	vcvt.f32.s32 v27;
	v21 =	vadd.f32 $5.000000070e-02, v28;
	[tilespmem:s11+$0x17000] =	vst v17  }
0x22e: {  	v20 =	vadd.f32 $1.000000010e-01, v20;
	v17 =	vadd.s32 v26, v25;
	v22 =	vsub.f32 v22, v29;
	[tilespmem:s11+$0x17080] =	vst v24  }
0x22f: {  	v14 =	vadd.s32 v14, v19;
	[tilespmem:s11+$0x17100] =	vst v13;
	v13 =	vsub.f32 v16, v21  }
0x230: {  	s0 =	sadd.s32 s0, s13;
	v16 =	vsel vm1, $0xFFFFFFFF, v0;
	v5 =	vsub.f32 v5, v11;
	v3 =	vsub.f32 v3, v10;
	[tilespmem:s11+$0x1B000] =	vst v22  }
0x231: {  	v19 =	vor.u32 v17, v14;
	s1 =	sadd.s32 $0x3010, s0;
	v15 =	vsub.f32 v15, v20;
	v16 =	vadd.s32 v18, v16;
	[tilespmem:s11+$0x1B080] =	vst v13  }
0x232: {  	vm1 =	vlt.u32 v19, $0x400;
	v18 =	vor.u32 s1, v1;
	vm2 =	vlt.u32 v16, $0x28;
	[tilespmem:s2+$0x1B000] =	vst v5  }
0x233: {  	[tilespmem:s2+$0x1B080] =	vst v3;
	v13 =	vnsel vm0, $0x0, v18;
	vm0 =	vmand vm1, vm2  }
0x234: {  	s3 =	sadd.s32 $0x20, s3;
	v4 =	vsub.f32 v4, v9;
	[tilespmem:s11+$0x1B100] =	vst v15;
	v11 =	vnsel vm0, $0x0, v17  }
0x235: {  	[tilespmem:s3+$0x0] =	vst v13;
	v13 =	vnsel vm0, $0x0, v14;
	v14 =	vcvt.s32.f32 v11  }
0x236: {  	[tilespmem:s2+$0x1B100] =	vst v4;
	v5 =	vnsel vm0, $0x0, v16;
	v15 =	vcvt.s32.f32 v13  }
0x237: {  	[tilespmem:s4+$0xFFFFFFF0] =	vst v2;
	v6 =	vnsel vm0, $0x0, v6;
	v10 =	vcvt.s32.f32 v5;
	v14 =	vmul.f32 $1.000000010e-01, v14  }
0x238: {  	v7 =	vnsel vm0, $0x0, v7;
	[tilespmem:s31+$0x13000] =	vst v6;
	v15 =	vmul.f32 $1.000000010e-01, v15  }
0x239: {  	v9 =	vnsel vm0, $0x0, v12;
	[tilespmem:s31+$0x13080] =	vst v7;
	v3 =	vmul.f32 $2.000000030e-01, v10;
	v10 =	vadd.f32 $-5.120000080e+01, v14  }
0x23a: {  	v8 =	vnsel vm0, $0x0, v8;
	[tilespmem:s31+$0x13180] =	vst v9;
	v9 =	vadd.f32 $-5.120000080e+01, v15  }
0x23b: {  	[tilespmem:s31+$0x13100] =	vst v8;
	v3 =	vadd.f32 $-5.000000000e+00, v3;
	v4 =	vadd.f32 $5.000000070e-02, v10  }
0x23c: {  	[tilespmem:s6+$0x17000] =	vst v5;
	v5 =	vadd.f32 $5.000000070e-02, v9  }
0x23d: {  	[tilespmem:s6+$0x17080] =	vst v13;
	v3 =	vadd.f32 $1.000000010e-01, v3;
	v4 =	vsub.f32 v6, v4  }
0x23e: {  	[tilespmem:s6+$0x17100] =	vst v11;
	v2 =	vsub.f32 v7, v5  }
0x23f: {  	s0 =	sadd.s32 $0x3000, s0;
	v3 =	vsub.f32 v8, v3;
	[tilespmem:s6+$0x1B000] =	vst v4  }
0x240: {  	v4 =	vor.u32 s0, v1;
	[tilespmem:s6+$0x1B080] =	vst v2  }
0x241: {  	[tilespmem:s6+$0x1B100] =	vst v3;
	v2 =	vnsel vm0, $0x0, v4  }
0x242: {  	[tilespmem:s3+$0xFFFFFFF0] =	vst v2  }
0x243: {  	s1 =	rddreg [dreg:$0x1b]  }
0x244: {  	s4 =	simm.s32 $0x0;
	s5 =	rddreg [dreg:$0x1c]  }
0x245: {  	[hbm4b:s1+s4] =	stream.linear.scatter [tilespmem:s23], [sflag:$0x4], $0x4000, $0x38;
	[tilespmem:$0x1E000] =	vst v63  }
0x246: {  	s6 =	rddreg [dreg:$0xa]  }
0x247: {  	[hbm4b:s5+s17] =	stream.strided.scatter [tilespmem:s24], [sflag:$0x4], $0x3000, s18, s17, $0x38;
	[tilespmem:$0x1E000] =	vst v63  }
0x248: {  	s7 =	rddreg [dreg:$0x1d]  }
0x249: {  	[hbm4b:s6+s4] =	stream.linear.scatter [tilespmem:s25], [sflag:$0x4], $0x1000, $0x38;
	[tilespmem:$0x1E000] =	vst v63  }
0x24a: {  	s8 =	sld [smem:$0x7F1]  }
0x24b: {  	[hbm4b:s7+s17] =	stream.strided.scatter [tilespmem:s26], [sflag:$0x4], $0x3000, s18, s17, $0x38;
	[tilespmem:$0x1E000] =	vst v63  }
0x24c: {  	s9 =	simm.s32 $0xF000  }
0x24d: {  	[tilespmem:s9], [sflag:$0x2] =	stream.linear.gather [hbm4b:s8+s4], $0x4000, $0x38;
	[tilespmem:$0x1E000] =	vst v63  }
0x24e: {  	_ =	swait.ge [sflag:s28], $0x4000  }
0x24f: {  	[sflag:s28] =	ssyncset.done $0x0  }
0x250: {  	[sflag:s28] =	ssyncadd.s32 $0xFFFFC000  }
0x251: {  	_ =	swait.ge [sflag:s28], $0x3000  }
0x252: {  	[sflag:s28] =	ssyncset.done $0x0  }
0x253: {  	[sflag:s28] =	ssyncadd.s32 $0xFFFFD000  }
0x254: {  	_ =	swait.ge [sflag:s28], $0x1000  }
0x255: {  	[sflag:s28] =	ssyncset.done $0x0  }
0x256: {  	[sflag:s28] =	ssyncadd.s32 $0xFFFFF000  }
0x257: {  	_ =	swait.ge [sflag:s28], $0x3000  }
0x258: {  	[sflag:s28] =	ssyncset.done $0x0  }
0x259: {  	[sflag:s28] =	ssyncadd.s32 $0xFFFFD000  }
0x25a: {  	s10 =	simm.s32 $0x10;
	_ =	swait.ge [sflag:s15], $0x4000  }
0x25b: {  	s11 =	simm.s32 $0x0;
	s3 =	sand.u32 $0x70, s10;
	[sflag:s15] =	ssyncset.done $0x0  }
0x25c: {  	s6 =	sor.u32 s11, s3;
	[sflag:s15] =	ssyncadd.s32 $0xFFFFC000  }
0x25d: {  	v2 =	vld [tilespmem:s6+$0x100]  }
0x25e: {  	s12 =	simm.s32 $0x30;
	s2 =	sand.u32 $0x60, s4;
	v3 =	vld [tilespmem:s6+$0x0]  }
0x25f: {  	s5 =	sand.u32 $0x70, s12;
	s4 =	sor.u32 s2, s11;
	s9 =	simm.s32 $0x0;
	v4 =	vld [tilespmem:s6+$0x80]  }
0x260: {  	s8 =	sor.u32 s9, s5;
	v5 =	vld [tilespmem:s4+$0x0]  }
0x261: {  	v22 =	vld [tilespmem:s8+$0x0]  }
0x262: {  	v26 =	vld [tilespmem:s8+$0x100];
	_ =	sdelay $0x1  }
0x263: {  	v6 =	vadd.f32 $5.000000000e+00, v2  }
0x264: {  	v8 =	vadd.f32 $5.120000080e+01, v3;
	v9 =	vadd.f32 $5.120000080e+01, v4  }
0x265: {  	v7 =	vld [tilespmem:s4+$0x80];
	v10 =	vadd.f32 $5.120000080e+01, v5;
	v29 =	vadd.f32 $5.120000080e+01, v22  }
0x266: {  	v30 =	vadd.f32 $5.000000000e+00, v26;
	v6 =	vmul.f32 $5.000000000e+00, v6;
	v8 =	vmul.f32 $1.000000000e+01, v8  }
0x267: {  	v9 =	vmul.f32 $1.000000000e+01, v9;
	v10 =	vmul.f32 $1.000000000e+01, v10  }
0x268: {  	v12 =	vld [tilespmem:s4+$0x100];
	v29 =	vmul.f32 $1.000000000e+01, v29;
	v30 =	vmul.f32 $5.000000000e+00, v30  }
0x269: {  	v11 =	vtrunc.f32 v6;
	v13 =	vtrunc.f32 v8  }
0x26a: {  	v15 =	vadd.f32 $5.120000080e+01, v7;
	v14 =	vtrunc.f32 v9;
	v16 =	vcvt.f32.s32 v13  }
0x26b: {  	v17 =	vcvt.f32.s32 v11;
	v18 =	vcvt.f32.s32 v14;
	vm0 =	vlt.f32 v8, v13  }
0x26c: {  	vm1 =	vlt.f32 v9, v14;
	v14 =	vmul.f32 $1.000000000e+01, v15;
	v8 =	vsel vm0, $0xFFFFFFFF, v0  }
0x26d: {  	v9 =	vsel vm1, $0xFFFFFFFF, v0;
	vm0 =	vlt.f32 v6, v11;
	v11 =	vadd.f32 $5.000000000e+00, v12  }
0x26e: {  	v6 =	vadd.s32 v16, v8;
	v8 =	vadd.s32 v18, v9;
	v9 =	vsel vm0, $0xFFFFFFFF, v0  }
0x26f: {  	v15 =	vtrunc.f32 v14;
	v9 =	vadd.s32 v17, v9;
	v13 =	vor.u32 v6, v8  }
0x270: {  	v11 =	vmul.f32 $5.000000000e+00, v11;
	vm2 =	vlt.f32 v14, v15;
	vm0 =	vlt.u32 v13, $0x400  }
0x271: {  	vm1 =	vlt.u32 v9, $0x28;
	v13 =	vtrunc.f32 v10;
	v20 =	vsel vm2, $0xFFFFFFFF, v0  }
0x272: {  	vm0 =	vmand vm0, vm1;
	v16 =	vcvt.f32.s32 v13;
	vm1 =	vlt.f32 v10, v13  }
0x273: {  	v10 =	vld [tilespmem:s6+$0x180];
	v17 =	vnsel vm0, $0x0, v6;
	v6 =	vcvt.f32.s32 v15;
	v18 =	vnsel vm0, $0x0, v8  }
0x274: {  	v9 =	vnsel vm0, $0x0, v9;
	v3 =	vnsel vm0, $0x0, v3;
	v13 =	vcvt.s32.f32 v17  }
0x275: {  	v15 =	vtrunc.f32 v11;
	v19 =	vnsel vm0, $0x0, v4;
	v8 =	vcvt.s32.f32 v18  }
0x276: {  	v2 =	vnsel vm0, $0x0, v2;
	v14 =	vcvt.s32.f32 v9;
	v13 =	vmul.f32 $1.000000010e-01, v13  }
0x277: {  	v21 =	vcvt.f32.s32 v15;
	v6 =	vadd.s32 v6, v20;
	v4 =	vmul.f32 $1.000000010e-01, v8  }
0x278: {  	v10 =	vnsel vm0, $0x0, v10;
	v8 =	vadd.f32 $-5.120000080e+01, v13;
	v13 =	vmul.f32 $2.000000030e-01, v14  }
0x279: {  	v25 =	vld [tilespmem:s8+$0x80];
	v14 =	vsel vm1, $0xFFFFFFFF, v0;
	v4 =	vadd.f32 $-5.120000080e+01, v4;
	vm1 =	vlt.f32 v11, v15  }
0x27a: {  	v11 =	vadd.s32 v16, v14;
	v14 =	vsel vm1, $0xFFFFFFFF, v0;
	v13 =	vadd.f32 $-5.000000000e+00, v13  }
0x27b: {  	v8 =	vadd.f32 $5.000000070e-02, v8;
	v4 =	vadd.f32 $5.000000070e-02, v4;
	v15 =	vor.u32 v11, v6  }
0x27c: {  	s14 =	sadd.s32 $0x0, s13;
	v14 =	vadd.s32 v21, v14;
	vm1 =	vlt.u32 v15, $0x400;
	v13 =	vadd.f32 $1.000000010e-01, v13  }
0x27d: {  	s7 =	sadd.s32 $0x4010, s14;
	vm2 =	vlt.u32 v14, $0x28;
	v16 =	vsub.f32 v3, v8;
	v20 =	vsub.f32 v19, v4  }
0x27e: {  	s11 =	simm.s32 $0x0;
	[tilespmem:s6+$0x4080] =	vst v19;
	vm1 =	vmand vm1, vm2;
	v4 =	vor.u32 s7, v1;
	v19 =	vadd.f32 $5.120000080e+01, v25  }
0x27f: {  	s0 =	simm.s32 $0x20;
	s1 =	sadd.s32 $0x4000, s14;
	s12 =	smul.u32 $0x180, s11;
	[tilespmem:s6+$0x4000] =	vst v3;
	v21 =	vnsel vm1, $0x0, v11;
	v23 =	vnsel vm0, $0x0, v4;
	v24 =	vnsel vm1, $0x0, v6  }
0x280: {  	s10 =	sand.u32 $0x60, s0;
	[tilespmem:s6+$0x4100] =	vst v2;
	v27 =	vnsel vm1, $0x0, v14;
	v11 =	vor.u32 s1, v1;
	v6 =	vnsel vm1, $0x0, v5  }
0x281: {  	s31 =	sor.u32 s10, s9;
	[tilespmem:s6+$0x4180] =	vst v10;
	v15 =	vld [tilespmem:s4+$0x180];
	v3 =	vnsel vm1, $0x0, v12;
	s1 =	sor.u32 s12, s3;
	v4 =	vcvt.s32.f32 v21;
	v8 =	vcvt.s32.f32 v24  }
0x282: {  	v5 =	vld [tilespmem:s31+$0x0];
	v13 =	vsub.f32 v2, v13;
	v14 =	vcvt.s32.f32 v27;
	v19 =	vmul.f32 $1.000000000e+01, v19;
	[tilespmem:s1+$0x8000] =	vst v9  }
0x283: {  	v2 =	vnsel vm1, $0x0, v11;
	v9 =	vtrunc.f32 v29;
	[tilespmem:s1+$0xC000] =	vst v16;
	v16 =	vtrunc.f32 v30  }
0x284: {  	[tilespmem:s1+$0xC080] =	vst v20;
	vm0 =	vlt.f32 v29, v9;
	v20 =	vcvt.f32.s32 v16;
	v28 =	vmul.f32 $1.000000010e-01, v4  }
0x285: {  	v4 =	vnsel vm1, $0x0, v7;
	v12 =	vmul.f32 $1.000000010e-01, v8;
	v7 =	vld [tilespmem:s31+$0x80];
	v14 =	vmul.f32 $2.000000030e-01, v14  }
0x286: {  	v8 =	vld [tilespmem:s31+$0x100];
	v15 =	vnsel vm1, $0x0, v15;
	v57 =	vtrunc.f32 v19;
	[tilespmem:s1+$0xC100] =	vst v13;
	v13 =	vsel vm0, $0xFFFFFFFF, v0  }
0x287: {  	vm0 =	vlt.f32 v30, v16;
	v12 =	vadd.f32 $-5.120000080e+01, v12;
	v10 =	vadd.f32 $5.120000080e+01, v5  }
0x288: {  	vm1 =	vlt.f32 v19, v57;
	v28 =	vadd.f32 $-5.120000080e+01, v28;
	v14 =	vadd.f32 $-5.000000000e+00, v14  }
0x289: {  	[tilespmem:s1+$0x8100] =	vst v17;
	v17 =	vmul.f32 $1.000000000e+01, v10;
	v10 =	vadd.f32 $5.000000070e-02, v12;
	v12 =	vcvt.f32.s32 v9  }
0x28a: {  	[tilespmem:s1+$0x8080] =	vst v18;
	v9 =	vadd.f32 $1.000000010e-01, v14;
	v14 =	vcvt.f32.s32 v57;
	v18 =	vadd.f32 $5.120000080e+01, v7  }
0x28b: {  	v16 =	vsel vm1, $0xFFFFFFFF, v0;
	v19 =	vadd.f32 $5.000000000e+00, v8;
	v12 =	vadd.s32 v12, v13  }
0x28c: {  	s3 =	simm.s32 $0xB010;
	[tilespmem:s4+$0x4000] =	vst v6;
	v16 =	vadd.s32 v14, v16;
	v13 =	vsel vm0, $0xFFFFFFFF, v0;
	v18 =	vmul.f32 $1.000000000e+01, v18  }
0x28d: {  	[tilespmem:s3+$0x0] =	vst v23;
	v20 =	vadd.s32 v20, v13;
	v13 =	vor.u32 v12, v16;
	v23 =	vmul.f32 $5.000000000e+00, v19  }
0x28e: {  	[tilespmem:s4+$0x4100] =	vst v3;
	v19 =	vtrunc.f32 v17;
	vm0 =	vlt.u32 v13, $0x400;
	vm1 =	vlt.u32 v20, $0x28  }
0x28f: {  	[tilespmem:s4+$0x4080] =	vst v4;
	v11 =	vadd.f32 $5.000000070e-02, v28;
	v59 =	vcvt.f32.s32 v19;
	vm0 =	vmand vm0, vm1  }
0x290: {  	s2 =	sor.u32 s2, s12;
	[tilespmem:s4+$0x4180] =	vst v15;
	v58 =	vtrunc.f32 v18;
	vm1 =	vlt.f32 v17, v19;
	v13 =	vnsel vm0, $0x0, v12  }
0x291: {  	[tilespmem:s2+$0x8100] =	vst v21;
	v21 =	vtrunc.f32 v23;
	v12 =	vld [tilespmem:s8+$0x180];
	v60 =	vnsel vm0, $0x0, v16;
	v15 =	vcvt.s32.f32 v13  }
0x292: {  	[tilespmem:s2+$0x8000] =	vst v27;
	vm2 =	vlt.f32 v18, v58;
	v17 =	vnsel vm0, $0x0, v20;
	v18 =	vcvt.s32.f32 v60  }
0x293: {  	[tilespmem:s2+$0x8080] =	vst v24;
	v22 =	vnsel vm0, $0x0, v22;
	v20 =	vcvt.s32.f32 v17;
	v19 =	vmul.f32 $1.000000010e-01, v15  }
0x294: {  	s14 =	simm.s32 $0x0;
	v14 =	vcvt.f32.s32 v58;
	v16 =	vnsel vm0, $0x0, v25;
	[tilespmem:s8+$0x4000] =	vst v22;
	v18 =	vmul.f32 $1.000000010e-01, v18  }
0x295: {  	s1 =	smul.u32 $0x180, s14;
	[tilespmem:s8+$0x4080] =	vst v16;
	v15 =	vnsel vm0, $0x0, v26;
	v20 =	vmul.f32 $2.000000030e-01, v20;
	v61 =	vadd.f32 $-5.120000080e+01, v19  }
0x296: {  	v62 =	vsel vm1, $0xFFFFFFFF, v0;
	[tilespmem:s8+$0x4100] =	vst v15;
	v12 =	vnsel vm0, $0x0, v12;
	v63 =	vadd.f32 $-5.120000080e+01, v18  }
0x297: {  	s11 =	sor.u32 s1, s5;
	vm1 =	vlt.f32 v23, v21;
	v20 =	vadd.f32 $-5.000000000e+00, v20;
	[tilespmem:s8+$0x4180] =	vst v12;
	v24 =	vadd.f32 $5.000000070e-02, v61  }
0x298: {  	v19 =	vsel vm2, $0xFFFFFFFF, v0;
	v18 =	vcvt.f32.s32 v21;
	v21 =	vadd.f32 $5.000000070e-02, v63;
	[tilespmem:s11+$0x8000] =	vst v17  }
0x299: {  	s4 =	simm.s32 $0xB010;
	s5 =	simm.s32 $0x2;
	s6 =	sor.u32 s10, s1;
	v12 =	vld [tilespmem:s31+$0x180];
	v17 =	vadd.s32 v59, v62;
	v20 =	vadd.f32 $1.000000010e-01, v20;
	[tilespmem:s11+$0x8080] =	vst v60;
	v22 =	vsub.f32 v22, v24  }
.LBB2_10:
0x29a: {  	v14 =	vadd.s32 v14, v19;
	v19 =	vsel vm1, $0xFFFFFFFF, v0  }
0x29b: {  	s5 =	sadd.s32 $0x2, s5;
	s1 =	sadd.s32 s0, s13;
	[tilespmem:s11+$0x8100] =	vst v13;
	v13 =	vsub.f32 v16, v21;
	s0 =	sadd.s32 $0x20, s0;
	v16 =	vadd.s32 v18, v19;
	v18 =	vor.u32 v17, v14  }
0x29c: {  	s9 =	sshrl.u32 s5, $0x3;
	s7 =	sadd.s32 $0x10, s0;
	s10 =	sadd.s32 $0x4010, s1;
	[tilespmem:s11+$0xC000] =	vst v22;
	v15 =	vsub.f32 v15, v20;
	vm1 =	vlt.u32 v18, $0x400;
	vm2 =	vlt.u32 v16, $0x28  }
0x29d: {  	s8 =	sand.u32 $0x60, s0;
	s12 =	sshll.u32 s9, $0x9;
	s7 =	sand.u32 $0x70, s7;
	v18 =	vor.u32 s10, v1;
	[tilespmem:s11+$0xC080] =	vst v13;
	vm1 =	vmand vm1, vm2  }
0x29e: {  	v11 =	vsub.f32 v6, v11;
	s3 =	sadd.s32 $0x20, s3;
	s14 =	sor.u32 s8, s12;
	s10 =	sor.u32 s12, s7;
	v13 =	vnsel vm0, $0x0, v18;
	[tilespmem:s11+$0xC100] =	vst v15;
	v17 =	vnsel vm1, $0x0, v17  }
0x29f: {  	s1 =	sadd.s32 $0x4000, s1;
	v15 =	vld [tilespmem:s10+$0x100];
	v14 =	vnsel vm1, $0x0, v14;
	v16 =	vnsel vm1, $0x0, v16;
	[tilespmem:s3+$0x0] =	vst v13;
	v13 =	vcvt.s32.f32 v17  }
0x2a0: {  	v6 =	vnsel vm1, $0x0, v5;
	v7 =	vnsel vm1, $0x0, v7;
	v18 =	vld [tilespmem:s10+$0x0];
	v19 =	vcvt.s32.f32 v14;
	[tilespmem:s2+$0xC000] =	vst v11  }
0x2a1: {  	p0 =	slt.u32 s5, $0xFE;
	v8 =	vnsel vm1, $0x0, v8;
	v11 =	vcvt.s32.f32 v16;
	v20 =	vld [tilespmem:s10+$0x80];
	[tilespmem:s31+$0x4000] =	vst v6;
	v13 =	vmul.f32 $1.000000010e-01, v13  }
0x2a2: {  	v10 =	vsub.f32 v4, v10;
	v9 =	vsub.f32 v3, v9;
	v4 =	vmovc v7;
	v5 =	vld [tilespmem:s14+$0x0];
	v19 =	vmul.f32 $1.000000010e-01, v19;
	[tilespmem:s31+$0x4080] =	vst v7  }
0x2a3: {  	v21 =	vor.u32 s1, v1;
	v3 =	vmovc v8;
	v11 =	vmul.f32 $2.000000030e-01, v11;
	v7 =	vld [tilespmem:s14+$0x80];
	[tilespmem:s31+$0x4100] =	vst v8;
	v13 =	vadd.f32 $-5.120000080e+01, v13  }
0x2a4: {  	v22 =	vnsel vm1, $0x0, v12;
	v8 =	vld [tilespmem:s14+$0x100];
	v19 =	vadd.f32 $-5.120000080e+01, v19;
	[tilespmem:s2+$0xC080] =	vst v10;
	v10 =	vadd.f32 $5.000000000e+00, v15  }
0x2a5: {  	v21 =	vnsel vm1, $0x0, v21;
	v23 =	vadd.f32 $-5.000000000e+00, v11;
	v12 =	vld [tilespmem:s14+$0x180];
	[tilespmem:s31+$0x4180] =	vst v22;
	s31 =	smov.u32 s14;
	v22 =	vadd.f32 $5.120000080e+01, v18  }
0x2a6: {  	v24 =	vadd.f32 $5.120000080e+01, v20;
	[tilespmem:s2+$0xC100] =	vst v9;
	s2 =	smov.u32 s6;
	v11 =	vadd.f32 $5.000000070e-02, v13  }
0x2a7: {  	v25 =	vmul.f32 $5.000000000e+00, v10;
	v10 =	vadd.f32 $5.000000070e-02, v19;
	v9 =	vadd.f32 $5.120000080e+01, v5;
	[tilespmem:s2+$0x8000] =	vst v16  }
0x2a8: {  	v16 =	vmul.f32 $1.000000000e+01, v22;
	v13 =	vadd.f32 $5.120000080e+01, v7;
	v22 =	vmul.f32 $1.000000000e+01, v24;
	[tilespmem:s2+$0x8080] =	vst v14  }
0x2a9: {  	v26 =	vtrunc.f32 v25;
	v24 =	vmul.f32 $1.000000000e+01, v9;
	v14 =	vadd.f32 $5.000000000e+00, v8;
	[tilespmem:s2+$0x8100] =	vst v17  }
0x2aa: {  	v17 =	vtrunc.f32 v16;
	v9 =	vadd.f32 $1.000000010e-01, v23;
	v27 =	vtrunc.f32 v22;
	[tilespmem:s4+$0xFFFFFFF0] =	vst v2;
	v2 =	vmovc v21;
	s4 =	smov.u32 s3  }
0x2ab: {  	v19 =	vcvt.f32.s32 v17;
	v21 =	vcvt.f32.s32 v26;
	vm0 =	vlt.f32 v16, v17  }
0x2ac: {  	v23 =	vcvt.f32.s32 v27;
	vm1 =	vlt.f32 v22, v27;
	v16 =	vsel vm0, $0xFFFFFFFF, v0  }
0x2ad: {  	vm0 =	vlt.f32 v25, v26;
	v22 =	vmul.f32 $1.000000000e+01, v13;
	v17 =	vsel vm1, $0xFFFFFFFF, v0  }
0x2ae: {  	v16 =	vadd.s32 v19, v16;
	v19 =	vsel vm0, $0xFFFFFFFF, v0;
	v17 =	vadd.s32 v23, v17  }
0x2af: {  	v19 =	vadd.s32 v21, v19;
	v21 =	vmul.f32 $5.000000000e+00, v14;
	v13 =	vor.u32 v16, v17  }
0x2b0: {  	v23 =	vtrunc.f32 v24;
	vm1 =	vlt.u32 v19, $0x28;
	vm0 =	vlt.u32 v13, $0x400  }
0x2b1: {  	v25 =	vtrunc.f32 v22;
	v26 =	vcvt.f32.s32 v23;
	vm0 =	vmand vm0, vm1  }
0x2b2: {  	v14 =	vcvt.f32.s32 v25;
	vm1 =	vlt.f32 v24, v23;
	v13 =	vnsel vm0, $0x0, v16  }
0x2b3: {  	v24 =	vnsel vm0, $0x0, v17;
	v17 =	vnsel vm0, $0x0, v19;
	v16 =	vcvt.s32.f32 v13;
	v23 =	vld [tilespmem:s10+$0x180]  }
0x2b4: {  	vm2 =	vlt.f32 v22, v25;
	v19 =	vcvt.s32.f32 v24;
	v25 =	vcvt.s32.f32 v17  }
0x2b5: {  	s1 =	smul.u32 $0x180, s9;
	v27 =	vtrunc.f32 v21;
	v22 =	vnsel vm0, $0x0, v18;
	v18 =	vmul.f32 $1.000000010e-01, v16  }
0x2b6: {  	v16 =	vnsel vm0, $0x0, v20;
	v19 =	vmul.f32 $1.000000010e-01, v19;
	v20 =	vmul.f32 $2.000000030e-01, v25;
	[tilespmem:s10+$0x4000] =	vst v22  }
.Ltmp4:
0x2b7: {  	v15 =	vnsel vm0, $0x0, v15;
	v18 =	vadd.f32 $-5.120000080e+01, v18;
	[tilespmem:s10+$0x4080] =	vst v16;
	(pc) =	sbr.rel @p0 .LBB2_10-.Ltmp4, $4  }
0x2b8: {  	v25 =	vsel vm1, $0xFFFFFFFF, v0;
	v28 =	vadd.f32 $-5.120000080e+01, v19;
	v23 =	vnsel vm0, $0x0, v23;
	[tilespmem:s10+$0x4100] =	vst v15  }
0x2b9: {  	s11 =	sor.u32 s1, s7;
	s6 =	sor.u32 s8, s1;
	v19 =	vsel vm2, $0xFFFFFFFF, v0;
	v20 =	vadd.f32 $-5.000000000e+00, v20;
	v29 =	vadd.f32 $5.000000070e-02, v18;
	[tilespmem:s10+$0x4180] =	vst v23  }
0x2ba: {  	vm1 =	vlt.f32 v21, v27;
	v18 =	vcvt.f32.s32 v27;
	v21 =	vadd.f32 $5.000000070e-02, v28;
	[tilespmem:s11+$0x8000] =	vst v17  }
0x2bb: {  	v20 =	vadd.f32 $1.000000010e-01, v20;
	v17 =	vadd.s32 v26, v25;
	v22 =	vsub.f32 v22, v29;
	[tilespmem:s11+$0x8080] =	vst v24  }
0x2bc: {  	v14 =	vadd.s32 v14, v19;
	[tilespmem:s11+$0x8100] =	vst v13;
	v13 =	vsub.f32 v16, v21  }
0x2bd: {  	s0 =	sadd.s32 s0, s13;
	v16 =	vsel vm1, $0xFFFFFFFF, v0;
	v6 =	vsub.f32 v6, v11;
	v4 =	vsub.f32 v4, v10;
	[tilespmem:s11+$0xC000] =	vst v22  }
0x2be: {  	v19 =	vor.u32 v17, v14;
	s1 =	sadd.s32 $0x4010, s0;
	v15 =	vsub.f32 v15, v20;
	v16 =	vadd.s32 v18, v16;
	[tilespmem:s11+$0xC080] =	vst v13  }
0x2bf: {  	vm1 =	vlt.u32 v19, $0x400;
	v18 =	vor.u32 s1, v1;
	vm2 =	vlt.u32 v16, $0x28;
	[tilespmem:s2+$0xC000] =	vst v6  }
0x2c0: {  	[tilespmem:s2+$0xC080] =	vst v4;
	v13 =	vnsel vm0, $0x0, v18;
	vm0 =	vmand vm1, vm2  }
0x2c1: {  	s3 =	sadd.s32 $0x20, s3;
	v3 =	vsub.f32 v3, v9;
	[tilespmem:s11+$0xC100] =	vst v15;
	v11 =	vnsel vm0, $0x0, v17  }
0x2c2: {  	[tilespmem:s3+$0x0] =	vst v13;
	v13 =	vnsel vm0, $0x0, v14;
	v14 =	vcvt.s32.f32 v11  }
0x2c3: {  	[tilespmem:s2+$0xC100] =	vst v3;
	v6 =	vnsel vm0, $0x0, v16;
	v15 =	vcvt.s32.f32 v13  }
0x2c4: {  	[tilespmem:s4+$0xFFFFFFF0] =	vst v2;
	v5 =	vnsel vm0, $0x0, v5;
	v10 =	vcvt.s32.f32 v6;
	v14 =	vmul.f32 $1.000000010e-01, v14  }
0x2c5: {  	v7 =	vnsel vm0, $0x0, v7;
	[tilespmem:s31+$0x4000] =	vst v5;
	v15 =	vmul.f32 $1.000000010e-01, v15  }
0x2c6: {  	v9 =	vnsel vm0, $0x0, v12;
	[tilespmem:s31+$0x4080] =	vst v7;
	v4 =	vmul.f32 $2.000000030e-01, v10;
	v10 =	vadd.f32 $-5.120000080e+01, v14  }
0x2c7: {  	v8 =	vnsel vm0, $0x0, v8;
	[tilespmem:s31+$0x4180] =	vst v9;
	v9 =	vadd.f32 $-5.120000080e+01, v15  }
0x2c8: {  	[tilespmem:s31+$0x4100] =	vst v8;
	v3 =	vadd.f32 $-5.000000000e+00, v4;
	v4 =	vadd.f32 $5.000000070e-02, v10  }
0x2c9: {  	[tilespmem:s6+$0x8000] =	vst v6;
	v6 =	vadd.f32 $5.000000070e-02, v9  }
0x2ca: {  	[tilespmem:s6+$0x8080] =	vst v13;
	v3 =	vadd.f32 $1.000000010e-01, v3;
	v4 =	vsub.f32 v5, v4  }
0x2cb: {  	[tilespmem:s6+$0x8100] =	vst v11;
	v2 =	vsub.f32 v7, v6  }
0x2cc: {  	s0 =	sadd.s32 $0x4000, s0;
	v3 =	vsub.f32 v8, v3;
	[tilespmem:s6+$0xC000] =	vst v4  }
0x2cd: {  	v4 =	vor.u32 s0, v1;
	[tilespmem:s6+$0xC080] =	vst v2  }
0x2ce: {  	[tilespmem:s6+$0xC100] =	vst v3;
	v2 =	vnsel vm0, $0x0, v4  }
0x2cf: {  	[tilespmem:s3+$0xFFFFFFF0] =	vst v2  }
0x2d0: {  	s1 =	rddreg [dreg:$0x1f]  }
0x2d1: {  	s5 =	simm.s32 $0x0;
	s6 =	sld [smem:$0x7EF]  }
0x2d2: {  	[hbm4b:s1+s5] =	stream.linear.scatter [tilespmem:s16], [sflag:$0x3], $0x4000, $0x38;
	[tilespmem:$0x1E000] =	vst v63  }
0x2d3: {  	s7 =	rddreg [dreg:$0xb]  }
0x2d4: {  	[hbm4b:s6+s17] =	stream.strided.scatter [tilespmem:s19], [sflag:$0x3], $0x3000, s18, s17, $0x38;
	[tilespmem:$0x1E000] =	vst v63  }
0x2d5: {  	s8 =	sld [smem:$0x7F0]  }
0x2d6: {  	[hbm4b:s7+s5] =	stream.linear.scatter [tilespmem:s20], [sflag:$0x3], $0x1000, $0x38;
	[tilespmem:$0x1E000] =	vst v63  }
0x2d7: {  	s9 =	sld [smem:$0x7F5]  }
0x2d8: {  	[hbm4b:s8+s17] =	stream.strided.scatter [tilespmem:s21], [sflag:$0x3], $0x3000, s18, s17, $0x38;
	[tilespmem:$0x1E000] =	vst v63  }
0x2d9: {  	_ = 	snop  }
0x2da: {  	[tilespmem:s5], [sflag:$0x1] =	stream.linear.gather [hbm4b:s9+s5], $0x4000, $0x38;
	[tilespmem:$0x1E000] =	vst v63  }
0x2db: {  	_ =	swait.ge [sflag:s29], $0x4000  }
0x2dc: {  	[sflag:s29] =	ssyncset.done $0x0  }
0x2dd: {  	[sflag:s29] =	ssyncadd.s32 $0xFFFFC000  }
0x2de: {  	_ =	swait.ge [sflag:s29], $0x3000  }
0x2df: {  	[sflag:s29] =	ssyncset.done $0x0  }
0x2e0: {  	[sflag:s29] =	ssyncadd.s32 $0xFFFFD000  }
0x2e1: {  	_ =	swait.ge [sflag:s29], $0x1000  }
0x2e2: {  	[sflag:s29] =	ssyncset.done $0x0  }
0x2e3: {  	[sflag:s29] =	ssyncadd.s32 $0xFFFFF000  }
0x2e4: {  	_ =	swait.ge [sflag:s29], $0x3000  }
0x2e5: {  	[sflag:s29] =	ssyncset.done $0x0  }
0x2e6: {  	[sflag:s29] =	ssyncadd.s32 $0xFFFFD000  }
0x2e7: {  	s10 =	simm.s32 $0x10;
	_ =	swait.ge [sflag:s22], $0x4000  }
0x2e8: {  	s11 =	simm.s32 $0x0;
	s3 =	sand.u32 $0x70, s10;
	[sflag:s22] =	ssyncset.done $0x0  }
0x2e9: {  	s6 =	sor.u32 s11, s3;
	[sflag:s22] =	ssyncadd.s32 $0xFFFFC000  }
0x2ea: {  	v2 =	vld [tilespmem:s6+$0xF100]  }
0x2eb: {  	s12 =	simm.s32 $0x30;
	s2 =	sand.u32 $0x60, s5;
	v3 =	vld [tilespmem:s6+$0xF000]  }
0x2ec: {  	s4 =	sor.u32 s2, s11;
	s9 =	simm.s32 $0x0;
	s5 =	sand.u32 $0x70, s12;
	v4 =	vld [tilespmem:s6+$0xF080]  }
0x2ed: {  	s8 =	sor.u32 s9, s5;
	v5 =	vld [tilespmem:s4+$0xF000]  }
0x2ee: {  	v27 =	vld [tilespmem:s8+$0xF100];
	_ =	sdelay $0x2  }
0x2ef: {  	v7 =	vld [tilespmem:s4+$0xF080];
	v6 =	vadd.f32 $5.000000000e+00, v2;
	v8 =	vadd.f32 $5.120000080e+01, v3  }
0x2f0: {  	v23 =	vld [tilespmem:s8+$0xF000];
	v9 =	vadd.f32 $5.120000080e+01, v4;
	v10 =	vadd.f32 $5.120000080e+01, v5  }
0x2f1: {  	v30 =	vadd.f32 $5.000000000e+00, v27;
	v6 =	vmul.f32 $5.000000000e+00, v6;
	v8 =	vmul.f32 $1.000000000e+01, v8  }
0x2f2: {  	v9 =	vmul.f32 $1.000000000e+01, v9;
	v10 =	vmul.f32 $1.000000000e+01, v10  }
0x2f3: {  	v12 =	vld [tilespmem:s4+$0xF100];
	v30 =	vmul.f32 $5.000000000e+00, v30;
	v11 =	vtrunc.f32 v6  }
0x2f4: {  	v15 =	vadd.f32 $5.120000080e+01, v7;
	v13 =	vtrunc.f32 v8;
	v14 =	vtrunc.f32 v9  }
0x2f5: {  	v29 =	vadd.f32 $5.120000080e+01, v23;
	v16 =	vcvt.f32.s32 v13;
	v17 =	vcvt.f32.s32 v11  }
0x2f6: {  	v18 =	vcvt.f32.s32 v14;
	vm0 =	vlt.f32 v8, v13;
	vm1 =	vlt.f32 v9, v14  }
0x2f7: {  	v14 =	vmul.f32 $1.000000000e+01, v15;
	v8 =	vsel vm0, $0xFFFFFFFF, v0;
	v9 =	vsel vm1, $0xFFFFFFFF, v0  }
0x2f8: {  	vm0 =	vlt.f32 v6, v11;
	v11 =	vadd.f32 $5.000000000e+00, v12;
	v6 =	vadd.s32 v16, v8  }
0x2f9: {  	v8 =	vadd.s32 v18, v9;
	v9 =	vsel vm0, $0xFFFFFFFF, v0;
	v15 =	vtrunc.f32 v14  }
0x2fa: {  	v9 =	vadd.s32 v17, v9;
	v13 =	vor.u32 v6, v8;
	v11 =	vmul.f32 $5.000000000e+00, v11  }
0x2fb: {  	vm2 =	vlt.f32 v14, v15;
	vm0 =	vlt.u32 v13, $0x400;
	vm1 =	vlt.u32 v9, $0x28  }
0x2fc: {  	v13 =	vtrunc.f32 v10;
	v20 =	vsel vm2, $0xFFFFFFFF, v0;
	vm0 =	vmand vm0, vm1  }
0x2fd: {  	v16 =	vcvt.f32.s32 v13;
	vm1 =	vlt.f32 v10, v13;
	v10 =	vld [tilespmem:s6+$0xF180];
	v17 =	vnsel vm0, $0x0, v6  }
0x2fe: {  	v6 =	vcvt.f32.s32 v15;
	v18 =	vnsel vm0, $0x0, v8;
	v9 =	vnsel vm0, $0x0, v9  }
0x2ff: {  	v14 =	vnsel vm0, $0x0, v3;
	v15 =	vtrunc.f32 v11;
	v13 =	vcvt.s32.f32 v17  }
0x300: {  	v19 =	vnsel vm0, $0x0, v4;
	v8 =	vcvt.s32.f32 v18;
	v21 =	vcvt.f32.s32 v15  }
0x301: {  	v2 =	vnsel vm0, $0x0, v2;
	v3 =	vmul.f32 $1.000000010e-01, v13;
	v13 =	vcvt.s32.f32 v9  }
0x302: {  	v6 =	vadd.s32 v6, v20;
	v4 =	vmul.f32 $1.000000010e-01, v8;
	v10 =	vnsel vm0, $0x0, v10  }
0x303: {  	v3 =	vadd.f32 $-5.120000080e+01, v3;
	v8 =	vmul.f32 $2.000000030e-01, v13;
	v13 =	vsel vm1, $0xFFFFFFFF, v0  }
0x304: {  	v26 =	vld [tilespmem:s8+$0xF080];
	v4 =	vadd.f32 $-5.120000080e+01, v4;
	vm1 =	vlt.f32 v11, v15;
	v11 =	vadd.s32 v16, v13  }
0x305: {  	v13 =	vsel vm1, $0xFFFFFFFF, v0;
	v3 =	vadd.f32 $5.000000070e-02, v3;
	v8 =	vadd.f32 $-5.000000000e+00, v8  }
0x306: {  	v4 =	vadd.f32 $5.000000070e-02, v4;
	v13 =	vadd.s32 v21, v13;
	v15 =	vor.u32 v11, v6  }
0x307: {  	s14 =	sadd.s32 $0x0, s13;
	vm1 =	vlt.u32 v15, $0x400;
	vm2 =	vlt.u32 v13, $0x28;
	v8 =	vadd.f32 $1.000000010e-01, v8  }
0x308: {  	s1 =	sadd.s32 $0x5000, s14;
	s7 =	sadd.s32 $0x5010, s14;
	[tilespmem:s6+$0x13000] =	vst v14;
	v16 =	vsub.f32 v14, v3;
	v20 =	vsub.f32 v19, v4;
	vm1 =	vmand vm1, vm2  }
0x309: {  	s0 =	simm.s32 $0x20;
	[tilespmem:s6+$0x13080] =	vst v19;
	v3 =	vor.u32 s7, v1;
	v14 =	vor.u32 s1, v1;
	v19 =	vadd.f32 $5.120000080e+01, v26  }
0x30a: {  	s10 =	sand.u32 $0x60, s0;
	s11 =	simm.s32 $0x0;
	v22 =	vnsel vm1, $0x0, v11;
	v24 =	vnsel vm0, $0x0, v3;
	v25 =	vnsel vm1, $0x0, v6  }
0x30b: {  	s31 =	sor.u32 s10, s9;
	s9 =	smul.u32 $0x180, s11;
	v15 =	vld [tilespmem:s4+$0xF180];
	v28 =	vnsel vm1, $0x0, v13;
	v5 =	vnsel vm1, $0x0, v5;
	v4 =	vcvt.s32.f32 v22  }
0x30c: {  	[tilespmem:s6+$0x13100] =	vst v2;
	v21 =	vsub.f32 v2, v8;
	v8 =	vcvt.s32.f32 v25;
	v11 =	vcvt.s32.f32 v28  }
0x30d: {  	s12 =	sor.u32 s9, s3;
	[tilespmem:s6+$0x13180] =	vst v10;
	v6 =	vld [tilespmem:s31+$0xF000];
	v2 =	vnsel vm1, $0x0, v14;
	v14 =	vmul.f32 $1.000000000e+01, v29;
	v19 =	vmul.f32 $1.000000000e+01, v19  }
0x30e: {  	v3 =	vnsel vm1, $0x0, v7;
	[tilespmem:s12+$0x1B000] =	vst v16;
	v16 =	vtrunc.f32 v30;
	v13 =	vmul.f32 $1.000000010e-01, v4  }
0x30f: {  	[tilespmem:s12+$0x17000] =	vst v9;
	v4 =	vnsel vm1, $0x0, v12;
	v12 =	vmul.f32 $1.000000010e-01, v8;
	v9 =	vtrunc.f32 v14  }
0x310: {  	v11 =	vmul.f32 $2.000000030e-01, v11;
	v15 =	vnsel vm1, $0x0, v15;
	vm0 =	vlt.f32 v14, v9  }
0x311: {  	v7 =	vld [tilespmem:s31+$0xF080];
	v14 =	vtrunc.f32 v19;
	v13 =	vadd.f32 $-5.120000080e+01, v13;
	v12 =	vadd.f32 $-5.120000080e+01, v12  }
0x312: {  	v8 =	vld [tilespmem:s31+$0xF100];
	v57 =	vadd.f32 $-5.000000000e+00, v11;
	v10 =	vadd.f32 $5.120000080e+01, v6;
	vm1 =	vlt.f32 v19, v14  }
0x313: {  	[tilespmem:s12+$0x1B080] =	vst v20;
	v19 =	vcvt.f32.s32 v16;
	v14 =	vcvt.f32.s32 v14;
	v20 =	vsel vm0, $0xFFFFFFFF, v0  }
0x314: {  	[tilespmem:s12+$0x17080] =	vst v18;
	vm0 =	vlt.f32 v30, v16;
	v16 =	vsel vm1, $0xFFFFFFFF, v0;
	v11 =	vadd.f32 $5.000000070e-02, v13  }
0x315: {  	[tilespmem:s12+$0x17100] =	vst v17;
	v17 =	vmul.f32 $1.000000000e+01, v10;
	v10 =	vadd.f32 $5.000000070e-02, v12;
	v12 =	vcvt.f32.s32 v9  }
0x316: {  	[tilespmem:s4+$0x13000] =	vst v5;
	v13 =	vadd.f32 $5.120000080e+01, v7;
	v9 =	vadd.f32 $1.000000010e-01, v57;
	v16 =	vadd.s32 v14, v16  }
0x317: {  	[tilespmem:s4+$0x13080] =	vst v3;
	v14 =	vsel vm0, $0xFFFFFFFF, v0;
	v18 =	vadd.f32 $5.000000000e+00, v8;
	v12 =	vadd.s32 v12, v20  }
0x318: {  	s3 =	simm.s32 $0x1A010;
	[tilespmem:s12+$0x1B100] =	vst v21;
	v19 =	vadd.s32 v19, v14;
	v20 =	vmul.f32 $1.000000000e+01, v13;
	v13 =	vor.u32 v12, v16  }
0x319: {  	[tilespmem:s3+$0x0] =	vst v24;
	vm1 =	vlt.u32 v19, $0x28;
	v21 =	vmul.f32 $5.000000000e+00, v18;
	vm0 =	vlt.u32 v13, $0x400  }
0x31a: {  	[tilespmem:s4+$0x13100] =	vst v4;
	v18 =	vtrunc.f32 v17;
	v58 =	vtrunc.f32 v20;
	vm0 =	vmand vm0, vm1  }
0x31b: {  	s2 =	sor.u32 s2, s9;
	[tilespmem:s4+$0x13180] =	vst v15;
	v59 =	vcvt.f32.s32 v18;
	v14 =	vcvt.f32.s32 v58;
	v13 =	vnsel vm0, $0x0, v12  }
0x31c: {  	[tilespmem:s2+$0x17000] =	vst v28;
	vm1 =	vlt.f32 v17, v18;
	v12 =	vld [tilespmem:s8+$0xF180];
	v60 =	vnsel vm0, $0x0, v16;
	v15 =	vcvt.s32.f32 v13  }
0x31d: {  	[tilespmem:s2+$0x17080] =	vst v25;
	vm2 =	vlt.f32 v20, v58;
	v17 =	vnsel vm0, $0x0, v19;
	v18 =	vcvt.s32.f32 v60  }
0x31e: {  	[tilespmem:s2+$0x17100] =	vst v22;
	v22 =	vnsel vm0, $0x0, v23;
	v20 =	vcvt.s32.f32 v17;
	v19 =	vmul.f32 $1.000000010e-01, v15  }
0x31f: {  	s14 =	simm.s32 $0x0;
	v23 =	vtrunc.f32 v21;
	v16 =	vnsel vm0, $0x0, v26;
	[tilespmem:s8+$0x13000] =	vst v22;
	v18 =	vmul.f32 $1.000000010e-01, v18  }
0x320: {  	s1 =	smul.u32 $0x180, s14;
	[tilespmem:s8+$0x13080] =	vst v16;
	v15 =	vnsel vm0, $0x0, v27;
	v20 =	vmul.f32 $2.000000030e-01, v20;
	v61 =	vadd.f32 $-5.120000080e+01, v19  }
0x321: {  	v62 =	vsel vm1, $0xFFFFFFFF, v0;
	[tilespmem:s8+$0x13100] =	vst v15;
	v12 =	vnsel vm0, $0x0, v12;
	v63 =	vadd.f32 $-5.120000080e+01, v18  }
0x322: {  	s11 =	sor.u32 s1, s5;
	vm1 =	vlt.f32 v21, v23;
	v20 =	vadd.f32 $-5.000000000e+00, v20;
	[tilespmem:s8+$0x13180] =	vst v12;
	v24 =	vadd.f32 $5.000000070e-02, v61  }
0x323: {  	v19 =	vsel vm2, $0xFFFFFFFF, v0;
	v18 =	vcvt.f32.s32 v23;
	v21 =	vadd.f32 $5.000000070e-02, v63;
	[tilespmem:s11+$0x17000] =	vst v17  }
0x324: {  	s5 =	simm.s32 $0x2;
	s6 =	sor.u32 s10, s1;
	s4 =	simm.s32 $0x1A010;
	v12 =	vld [tilespmem:s31+$0xF180];
	v17 =	vadd.s32 v59, v62;
	v20 =	vadd.f32 $1.000000010e-01, v20;
	[tilespmem:s11+$0x17080] =	vst v60;
	v22 =	vsub.f32 v22, v24  }
.LBB2_12:
0x325: {  	v14 =	vadd.s32 v14, v19;
	v19 =	vsel vm1, $0xFFFFFFFF, v0  }
0x326: {  	s5 =	sadd.s32 $0x2, s5;
	s1 =	sadd.s32 s0, s13;
	[tilespmem:s11+$0x17100] =	vst v13;
	v13 =	vsub.f32 v16, v21;
	s0 =	sadd.s32 $0x20, s0;
	v16 =	vadd.s32 v18, v19;
	v18 =	vor.u32 v17, v14  }
0x327: {  	s9 =	sshrl.u32 s5, $0x3;
	s7 =	sadd.s32 $0x10, s0;
	s10 =	sadd.s32 $0x5010, s1;
	[tilespmem:s11+$0x1B000] =	vst v22;
	v15 =	vsub.f32 v15, v20;
	vm1 =	vlt.u32 v18, $0x400;
	vm2 =	vlt.u32 v16, $0x28  }
0x328: {  	s8 =	sand.u32 $0x60, s0;
	s12 =	sshll.u32 s9, $0x9;
	s7 =	sand.u32 $0x70, s7;
	v18 =	vor.u32 s10, v1;
	[tilespmem:s11+$0x1B080] =	vst v13;
	vm1 =	vmand vm1, vm2  }
0x329: {  	v11 =	vsub.f32 v5, v11;
	s3 =	sadd.s32 $0x20, s3;
	s14 =	sor.u32 s8, s12;
	s10 =	sor.u32 s12, s7;
	v13 =	vnsel vm0, $0x0, v18;
	[tilespmem:s11+$0x1B100] =	vst v15;
	v17 =	vnsel vm1, $0x0, v17  }
0x32a: {  	s1 =	sadd.s32 $0x5000, s1;
	v15 =	vld [tilespmem:s10+$0xF100];
	v14 =	vnsel vm1, $0x0, v14;
	v16 =	vnsel vm1, $0x0, v16;
	[tilespmem:s3+$0x0] =	vst v13;
	v13 =	vcvt.s32.f32 v17  }
0x32b: {  	v5 =	vnsel vm1, $0x0, v6;
	v7 =	vnsel vm1, $0x0, v7;
	v18 =	vld [tilespmem:s10+$0xF000];
	v19 =	vcvt.s32.f32 v14;
	[tilespmem:s2+$0x1B000] =	vst v11  }
0x32c: {  	p0 =	slt.u32 s5, $0xFE;
	v8 =	vnsel vm1, $0x0, v8;
	v11 =	vcvt.s32.f32 v16;
	v20 =	vld [tilespmem:s10+$0xF080];
	[tilespmem:s31+$0x13000] =	vst v5;
	v13 =	vmul.f32 $1.000000010e-01, v13  }
0x32d: {  	v10 =	vsub.f32 v3, v10;
	v9 =	vsub.f32 v4, v9;
	v3 =	vmovc v7;
	v6 =	vld [tilespmem:s14+$0xF000];
	v19 =	vmul.f32 $1.000000010e-01, v19;
	[tilespmem:s31+$0x13080] =	vst v7  }
0x32e: {  	v21 =	vor.u32 s1, v1;
	v4 =	vmovc v8;
	v11 =	vmul.f32 $2.000000030e-01, v11;
	v7 =	vld [tilespmem:s14+$0xF080];
	[tilespmem:s31+$0x13100] =	vst v8;
	v13 =	vadd.f32 $-5.120000080e+01, v13  }
0x32f: {  	v22 =	vnsel vm1, $0x0, v12;
	v8 =	vld [tilespmem:s14+$0xF100];
	v19 =	vadd.f32 $-5.120000080e+01, v19;
	[tilespmem:s2+$0x1B080] =	vst v10;
	v10 =	vadd.f32 $5.000000000e+00, v15  }
0x330: {  	v21 =	vnsel vm1, $0x0, v21;
	v23 =	vadd.f32 $-5.000000000e+00, v11;
	v12 =	vld [tilespmem:s14+$0xF180];
	[tilespmem:s31+$0x13180] =	vst v22;
	s31 =	smov.u32 s14;
	v22 =	vadd.f32 $5.120000080e+01, v18  }
0x331: {  	v24 =	vadd.f32 $5.120000080e+01, v20;
	[tilespmem:s2+$0x1B100] =	vst v9;
	s2 =	smov.u32 s6;
	v11 =	vadd.f32 $5.000000070e-02, v13  }
0x332: {  	v25 =	vmul.f32 $5.000000000e+00, v10;
	v10 =	vadd.f32 $5.000000070e-02, v19;
	v9 =	vadd.f32 $5.120000080e+01, v6;
	[tilespmem:s2+$0x17000] =	vst v16  }
0x333: {  	v16 =	vmul.f32 $1.000000000e+01, v22;
	v13 =	vadd.f32 $5.120000080e+01, v7;
	v22 =	vmul.f32 $1.000000000e+01, v24;
	[tilespmem:s2+$0x17080] =	vst v14  }
0x334: {  	v26 =	vtrunc.f32 v25;
	v24 =	vmul.f32 $1.000000000e+01, v9;
	v14 =	vadd.f32 $5.000000000e+00, v8;
	[tilespmem:s2+$0x17100] =	vst v17  }
0x335: {  	v17 =	vtrunc.f32 v16;
	v9 =	vadd.f32 $1.000000010e-01, v23;
	v27 =	vtrunc.f32 v22;
	[tilespmem:s4+$0xFFFFFFF0] =	vst v2;
	v2 =	vmovc v21;
	s4 =	smov.u32 s3  }
0x336: {  	v19 =	vcvt.f32.s32 v17;
	v21 =	vcvt.f32.s32 v26;
	vm0 =	vlt.f32 v16, v17  }
0x337: {  	v23 =	vcvt.f32.s32 v27;
	vm1 =	vlt.f32 v22, v27;
	v16 =	vsel vm0, $0xFFFFFFFF, v0  }
0x338: {  	vm0 =	vlt.f32 v25, v26;
	v22 =	vmul.f32 $1.000000000e+01, v13;
	v17 =	vsel vm1, $0xFFFFFFFF, v0  }
0x339: {  	v16 =	vadd.s32 v19, v16;
	v19 =	vsel vm0, $0xFFFFFFFF, v0;
	v17 =	vadd.s32 v23, v17  }
0x33a: {  	v19 =	vadd.s32 v21, v19;
	v21 =	vmul.f32 $5.000000000e+00, v14;
	v13 =	vor.u32 v16, v17  }
0x33b: {  	v23 =	vtrunc.f32 v24;
	vm1 =	vlt.u32 v19, $0x28;
	vm0 =	vlt.u32 v13, $0x400  }
0x33c: {  	v25 =	vtrunc.f32 v22;
	v26 =	vcvt.f32.s32 v23;
	vm0 =	vmand vm0, vm1  }
0x33d: {  	v14 =	vcvt.f32.s32 v25;
	vm1 =	vlt.f32 v24, v23;
	v13 =	vnsel vm0, $0x0, v16  }
0x33e: {  	v24 =	vnsel vm0, $0x0, v17;
	v17 =	vnsel vm0, $0x0, v19;
	v16 =	vcvt.s32.f32 v13;
	v23 =	vld [tilespmem:s10+$0xF180]  }
0x33f: {  	vm2 =	vlt.f32 v22, v25;
	v19 =	vcvt.s32.f32 v24;
	v25 =	vcvt.s32.f32 v17  }
0x340: {  	s1 =	smul.u32 $0x180, s9;
	v27 =	vtrunc.f32 v21;
	v22 =	vnsel vm0, $0x0, v18;
	v18 =	vmul.f32 $1.000000010e-01, v16  }
0x341: {  	v16 =	vnsel vm0, $0x0, v20;
	v19 =	vmul.f32 $1.000000010e-01, v19;
	v20 =	vmul.f32 $2.000000030e-01, v25;
	[tilespmem:s10+$0x13000] =	vst v22  }
.Ltmp5:
0x342: {  	v15 =	vnsel vm0, $0x0, v15;
	v18 =	vadd.f32 $-5.120000080e+01, v18;
	[tilespmem:s10+$0x13080] =	vst v16;
	(pc) =	sbr.rel @p0 .LBB2_12-.Ltmp5, $4  }
0x343: {  	v25 =	vsel vm1, $0xFFFFFFFF, v0;
	v28 =	vadd.f32 $-5.120000080e+01, v19;
	v23 =	vnsel vm0, $0x0, v23;
	[tilespmem:s10+$0x13100] =	vst v15  }
0x344: {  	s11 =	sor.u32 s1, s7;
	s6 =	sor.u32 s8, s1;
	v19 =	vsel vm2, $0xFFFFFFFF, v0;
	v20 =	vadd.f32 $-5.000000000e+00, v20;
	v29 =	vadd.f32 $5.000000070e-02, v18;
	[tilespmem:s10+$0x13180] =	vst v23  }
0x345: {  	vm1 =	vlt.f32 v21, v27;
	v18 =	vcvt.f32.s32 v27;
	v21 =	vadd.f32 $5.000000070e-02, v28;
	[tilespmem:s11+$0x17000] =	vst v17  }
0x346: {  	v20 =	vadd.f32 $1.000000010e-01, v20;
	v17 =	vadd.s32 v26, v25;
	v22 =	vsub.f32 v22, v29;
	[tilespmem:s11+$0x17080] =	vst v24  }
0x347: {  	v14 =	vadd.s32 v14, v19;
	[tilespmem:s11+$0x17100] =	vst v13;
	v13 =	vsub.f32 v16, v21  }
0x348: {  	s0 =	sadd.s32 s0, s13;
	v16 =	vsel vm1, $0xFFFFFFFF, v0;
	v5 =	vsub.f32 v5, v11;
	v3 =	vsub.f32 v3, v10;
	[tilespmem:s11+$0x1B000] =	vst v22  }
0x349: {  	v19 =	vor.u32 v17, v14;
	s1 =	sadd.s32 $0x5010, s0;
	v15 =	vsub.f32 v15, v20;
	v16 =	vadd.s32 v18, v16;
	[tilespmem:s11+$0x1B080] =	vst v13  }
0x34a: {  	vm1 =	vlt.u32 v19, $0x400;
	v18 =	vor.u32 s1, v1;
	vm2 =	vlt.u32 v16, $0x28;
	[tilespmem:s2+$0x1B000] =	vst v5  }
0x34b: {  	[tilespmem:s2+$0x1B080] =	vst v3;
	v13 =	vnsel vm0, $0x0, v18;
	vm0 =	vmand vm1, vm2  }
0x34c: {  	s3 =	sadd.s32 $0x20, s3;
	v4 =	vsub.f32 v4, v9;
	[tilespmem:s11+$0x1B100] =	vst v15;
	v11 =	vnsel vm0, $0x0, v17  }
0x34d: {  	[tilespmem:s3+$0x0] =	vst v13;
	v13 =	vnsel vm0, $0x0, v14;
	v14 =	vcvt.s32.f32 v11  }
0x34e: {  	[tilespmem:s2+$0x1B100] =	vst v4;
	v5 =	vnsel vm0, $0x0, v16;
	v15 =	vcvt.s32.f32 v13  }
0x34f: {  	[tilespmem:s4+$0xFFFFFFF0] =	vst v2;
	v6 =	vnsel vm0, $0x0, v6;
	v10 =	vcvt.s32.f32 v5;
	v14 =	vmul.f32 $1.000000010e-01, v14  }
0x350: {  	v7 =	vnsel vm0, $0x0, v7;
	[tilespmem:s31+$0x13000] =	vst v6;
	v15 =	vmul.f32 $1.000000010e-01, v15  }
0x351: {  	v9 =	vnsel vm0, $0x0, v12;
	[tilespmem:s31+$0x13080] =	vst v7;
	v3 =	vmul.f32 $2.000000030e-01, v10;
	v10 =	vadd.f32 $-5.120000080e+01, v14  }
0x352: {  	v8 =	vnsel vm0, $0x0, v8;
	[tilespmem:s31+$0x13180] =	vst v9;
	v9 =	vadd.f32 $-5.120000080e+01, v15  }
0x353: {  	[tilespmem:s31+$0x13100] =	vst v8;
	v3 =	vadd.f32 $-5.000000000e+00, v3;
	v4 =	vadd.f32 $5.000000070e-02, v10  }
0x354: {  	[tilespmem:s6+$0x17000] =	vst v5;
	v5 =	vadd.f32 $5.000000070e-02, v9  }
0x355: {  	[tilespmem:s6+$0x17080] =	vst v13;
	v3 =	vadd.f32 $1.000000010e-01, v3;
	v4 =	vsub.f32 v6, v4  }
0x356: {  	[tilespmem:s6+$0x17100] =	vst v11;
	v2 =	vsub.f32 v7, v5  }
0x357: {  	s0 =	sadd.s32 $0x5000, s0;
	v3 =	vsub.f32 v8, v3;
	[tilespmem:s6+$0x1B000] =	vst v4  }
0x358: {  	v4 =	vor.u32 s0, v1;
	[tilespmem:s6+$0x1B080] =	vst v2  }
0x359: {  	[tilespmem:s6+$0x1B100] =	vst v3;
	v2 =	vnsel vm0, $0x0, v4  }
0x35a: {  	[tilespmem:s3+$0xFFFFFFF0] =	vst v2  }
0x35b: {  	s1 =	sld [smem:$0x7F2];
	_ =	sdelay $0x1  }
0x35c: {  	s4 =	simm.s32 $0x0;
	s5 =	sld [smem:$0x7F3]  }
0x35d: {  	[hbm4b:s1+s4] =	stream.linear.scatter [tilespmem:s23], [sflag:$0x4], $0x4000, $0x38;
	[tilespmem:$0x1E000] =	vst v63  }
0x35e: {  	s6 =	rddreg [dreg:$0xc]  }
0x35f: {  	[hbm4b:s5+s17] =	stream.strided.scatter [tilespmem:s24], [sflag:$0x4], $0x3000, s18, s17, $0x38;
	[tilespmem:$0x1E000] =	vst v63  }
0x360: {  	s7 =	sld [smem:$0x7F4]  }
0x361: {  	[hbm4b:s6+s4] =	stream.linear.scatter [tilespmem:s25], [sflag:$0x4], $0x1000, $0x38;
	[tilespmem:$0x1E000] =	vst v63  }
0x362: {  	s8 =	sld [smem:$0x7F6]  }
0x363: {  	[hbm4b:s7+s17] =	stream.strided.scatter [tilespmem:s26], [sflag:$0x4], $0x3000, s18, s17, $0x38;
	[tilespmem:$0x1E000] =	vst v63  }
0x364: {  	s9 =	simm.s32 $0xF000  }
0x365: {  	[tilespmem:s9], [sflag:$0x2] =	stream.linear.gather [hbm4b:s8+s4], $0x4000, $0x38;
	[tilespmem:$0x1E000] =	vst v63  }
0x366: {  	_ =	swait.ge [sflag:s28], $0x4000  }
0x367: {  	[sflag:s28] =	ssyncset.done $0x0  }
0x368: {  	[sflag:s28] =	ssyncadd.s32 $0xFFFFC000  }
0x369: {  	_ =	swait.ge [sflag:s28], $0x3000  }
0x36a: {  	[sflag:s28] =	ssyncset.done $0x0  }
0x36b: {  	[sflag:s28] =	ssyncadd.s32 $0xFFFFD000  }
0x36c: {  	_ =	swait.ge [sflag:s28], $0x1000  }
0x36d: {  	[sflag:s28] =	ssyncset.done $0x0  }
0x36e: {  	[sflag:s28] =	ssyncadd.s32 $0xFFFFF000  }
0x36f: {  	_ =	swait.ge [sflag:s28], $0x3000  }
0x370: {  	[sflag:s28] =	ssyncset.done $0x0  }
0x371: {  	[sflag:s28] =	ssyncadd.s32 $0xFFFFD000  }
0x372: {  	s10 =	simm.s32 $0x10;
	_ =	swait.ge [sflag:s15], $0x4000  }
0x373: {  	s11 =	simm.s32 $0x0;
	s3 =	sand.u32 $0x70, s10;
	[sflag:s15] =	ssyncset.done $0x0  }
0x374: {  	s6 =	sor.u32 s11, s3;
	[sflag:s15] =	ssyncadd.s32 $0xFFFFC000  }
0x375: {  	v2 =	vld [tilespmem:s6+$0x100]  }
0x376: {  	s12 =	simm.s32 $0x30;
	s2 =	sand.u32 $0x60, s4;
	v3 =	vld [tilespmem:s6+$0x0]  }
0x377: {  	s5 =	sand.u32 $0x70, s12;
	s4 =	sor.u32 s2, s11;
	s9 =	simm.s32 $0x0;
	v4 =	vld [tilespmem:s6+$0x80]  }
0x378: {  	s8 =	sor.u32 s9, s5;
	v5 =	vld [tilespmem:s4+$0x0]  }
0x379: {  	v22 =	vld [tilespmem:s8+$0x0]  }
0x37a: {  	v26 =	vld [tilespmem:s8+$0x100];
	_ =	sdelay $0x1  }
0x37b: {  	v6 =	vadd.f32 $5.000000000e+00, v2  }
0x37c: {  	v8 =	vadd.f32 $5.120000080e+01, v3;
	v9 =	vadd.f32 $5.120000080e+01, v4  }
0x37d: {  	v7 =	vld [tilespmem:s4+$0x80];
	v10 =	vadd.f32 $5.120000080e+01, v5;
	v29 =	vadd.f32 $5.120000080e+01, v22  }
0x37e: {  	v30 =	vadd.f32 $5.000000000e+00, v26;
	v6 =	vmul.f32 $5.000000000e+00, v6;
	v8 =	vmul.f32 $1.000000000e+01, v8  }
0x37f: {  	v9 =	vmul.f32 $1.000000000e+01, v9;
	v10 =	vmul.f32 $1.000000000e+01, v10  }
0x380: {  	v12 =	vld [tilespmem:s4+$0x100];
	v29 =	vmul.f32 $1.000000000e+01, v29;
	v30 =	vmul.f32 $5.000000000e+00, v30  }
0x381: {  	v11 =	vtrunc.f32 v6;
	v13 =	vtrunc.f32 v8  }
0x382: {  	v15 =	vadd.f32 $5.120000080e+01, v7;
	v14 =	vtrunc.f32 v9;
	v16 =	vcvt.f32.s32 v13  }
0x383: {  	v17 =	vcvt.f32.s32 v11;
	v18 =	vcvt.f32.s32 v14;
	vm0 =	vlt.f32 v8, v13  }
0x384: {  	vm1 =	vlt.f32 v9, v14;
	v14 =	vmul.f32 $1.000000000e+01, v15;
	v8 =	vsel vm0, $0xFFFFFFFF, v0  }
0x385: {  	v9 =	vsel vm1, $0xFFFFFFFF, v0;
	vm0 =	vlt.f32 v6, v11;
	v11 =	vadd.f32 $5.000000000e+00, v12  }
0x386: {  	v6 =	vadd.s32 v16, v8;
	v8 =	vadd.s32 v18, v9;
	v9 =	vsel vm0, $0xFFFFFFFF, v0  }
0x387: {  	v15 =	vtrunc.f32 v14;
	v9 =	vadd.s32 v17, v9;
	v13 =	vor.u32 v6, v8  }
0x388: {  	v11 =	vmul.f32 $5.000000000e+00, v11;
	vm2 =	vlt.f32 v14, v15;
	vm0 =	vlt.u32 v13, $0x400  }
0x389: {  	vm1 =	vlt.u32 v9, $0x28;
	v13 =	vtrunc.f32 v10;
	v20 =	vsel vm2, $0xFFFFFFFF, v0  }
0x38a: {  	vm0 =	vmand vm0, vm1;
	v16 =	vcvt.f32.s32 v13;
	vm1 =	vlt.f32 v10, v13  }
0x38b: {  	v10 =	vld [tilespmem:s6+$0x180];
	v17 =	vnsel vm0, $0x0, v6;
	v6 =	vcvt.f32.s32 v15;
	v18 =	vnsel vm0, $0x0, v8  }
0x38c: {  	v9 =	vnsel vm0, $0x0, v9;
	v3 =	vnsel vm0, $0x0, v3;
	v13 =	vcvt.s32.f32 v17  }
0x38d: {  	v15 =	vtrunc.f32 v11;
	v19 =	vnsel vm0, $0x0, v4;
	v8 =	vcvt.s32.f32 v18  }
0x38e: {  	v2 =	vnsel vm0, $0x0, v2;
	v14 =	vcvt.s32.f32 v9;
	v13 =	vmul.f32 $1.000000010e-01, v13  }
0x38f: {  	v21 =	vcvt.f32.s32 v15;
	v6 =	vadd.s32 v6, v20;
	v4 =	vmul.f32 $1.000000010e-01, v8  }
0x390: {  	v10 =	vnsel vm0, $0x0, v10;
	v8 =	vadd.f32 $-5.120000080e+01, v13;
	v13 =	vmul.f32 $2.000000030e-01, v14  }
0x391: {  	v25 =	vld [tilespmem:s8+$0x80];
	v14 =	vsel vm1, $0xFFFFFFFF, v0;
	v4 =	vadd.f32 $-5.120000080e+01, v4;
	vm1 =	vlt.f32 v11, v15  }
0x392: {  	v11 =	vadd.s32 v16, v14;
	v14 =	vsel vm1, $0xFFFFFFFF, v0;
	v13 =	vadd.f32 $-5.000000000e+00, v13  }
0x393: {  	v8 =	vadd.f32 $5.000000070e-02, v8;
	v4 =	vadd.f32 $5.000000070e-02, v4;
	v15 =	vor.u32 v11, v6  }
0x394: {  	s14 =	sadd.s32 $0x0, s13;
	v14 =	vadd.s32 v21, v14;
	vm1 =	vlt.u32 v15, $0x400;
	v13 =	vadd.f32 $1.000000010e-01, v13  }
0x395: {  	s7 =	sadd.s32 $0x6010, s14;
	vm2 =	vlt.u32 v14, $0x28;
	v16 =	vsub.f32 v3, v8;
	v20 =	vsub.f32 v19, v4  }
0x396: {  	s11 =	simm.s32 $0x0;
	[tilespmem:s6+$0x4080] =	vst v19;
	vm1 =	vmand vm1, vm2;
	v4 =	vor.u32 s7, v1;
	v19 =	vadd.f32 $5.120000080e+01, v25  }
0x397: {  	s0 =	simm.s32 $0x20;
	s1 =	sadd.s32 $0x6000, s14;
	s12 =	smul.u32 $0x180, s11;
	[tilespmem:s6+$0x4000] =	vst v3;
	v21 =	vnsel vm1, $0x0, v11;
	v23 =	vnsel vm0, $0x0, v4;
	v24 =	vnsel vm1, $0x0, v6  }
0x398: {  	s10 =	sand.u32 $0x60, s0;
	[tilespmem:s6+$0x4100] =	vst v2;
	v27 =	vnsel vm1, $0x0, v14;
	v11 =	vor.u32 s1, v1;
	v6 =	vnsel vm1, $0x0, v5  }
0x399: {  	s31 =	sor.u32 s10, s9;
	[tilespmem:s6+$0x4180] =	vst v10;
	v15 =	vld [tilespmem:s4+$0x180];
	v3 =	vnsel vm1, $0x0, v12;
	s1 =	sor.u32 s12, s3;
	v4 =	vcvt.s32.f32 v21;
	v8 =	vcvt.s32.f32 v24  }
0x39a: {  	v5 =	vld [tilespmem:s31+$0x0];
	v13 =	vsub.f32 v2, v13;
	v14 =	vcvt.s32.f32 v27;
	v19 =	vmul.f32 $1.000000000e+01, v19;
	[tilespmem:s1+$0x8000] =	vst v9  }
0x39b: {  	v2 =	vnsel vm1, $0x0, v11;
	v9 =	vtrunc.f32 v29;
	[tilespmem:s1+$0xC000] =	vst v16;
	v16 =	vtrunc.f32 v30  }
0x39c: {  	[tilespmem:s1+$0xC080] =	vst v20;
	vm0 =	vlt.f32 v29, v9;
	v20 =	vcvt.f32.s32 v16;
	v28 =	vmul.f32 $1.000000010e-01, v4  }
0x39d: {  	v4 =	vnsel vm1, $0x0, v7;
	v12 =	vmul.f32 $1.000000010e-01, v8;
	v7 =	vld [tilespmem:s31+$0x80];
	v14 =	vmul.f32 $2.000000030e-01, v14  }
0x39e: {  	v8 =	vld [tilespmem:s31+$0x100];
	v15 =	vnsel vm1, $0x0, v15;
	v57 =	vtrunc.f32 v19;
	[tilespmem:s1+$0xC100] =	vst v13;
	v13 =	vsel vm0, $0xFFFFFFFF, v0  }
0x39f: {  	vm0 =	vlt.f32 v30, v16;
	v12 =	vadd.f32 $-5.120000080e+01, v12;
	v10 =	vadd.f32 $5.120000080e+01, v5  }
0x3a0: {  	vm1 =	vlt.f32 v19, v57;
	v28 =	vadd.f32 $-5.120000080e+01, v28;
	v14 =	vadd.f32 $-5.000000000e+00, v14  }
0x3a1: {  	[tilespmem:s1+$0x8100] =	vst v17;
	v17 =	vmul.f32 $1.000000000e+01, v10;
	v10 =	vadd.f32 $5.000000070e-02, v12;
	v12 =	vcvt.f32.s32 v9  }
0x3a2: {  	[tilespmem:s1+$0x8080] =	vst v18;
	v9 =	vadd.f32 $1.000000010e-01, v14;
	v14 =	vcvt.f32.s32 v57;
	v18 =	vadd.f32 $5.120000080e+01, v7  }
0x3a3: {  	v16 =	vsel vm1, $0xFFFFFFFF, v0;
	v19 =	vadd.f32 $5.000000000e+00, v8;
	v12 =	vadd.s32 v12, v13  }
0x3a4: {  	s3 =	simm.s32 $0xB010;
	[tilespmem:s4+$0x4000] =	vst v6;
	v16 =	vadd.s32 v14, v16;
	v13 =	vsel vm0, $0xFFFFFFFF, v0;
	v18 =	vmul.f32 $1.000000000e+01, v18  }
0x3a5: {  	[tilespmem:s3+$0x0] =	vst v23;
	v20 =	vadd.s32 v20, v13;
	v13 =	vor.u32 v12, v16;
	v23 =	vmul.f32 $5.000000000e+00, v19  }
0x3a6: {  	[tilespmem:s4+$0x4100] =	vst v3;
	v19 =	vtrunc.f32 v17;
	vm0 =	vlt.u32 v13, $0x400;
	vm1 =	vlt.u32 v20, $0x28  }
0x3a7: {  	[tilespmem:s4+$0x4080] =	vst v4;
	v11 =	vadd.f32 $5.000000070e-02, v28;
	v59 =	vcvt.f32.s32 v19;
	vm0 =	vmand vm0, vm1  }
0x3a8: {  	s2 =	sor.u32 s2, s12;
	[tilespmem:s4+$0x4180] =	vst v15;
	v58 =	vtrunc.f32 v18;
	vm1 =	vlt.f32 v17, v19;
	v13 =	vnsel vm0, $0x0, v12  }
0x3a9: {  	[tilespmem:s2+$0x8100] =	vst v21;
	v21 =	vtrunc.f32 v23;
	v12 =	vld [tilespmem:s8+$0x180];
	v60 =	vnsel vm0, $0x0, v16;
	v15 =	vcvt.s32.f32 v13  }
0x3aa: {  	[tilespmem:s2+$0x8000] =	vst v27;
	vm2 =	vlt.f32 v18, v58;
	v17 =	vnsel vm0, $0x0, v20;
	v18 =	vcvt.s32.f32 v60  }
0x3ab: {  	[tilespmem:s2+$0x8080] =	vst v24;
	v22 =	vnsel vm0, $0x0, v22;
	v20 =	vcvt.s32.f32 v17;
	v19 =	vmul.f32 $1.000000010e-01, v15  }
0x3ac: {  	s14 =	simm.s32 $0x0;
	v14 =	vcvt.f32.s32 v58;
	v16 =	vnsel vm0, $0x0, v25;
	[tilespmem:s8+$0x4000] =	vst v22;
	v18 =	vmul.f32 $1.000000010e-01, v18  }
0x3ad: {  	s1 =	smul.u32 $0x180, s14;
	[tilespmem:s8+$0x4080] =	vst v16;
	v15 =	vnsel vm0, $0x0, v26;
	v20 =	vmul.f32 $2.000000030e-01, v20;
	v61 =	vadd.f32 $-5.120000080e+01, v19  }
0x3ae: {  	v62 =	vsel vm1, $0xFFFFFFFF, v0;
	[tilespmem:s8+$0x4100] =	vst v15;
	v12 =	vnsel vm0, $0x0, v12;
	v63 =	vadd.f32 $-5.120000080e+01, v18  }
0x3af: {  	s11 =	sor.u32 s1, s5;
	vm1 =	vlt.f32 v23, v21;
	v20 =	vadd.f32 $-5.000000000e+00, v20;
	[tilespmem:s8+$0x4180] =	vst v12;
	v24 =	vadd.f32 $5.000000070e-02, v61  }
0x3b0: {  	v19 =	vsel vm2, $0xFFFFFFFF, v0;
	v18 =	vcvt.f32.s32 v21;
	v21 =	vadd.f32 $5.000000070e-02, v63;
	[tilespmem:s11+$0x8000] =	vst v17  }
0x3b1: {  	s4 =	simm.s32 $0xB010;
	s5 =	simm.s32 $0x2;
	s6 =	sor.u32 s10, s1;
	v12 =	vld [tilespmem:s31+$0x180];
	v17 =	vadd.s32 v59, v62;
	v20 =	vadd.f32 $1.000000010e-01, v20;
	[tilespmem:s11+$0x8080] =	vst v60;
	v22 =	vsub.f32 v22, v24  }
.LBB2_14:
0x3b2: {  	v14 =	vadd.s32 v14, v19;
	v19 =	vsel vm1, $0xFFFFFFFF, v0  }
0x3b3: {  	s5 =	sadd.s32 $0x2, s5;
	s1 =	sadd.s32 s0, s13;
	[tilespmem:s11+$0x8100] =	vst v13;
	v13 =	vsub.f32 v16, v21;
	s0 =	sadd.s32 $0x20, s0;
	v16 =	vadd.s32 v18, v19;
	v18 =	vor.u32 v17, v14  }
0x3b4: {  	s9 =	sshrl.u32 s5, $0x3;
	s7 =	sadd.s32 $0x10, s0;
	s10 =	sadd.s32 $0x6010, s1;
	[tilespmem:s11+$0xC000] =	vst v22;
	v15 =	vsub.f32 v15, v20;
	vm1 =	vlt.u32 v18, $0x400;
	vm2 =	vlt.u32 v16, $0x28  }
0x3b5: {  	s8 =	sand.u32 $0x60, s0;
	s12 =	sshll.u32 s9, $0x9;
	s7 =	sand.u32 $0x70, s7;
	v18 =	vor.u32 s10, v1;
	[tilespmem:s11+$0xC080] =	vst v13;
	vm1 =	vmand vm1, vm2  }
0x3b6: {  	v11 =	vsub.f32 v6, v11;
	s3 =	sadd.s32 $0x20, s3;
	s14 =	sor.u32 s8, s12;
	s10 =	sor.u32 s12, s7;
	v13 =	vnsel vm0, $0x0, v18;
	[tilespmem:s11+$0xC100] =	vst v15;
	v17 =	vnsel vm1, $0x0, v17  }
0x3b7: {  	s1 =	sadd.s32 $0x6000, s1;
	v15 =	vld [tilespmem:s10+$0x100];
	v14 =	vnsel vm1, $0x0, v14;
	v16 =	vnsel vm1, $0x0, v16;
	[tilespmem:s3+$0x0] =	vst v13;
	v13 =	vcvt.s32.f32 v17  }
0x3b8: {  	v6 =	vnsel vm1, $0x0, v5;
	v7 =	vnsel vm1, $0x0, v7;
	v18 =	vld [tilespmem:s10+$0x0];
	v19 =	vcvt.s32.f32 v14;
	[tilespmem:s2+$0xC000] =	vst v11  }
0x3b9: {  	p0 =	slt.u32 s5, $0xFE;
	v8 =	vnsel vm1, $0x0, v8;
	v11 =	vcvt.s32.f32 v16;
	v20 =	vld [tilespmem:s10+$0x80];
	[tilespmem:s31+$0x4000] =	vst v6;
	v13 =	vmul.f32 $1.000000010e-01, v13  }
0x3ba: {  	v10 =	vsub.f32 v4, v10;
	v9 =	vsub.f32 v3, v9;
	v4 =	vmovc v7;
	v5 =	vld [tilespmem:s14+$0x0];
	v19 =	vmul.f32 $1.000000010e-01, v19;
	[tilespmem:s31+$0x4080] =	vst v7  }
0x3bb: {  	v21 =	vor.u32 s1, v1;
	v3 =	vmovc v8;
	v11 =	vmul.f32 $2.000000030e-01, v11;
	v7 =	vld [tilespmem:s14+$0x80];
	[tilespmem:s31+$0x4100] =	vst v8;
	v13 =	vadd.f32 $-5.120000080e+01, v13  }
0x3bc: {  	v22 =	vnsel vm1, $0x0, v12;
	v8 =	vld [tilespmem:s14+$0x100];
	v19 =	vadd.f32 $-5.120000080e+01, v19;
	[tilespmem:s2+$0xC080] =	vst v10;
	v10 =	vadd.f32 $5.000000000e+00, v15  }
0x3bd: {  	v21 =	vnsel vm1, $0x0, v21;
	v23 =	vadd.f32 $-5.000000000e+00, v11;
	v12 =	vld [tilespmem:s14+$0x180];
	[tilespmem:s31+$0x4180] =	vst v22;
	s31 =	smov.u32 s14;
	v22 =	vadd.f32 $5.120000080e+01, v18  }
0x3be: {  	v24 =	vadd.f32 $5.120000080e+01, v20;
	[tilespmem:s2+$0xC100] =	vst v9;
	s2 =	smov.u32 s6;
	v11 =	vadd.f32 $5.000000070e-02, v13  }
0x3bf: {  	v25 =	vmul.f32 $5.000000000e+00, v10;
	v10 =	vadd.f32 $5.000000070e-02, v19;
	v9 =	vadd.f32 $5.120000080e+01, v5;
	[tilespmem:s2+$0x8000] =	vst v16  }
0x3c0: {  	v16 =	vmul.f32 $1.000000000e+01, v22;
	v13 =	vadd.f32 $5.120000080e+01, v7;
	v22 =	vmul.f32 $1.000000000e+01, v24;
	[tilespmem:s2+$0x8080] =	vst v14  }
0x3c1: {  	v26 =	vtrunc.f32 v25;
	v24 =	vmul.f32 $1.000000000e+01, v9;
	v14 =	vadd.f32 $5.000000000e+00, v8;
	[tilespmem:s2+$0x8100] =	vst v17  }
0x3c2: {  	v17 =	vtrunc.f32 v16;
	v9 =	vadd.f32 $1.000000010e-01, v23;
	v27 =	vtrunc.f32 v22;
	[tilespmem:s4+$0xFFFFFFF0] =	vst v2;
	v2 =	vmovc v21;
	s4 =	smov.u32 s3  }
0x3c3: {  	v19 =	vcvt.f32.s32 v17;
	v21 =	vcvt.f32.s32 v26;
	vm0 =	vlt.f32 v16, v17  }
0x3c4: {  	v23 =	vcvt.f32.s32 v27;
	vm1 =	vlt.f32 v22, v27;
	v16 =	vsel vm0, $0xFFFFFFFF, v0  }
0x3c5: {  	vm0 =	vlt.f32 v25, v26;
	v22 =	vmul.f32 $1.000000000e+01, v13;
	v17 =	vsel vm1, $0xFFFFFFFF, v0  }
0x3c6: {  	v16 =	vadd.s32 v19, v16;
	v19 =	vsel vm0, $0xFFFFFFFF, v0;
	v17 =	vadd.s32 v23, v17  }
0x3c7: {  	v19 =	vadd.s32 v21, v19;
	v21 =	vmul.f32 $5.000000000e+00, v14;
	v13 =	vor.u32 v16, v17  }
0x3c8: {  	v23 =	vtrunc.f32 v24;
	vm1 =	vlt.u32 v19, $0x28;
	vm0 =	vlt.u32 v13, $0x400  }
0x3c9: {  	v25 =	vtrunc.f32 v22;
	v26 =	vcvt.f32.s32 v23;
	vm0 =	vmand vm0, vm1  }
0x3ca: {  	v14 =	vcvt.f32.s32 v25;
	vm1 =	vlt.f32 v24, v23;
	v13 =	vnsel vm0, $0x0, v16  }
0x3cb: {  	v24 =	vnsel vm0, $0x0, v17;
	v17 =	vnsel vm0, $0x0, v19;
	v16 =	vcvt.s32.f32 v13;
	v23 =	vld [tilespmem:s10+$0x180]  }
0x3cc: {  	vm2 =	vlt.f32 v22, v25;
	v19 =	vcvt.s32.f32 v24;
	v25 =	vcvt.s32.f32 v17  }
0x3cd: {  	s1 =	smul.u32 $0x180, s9;
	v27 =	vtrunc.f32 v21;
	v22 =	vnsel vm0, $0x0, v18;
	v18 =	vmul.f32 $1.000000010e-01, v16  }
0x3ce: {  	v16 =	vnsel vm0, $0x0, v20;
	v19 =	vmul.f32 $1.000000010e-01, v19;
	v20 =	vmul.f32 $2.000000030e-01, v25;
	[tilespmem:s10+$0x4000] =	vst v22  }
.Ltmp6:
0x3cf: {  	v15 =	vnsel vm0, $0x0, v15;
	v18 =	vadd.f32 $-5.120000080e+01, v18;
	[tilespmem:s10+$0x4080] =	vst v16;
	(pc) =	sbr.rel @p0 .LBB2_14-.Ltmp6, $4  }
0x3d0: {  	v25 =	vsel vm1, $0xFFFFFFFF, v0;
	v28 =	vadd.f32 $-5.120000080e+01, v19;
	v23 =	vnsel vm0, $0x0, v23;
	[tilespmem:s10+$0x4100] =	vst v15  }
0x3d1: {  	s11 =	sor.u32 s1, s7;
	s6 =	sor.u32 s8, s1;
	v19 =	vsel vm2, $0xFFFFFFFF, v0;
	v20 =	vadd.f32 $-5.000000000e+00, v20;
	v29 =	vadd.f32 $5.000000070e-02, v18;
	[tilespmem:s10+$0x4180] =	vst v23  }
0x3d2: {  	vm1 =	vlt.f32 v21, v27;
	v18 =	vcvt.f32.s32 v27;
	v21 =	vadd.f32 $5.000000070e-02, v28;
	[tilespmem:s11+$0x8000] =	vst v17  }
0x3d3: {  	v20 =	vadd.f32 $1.000000010e-01, v20;
	v17 =	vadd.s32 v26, v25;
	v22 =	vsub.f32 v22, v29;
	[tilespmem:s11+$0x8080] =	vst v24  }
0x3d4: {  	v14 =	vadd.s32 v14, v19;
	[tilespmem:s11+$0x8100] =	vst v13;
	v13 =	vsub.f32 v16, v21  }
0x3d5: {  	s0 =	sadd.s32 s0, s13;
	v16 =	vsel vm1, $0xFFFFFFFF, v0;
	v6 =	vsub.f32 v6, v11;
	v4 =	vsub.f32 v4, v10;
	[tilespmem:s11+$0xC000] =	vst v22  }
0x3d6: {  	v19 =	vor.u32 v17, v14;
	s1 =	sadd.s32 $0x6010, s0;
	v15 =	vsub.f32 v15, v20;
	v16 =	vadd.s32 v18, v16;
	[tilespmem:s11+$0xC080] =	vst v13  }
0x3d7: {  	vm1 =	vlt.u32 v19, $0x400;
	v18 =	vor.u32 s1, v1;
	vm2 =	vlt.u32 v16, $0x28;
	[tilespmem:s2+$0xC000] =	vst v6  }
0x3d8: {  	[tilespmem:s2+$0xC080] =	vst v4;
	v13 =	vnsel vm0, $0x0, v18;
	vm0 =	vmand vm1, vm2  }
0x3d9: {  	s3 =	sadd.s32 $0x20, s3;
	v3 =	vsub.f32 v3, v9;
	[tilespmem:s11+$0xC100] =	vst v15;
	v11 =	vnsel vm0, $0x0, v17  }
0x3da: {  	[tilespmem:s3+$0x0] =	vst v13;
	v13 =	vnsel vm0, $0x0, v14;
	v14 =	vcvt.s32.f32 v11  }
0x3db: {  	[tilespmem:s2+$0xC100] =	vst v3;
	v6 =	vnsel vm0, $0x0, v16;
	v15 =	vcvt.s32.f32 v13  }
0x3dc: {  	[tilespmem:s4+$0xFFFFFFF0] =	vst v2;
	v5 =	vnsel vm0, $0x0, v5;
	v10 =	vcvt.s32.f32 v6;
	v14 =	vmul.f32 $1.000000010e-01, v14  }
0x3dd: {  	v7 =	vnsel vm0, $0x0, v7;
	[tilespmem:s31+$0x4000] =	vst v5;
	v15 =	vmul.f32 $1.000000010e-01, v15  }
0x3de: {  	v9 =	vnsel vm0, $0x0, v12;
	[tilespmem:s31+$0x4080] =	vst v7;
	v4 =	vmul.f32 $2.000000030e-01, v10;
	v10 =	vadd.f32 $-5.120000080e+01, v14  }
0x3df: {  	v8 =	vnsel vm0, $0x0, v8;
	[tilespmem:s31+$0x4180] =	vst v9;
	v9 =	vadd.f32 $-5.120000080e+01, v15  }
0x3e0: {  	[tilespmem:s31+$0x4100] =	vst v8;
	v3 =	vadd.f32 $-5.000000000e+00, v4;
	v4 =	vadd.f32 $5.000000070e-02, v10  }
0x3e1: {  	[tilespmem:s6+$0x8000] =	vst v6;
	v6 =	vadd.f32 $5.000000070e-02, v9  }
0x3e2: {  	[tilespmem:s6+$0x8080] =	vst v13;
	v3 =	vadd.f32 $1.000000010e-01, v3;
	v4 =	vsub.f32 v5, v4  }
0x3e3: {  	[tilespmem:s6+$0x8100] =	vst v11;
	v2 =	vsub.f32 v7, v6  }
0x3e4: {  	s0 =	sadd.s32 $0x6000, s0;
	v3 =	vsub.f32 v8, v3;
	[tilespmem:s6+$0xC000] =	vst v4  }
0x3e5: {  	v4 =	vor.u32 s0, v1;
	[tilespmem:s6+$0xC080] =	vst v2  }
0x3e6: {  	[tilespmem:s6+$0xC100] =	vst v3;
	v2 =	vnsel vm0, $0x0, v4  }
0x3e7: {  	[tilespmem:s3+$0xFFFFFFF0] =	vst v2  }
0x3e8: {  	s1 =	sld [smem:$0x7F7];
	_ =	sdelay $0x1  }
0x3e9: {  	s5 =	simm.s32 $0x0;
	s7 =	sld [smem:$0x7F8]  }
0x3ea: {  	[hbm4b:s1+s5] =	stream.linear.scatter [tilespmem:s16], [sflag:$0x3], $0x4000, $0x38;
	[tilespmem:$0x1E000] =	vst v63  }
0x3eb: {  	s8 =	rddreg [dreg:$0xd]  }
0x3ec: {  	[hbm4b:s7+s17] =	stream.strided.scatter [tilespmem:s19], [sflag:$0x3], $0x3000, s18, s17, $0x38;
	[tilespmem:$0x1E000] =	vst v63  }
0x3ed: {  	s9 =	sld [smem:$0x7F9]  }
0x3ee: {  	[hbm4b:s8+s5] =	stream.linear.scatter [tilespmem:s20], [sflag:$0x3], $0x1000, $0x38;
	[tilespmem:$0x1E000] =	vst v63  }
0x3ef: {  	_ = 	snop  }
0x3f0: {  	[hbm4b:s9+s17] =	stream.strided.scatter [tilespmem:s21], [sflag:$0x3], $0x3000, s18, s17, $0x38;
	[tilespmem:$0x1E000] =	vst v63  }
0x3f1: {  	_ =	swait.ge [sflag:s29], $0x4000  }
0x3f2: {  	[sflag:s29] =	ssyncset.done $0x0  }
0x3f3: {  	[sflag:s29] =	ssyncadd.s32 $0xFFFFC000  }
0x3f4: {  	_ =	swait.ge [sflag:s29], $0x3000  }
0x3f5: {  	[sflag:s29] =	ssyncset.done $0x0  }
0x3f6: {  	[sflag:s29] =	ssyncadd.s32 $0xFFFFD000  }
0x3f7: {  	_ =	swait.ge [sflag:s29], $0x1000  }
0x3f8: {  	[sflag:s29] =	ssyncset.done $0x0  }
0x3f9: {  	[sflag:s29] =	ssyncadd.s32 $0xFFFFF000  }
0x3fa: {  	_ =	swait.ge [sflag:s29], $0x3000  }
0x3fb: {  	[sflag:s29] =	ssyncset.done $0x0  }
0x3fc: {  	[sflag:s29] =	ssyncadd.s32 $0xFFFFD000  }
0x3fd: {  	s10 =	simm.s32 $0x10;
	_ =	swait.ge [sflag:s22], $0x4000  }
0x3fe: {  	s11 =	simm.s32 $0x0;
	s3 =	sand.u32 $0x70, s10;
	[sflag:s22] =	ssyncset.done $0x0  }
0x3ff: {  	s6 =	sor.u32 s11, s3;
	[sflag:s22] =	ssyncadd.s32 $0xFFFFC000  }
0x400: {  	v2 =	vld [tilespmem:s6+$0xF100]  }
0x401: {  	s12 =	simm.s32 $0x30;
	s2 =	sand.u32 $0x60, s5;
	v3 =	vld [tilespmem:s6+$0xF000]  }
0x402: {  	s4 =	sor.u32 s2, s11;
	s5 =	sand.u32 $0x70, s12;
	s9 =	simm.s32 $0x0;
	v4 =	vld [tilespmem:s6+$0xF080]  }
0x403: {  	s8 =	sor.u32 s9, s5;
	v5 =	vld [tilespmem:s4+$0xF000]  }
0x404: {  	v27 =	vld [tilespmem:s8+$0xF100];
	_ =	sdelay $0x2  }
0x405: {  	v7 =	vld [tilespmem:s4+$0xF080];
	v6 =	vadd.f32 $5.000000000e+00, v2;
	v8 =	vadd.f32 $5.120000080e+01, v3  }
0x406: {  	v23 =	vld [tilespmem:s8+$0xF000];
	v9 =	vadd.f32 $5.120000080e+01, v4;
	v10 =	vadd.f32 $5.120000080e+01, v5  }
0x407: {  	v30 =	vadd.f32 $5.000000000e+00, v27;
	v6 =	vmul.f32 $5.000000000e+00, v6;
	v8 =	vmul.f32 $1.000000000e+01, v8  }
0x408: {  	v9 =	vmul.f32 $1.000000000e+01, v9;
	v10 =	vmul.f32 $1.000000000e+01, v10  }
0x409: {  	v12 =	vld [tilespmem:s4+$0xF100];
	v30 =	vmul.f32 $5.000000000e+00, v30;
	v11 =	vtrunc.f32 v6  }
0x40a: {  	v15 =	vadd.f32 $5.120000080e+01, v7;
	v13 =	vtrunc.f32 v8;
	v14 =	vtrunc.f32 v9  }
0x40b: {  	v29 =	vadd.f32 $5.120000080e+01, v23;
	v16 =	vcvt.f32.s32 v13;
	v17 =	vcvt.f32.s32 v11  }
0x40c: {  	v18 =	vcvt.f32.s32 v14;
	vm0 =	vlt.f32 v8, v13;
	vm1 =	vlt.f32 v9, v14  }
0x40d: {  	v14 =	vmul.f32 $1.000000000e+01, v15;
	v8 =	vsel vm0, $0xFFFFFFFF, v0;
	v9 =	vsel vm1, $0xFFFFFFFF, v0  }
0x40e: {  	vm0 =	vlt.f32 v6, v11;
	v11 =	vadd.f32 $5.000000000e+00, v12;
	v6 =	vadd.s32 v16, v8  }
0x40f: {  	v8 =	vadd.s32 v18, v9;
	v9 =	vsel vm0, $0xFFFFFFFF, v0;
	v15 =	vtrunc.f32 v14  }
0x410: {  	v9 =	vadd.s32 v17, v9;
	v13 =	vor.u32 v6, v8;
	v11 =	vmul.f32 $5.000000000e+00, v11  }
0x411: {  	vm2 =	vlt.f32 v14, v15;
	vm0 =	vlt.u32 v13, $0x400;
	vm1 =	vlt.u32 v9, $0x28  }
0x412: {  	v13 =	vtrunc.f32 v10;
	v20 =	vsel vm2, $0xFFFFFFFF, v0;
	vm0 =	vmand vm0, vm1  }
0x413: {  	v16 =	vcvt.f32.s32 v13;
	vm1 =	vlt.f32 v10, v13;
	v10 =	vld [tilespmem:s6+$0xF180];
	v17 =	vnsel vm0, $0x0, v6  }
0x414: {  	v6 =	vcvt.f32.s32 v15;
	v18 =	vnsel vm0, $0x0, v8;
	v9 =	vnsel vm0, $0x0, v9  }
0x415: {  	v14 =	vnsel vm0, $0x0, v3;
	v15 =	vtrunc.f32 v11;
	v13 =	vcvt.s32.f32 v17  }
0x416: {  	v19 =	vnsel vm0, $0x0, v4;
	v8 =	vcvt.s32.f32 v18;
	v21 =	vcvt.f32.s32 v15  }
0x417: {  	v2 =	vnsel vm0, $0x0, v2;
	v3 =	vmul.f32 $1.000000010e-01, v13;
	v13 =	vcvt.s32.f32 v9  }
0x418: {  	v6 =	vadd.s32 v6, v20;
	v4 =	vmul.f32 $1.000000010e-01, v8;
	v10 =	vnsel vm0, $0x0, v10  }
0x419: {  	v3 =	vadd.f32 $-5.120000080e+01, v3;
	v8 =	vmul.f32 $2.000000030e-01, v13;
	v13 =	vsel vm1, $0xFFFFFFFF, v0  }
0x41a: {  	v26 =	vld [tilespmem:s8+$0xF080];
	v4 =	vadd.f32 $-5.120000080e+01, v4;
	vm1 =	vlt.f32 v11, v15;
	v11 =	vadd.s32 v16, v13  }
0x41b: {  	v13 =	vsel vm1, $0xFFFFFFFF, v0;
	v3 =	vadd.f32 $5.000000070e-02, v3;
	v8 =	vadd.f32 $-5.000000000e+00, v8  }
0x41c: {  	v4 =	vadd.f32 $5.000000070e-02, v4;
	v13 =	vadd.s32 v21, v13;
	v15 =	vor.u32 v11, v6  }
0x41d: {  	s14 =	sadd.s32 $0x0, s13;
	vm1 =	vlt.u32 v15, $0x400;
	vm2 =	vlt.u32 v13, $0x28;
	v8 =	vadd.f32 $1.000000010e-01, v8  }
0x41e: {  	s1 =	sadd.s32 $0x7000, s14;
	s7 =	sadd.s32 $0x7010, s14;
	[tilespmem:s6+$0x13000] =	vst v14;
	v16 =	vsub.f32 v14, v3;
	v20 =	vsub.f32 v19, v4;
	vm1 =	vmand vm1, vm2  }
0x41f: {  	s0 =	simm.s32 $0x20;
	[tilespmem:s6+$0x13080] =	vst v19;
	v3 =	vor.u32 s7, v1;
	v14 =	vor.u32 s1, v1;
	v19 =	vadd.f32 $5.120000080e+01, v26  }
0x420: {  	s10 =	sand.u32 $0x60, s0;
	s11 =	simm.s32 $0x0;
	v22 =	vnsel vm1, $0x0, v11;
	v24 =	vnsel vm0, $0x0, v3;
	v25 =	vnsel vm1, $0x0, v6  }
0x421: {  	s31 =	sor.u32 s10, s9;
	s9 =	smul.u32 $0x180, s11;
	v15 =	vld [tilespmem:s4+$0xF180];
	v28 =	vnsel vm1, $0x0, v13;
	v5 =	vnsel vm1, $0x0, v5;
	v4 =	vcvt.s32.f32 v22  }
0x422: {  	[tilespmem:s6+$0x13100] =	vst v2;
	v21 =	vsub.f32 v2, v8;
	v8 =	vcvt.s32.f32 v25;
	v11 =	vcvt.s32.f32 v28  }
0x423: {  	s12 =	sor.u32 s9, s3;
	[tilespmem:s6+$0x13180] =	vst v10;
	v6 =	vld [tilespmem:s31+$0xF000];
	v2 =	vnsel vm1, $0x0, v14;
	v14 =	vmul.f32 $1.000000000e+01, v29;
	v19 =	vmul.f32 $1.000000000e+01, v19  }
0x424: {  	v3 =	vnsel vm1, $0x0, v7;
	[tilespmem:s12+$0x1B000] =	vst v16;
	v16 =	vtrunc.f32 v30;
	v13 =	vmul.f32 $1.000000010e-01, v4  }
0x425: {  	[tilespmem:s12+$0x17000] =	vst v9;
	v4 =	vnsel vm1, $0x0, v12;
	v12 =	vmul.f32 $1.000000010e-01, v8;
	v9 =	vtrunc.f32 v14  }
0x426: {  	v11 =	vmul.f32 $2.000000030e-01, v11;
	v15 =	vnsel vm1, $0x0, v15;
	vm0 =	vlt.f32 v14, v9  }
0x427: {  	v7 =	vld [tilespmem:s31+$0xF080];
	v14 =	vtrunc.f32 v19;
	v13 =	vadd.f32 $-5.120000080e+01, v13;
	v12 =	vadd.f32 $-5.120000080e+01, v12  }
0x428: {  	v8 =	vld [tilespmem:s31+$0xF100];
	v57 =	vadd.f32 $-5.000000000e+00, v11;
	v10 =	vadd.f32 $5.120000080e+01, v6;
	vm1 =	vlt.f32 v19, v14  }
0x429: {  	[tilespmem:s12+$0x1B080] =	vst v20;
	v19 =	vcvt.f32.s32 v16;
	v14 =	vcvt.f32.s32 v14;
	v20 =	vsel vm0, $0xFFFFFFFF, v0  }
0x42a: {  	[tilespmem:s12+$0x17080] =	vst v18;
	vm0 =	vlt.f32 v30, v16;
	v16 =	vsel vm1, $0xFFFFFFFF, v0;
	v11 =	vadd.f32 $5.000000070e-02, v13  }
0x42b: {  	[tilespmem:s12+$0x17100] =	vst v17;
	v17 =	vmul.f32 $1.000000000e+01, v10;
	v10 =	vadd.f32 $5.000000070e-02, v12;
	v12 =	vcvt.f32.s32 v9  }
0x42c: {  	[tilespmem:s4+$0x13000] =	vst v5;
	v13 =	vadd.f32 $5.120000080e+01, v7;
	v9 =	vadd.f32 $1.000000010e-01, v57;
	v16 =	vadd.s32 v14, v16  }
0x42d: {  	[tilespmem:s4+$0x13080] =	vst v3;
	v14 =	vsel vm0, $0xFFFFFFFF, v0;
	v18 =	vadd.f32 $5.000000000e+00, v8;
	v12 =	vadd.s32 v12, v20  }
0x42e: {  	s3 =	simm.s32 $0x1A010;
	[tilespmem:s12+$0x1B100] =	vst v21;
	v19 =	vadd.s32 v19, v14;
	v20 =	vmul.f32 $1.000000000e+01, v13;
	v13 =	vor.u32 v12, v16  }
0x42f: {  	[tilespmem:s3+$0x0] =	vst v24;
	vm1 =	vlt.u32 v19, $0x28;
	v21 =	vmul.f32 $5.000000000e+00, v18;
	vm0 =	vlt.u32 v13, $0x400  }
0x430: {  	[tilespmem:s4+$0x13100] =	vst v4;
	v18 =	vtrunc.f32 v17;
	v58 =	vtrunc.f32 v20;
	vm0 =	vmand vm0, vm1  }
0x431: {  	s2 =	sor.u32 s2, s9;
	[tilespmem:s4+$0x13180] =	vst v15;
	v59 =	vcvt.f32.s32 v18;
	v14 =	vcvt.f32.s32 v58;
	v13 =	vnsel vm0, $0x0, v12  }
0x432: {  	[tilespmem:s2+$0x17000] =	vst v28;
	vm1 =	vlt.f32 v17, v18;
	v12 =	vld [tilespmem:s8+$0xF180];
	v60 =	vnsel vm0, $0x0, v16;
	v15 =	vcvt.s32.f32 v13  }
0x433: {  	[tilespmem:s2+$0x17080] =	vst v25;
	vm2 =	vlt.f32 v20, v58;
	v17 =	vnsel vm0, $0x0, v19;
	v18 =	vcvt.s32.f32 v60  }
0x434: {  	[tilespmem:s2+$0x17100] =	vst v22;
	v22 =	vnsel vm0, $0x0, v23;
	v20 =	vcvt.s32.f32 v17;
	v19 =	vmul.f32 $1.000000010e-01, v15  }
0x435: {  	s14 =	simm.s32 $0x0;
	v23 =	vtrunc.f32 v21;
	v16 =	vnsel vm0, $0x0, v26;
	[tilespmem:s8+$0x13000] =	vst v22;
	v18 =	vmul.f32 $1.000000010e-01, v18  }
0x436: {  	s1 =	smul.u32 $0x180, s14;
	[tilespmem:s8+$0x13080] =	vst v16;
	v15 =	vnsel vm0, $0x0, v27;
	v20 =	vmul.f32 $2.000000030e-01, v20;
	v61 =	vadd.f32 $-5.120000080e+01, v19  }
0x437: {  	v62 =	vsel vm1, $0xFFFFFFFF, v0;
	[tilespmem:s8+$0x13100] =	vst v15;
	v12 =	vnsel vm0, $0x0, v12;
	v63 =	vadd.f32 $-5.120000080e+01, v18  }
0x438: {  	s11 =	sor.u32 s1, s5;
	vm1 =	vlt.f32 v21, v23;
	v20 =	vadd.f32 $-5.000000000e+00, v20;
	[tilespmem:s8+$0x13180] =	vst v12;
	v24 =	vadd.f32 $5.000000070e-02, v61  }
0x439: {  	v19 =	vsel vm2, $0xFFFFFFFF, v0;
	v18 =	vcvt.f32.s32 v23;
	v21 =	vadd.f32 $5.000000070e-02, v63;
	[tilespmem:s11+$0x17000] =	vst v17  }
0x43a: {  	s5 =	simm.s32 $0x2;
	s6 =	sor.u32 s10, s1;
	s4 =	simm.s32 $0x1A010;
	v12 =	vld [tilespmem:s31+$0xF180];
	v17 =	vadd.s32 v59, v62;
	v20 =	vadd.f32 $1.000000010e-01, v20;
	[tilespmem:s11+$0x17080] =	vst v60;
	v22 =	vsub.f32 v22, v24  }
.LBB2_16:
0x43b: {  	v14 =	vadd.s32 v14, v19;
	v19 =	vsel vm1, $0xFFFFFFFF, v0  }
0x43c: {  	s5 =	sadd.s32 $0x2, s5;
	s1 =	sadd.s32 s0, s13;
	[tilespmem:s11+$0x17100] =	vst v13;
	v13 =	vsub.f32 v16, v21;
	s0 =	sadd.s32 $0x20, s0;
	v16 =	vadd.s32 v18, v19;
	v18 =	vor.u32 v17, v14  }
0x43d: {  	s9 =	sshrl.u32 s5, $0x3;
	s7 =	sadd.s32 $0x10, s0;
	s10 =	sadd.s32 $0x7010, s1;
	[tilespmem:s11+$0x1B000] =	vst v22;
	v15 =	vsub.f32 v15, v20;
	vm1 =	vlt.u32 v18, $0x400;
	vm2 =	vlt.u32 v16, $0x28  }
0x43e: {  	s8 =	sand.u32 $0x60, s0;
	s12 =	sshll.u32 s9, $0x9;
	s7 =	sand.u32 $0x70, s7;
	v18 =	vor.u32 s10, v1;
	[tilespmem:s11+$0x1B080] =	vst v13;
	vm1 =	vmand vm1, vm2  }
0x43f: {  	v11 =	vsub.f32 v5, v11;
	s3 =	sadd.s32 $0x20, s3;
	s14 =	sor.u32 s8, s12;
	s10 =	sor.u32 s12, s7;
	v13 =	vnsel vm0, $0x0, v18;
	[tilespmem:s11+$0x1B100] =	vst v15;
	v17 =	vnsel vm1, $0x0, v17  }
0x440: {  	s1 =	sadd.s32 $0x7000, s1;
	v15 =	vld [tilespmem:s10+$0xF100];
	v14 =	vnsel vm1, $0x0, v14;
	v16 =	vnsel vm1, $0x0, v16;
	[tilespmem:s3+$0x0] =	vst v13;
	v13 =	vcvt.s32.f32 v17  }
0x441: {  	v5 =	vnsel vm1, $0x0, v6;
	v7 =	vnsel vm1, $0x0, v7;
	v18 =	vld [tilespmem:s10+$0xF000];
	v19 =	vcvt.s32.f32 v14;
	[tilespmem:s2+$0x1B000] =	vst v11  }
0x442: {  	p0 =	slt.u32 s5, $0xFE;
	v8 =	vnsel vm1, $0x0, v8;
	v11 =	vcvt.s32.f32 v16;
	v20 =	vld [tilespmem:s10+$0xF080];
	[tilespmem:s31+$0x13000] =	vst v5;
	v13 =	vmul.f32 $1.000000010e-01, v13  }
0x443: {  	v10 =	vsub.f32 v3, v10;
	v9 =	vsub.f32 v4, v9;
	v3 =	vmovc v7;
	v6 =	vld [tilespmem:s14+$0xF000];
	v19 =	vmul.f32 $1.000000010e-01, v19;
	[tilespmem:s31+$0x13080] =	vst v7  }
0x444: {  	v21 =	vor.u32 s1, v1;
	v4 =	vmovc v8;
	v11 =	vmul.f32 $2.000000030e-01, v11;
	v7 =	vld [tilespmem:s14+$0xF080];
	[tilespmem:s31+$0x13100] =	vst v8;
	v13 =	vadd.f32 $-5.120000080e+01, v13  }
0x445: {  	v22 =	vnsel vm1, $0x0, v12;
	v8 =	vld [tilespmem:s14+$0xF100];
	v19 =	vadd.f32 $-5.120000080e+01, v19;
	[tilespmem:s2+$0x1B080] =	vst v10;
	v10 =	vadd.f32 $5.000000000e+00, v15  }
0x446: {  	v21 =	vnsel vm1, $0x0, v21;
	v23 =	vadd.f32 $-5.000000000e+00, v11;
	v12 =	vld [tilespmem:s14+$0xF180];
	[tilespmem:s31+$0x13180] =	vst v22;
	s31 =	smov.u32 s14;
	v22 =	vadd.f32 $5.120000080e+01, v18  }
0x447: {  	v24 =	vadd.f32 $5.120000080e+01, v20;
	[tilespmem:s2+$0x1B100] =	vst v9;
	s2 =	smov.u32 s6;
	v11 =	vadd.f32 $5.000000070e-02, v13  }
0x448: {  	v25 =	vmul.f32 $5.000000000e+00, v10;
	v10 =	vadd.f32 $5.000000070e-02, v19;
	v9 =	vadd.f32 $5.120000080e+01, v6;
	[tilespmem:s2+$0x17000] =	vst v16  }
0x449: {  	v16 =	vmul.f32 $1.000000000e+01, v22;
	v13 =	vadd.f32 $5.120000080e+01, v7;
	v22 =	vmul.f32 $1.000000000e+01, v24;
	[tilespmem:s2+$0x17080] =	vst v14  }
0x44a: {  	v26 =	vtrunc.f32 v25;
	v24 =	vmul.f32 $1.000000000e+01, v9;
	v14 =	vadd.f32 $5.000000000e+00, v8;
	[tilespmem:s2+$0x17100] =	vst v17  }
0x44b: {  	v17 =	vtrunc.f32 v16;
	v9 =	vadd.f32 $1.000000010e-01, v23;
	v27 =	vtrunc.f32 v22;
	[tilespmem:s4+$0xFFFFFFF0] =	vst v2;
	v2 =	vmovc v21;
	s4 =	smov.u32 s3  }
0x44c: {  	v19 =	vcvt.f32.s32 v17;
	v21 =	vcvt.f32.s32 v26;
	vm0 =	vlt.f32 v16, v17  }
0x44d: {  	v23 =	vcvt.f32.s32 v27;
	vm1 =	vlt.f32 v22, v27;
	v16 =	vsel vm0, $0xFFFFFFFF, v0  }
0x44e: {  	vm0 =	vlt.f32 v25, v26;
	v22 =	vmul.f32 $1.000000000e+01, v13;
	v17 =	vsel vm1, $0xFFFFFFFF, v0  }
0x44f: {  	v16 =	vadd.s32 v19, v16;
	v19 =	vsel vm0, $0xFFFFFFFF, v0;
	v17 =	vadd.s32 v23, v17  }
0x450: {  	v19 =	vadd.s32 v21, v19;
	v21 =	vmul.f32 $5.000000000e+00, v14;
	v13 =	vor.u32 v16, v17  }
0x451: {  	v23 =	vtrunc.f32 v24;
	vm1 =	vlt.u32 v19, $0x28;
	vm0 =	vlt.u32 v13, $0x400  }
0x452: {  	v25 =	vtrunc.f32 v22;
	v26 =	vcvt.f32.s32 v23;
	vm0 =	vmand vm0, vm1  }
0x453: {  	v14 =	vcvt.f32.s32 v25;
	vm1 =	vlt.f32 v24, v23;
	v13 =	vnsel vm0, $0x0, v16  }
0x454: {  	v24 =	vnsel vm0, $0x0, v17;
	v17 =	vnsel vm0, $0x0, v19;
	v16 =	vcvt.s32.f32 v13;
	v23 =	vld [tilespmem:s10+$0xF180]  }
0x455: {  	vm2 =	vlt.f32 v22, v25;
	v19 =	vcvt.s32.f32 v24;
	v25 =	vcvt.s32.f32 v17  }
0x456: {  	s1 =	smul.u32 $0x180, s9;
	v27 =	vtrunc.f32 v21;
	v22 =	vnsel vm0, $0x0, v18;
	v18 =	vmul.f32 $1.000000010e-01, v16  }
0x457: {  	v16 =	vnsel vm0, $0x0, v20;
	v19 =	vmul.f32 $1.000000010e-01, v19;
	v20 =	vmul.f32 $2.000000030e-01, v25;
	[tilespmem:s10+$0x13000] =	vst v22  }
.Ltmp7:
0x458: {  	v15 =	vnsel vm0, $0x0, v15;
	v18 =	vadd.f32 $-5.120000080e+01, v18;
	[tilespmem:s10+$0x13080] =	vst v16;
	(pc) =	sbr.rel @p0 .LBB2_16-.Ltmp7, $4  }
0x459: {  	v25 =	vsel vm1, $0xFFFFFFFF, v0;
	v28 =	vadd.f32 $-5.120000080e+01, v19;
	v23 =	vnsel vm0, $0x0, v23;
	[tilespmem:s10+$0x13100] =	vst v15  }
0x45a: {  	s11 =	sor.u32 s1, s7;
	s6 =	sor.u32 s8, s1;
	v19 =	vsel vm2, $0xFFFFFFFF, v0;
	v20 =	vadd.f32 $-5.000000000e+00, v20;
	v29 =	vadd.f32 $5.000000070e-02, v18;
	[tilespmem:s10+$0x13180] =	vst v23  }
0x45b: {  	vm1 =	vlt.f32 v21, v27;
	v18 =	vcvt.f32.s32 v27;
	v21 =	vadd.f32 $5.000000070e-02, v28;
	[tilespmem:s11+$0x17000] =	vst v17  }
0x45c: {  	v20 =	vadd.f32 $1.000000010e-01, v20;
	v17 =	vadd.s32 v26, v25;
	v22 =	vsub.f32 v22, v29;
	[tilespmem:s11+$0x17080] =	vst v24  }
0x45d: {  	[tilespmem:s11+$0x17100] =	vst v13;
	v48 =	vsub.f32 v16, v21  }
0x45e: {  	v14 =	vadd.s32 v14, v19;
	v49 =	vsel vm1, $0xFFFFFFFF, v0;
	v5 =	vsub.f32 v5, v11;
	[tilespmem:s11+$0x1B000] =	vst v22  }
0x45f: {  	v3 =	vsub.f32 v3, v10;
	v19 =	vor.u32 v17, v14;
	v16 =	vadd.s32 v18, v49;
	[tilespmem:s11+$0x1B080] =	vst v48  }
0x460: {  	v4 =	vsub.f32 v4, v9;
	vm14 =	vlt.u32 v19, $0x400;
	vm2 =	vlt.u32 v16, $0x28;
	[tilespmem:s2+$0x1B000] =	vst v5  }
0x461: {  	s0 =	sadd.s32 s0, s13;
	v15 =	vsub.f32 v15, v20;
	[tilespmem:s2+$0x1B080] =	vst v3;
	vm15 =	vmand vm14, vm2  }
0x462: {  	s1 =	sadd.s32 $0x7010, s0;
	[tilespmem:s2+$0x1B100] =	vst v4;
	v52 =	vnsel vm15, $0x0, v17  }
0x463: {  	v50 =	vor.u32 s1, v1;
	[tilespmem:s11+$0x1B100] =	vst v15;
	v53 =	vnsel vm15, $0x0, v14;
	v55 =	vcvt.s32.f32 v52  }
0x464: {  	s9 =	sadd.s32 $0x20, s3;
	v51 =	vnsel vm0, $0x0, v50;
	[tilespmem:s4+$0xFFFFFFF0] =	vst v2;
	v54 =	vnsel vm15, $0x0, v16;
	v56 =	vcvt.s32.f32 v53  }
0x465: {  	[tilespmem:s9+$0x0] =	vst v51;
	v6 =	vnsel vm15, $0x0, v6;
	v57 =	vcvt.s32.f32 v54;
	v14 =	vmul.f32 $1.000000010e-01, v55  }
0x466: {  	v7 =	vnsel vm15, $0x0, v7;
	[tilespmem:s31+$0x13000] =	vst v6;
	v15 =	vmul.f32 $1.000000010e-01, v56  }
0x467: {  	v8 =	vnsel vm15, $0x0, v8;
	[tilespmem:s31+$0x13080] =	vst v7;
	v3 =	vmul.f32 $2.000000030e-01, v57;
	v59 =	vadd.f32 $-5.120000080e+01, v14  }
0x468: {  	v58 =	vnsel vm15, $0x0, v12;
	[tilespmem:s31+$0x13100] =	vst v8;
	v60 =	vadd.f32 $-5.120000080e+01, v15  }
0x469: {  	[tilespmem:s31+$0x13180] =	vst v58;
	v3 =	vadd.f32 $-5.000000000e+00, v3;
	v61 =	vadd.f32 $5.000000070e-02, v59  }
0x46a: {  	[tilespmem:s6+$0x17000] =	vst v54;
	v62 =	vadd.f32 $5.000000070e-02, v60  }
0x46b: {  	[tilespmem:s6+$0x17080] =	vst v53;
	v3 =	vadd.f32 $1.000000010e-01, v3;
	v4 =	vsub.f32 v6, v61  }
0x46c: {  	[tilespmem:s6+$0x17100] =	vst v52;
	v2 =	vsub.f32 v7, v62  }
0x46d: {  	s0 =	sadd.s32 $0x7000, s0;
	v3 =	vsub.f32 v8, v3;
	[tilespmem:s6+$0x1B000] =	vst v4  }
0x46e: {  	v63 =	vor.u32 s0, v1;
	[tilespmem:s6+$0x1B080] =	vst v2  }
0x46f: {  	v2 =	vnsel vm15, $0x0, v63;
	[tilespmem:s6+$0x1B100] =	vst v3  }
0x470: {  	[tilespmem:s9+$0xFFFFFFF0] =	vst v2  }
0x471: {  	s10 =	sld [smem:$0x7FA];
	_ =	sdelay $0x1  }
0x472: {  	s1 =	simm.s32 $0x0;
	s11 =	sld [smem:$0x7FB]  }
0x473: {  	[hbm4b:s10+s1] =	stream.linear.scatter [tilespmem:s23], [sflag:$0x4], $0x4000, $0x38;
	[tilespmem:$0x1E000] =	vst v63  }
0x474: {  	s12 =	rddreg [dreg:$0xe]  }
0x475: {  	[hbm4b:s11+s17] =	stream.strided.scatter [tilespmem:s24], [sflag:$0x4], $0x3000, s18, s17, $0x38;
	[tilespmem:$0x1E000] =	vst v63  }
0x476: {  	s14 =	sld [smem:$0x7FC]  }
0x477: {  	[hbm4b:s12+s1] =	stream.linear.scatter [tilespmem:s25], [sflag:$0x4], $0x1000, $0x38;
	[tilespmem:$0x1E000] =	vst v63  }
0x478: {  	_ = 	snop  }
0x479: {  	[hbm4b:s14+s17] =	stream.strided.scatter [tilespmem:s26], [sflag:$0x4], $0x3000, s18, s17, $0x38;
	[tilespmem:$0x1E000] =	vst v63  }
0x47a: {  	_ =	swait.ge [sflag:s28], $0x4000  }
0x47b: {  	[sflag:s28] =	ssyncset.done $0x0  }
0x47c: {  	[sflag:s28] =	ssyncadd.s32 $0xFFFFC000  }
0x47d: {  	_ =	swait.ge [sflag:s28], $0x3000  }
0x47e: {  	[sflag:s28] =	ssyncset.done $0x0  }
0x47f: {  	[sflag:s28] =	ssyncadd.s32 $0xFFFFD000  }
0x480: {  	_ =	swait.ge [sflag:s28], $0x1000  }
0x481: {  	[sflag:s28] =	ssyncset.done $0x0  }
0x482: {  	[sflag:s28] =	ssyncadd.s32 $0xFFFFF000  }
0x483: {  	_ =	swait.ge [sflag:s28], $0x3000  }
0x484: {  	[sflag:s28] =	ssyncset.done $0x0  }
0x485: {  	[sflag:s28] =	ssyncadd.s32 $0xFFFFD000  }
0x486: {  	_ =	swait.ge [sflag:s29], $0x4000  }
0x487: {  	[sflag:s29] =	ssyncset.done $0x0  }
0x488: {  	[sflag:s29] =	ssyncadd.s32 $0xFFFFC000  }
0x489: {  	_ =	swait.ge [sflag:s29], $0x3000  }
0x48a: {  	[sflag:s29] =	ssyncset.done $0x0  }
0x48b: {  	[sflag:s29] =	ssyncadd.s32 $0xFFFFD000  }
0x48c: {  	_ =	swait.ge [sflag:s29], $0x1000  }
0x48d: {  	[sflag:s29] =	ssyncset.done $0x0  }
0x48e: {  	[sflag:s29] =	ssyncadd.s32 $0xFFFFF000  }
0x48f: {  	_ =	swait.ge [sflag:s29], $0x3000  }
0x490: {  	s31 =	sld [smem:$0x7FD];
	_ =	sdelay $0x1  }
0x491: {  	s30 =	sadd.s32 $0x1, s30  }
0x492: {  	p0 =	sne.s32 s30, s31  }
.Ltmp8:
0x493: {  	_ = 	snop;
	(pc) =	sbr.rel @p0 .LBB2_1-.Ltmp8, $3  }
0x494: {  	_ =	sdelay $0x1  }
0x495: {  	[sflag:s29] =	ssyncset.done $0x0  }
0x496: {  	[sflag:s29] =	ssyncadd.s32 $0xFFFFD000  }
0x497: {  	_ =	sfence.sel $0x180000  }
0x498: {  	[bflag:$0x0] =	sbarrier.arrive $0xFFFF  }
0x499: {  	_ =	strace $0x90000047  }
0x49a: {  	s0 =	stileid.u32;
	[bflag:$0x2] =	sbarrier.arrive $0xFFFF  }
0x49b: {  	p0 =	sne.s32 s0, $0x0;
	s0 =	rddreg [dreg:$0x5]  }
0x49c: {  	s0 =	sadd.s32 @!p0 $0x100000, s0  }
0x49d: {  	[sflag:s0] =	ssyncadd.tile.s32 @!p0 $0x1;
	_ =	shalt  }
.Lfunc_end2:
_tile_overlayer_lowered:
.L_overlay_start_2:
0x49e: {  	(tag) =	ssettag $0x2  }
0x49f: {  	s0 =	rddreg [dreg:$0x0];
	s2 =	stileid.u32  }
0x4a0: {  	s1 =	rddreg [dreg:$0x1];
	p0 =	sne.s32 s2, $0x0  }
0x4a1: {  	s3 =	rddreg [dreg:$0x2];
	[bflag:$0x3] =	sbarrier.arrive $0xFFFF;
	s2 =	simm.s32 @!p0 $0x1C05  }
0x4a2: {  	[timem:s3], [sflag:s2] =	dma.local @!p0 [hbm:s0], s1  }
0x4a3: {  	s0 =	simm.s32 @!p0 $0x5  }
0x4a4: {  	_ =	swait.ge @!p0 [sflag:s0], s1  }
0x4a5: {  	s1 =	ssub.s32 @!p0 $0x0, s1;
	[sflag:s0] =	ssyncset.done @!p0 $0x0  }
0x4a6: {  	[sflag:s0] =	ssyncadd.s32 @!p0 s1  }
0x4a7: {  	[bflag:$0x3] =	sbarrier.arrive $0xFFFF  }
0x4a8: {  	_ =	shalt  }

</sc_bundles>
